<compile_context>
chip_gen: v7x
topology: tpu7x:2x2x1
jax: 0.10.2.dev20260603
libtpu: 0.0.44.dev20260713+nightly
codegen_flags: <defaults>
</compile_context>

<pallas_src>
import functools

import jax
import jax.numpy as jnp
from jax import lax
from jax.experimental import pallas as pl
from jax.experimental.pallas import tpu as pltpu
from jax.experimental.pallas import tpu_sc as plsc


_NW = 32
_ROWS_PER_W = 64
_XB = 16


def _make_sc_add(B, S, D):
    n_pe_chunks = _ROWS_PER_W // _XB
    n_chunks = n_pe_chunks * B

    mesh = plsc.VectorSubcoreMesh(core_axis_name="c", subcore_axis_name="s")

    NB = 4

    @functools.partial(
        pl.kernel,
        mesh=mesh,
        out_type=jax.ShapeDtypeStruct((B * S, D), jnp.float32),
        scratch_types=[
            pltpu.VMEM((NB, _XB, D), jnp.float32),
            pltpu.VMEM((2, _XB, D), jnp.float32),
            pltpu.SemaphoreType.DMA((NB,)),
            pltpu.SemaphoreType.DMA((NB,)),
            pltpu.SemaphoreType.DMA((2,)),
        ],
    )
    def sc_add(x_hbm, pe_hbm, out_hbm, x_v, pe_v, in_sem, out_sem, pe_sem):
        c = lax.axis_index("c")
        s = lax.axis_index("s")
        wid = s * 2 + c
        pe_row0 = wid * _ROWS_PER_W

        def row0(k):
            p, b = divmod(k, B)
            return b * S + pe_row0 + p * _XB

        def start_in(k):
            return pltpu.async_copy(
                x_hbm.at[pl.ds(row0(k), _XB)], x_v.at[k % NB],
                in_sem.at[k % NB])

        def start_pe(p):
            return pltpu.async_copy(
                pe_hbm.at[pl.ds(pe_row0 + p * _XB, _XB)], pe_v.at[p % 2],
                pe_sem.at[p % 2])

        in_cp = {k: start_in(k) for k in range(NB)}
        pe_cp = {p: start_pe(p) for p in range(2)}
        out_cp = {}
        out_waited = set()

        for k in range(n_chunks):
            p = k // B
            if k % B == 0:
                pe_cp[p].wait()
            in_cp[k].wait()

            xb, pb = x_v.at[k % NB], pe_v.at[p % 2]

            @plsc.parallel_loop(0, _XB * D, 16, unroll=8)
            def _(i):
                r = i // D
                col = i - r * D
                sl = pl.ds(col, 16)
                xb[r, sl] = xb[r, sl] + pb[r, sl]

            out_cp[k] = pltpu.async_copy(
                xb, out_hbm.at[pl.ds(row0(k), _XB)], out_sem.at[k % NB])
            if k >= 1 and k + NB - 1 < n_chunks:
                out_cp[k - 1].wait()
                out_waited.add(k - 1)
                in_cp[k + NB - 1] = start_in(k + NB - 1)
            if k % B == B - 1 and p + 2 < n_pe_chunks:
                pe_cp[p + 2] = start_pe(p + 2)

        for k in range(n_chunks):
            if k not in out_waited:
                out_cp[k].wait()

    return sc_add


@jax.jit
def kernel(x, pe_table):
    B, S, D = x.shape
    out = _make_sc_add(B, S, D)(x.reshape(B * S, D), pe_table)
    return out.reshape(B, S, D)

# --- scband reference (transcript-rebuilt; emitter-appended) ---
"""Pipeline reference for scband-positional-embedding-32212254720489 (READ-ONLY COPY).

The authoritative reference and input builder live on the scoring server;
editing this copy changes nothing except your own understanding.
"""

import jax, jax.numpy as jnp
import numpy as np

NUM_EMBEDDINGS = 2048
EMBEDDING_DIM = 1024

def setup_inputs(seed: int = 0) -> dict:
    key = jax.random.key(seed)
    k_x, k_pe = jax.random.split(key)
    x = jax.random.normal(k_x, (4, 2048, 1024), dtype=jnp.float32)
    pe_table = jax.random.normal(k_pe, (NUM_EMBEDDINGS, EMBEDDING_DIM), dtype=jnp.float32) * 0.02
    return {"x": x, "pe_table": pe_table}

def reference(x, pe_table):
    # position_ids = arange(num_embeddings) expanded to (1, num_embeddings)
    position_ids = jnp.arange(NUM_EMBEDDINGS)
    # embedding lookup: table[idx] -> (1, num_embeddings, embedding_dim)
    position_embeddings = jnp.take(pe_table, position_ids, axis=0)[None, :, :]
    return x + position_embeddings

if __name__ == "__main__":
    import jax
    _d = setup_inputs()
    print(jax.jit(kernel)(*tuple(_d.values())))

</pallas_src>

<mosaic_0001>
#map = affine_map<(d0, d1) -> (0, 0)>
module attributes {stable_mosaic.version = 14 : i64} {
  func.func @sc_add(%arg0: i32, %arg1: i32, %arg2: memref<8192x1024xf32, #tpu.memory_space<hbm>>, %arg3: memref<2048x1024xf32, #tpu.memory_space<hbm>>, %arg4: memref<8192x1024xf32, #tpu.memory_space<hbm>>, %arg5: memref<4x16x1024xf32, #tpu.memory_space<vmem>>, %arg6: memref<2x16x1024xf32, #tpu.memory_space<vmem>>, %arg7: memref<4x!tpu.dma_semaphore, #tpu.memory_space<semaphore_mem>>, %arg8: memref<4x!tpu.dma_semaphore, #tpu.memory_space<semaphore_mem>>, %arg9: memref<2x!tpu.dma_semaphore, #tpu.memory_space<semaphore_mem>>) attributes {dimension_semantics = [#tpu.dimension_semantics<core_parallel>, #tpu.dimension_semantics<subcore_parallel>], iteration_bounds = array<i64: 2, 16>, scalar_prefetch = 0 : i64, scratch_operands = 5 : i64, tpu.core_type = #tpu.core_type<sc_vector_subcore>, window_params = [{transform_indices = #map}, {transform_indices = #map}, {transform_indices = #map}]} {
    %mul3A = arith.constant 2 : i32
    %mul3A_0 = arith.muli %arg1, %mul3A : i32
    %add3A = arith.addi %mul3A_0, %arg0 : i32
    %mul3A_1 = arith.constant 64 : i32
    %mul3A_2 = arith.muli %add3A, %mul3A_1 : i32
    %add3A_3 = arith.constant 0 : i32
    %add3A_4 = arith.addi %add3A_3, %mul3A_2 : i32
    %add3A_5 = arith.constant 0 : i32
    %add3A_6 = arith.addi %add3A_4, %add3A_5 : i32
    %dma_start3A = arith.constant 0 : i32
    %dma_start3A_7 = arith.constant 0 : i32
    %dma_start3A_8 = arith.constant 0 : i32
    %dma_start3A_9 = arith.constant 0 : i32
    %dma_start3A_10 = tpu.memref_slice %arg5[%dma_start3A, %dma_start3A_8, %dma_start3A_9] : memref<4x16x1024xf32, #tpu.memory_space<vmem>> -> memref<1x16x1024xf32, #tpu.memory_space<vmem>>
    %dma_start3A_11 = tpu.memref_squeeze %dma_start3A_10 : memref<1x16x1024xf32, #tpu.memory_space<vmem>> -> memref<16x1024xf32, #tpu.memory_space<vmem>>
    %dma_start3A_12 = arith.constant 0 : i32
    %dma_start3A_13 = tpu.memref_slice %arg2[%add3A_6, %dma_start3A_12] : memref<8192x1024xf32, #tpu.memory_space<hbm>> -> memref<16x1024xf32, #tpu.memory_space<hbm>>
    %dma_start3A_14 = tpu.memref_slice %arg7[%dma_start3A_7] : memref<4x!tpu.dma_semaphore, #tpu.memory_space<semaphore_mem>> -> memref<1x!tpu.dma_semaphore, #tpu.memory_space<semaphore_mem>>
    %dma_start3A_15 = tpu.memref_squeeze %dma_start3A_14 : memref<1x!tpu.dma_semaphore, #tpu.memory_space<semaphore_mem>> -> memref<!tpu.dma_semaphore, #tpu.memory_space<semaphore_mem>>
    %dma_start3A_16 = arith.constant 0 : i32
    %dma_start3A_17 = arith.constant 0 : i32
    %dma_start3A_18 = tpu.memref_slice %arg5[%dma_start3A, %dma_start3A_16, %dma_start3A_17] : memref<4x16x1024xf32, #tpu.memory_space<vmem>> -> memref<1x16x1024xf32, #tpu.memory_space<vmem>>
    %dma_start3A_19 = tpu.memref_squeeze %dma_start3A_18 : memref<1x16x1024xf32, #tpu.memory_space<vmem>> -> memref<16x1024xf32, #tpu.memory_space<vmem>>
    %dma_start3A_20 = arith.constant 0 : i32
    %dma_start3A_21 = tpu.memref_slice %arg2[%add3A_6, %dma_start3A_20] : memref<8192x1024xf32, #tpu.memory_space<hbm>> -> memref<16x1024xf32, #tpu.memory_space<hbm>>
    tpu.enqueue_dma source(%dma_start3A_21 : memref<16x1024xf32, #tpu.memory_space<hbm>>) target(%dma_start3A_19 : memref<16x1024xf32, #tpu.memory_space<vmem>>) target_semaphore(%dma_start3A_15 : memref<!tpu.dma_semaphore, #tpu.memory_space<semaphore_mem>>)
    %add3A_22 = arith.constant 2048 : i32
    %add3A_23 = arith.addi %add3A_22, %mul3A_2 : i32
    %add3A_24 = arith.constant 0 : i32
    %add3A_25 = arith.addi %add3A_23, %add3A_24 : i32
    %dma_start3A_26 = arith.constant 1 : i32
    %dma_start3A_27 = arith.constant 1 : i32
    %dma_start3A_28 = arith.constant 0 : i32
    %dma_start3A_29 = arith.constant 0 : i32
    %dma_start3A_30 = tpu.memref_slice %arg5[%dma_start3A_26, %dma_start3A_28, %dma_start3A_29] : memref<4x16x1024xf32, #tpu.memory_space<vmem>> -> memref<1x16x1024xf32, #tpu.memory_space<vmem>>
    %dma_start3A_31 = tpu.memref_squeeze %dma_start3A_30 : memref<1x16x1024xf32, #tpu.memory_space<vmem>> -> memref<16x1024xf32, #tpu.memory_space<vmem>>
    %dma_start3A_32 = arith.constant 0 : i32
    %dma_start3A_33 = tpu.memref_slice %arg2[%add3A_25, %dma_start3A_32] : memref<8192x1024xf32, #tpu.memory_space<hbm>> -> memref<16x1024xf32, #tpu.memory_space<hbm>>
    %dma_start3A_34 = tpu.memref_slice %arg7[%dma_start3A_27] : memref<4x!tpu.dma_semaphore, #tpu.memory_space<semaphore_mem>> -> memref<1x!tpu.dma_semaphore, #tpu.memory_space<semaphore_mem>>
    %dma_start3A_35 = tpu.memref_squeeze %dma_start3A_34 : memref<1x!tpu.dma_semaphore, #tpu.memory_space<semaphore_mem>> -> memref<!tpu.dma_semaphore, #tpu.memory_space<semaphore_mem>>
    %dma_start3A_36 = arith.constant 0 : i32
    %dma_start3A_37 = arith.constant 0 : i32
    %dma_start3A_38 = tpu.memref_slice %arg5[%dma_start3A_26, %dma_start3A_36, %dma_start3A_37] : memref<4x16x1024xf32, #tpu.memory_space<vmem>> -> memref<1x16x1024xf32, #tpu.memory_space<vmem>>
    %dma_start3A_39 = tpu.memref_squeeze %dma_start3A_38 : memref<1x16x1024xf32, #tpu.memory_space<vmem>> -> memref<16x1024xf32, #tpu.memory_space<vmem>>
    %dma_start3A_40 = arith.constant 0 : i32
    %dma_start3A_41 = tpu.memref_slice %arg2[%add3A_25, %dma_start3A_40] : memref<8192x1024xf32, #tpu.memory_space<hbm>> -> memref<16x1024xf32, #tpu.memory_space<hbm>>
    tpu.enqueue_dma source(%dma_start3A_41 : memref<16x1024xf32, #tpu.memory_space<hbm>>) target(%dma_start3A_39 : memref<16x1024xf32, #tpu.memory_space<vmem>>) target_semaphore(%dma_start3A_35 : memref<!tpu.dma_semaphore, #tpu.memory_space<semaphore_mem>>)
    %add3A_42 = arith.constant 4096 : i32
    %add3A_43 = arith.addi %add3A_42, %mul3A_2 : i32
    %add3A_44 = arith.constant 0 : i32
    %add3A_45 = arith.addi %add3A_43, %add3A_44 : i32
    %dma_start3A_46 = arith.constant 2 : i32
    %dma_start3A_47 = arith.constant 2 : i32
    %dma_start3A_48 = arith.constant 0 : i32
    %dma_start3A_49 = arith.constant 0 : i32
    %dma_start3A_50 = tpu.memref_slice %arg5[%dma_start3A_46, %dma_start3A_48, %dma_start3A_49] : memref<4x16x1024xf32, #tpu.memory_space<vmem>> -> memref<1x16x1024xf32, #tpu.memory_space<vmem>>
    %dma_start3A_51 = tpu.memref_squeeze %dma_start3A_50 : memref<1x16x1024xf32, #tpu.memory_space<vmem>> -> memref<16x1024xf32, #tpu.memory_space<vmem>>
    %dma_start3A_52 = arith.constant 0 : i32
    %dma_start3A_53 = tpu.memref_slice %arg2[%add3A_45, %dma_start3A_52] : memref<8192x1024xf32, #tpu.memory_space<hbm>> -> memref<16x1024xf32, #tpu.memory_space<hbm>>
    %dma_start3A_54 = tpu.memref_slice %arg7[%dma_start3A_47] : memref<4x!tpu.dma_semaphore, #tpu.memory_space<semaphore_mem>> -> memref<1x!tpu.dma_semaphore, #tpu.memory_space<semaphore_mem>>
    %dma_start3A_55 = tpu.memref_squeeze %dma_start3A_54 : memref<1x!tpu.dma_semaphore, #tpu.memory_space<semaphore_mem>> -> memref<!tpu.dma_semaphore, #tpu.memory_space<semaphore_mem>>
    %dma_start3A_56 = arith.constant 0 : i32
    %dma_start3A_57 = arith.constant 0 : i32
    %dma_start3A_58 = tpu.memref_slice %arg5[%dma_start3A_46, %dma_start3A_56, %dma_start3A_57] : memref<4x16x1024xf32, #tpu.memory_space<vmem>> -> memref<1x16x1024xf32, #tpu.memory_space<vmem>>
    %dma_start3A_59 = tpu.memref_squeeze %dma_start3A_58 : memref<1x16x1024xf32, #tpu.memory_space<vmem>> -> memref<16x1024xf32, #tpu.memory_space<vmem>>
    %dma_start3A_60 = arith.constant 0 : i32
    %dma_start3A_61 = tpu.memref_slice %arg2[%add3A_45, %dma_start3A_60] : memref<8192x1024xf32, #tpu.memory_space<hbm>> -> memref<16x1024xf32, #tpu.memory_space<hbm>>
    tpu.enqueue_dma source(%dma_start3A_61 : memref<16x1024xf32, #tpu.memory_space<hbm>>) target(%dma_start3A_59 : memref<16x1024xf32, #tpu.memory_space<vmem>>) target_semaphore(%dma_start3A_55 : memref<!tpu.dma_semaphore, #tpu.memory_space<semaphore_mem>>)
    %add3A_62 = arith.constant 6144 : i32
    %add3A_63 = arith.addi %add3A_62, %mul3A_2 : i32
    %add3A_64 = arith.constant 0 : i32
    %add3A_65 = arith.addi %add3A_63, %add3A_64 : i32
    %dma_start3A_66 = arith.constant 3 : i32
    %dma_start3A_67 = arith.constant 3 : i32
    %dma_start3A_68 = arith.constant 0 : i32
    %dma_start3A_69 = arith.constant 0 : i32
    %dma_start3A_70 = tpu.memref_slice %arg5[%dma_start3A_66, %dma_start3A_68, %dma_start3A_69] : memref<4x16x1024xf32, #tpu.memory_space<vmem>> -> memref<1x16x1024xf32, #tpu.memory_space<vmem>>
    %dma_start3A_71 = tpu.memref_squeeze %dma_start3A_70 : memref<1x16x1024xf32, #tpu.memory_space<vmem>> -> memref<16x1024xf32, #tpu.memory_space<vmem>>
    %dma_start3A_72 = arith.constant 0 : i32
    %dma_start3A_73 = tpu.memref_slice %arg2[%add3A_65, %dma_start3A_72] : memref<8192x1024xf32, #tpu.memory_space<hbm>> -> memref<16x1024xf32, #tpu.memory_space<hbm>>
    %dma_start3A_74 = tpu.memref_slice %arg7[%dma_start3A_67] : memref<4x!tpu.dma_semaphore, #tpu.memory_space<semaphore_mem>> -> memref<1x!tpu.dma_semaphore, #tpu.memory_space<semaphore_mem>>
    %dma_start3A_75 = tpu.memref_squeeze %dma_start3A_74 : memref<1x!tpu.dma_semaphore, #tpu.memory_space<semaphore_mem>> -> memref<!tpu.dma_semaphore, #tpu.memory_space<semaphore_mem>>
    %dma_start3A_76 = arith.constant 0 : i32
    %dma_start3A_77 = arith.constant 0 : i32
    %dma_start3A_78 = tpu.memref_slice %arg5[%dma_start3A_66, %dma_start3A_76, %dma_start3A_77] : memref<4x16x1024xf32, #tpu.memory_space<vmem>> -> memref<1x16x1024xf32, #tpu.memory_space<vmem>>
    %dma_start3A_79 = tpu.memref_squeeze %dma_start3A_78 : memref<1x16x1024xf32, #tpu.memory_space<vmem>> -> memref<16x1024xf32, #tpu.memory_space<vmem>>
    %dma_start3A_80 = arith.constant 0 : i32
    %dma_start3A_81 = tpu.memref_slice %arg2[%add3A_65, %dma_start3A_80] : memref<8192x1024xf32, #tpu.memory_space<hbm>> -> memref<16x1024xf32, #tpu.memory_space<hbm>>
    tpu.enqueue_dma source(%dma_start3A_81 : memref<16x1024xf32, #tpu.memory_space<hbm>>) target(%dma_start3A_79 : memref<16x1024xf32, #tpu.memory_space<vmem>>) target_semaphore(%dma_start3A_75 : memref<!tpu.dma_semaphore, #tpu.memory_space<semaphore_mem>>)
    %add3A_82 = arith.constant 0 : i32
    %add3A_83 = arith.addi %mul3A_2, %add3A_82 : i32
    %dma_start3A_84 = arith.constant 0 : i32
    %dma_start3A_85 = arith.constant 0 : i32
    %dma_start3A_86 = arith.constant 0 : i32
    %dma_start3A_87 = arith.constant 0 : i32
    %dma_start3A_88 = tpu.memref_slice %arg6[%dma_start3A_84, %dma_start3A_86, %dma_start3A_87] : memref<2x16x1024xf32, #tpu.memory_space<vmem>> -> memref<1x16x1024xf32, #tpu.memory_space<vmem>>
    %dma_start3A_89 = tpu.memref_squeeze %dma_start3A_88 : memref<1x16x1024xf32, #tpu.memory_space<vmem>> -> memref<16x1024xf32, #tpu.memory_space<vmem>>
    %dma_start3A_90 = arith.constant 0 : i32
    %dma_start3A_91 = tpu.memref_slice %arg3[%add3A_83, %dma_start3A_90] : memref<2048x1024xf32, #tpu.memory_space<hbm>> -> memref<16x1024xf32, #tpu.memory_space<hbm>>
    %dma_start3A_92 = tpu.memref_slice %arg9[%dma_start3A_85] : memref<2x!tpu.dma_semaphore, #tpu.memory_space<semaphore_mem>> -> memref<1x!tpu.dma_semaphore, #tpu.memory_space<semaphore_mem>>
    %dma_start3A_93 = tpu.memref_squeeze %dma_start3A_92 : memref<1x!tpu.dma_semaphore, #tpu.memory_space<semaphore_mem>> -> memref<!tpu.dma_semaphore, #tpu.memory_space<semaphore_mem>>
    %dma_start3A_94 = arith.constant 0 : i32
    %dma_start3A_95 = arith.constant 0 : i32
    %dma_start3A_96 = tpu.memref_slice %arg6[%dma_start3A_84, %dma_start3A_94, %dma_start3A_95] : memref<2x16x1024xf32, #tpu.memory_space<vmem>> -> memref<1x16x1024xf32, #tpu.memory_space<vmem>>
    %dma_start3A_97 = tpu.memref_squeeze %dma_start3A_96 : memref<1x16x1024xf32, #tpu.memory_space<vmem>> -> memref<16x1024xf32, #tpu.memory_space<vmem>>
    %dma_start3A_98 = arith.constant 0 : i32
    %dma_start3A_99 = tpu.memref_slice %arg3[%add3A_83, %dma_start3A_98] : memref<2048x1024xf32, #tpu.memory_space<hbm>> -> memref<16x1024xf32, #tpu.memory_space<hbm>>
    tpu.enqueue_dma source(%dma_start3A_99 : memref<16x1024xf32, #tpu.memory_space<hbm>>) target(%dma_start3A_97 : memref<16x1024xf32, #tpu.memory_space<vmem>>) target_semaphore(%dma_start3A_93 : memref<!tpu.dma_semaphore, #tpu.memory_space<semaphore_mem>>)
    %add3A_100 = arith.constant 16 : i32
    %add3A_101 = arith.addi %mul3A_2, %add3A_100 : i32
    %dma_start3A_102 = arith.constant 1 : i32
    %dma_start3A_103 = arith.constant 1 : i32
    %dma_start3A_104 = arith.constant 0 : i32
    %dma_start3A_105 = arith.constant 0 : i32
    %dma_start3A_106 = tpu.memref_slice %arg6[%dma_start3A_102, %dma_start3A_104, %dma_start3A_105] : memref<2x16x1024xf32, #tpu.memory_space<vmem>> -> memref<1x16x1024xf32, #tpu.memory_space<vmem>>
    %dma_start3A_107 = tpu.memref_squeeze %dma_start3A_106 : memref<1x16x1024xf32, #tpu.memory_space<vmem>> -> memref<16x1024xf32, #tpu.memory_space<vmem>>
    %dma_start3A_108 = arith.constant 0 : i32
    %dma_start3A_109 = tpu.memref_slice %arg3[%add3A_101, %dma_start3A_108] : memref<2048x1024xf32, #tpu.memory_space<hbm>> -> memref<16x1024xf32, #tpu.memory_space<hbm>>
    %dma_start3A_110 = tpu.memref_slice %arg9[%dma_start3A_103] : memref<2x!tpu.dma_semaphore, #tpu.memory_space<semaphore_mem>> -> memref<1x!tpu.dma_semaphore, #tpu.memory_space<semaphore_mem>>
    %dma_start3A_111 = tpu.memref_squeeze %dma_start3A_110 : memref<1x!tpu.dma_semaphore, #tpu.memory_space<semaphore_mem>> -> memref<!tpu.dma_semaphore, #tpu.memory_space<semaphore_mem>>
    %dma_start3A_112 = arith.constant 0 : i32
    %dma_start3A_113 = arith.constant 0 : i32
    %dma_start3A_114 = tpu.memref_slice %arg6[%dma_start3A_102, %dma_start3A_112, %dma_start3A_113] : memref<2x16x1024xf32, #tpu.memory_space<vmem>> -> memref<1x16x1024xf32, #tpu.memory_space<vmem>>
    %dma_start3A_115 = tpu.memref_squeeze %dma_start3A_114 : memref<1x16x1024xf32, #tpu.memory_space<vmem>> -> memref<16x1024xf32, #tpu.memory_space<vmem>>
    %dma_start3A_116 = arith.constant 0 : i32
    %dma_start3A_117 = tpu.memref_slice %arg3[%add3A_101, %dma_start3A_116] : memref<2048x1024xf32, #tpu.memory_space<hbm>> -> memref<16x1024xf32, #tpu.memory_space<hbm>>
    tpu.enqueue_dma source(%dma_start3A_117 : memref<16x1024xf32, #tpu.memory_space<hbm>>) target(%dma_start3A_115 : memref<16x1024xf32, #tpu.memory_space<vmem>>) target_semaphore(%dma_start3A_111 : memref<!tpu.dma_semaphore, #tpu.memory_space<semaphore_mem>>)
    %dma_wait3A = arith.constant 0 : i32
    %dma_wait3A_118 = arith.constant 0 : i32
    %dma_wait3A_119 = arith.constant 0 : i32
    %dma_wait3A_120 = arith.constant 0 : i32
    %dma_wait3A_121 = tpu.memref_slice %arg6[%dma_wait3A, %dma_wait3A_119, %dma_wait3A_120] : memref<2x16x1024xf32, #tpu.memory_space<vmem>> -> memref<1x16x1024xf32, #tpu.memory_space<vmem>>
    %dma_wait3A_122 = tpu.memref_squeeze %dma_wait3A_121 : memref<1x16x1024xf32, #tpu.memory_space<vmem>> -> memref<16x1024xf32, #tpu.memory_space<vmem>>
    %dma_wait3A_123 = arith.constant 0 : i32
    %dma_wait3A_124 = tpu.memref_slice %arg3[%add3A_83, %dma_wait3A_123] : memref<2048x1024xf32, #tpu.memory_space<hbm>> -> memref<16x1024xf32, #tpu.memory_space<hbm>>
    %dma_wait3A_125 = tpu.memref_slice %arg9[%dma_wait3A_118] : memref<2x!tpu.dma_semaphore, #tpu.memory_space<semaphore_mem>> -> memref<1x!tpu.dma_semaphore, #tpu.memory_space<semaphore_mem>>
    %dma_wait3A_126 = tpu.memref_squeeze %dma_wait3A_125 : memref<1x!tpu.dma_semaphore, #tpu.memory_space<semaphore_mem>> -> memref<!tpu.dma_semaphore, #tpu.memory_space<semaphore_mem>>
    %dma_wait3A_127 = arith.constant 0 : i32
    %dma_wait3A_128 = arith.constant 0 : i32
    %dma_wait3A_129 = tpu.memref_slice %arg6[%dma_wait3A, %dma_wait3A_127, %dma_wait3A_128] : memref<2x16x1024xf32, #tpu.memory_space<vmem>> -> memref<1x16x1024xf32, #tpu.memory_space<vmem>>
    %dma_wait3A_130 = tpu.memref_squeeze %dma_wait3A_129 : memref<1x16x1024xf32, #tpu.memory_space<vmem>> -> memref<16x1024xf32, #tpu.memory_space<vmem>>
    %dma_wait3A_131 = arith.constant 0 : i32
    %dma_wait3A_132 = tpu.memref_slice %arg3[%add3A_83, %dma_wait3A_131] : memref<2048x1024xf32, #tpu.memory_space<hbm>> -> memref<16x1024xf32, #tpu.memory_space<hbm>>
    tpu.wait_dma2 semaphore(%dma_wait3A_126 : memref<!tpu.dma_semaphore, #tpu.memory_space<semaphore_mem>>) src(%dma_wait3A_132 : memref<16x1024xf32, #tpu.memory_space<hbm>>) dst(%dma_wait3A_130 : memref<16x1024xf32, #tpu.memory_space<vmem>>)
    %dma_wait3A_133 = arith.constant 0 : i32
    %dma_wait3A_134 = arith.constant 0 : i32
    %dma_wait3A_135 = arith.constant 0 : i32
    %dma_wait3A_136 = arith.constant 0 : i32
    %dma_wait3A_137 = tpu.memref_slice %arg5[%dma_wait3A_133, %dma_wait3A_135, %dma_wait3A_136] : memref<4x16x1024xf32, #tpu.memory_space<vmem>> -> memref<1x16x1024xf32, #tpu.memory_space<vmem>>
    %dma_wait3A_138 = tpu.memref_squeeze %dma_wait3A_137 : memref<1x16x1024xf32, #tpu.memory_space<vmem>> -> memref<16x1024xf32, #tpu.memory_space<vmem>>
    %dma_wait3A_139 = arith.constant 0 : i32
    %dma_wait3A_140 = tpu.memref_slice %arg2[%add3A_6, %dma_wait3A_139] : memref<8192x1024xf32, #tpu.memory_space<hbm>> -> memref<16x1024xf32, #tpu.memory_space<hbm>>
    %dma_wait3A_141 = tpu.memref_slice %arg7[%dma_wait3A_134] : memref<4x!tpu.dma_semaphore, #tpu.memory_space<semaphore_mem>> -> memref<1x!tpu.dma_semaphore, #tpu.memory_space<semaphore_mem>>
    %dma_wait3A_142 = tpu.memref_squeeze %dma_wait3A_141 : memref<1x!tpu.dma_semaphore, #tpu.memory_space<semaphore_mem>> -> memref<!tpu.dma_semaphore, #tpu.memory_space<semaphore_mem>>
    %dma_wait3A_143 = arith.constant 0 : i32
    %dma_wait3A_144 = arith.constant 0 : i32
    %dma_wait3A_145 = tpu.memref_slice %arg5[%dma_wait3A_133, %dma_wait3A_143, %dma_wait3A_144] : memref<4x16x1024xf32, #tpu.memory_space<vmem>> -> memref<1x16x1024xf32, #tpu.memory_space<vmem>>
    %dma_wait3A_146 = tpu.memref_squeeze %dma_wait3A_145 : memref<1x16x1024xf32, #tpu.memory_space<vmem>> -> memref<16x1024xf32, #tpu.memory_space<vmem>>
    %dma_wait3A_147 = arith.constant 0 : i32
    %dma_wait3A_148 = tpu.memref_slice %arg2[%add3A_6, %dma_wait3A_147] : memref<8192x1024xf32, #tpu.memory_space<hbm>> -> memref<16x1024xf32, #tpu.memory_space<hbm>>
    tpu.wait_dma2 semaphore(%dma_wait3A_142 : memref<!tpu.dma_semaphore, #tpu.memory_space<semaphore_mem>>) src(%dma_wait3A_148 : memref<16x1024xf32, #tpu.memory_space<hbm>>) dst(%dma_wait3A_146 : memref<16x1024xf32, #tpu.memory_space<vmem>>)
    %parallel_loop3A = arith.constant 0 : i32
    %parallel_loop3A_149 = arith.constant 16384 : i32
    %parallel_loop3A_150 = arith.constant 16 : i32
    %parallel_loop3A_151 = arith.constant 0 : i32
    %parallel_loop3A_152 = arith.constant 0 : i32
    scf.for %parallel_loop3A_1368 = %parallel_loop3A to %parallel_loop3A_149 step %parallel_loop3A_150  : i32 {
      %parallel_loop3A_1369 = arith.constant 1024 : i32
      %parallel_loop3A_1370 = arith.divsi %parallel_loop3A_1368, %parallel_loop3A_1369 : i32
      %parallel_loop3A_1371 = arith.constant 0 : i32
      %parallel_loop3A_1372 = arith.cmpi sgt, %parallel_loop3A_1368, %parallel_loop3A_1371 : i32
      %parallel_loop3A_1373 = arith.extui %parallel_loop3A_1372 : i1 to i32
      %parallel_loop3A_1374 = arith.constant 0 : i32
      %parallel_loop3A_1375 = arith.cmpi slt, %parallel_loop3A_1368, %parallel_loop3A_1374 : i32
      %parallel_loop3A_1376 = arith.extui %parallel_loop3A_1375 : i1 to i32
      %parallel_loop3A_1377 = arith.subi %parallel_loop3A_1373, %parallel_loop3A_1376 : i32
      %parallel_loop3A_1378 = arith.constant 0 : i32
      %parallel_loop3A_1379 = arith.cmpi sgt, %parallel_loop3A_1369, %parallel_loop3A_1378 : i32
      %parallel_loop3A_1380 = arith.extui %parallel_loop3A_1379 : i1 to i32
      %parallel_loop3A_1381 = arith.constant 0 : i32
      %parallel_loop3A_1382 = arith.cmpi slt, %parallel_loop3A_1369, %parallel_loop3A_1381 : i32
      %parallel_loop3A_1383 = arith.extui %parallel_loop3A_1382 : i1 to i32
      %parallel_loop3A_1384 = arith.subi %parallel_loop3A_1380, %parallel_loop3A_1383 : i32
      %parallel_loop3A_1385 = arith.cmpi ne, %parallel_loop3A_1377, %parallel_loop3A_1384 : i32
      %parallel_loop3A_1386 = arith.remsi %parallel_loop3A_1368, %parallel_loop3A_1369 : i32
      %parallel_loop3A_1387 = arith.constant 0 : i32
      %parallel_loop3A_1388 = arith.cmpi ne, %parallel_loop3A_1386, %parallel_loop3A_1387 : i32
      %parallel_loop3A_1389 = arith.andi %parallel_loop3A_1385, %parallel_loop3A_1388 : i1
      %parallel_loop3A_1390 = arith.constant 1 : i32
      %parallel_loop3A_1391 = arith.subi %parallel_loop3A_1370, %parallel_loop3A_1390 : i32
      %parallel_loop3A_1392 = arith.select %parallel_loop3A_1389, %parallel_loop3A_1391, %parallel_loop3A_1370 : i32
      %parallel_loop3A_1393 = arith.constant 1024 : i32
      %parallel_loop3A_1394 = arith.muli %parallel_loop3A_1392, %parallel_loop3A_1393 : i32
      %parallel_loop3A_1395 = arith.subi %parallel_loop3A_1368, %parallel_loop3A_1394 : i32
      %parallel_loop3A_1396 = arith.constant 0 : i32
      %parallel_loop3A_1397 = arith.constant 0 : i32
      %parallel_loop3A_1398 = tpu.memref_slice %arg5[%parallel_loop3A_151, %parallel_loop3A_1396, %parallel_loop3A_1397] : memref<4x16x1024xf32, #tpu.memory_space<vmem>> -> memref<1x16x1024xf32, #tpu.memory_space<vmem>>
      %parallel_loop3A_1399 = tpu.memref_squeeze %parallel_loop3A_1398 : memref<1x16x1024xf32, #tpu.memory_space<vmem>> -> memref<16x1024xf32, #tpu.memory_space<vmem>>
      %parallel_loop3A_1400 = arith.index_cast %parallel_loop3A_1392 : i32 to index
      %parallel_loop3A_1401 = arith.index_cast %parallel_loop3A_1395 : i32 to index
      %parallel_loop3A_1402 = tpu.vector_load %parallel_loop3A_1399[%parallel_loop3A_1400, %parallel_loop3A_1401] {strides = array<i32>} : memref<16x1024xf32, #tpu.memory_space<vmem>>, vector<1x16xf32>,
      %parallel_loop3A_1403 = vector.shape_cast %parallel_loop3A_1402 : vector<1x16xf32> to vector<16xf32>
      %parallel_loop3A_1404 = arith.constant 0 : i32
      %parallel_loop3A_1405 = arith.constant 0 : i32
      %parallel_loop3A_1406 = tpu.memref_slice %arg6[%parallel_loop3A_152, %parallel_loop3A_1404, %parallel_loop3A_1405] : memref<2x16x1024xf32, #tpu.memory_space<vmem>> -> memref<1x16x1024xf32, #tpu.memory_space<vmem>>
      %parallel_loop3A_1407 = tpu.memref_squeeze %parallel_loop3A_1406 : memref<1x16x1024xf32, #tpu.memory_space<vmem>> -> memref<16x1024xf32, #tpu.memory_space<vmem>>
      %parallel_loop3A_1408 = arith.index_cast %parallel_loop3A_1392 : i32 to index
      %parallel_loop3A_1409 = arith.index_cast %parallel_loop3A_1395 : i32 to index
      %parallel_loop3A_1410 = tpu.vector_load %parallel_loop3A_1407[%parallel_loop3A_1408, %parallel_loop3A_1409] {strides = array<i32>} : memref<16x1024xf32, #tpu.memory_space<vmem>>, vector<1x16xf32>,
      %parallel_loop3A_1411 = vector.shape_cast %parallel_loop3A_1410 : vector<1x16xf32> to vector<16xf32>
      %parallel_loop3A_1412 = arith.addf %parallel_loop3A_1403, %parallel_loop3A_1411 : vector<16xf32>
      %parallel_loop3A_1413 = arith.constant 0 : i32
      %parallel_loop3A_1414 = arith.constant 0 : i32
      %parallel_loop3A_1415 = tpu.memref_slice %arg5[%parallel_loop3A_151, %parallel_loop3A_1413, %parallel_loop3A_1414] : memref<4x16x1024xf32, #tpu.memory_space<vmem>> -> memref<1x16x1024xf32, #tpu.memory_space<vmem>>
      %parallel_loop3A_1416 = tpu.memref_squeeze %parallel_loop3A_1415 : memref<1x16x1024xf32, #tpu.memory_space<vmem>> -> memref<16x1024xf32, #tpu.memory_space<vmem>>
      %parallel_loop3A_1417 = arith.index_cast %parallel_loop3A_1392 : i32 to index
      %parallel_loop3A_1418 = arith.index_cast %parallel_loop3A_1395 : i32 to index
      %parallel_loop3A_1419 = tpu.vector_load %parallel_loop3A_1416[%parallel_loop3A_1417, %parallel_loop3A_1418] {strides = array<i32>} : memref<16x1024xf32, #tpu.memory_space<vmem>>, vector<1x16xf32>,
      %parallel_loop3A_1420 = vector.shape_cast %parallel_loop3A_1419 : vector<1x16xf32> to vector<16xf32>
      %parallel_loop3A_1421 = vector.shape_cast %parallel_loop3A_1412 : vector<16xf32> to vector<1x16xf32>
      tpu.vector_store %parallel_loop3A_1416[%parallel_loop3A_1417, %parallel_loop3A_1418], %parallel_loop3A_1421 {strides = array<i32>} : memref<16x1024xf32, #tpu.memory_space<vmem>>, vector<1x16xf32>,
    } {sc.loop_unroll_factor = 8 : i64, sc.parallel_access}
    %add3A_153 = arith.constant 0 : i32
    %add3A_154 = arith.addi %add3A_153, %mul3A_2 : i32
    %add3A_155 = arith.constant 0 : i32
    %add3A_156 = arith.addi %add3A_154, %add3A_155 : i32
    %dma_start3A_157 = arith.constant 0 : i32
    %dma_start3A_158 = arith.constant 0 : i32
    %dma_start3A_159 = arith.constant 0 : i32
    %dma_start3A_160 = arith.constant 0 : i32
    %dma_start3A_161 = tpu.memref_slice %arg5[%dma_start3A_157, %dma_start3A_159, %dma_start3A_160] : memref<4x16x1024xf32, #tpu.memory_space<vmem>> -> memref<1x16x1024xf32, #tpu.memory_space<vmem>>
    %dma_start3A_162 = tpu.memref_squeeze %dma_start3A_161 : memref<1x16x1024xf32, #tpu.memory_space<vmem>> -> memref<16x1024xf32, #tpu.memory_space<vmem>>
    %dma_start3A_163 = arith.constant 0 : i32
    %dma_start3A_164 = tpu.memref_slice %arg4[%add3A_156, %dma_start3A_163] : memref<8192x1024xf32, #tpu.memory_space<hbm>> -> memref<16x1024xf32, #tpu.memory_space<hbm>>
    %dma_start3A_165 = tpu.memref_slice %arg8[%dma_start3A_158] : memref<4x!tpu.dma_semaphore, #tpu.memory_space<semaphore_mem>> -> memref<1x!tpu.dma_semaphore, #tpu.memory_space<semaphore_mem>>
    %dma_start3A_166 = tpu.memref_squeeze %dma_start3A_165 : memref<1x!tpu.dma_semaphore, #tpu.memory_space<semaphore_mem>> -> memref<!tpu.dma_semaphore, #tpu.memory_space<semaphore_mem>>
    %dma_start3A_167 = arith.constant 0 : i32
    %dma_start3A_168 = tpu.memref_slice %arg4[%add3A_156, %dma_start3A_167] : memref<8192x1024xf32, #tpu.memory_space<hbm>> -> memref<16x1024xf32, #tpu.memory_space<hbm>>
    %dma_start3A_169 = arith.constant 0 : i32
    %dma_start3A_170 = arith.constant 0 : i32
    %dma_start3A_171 = tpu.memref_slice %arg5[%dma_start3A_157, %dma_start3A_169, %dma_start3A_170] : memref<4x16x1024xf32, #tpu.memory_space<vmem>> -> memref<1x16x1024xf32, #tpu.memory_space<vmem>>
    %dma_start3A_172 = tpu.memref_squeeze %dma_start3A_171 : memref<1x16x1024xf32, #tpu.memory_space<vmem>> -> memref<16x1024xf32, #tpu.memory_space<vmem>>
    tpu.enqueue_dma source(%dma_start3A_172 : memref<16x1024xf32, #tpu.memory_space<vmem>>) target(%dma_start3A_168 : memref<16x1024xf32, #tpu.memory_space<hbm>>) target_semaphore(%dma_start3A_166 : memref<!tpu.dma_semaphore, #tpu.memory_space<semaphore_mem>>)
    %dma_wait3A_173 = arith.constant 1 : i32
    %dma_wait3A_174 = arith.constant 1 : i32
    %dma_wait3A_175 = arith.constant 0 : i32
    %dma_wait3A_176 = arith.constant 0 : i32
    %dma_wait3A_177 = tpu.memref_slice %arg5[%dma_wait3A_173, %dma_wait3A_175, %dma_wait3A_176] : memref<4x16x1024xf32, #tpu.memory_space<vmem>> -> memref<1x16x1024xf32, #tpu.memory_space<vmem>>
    %dma_wait3A_178 = tpu.memref_squeeze %dma_wait3A_177 : memref<1x16x1024xf32, #tpu.memory_space<vmem>> -> memref<16x1024xf32, #tpu.memory_space<vmem>>
    %dma_wait3A_179 = arith.constant 0 : i32
    %dma_wait3A_180 = tpu.memref_slice %arg2[%add3A_25, %dma_wait3A_179] : memref<8192x1024xf32, #tpu.memory_space<hbm>> -> memref<16x1024xf32, #tpu.memory_space<hbm>>
    %dma_wait3A_181 = tpu.memref_slice %arg7[%dma_wait3A_174] : memref<4x!tpu.dma_semaphore, #tpu.memory_space<semaphore_mem>> -> memref<1x!tpu.dma_semaphore, #tpu.memory_space<semaphore_mem>>
    %dma_wait3A_182 = tpu.memref_squeeze %dma_wait3A_181 : memref<1x!tpu.dma_semaphore, #tpu.memory_space<semaphore_mem>> -> memref<!tpu.dma_semaphore, #tpu.memory_space<semaphore_mem>>
    %dma_wait3A_183 = arith.constant 0 : i32
    %dma_wait3A_184 = arith.constant 0 : i32
    %dma_wait3A_185 = tpu.memref_slice %arg5[%dma_wait3A_173, %dma_wait3A_183, %dma_wait3A_184] : memref<4x16x1024xf32, #tpu.memory_space<vmem>> -> memref<1x16x1024xf32, #tpu.memory_space<vmem>>
    %dma_wait3A_186 = tpu.memref_squeeze %dma_wait3A_185 : memref<1x16x1024xf32, #tpu.memory_space<vmem>> -> memref<16x1024xf32, #tpu.memory_space<vmem>>
    %dma_wait3A_187 = arith.constant 0 : i32
    %dma_wait3A_188 = tpu.memref_slice %arg2[%add3A_25, %dma_wait3A_187] : memref<8192x1024xf32, #tpu.memory_space<hbm>> -> memref<16x1024xf32, #tpu.memory_space<hbm>>
    tpu.wait_dma2 semaphore(%dma_wait3A_182 : memref<!tpu.dma_semaphore, #tpu.memory_space<semaphore_mem>>) src(%dma_wait3A_188 : memref<16x1024xf32, #tpu.memory_space<hbm>>) dst(%dma_wait3A_186 : memref<16x1024xf32, #tpu.memory_space<vmem>>)
    %parallel_loop3A_189 = arith.constant 0 : i32
    %parallel_loop3A_190 = arith.constant 16384 : i32
    %parallel_loop3A_191 = arith.constant 16 : i32
    %parallel_loop3A_192 = arith.constant 1 : i32
    %parallel_loop3A_193 = arith.constant 0 : i32
    scf.for %parallel_loop3A_1368 = %parallel_loop3A_189 to %parallel_loop3A_190 step %parallel_loop3A_191  : i32 {
      %parallel_loop3A_1369 = arith.constant 1024 : i32
      %parallel_loop3A_1370 = arith.divsi %parallel_loop3A_1368, %parallel_loop3A_1369 : i32
      %parallel_loop3A_1371 = arith.constant 0 : i32
      %parallel_loop3A_1372 = arith.cmpi sgt, %parallel_loop3A_1368, %parallel_loop3A_1371 : i32
      %parallel_loop3A_1373 = arith.extui %parallel_loop3A_1372 : i1 to i32
      %parallel_loop3A_1374 = arith.constant 0 : i32
      %parallel_loop3A_1375 = arith.cmpi slt, %parallel_loop3A_1368, %parallel_loop3A_1374 : i32
      %parallel_loop3A_1376 = arith.extui %parallel_loop3A_1375 : i1 to i32
      %parallel_loop3A_1377 = arith.subi %parallel_loop3A_1373, %parallel_loop3A_1376 : i32
      %parallel_loop3A_1378 = arith.constant 0 : i32
      %parallel_loop3A_1379 = arith.cmpi sgt, %parallel_loop3A_1369, %parallel_loop3A_1378 : i32
      %parallel_loop3A_1380 = arith.extui %parallel_loop3A_1379 : i1 to i32
      %parallel_loop3A_1381 = arith.constant 0 : i32
      %parallel_loop3A_1382 = arith.cmpi slt, %parallel_loop3A_1369, %parallel_loop3A_1381 : i32
      %parallel_loop3A_1383 = arith.extui %parallel_loop3A_1382 : i1 to i32
      %parallel_loop3A_1384 = arith.subi %parallel_loop3A_1380, %parallel_loop3A_1383 : i32
      %parallel_loop3A_1385 = arith.cmpi ne, %parallel_loop3A_1377, %parallel_loop3A_1384 : i32
      %parallel_loop3A_1386 = arith.remsi %parallel_loop3A_1368, %parallel_loop3A_1369 : i32
      %parallel_loop3A_1387 = arith.constant 0 : i32
      %parallel_loop3A_1388 = arith.cmpi ne, %parallel_loop3A_1386, %parallel_loop3A_1387 : i32
      %parallel_loop3A_1389 = arith.andi %parallel_loop3A_1385, %parallel_loop3A_1388 : i1
      %parallel_loop3A_1390 = arith.constant 1 : i32
      %parallel_loop3A_1391 = arith.subi %parallel_loop3A_1370, %parallel_loop3A_1390 : i32
      %parallel_loop3A_1392 = arith.select %parallel_loop3A_1389, %parallel_loop3A_1391, %parallel_loop3A_1370 : i32
      %parallel_loop3A_1393 = arith.constant 1024 : i32
      %parallel_loop3A_1394 = arith.muli %parallel_loop3A_1392, %parallel_loop3A_1393 : i32
      %parallel_loop3A_1395 = arith.subi %parallel_loop3A_1368, %parallel_loop3A_1394 : i32
      %parallel_loop3A_1396 = arith.constant 0 : i32
      %parallel_loop3A_1397 = arith.constant 0 : i32
      %parallel_loop3A_1398 = tpu.memref_slice %arg5[%parallel_loop3A_192, %parallel_loop3A_1396, %parallel_loop3A_1397] : memref<4x16x1024xf32, #tpu.memory_space<vmem>> -> memref<1x16x1024xf32, #tpu.memory_space<vmem>>
      %parallel_loop3A_1399 = tpu.memref_squeeze %parallel_loop3A_1398 : memref<1x16x1024xf32, #tpu.memory_space<vmem>> -> memref<16x1024xf32, #tpu.memory_space<vmem>>
      %parallel_loop3A_1400 = arith.index_cast %parallel_loop3A_1392 : i32 to index
      %parallel_loop3A_1401 = arith.index_cast %parallel_loop3A_1395 : i32 to index
      %parallel_loop3A_1402 = tpu.vector_load %parallel_loop3A_1399[%parallel_loop3A_1400, %parallel_loop3A_1401] {strides = array<i32>} : memref<16x1024xf32, #tpu.memory_space<vmem>>, vector<1x16xf32>,
      %parallel_loop3A_1403 = vector.shape_cast %parallel_loop3A_1402 : vector<1x16xf32> to vector<16xf32>
      %parallel_loop3A_1404 = arith.constant 0 : i32
      %parallel_loop3A_1405 = arith.constant 0 : i32
      %parallel_loop3A_1406 = tpu.memref_slice %arg6[%parallel_loop3A_193, %parallel_loop3A_1404, %parallel_loop3A_1405] : memref<2x16x1024xf32, #tpu.memory_space<vmem>> -> memref<1x16x1024xf32, #tpu.memory_space<vmem>>
      %parallel_loop3A_1407 = tpu.memref_squeeze %parallel_loop3A_1406 : memref<1x16x1024xf32, #tpu.memory_space<vmem>> -> memref<16x1024xf32, #tpu.memory_space<vmem>>
      %parallel_loop3A_1408 = arith.index_cast %parallel_loop3A_1392 : i32 to index
      %parallel_loop3A_1409 = arith.index_cast %parallel_loop3A_1395 : i32 to index
      %parallel_loop3A_1410 = tpu.vector_load %parallel_loop3A_1407[%parallel_loop3A_1408, %parallel_loop3A_1409] {strides = array<i32>} : memref<16x1024xf32, #tpu.memory_space<vmem>>, vector<1x16xf32>,
      %parallel_loop3A_1411 = vector.shape_cast %parallel_loop3A_1410 : vector<1x16xf32> to vector<16xf32>
      %parallel_loop3A_1412 = arith.addf %parallel_loop3A_1403, %parallel_loop3A_1411 : vector<16xf32>
      %parallel_loop3A_1413 = arith.constant 0 : i32
      %parallel_loop3A_1414 = arith.constant 0 : i32
      %parallel_loop3A_1415 = tpu.memref_slice %arg5[%parallel_loop3A_192, %parallel_loop3A_1413, %parallel_loop3A_1414] : memref<4x16x1024xf32, #tpu.memory_space<vmem>> -> memref<1x16x1024xf32, #tpu.memory_space<vmem>>
      %parallel_loop3A_1416 = tpu.memref_squeeze %parallel_loop3A_1415 : memref<1x16x1024xf32, #tpu.memory_space<vmem>> -> memref<16x1024xf32, #tpu.memory_space<vmem>>
      %parallel_loop3A_1417 = arith.index_cast %parallel_loop3A_1392 : i32 to index
      %parallel_loop3A_1418 = arith.index_cast %parallel_loop3A_1395 : i32 to index
      %parallel_loop3A_1419 = tpu.vector_load %parallel_loop3A_1416[%parallel_loop3A_1417, %parallel_loop3A_1418] {strides = array<i32>} : memref<16x1024xf32, #tpu.memory_space<vmem>>, vector<1x16xf32>,
      %parallel_loop3A_1420 = vector.shape_cast %parallel_loop3A_1419 : vector<1x16xf32> to vector<16xf32>
      %parallel_loop3A_1421 = vector.shape_cast %parallel_loop3A_1412 : vector<16xf32> to vector<1x16xf32>
      tpu.vector_store %parallel_loop3A_1416[%parallel_loop3A_1417, %parallel_loop3A_1418], %parallel_loop3A_1421 {strides = array<i32>} : memref<16x1024xf32, #tpu.memory_space<vmem>>, vector<1x16xf32>,
    } {sc.loop_unroll_factor = 8 : i64, sc.parallel_access}
    %add3A_194 = arith.constant 2048 : i32
    %add3A_195 = arith.addi %add3A_194, %mul3A_2 : i32
    %add3A_196 = arith.constant 0 : i32
    %add3A_197 = arith.addi %add3A_195, %add3A_196 : i32
    %dma_start3A_198 = arith.constant 1 : i32
    %dma_start3A_199 = arith.constant 1 : i32
    %dma_start3A_200 = arith.constant 0 : i32
    %dma_start3A_201 = arith.constant 0 : i32
    %dma_start3A_202 = tpu.memref_slice %arg5[%dma_start3A_198, %dma_start3A_200, %dma_start3A_201] : memref<4x16x1024xf32, #tpu.memory_space<vmem>> -> memref<1x16x1024xf32, #tpu.memory_space<vmem>>
    %dma_start3A_203 = tpu.memref_squeeze %dma_start3A_202 : memref<1x16x1024xf32, #tpu.memory_space<vmem>> -> memref<16x1024xf32, #tpu.memory_space<vmem>>
    %dma_start3A_204 = arith.constant 0 : i32
    %dma_start3A_205 = tpu.memref_slice %arg4[%add3A_197, %dma_start3A_204] : memref<8192x1024xf32, #tpu.memory_space<hbm>> -> memref<16x1024xf32, #tpu.memory_space<hbm>>
    %dma_start3A_206 = tpu.memref_slice %arg8[%dma_start3A_199] : memref<4x!tpu.dma_semaphore, #tpu.memory_space<semaphore_mem>> -> memref<1x!tpu.dma_semaphore, #tpu.memory_space<semaphore_mem>>
    %dma_start3A_207 = tpu.memref_squeeze %dma_start3A_206 : memref<1x!tpu.dma_semaphore, #tpu.memory_space<semaphore_mem>> -> memref<!tpu.dma_semaphore, #tpu.memory_space<semaphore_mem>>
    %dma_start3A_208 = arith.constant 0 : i32
    %dma_start3A_209 = tpu.memref_slice %arg4[%add3A_197, %dma_start3A_208] : memref<8192x1024xf32, #tpu.memory_space<hbm>> -> memref<16x1024xf32, #tpu.memory_space<hbm>>
    %dma_start3A_210 = arith.constant 0 : i32
    %dma_start3A_211 = arith.constant 0 : i32
    %dma_start3A_212 = tpu.memref_slice %arg5[%dma_start3A_198, %dma_start3A_210, %dma_start3A_211] : memref<4x16x1024xf32, #tpu.memory_space<vmem>> -> memref<1x16x1024xf32, #tpu.memory_space<vmem>>
    %dma_start3A_213 = tpu.memref_squeeze %dma_start3A_212 : memref<1x16x1024xf32, #tpu.memory_space<vmem>> -> memref<16x1024xf32, #tpu.memory_space<vmem>>
    tpu.enqueue_dma source(%dma_start3A_213 : memref<16x1024xf32, #tpu.memory_space<vmem>>) target(%dma_start3A_209 : memref<16x1024xf32, #tpu.memory_space<hbm>>) target_semaphore(%dma_start3A_207 : memref<!tpu.dma_semaphore, #tpu.memory_space<semaphore_mem>>)
    %dma_wait3A_214 = arith.constant 0 : i32
    %dma_wait3A_215 = arith.constant 0 : i32
    %dma_wait3A_216 = arith.constant 0 : i32
    %dma_wait3A_217 = arith.constant 0 : i32
    %dma_wait3A_218 = tpu.memref_slice %arg5[%dma_wait3A_214, %dma_wait3A_216, %dma_wait3A_217] : memref<4x16x1024xf32, #tpu.memory_space<vmem>> -> memref<1x16x1024xf32, #tpu.memory_space<vmem>>
    %dma_wait3A_219 = tpu.memref_squeeze %dma_wait3A_218 : memref<1x16x1024xf32, #tpu.memory_space<vmem>> -> memref<16x1024xf32, #tpu.memory_space<vmem>>
    %dma_wait3A_220 = arith.constant 0 : i32
    %dma_wait3A_221 = tpu.memref_slice %arg4[%add3A_156, %dma_wait3A_220] : memref<8192x1024xf32, #tpu.memory_space<hbm>> -> memref<16x1024xf32, #tpu.memory_space<hbm>>
    %dma_wait3A_222 = tpu.memref_slice %arg8[%dma_wait3A_215] : memref<4x!tpu.dma_semaphore, #tpu.memory_space<semaphore_mem>> -> memref<1x!tpu.dma_semaphore, #tpu.memory_space<semaphore_mem>>
    %dma_wait3A_223 = tpu.memref_squeeze %dma_wait3A_222 : memref<1x!tpu.dma_semaphore, #tpu.memory_space<semaphore_mem>> -> memref<!tpu.dma_semaphore, #tpu.memory_space<semaphore_mem>>
    %dma_wait3A_224 = arith.constant 0 : i32
    %dma_wait3A_225 = tpu.memref_slice %arg4[%add3A_156, %dma_wait3A_224] : memref<8192x1024xf32, #tpu.memory_space<hbm>> -> memref<16x1024xf32, #tpu.memory_space<hbm>>
    %dma_wait3A_226 = arith.constant 0 : i32
    %dma_wait3A_227 = arith.constant 0 : i32
    %dma_wait3A_228 = tpu.memref_slice %arg5[%dma_wait3A_214, %dma_wait3A_226, %dma_wait3A_227] : memref<4x16x1024xf32, #tpu.memory_space<vmem>> -> memref<1x16x1024xf32, #tpu.memory_space<vmem>>
    %dma_wait3A_229 = tpu.memref_squeeze %dma_wait3A_228 : memref<1x16x1024xf32, #tpu.memory_space<vmem>> -> memref<16x1024xf32, #tpu.memory_space<vmem>>
    tpu.wait_dma2 semaphore(%dma_wait3A_223 : memref<!tpu.dma_semaphore, #tpu.memory_space<semaphore_mem>>) src(%dma_wait3A_229 : memref<16x1024xf32, #tpu.memory_space<vmem>>) dst(%dma_wait3A_225 : memref<16x1024xf32, #tpu.memory_space<hbm>>)
    %add3A_230 = arith.constant 0 : i32
    %add3A_231 = arith.addi %add3A_230, %mul3A_2 : i32
    %add3A_232 = arith.constant 16 : i32
    %add3A_233 = arith.addi %add3A_231, %add3A_232 : i32
    %dma_start3A_234 = arith.constant 0 : i32
    %dma_start3A_235 = arith.constant 0 : i32
    %dma_start3A_236 = arith.constant 0 : i32
    %dma_start3A_237 = arith.constant 0 : i32
    %dma_start3A_238 = tpu.memref_slice %arg5[%dma_start3A_234, %dma_start3A_236, %dma_start3A_237] : memref<4x16x1024xf32, #tpu.memory_space<vmem>> -> memref<1x16x1024xf32, #tpu.memory_space<vmem>>
    %dma_start3A_239 = tpu.memref_squeeze %dma_start3A_238 : memref<1x16x1024xf32, #tpu.memory_space<vmem>> -> memref<16x1024xf32, #tpu.memory_space<vmem>>
    %dma_start3A_240 = arith.constant 0 : i32
    %dma_start3A_241 = tpu.memref_slice %arg2[%add3A_233, %dma_start3A_240] : memref<8192x1024xf32, #tpu.memory_space<hbm>> -> memref<16x1024xf32, #tpu.memory_space<hbm>>
    %dma_start3A_242 = tpu.memref_slice %arg7[%dma_start3A_235] : memref<4x!tpu.dma_semaphore, #tpu.memory_space<semaphore_mem>> -> memref<1x!tpu.dma_semaphore, #tpu.memory_space<semaphore_mem>>
    %dma_start3A_243 = tpu.memref_squeeze %dma_start3A_242 : memref<1x!tpu.dma_semaphore, #tpu.memory_space<semaphore_mem>> -> memref<!tpu.dma_semaphore, #tpu.memory_space<semaphore_mem>>
    %dma_start3A_244 = arith.constant 0 : i32
    %dma_start3A_245 = arith.constant 0 : i32
    %dma_start3A_246 = tpu.memref_slice %arg5[%dma_start3A_234, %dma_start3A_244, %dma_start3A_245] : memref<4x16x1024xf32, #tpu.memory_space<vmem>> -> memref<1x16x1024xf32, #tpu.memory_space<vmem>>
    %dma_start3A_247 = tpu.memref_squeeze %dma_start3A_246 : memref<1x16x1024xf32, #tpu.memory_space<vmem>> -> memref<16x1024xf32, #tpu.memory_space<vmem>>
    %dma_start3A_248 = arith.constant 0 : i32
    %dma_start3A_249 = tpu.memref_slice %arg2[%add3A_233, %dma_start3A_248] : memref<8192x1024xf32, #tpu.memory_space<hbm>> -> memref<16x1024xf32, #tpu.memory_space<hbm>>
    tpu.enqueue_dma source(%dma_start3A_249 : memref<16x1024xf32, #tpu.memory_space<hbm>>) target(%dma_start3A_247 : memref<16x1024xf32, #tpu.memory_space<vmem>>) target_semaphore(%dma_start3A_243 : memref<!tpu.dma_semaphore, #tpu.memory_space<semaphore_mem>>)
    %dma_wait3A_250 = arith.constant 2 : i32
    %dma_wait3A_251 = arith.constant 2 : i32
    %dma_wait3A_252 = arith.constant 0 : i32
    %dma_wait3A_253 = arith.constant 0 : i32
    %dma_wait3A_254 = tpu.memref_slice %arg5[%dma_wait3A_250, %dma_wait3A_252, %dma_wait3A_253] : memref<4x16x1024xf32, #tpu.memory_space<vmem>> -> memref<1x16x1024xf32, #tpu.memory_space<vmem>>
    %dma_wait3A_255 = tpu.memref_squeeze %dma_wait3A_254 : memref<1x16x1024xf32, #tpu.memory_space<vmem>> -> memref<16x1024xf32, #tpu.memory_space<vmem>>
    %dma_wait3A_256 = arith.constant 0 : i32
    %dma_wait3A_257 = tpu.memref_slice %arg2[%add3A_45, %dma_wait3A_256] : memref<8192x1024xf32, #tpu.memory_space<hbm>> -> memref<16x1024xf32, #tpu.memory_space<hbm>>
    %dma_wait3A_258 = tpu.memref_slice %arg7[%dma_wait3A_251] : memref<4x!tpu.dma_semaphore, #tpu.memory_space<semaphore_mem>> -> memref<1x!tpu.dma_semaphore, #tpu.memory_space<semaphore_mem>>
    %dma_wait3A_259 = tpu.memref_squeeze %dma_wait3A_258 : memref<1x!tpu.dma_semaphore, #tpu.memory_space<semaphore_mem>> -> memref<!tpu.dma_semaphore, #tpu.memory_space<semaphore_mem>>
    %dma_wait3A_260 = arith.constant 0 : i32
    %dma_wait3A_261 = arith.constant 0 : i32
    %dma_wait3A_262 = tpu.memref_slice %arg5[%dma_wait3A_250, %dma_wait3A_260, %dma_wait3A_261] : memref<4x16x1024xf32, #tpu.memory_space<vmem>> -> memref<1x16x1024xf32, #tpu.memory_space<vmem>>
    %dma_wait3A_263 = tpu.memref_squeeze %dma_wait3A_262 : memref<1x16x1024xf32, #tpu.memory_space<vmem>> -> memref<16x1024xf32, #tpu.memory_space<vmem>>
    %dma_wait3A_264 = arith.constant 0 : i32
    %dma_wait3A_265 = tpu.memref_slice %arg2[%add3A_45, %dma_wait3A_264] : memref<8192x1024xf32, #tpu.memory_space<hbm>> -> memref<16x1024xf32, #tpu.memory_space<hbm>>
    tpu.wait_dma2 semaphore(%dma_wait3A_259 : memref<!tpu.dma_semaphore, #tpu.memory_space<semaphore_mem>>) src(%dma_wait3A_265 : memref<16x1024xf32, #tpu.memory_space<hbm>>) dst(%dma_wait3A_263 : memref<16x1024xf32, #tpu.memory_space<vmem>>)
    %parallel_loop3A_266 = arith.constant 0 : i32
    %parallel_loop3A_267 = arith.constant 16384 : i32
    %parallel_loop3A_268 = arith.constant 16 : i32
    %parallel_loop3A_269 = arith.constant 2 : i32
    %parallel_loop3A_270 = arith.constant 0 : i32
    scf.for %parallel_loop3A_1368 = %parallel_loop3A_266 to %parallel_loop3A_267 step %parallel_loop3A_268  : i32 {
      %parallel_loop3A_1369 = arith.constant 1024 : i32
      %parallel_loop3A_1370 = arith.divsi %parallel_loop3A_1368, %parallel_loop3A_1369 : i32
      %parallel_loop3A_1371 = arith.constant 0 : i32
      %parallel_loop3A_1372 = arith.cmpi sgt, %parallel_loop3A_1368, %parallel_loop3A_1371 : i32
      %parallel_loop3A_1373 = arith.extui %parallel_loop3A_1372 : i1 to i32
      %parallel_loop3A_1374 = arith.constant 0 : i32
      %parallel_loop3A_1375 = arith.cmpi slt, %parallel_loop3A_1368, %parallel_loop3A_1374 : i32
      %parallel_loop3A_1376 = arith.extui %parallel_loop3A_1375 : i1 to i32
      %parallel_loop3A_1377 = arith.subi %parallel_loop3A_1373, %parallel_loop3A_1376 : i32
      %parallel_loop3A_1378 = arith.constant 0 : i32
      %parallel_loop3A_1379 = arith.cmpi sgt, %parallel_loop3A_1369, %parallel_loop3A_1378 : i32
      %parallel_loop3A_1380 = arith.extui %parallel_loop3A_1379 : i1 to i32
      %parallel_loop3A_1381 = arith.constant 0 : i32
      %parallel_loop3A_1382 = arith.cmpi slt, %parallel_loop3A_1369, %parallel_loop3A_1381 : i32
      %parallel_loop3A_1383 = arith.extui %parallel_loop3A_1382 : i1 to i32
      %parallel_loop3A_1384 = arith.subi %parallel_loop3A_1380, %parallel_loop3A_1383 : i32
      %parallel_loop3A_1385 = arith.cmpi ne, %parallel_loop3A_1377, %parallel_loop3A_1384 : i32
      %parallel_loop3A_1386 = arith.remsi %parallel_loop3A_1368, %parallel_loop3A_1369 : i32
      %parallel_loop3A_1387 = arith.constant 0 : i32
      %parallel_loop3A_1388 = arith.cmpi ne, %parallel_loop3A_1386, %parallel_loop3A_1387 : i32
      %parallel_loop3A_1389 = arith.andi %parallel_loop3A_1385, %parallel_loop3A_1388 : i1
      %parallel_loop3A_1390 = arith.constant 1 : i32
      %parallel_loop3A_1391 = arith.subi %parallel_loop3A_1370, %parallel_loop3A_1390 : i32
      %parallel_loop3A_1392 = arith.select %parallel_loop3A_1389, %parallel_loop3A_1391, %parallel_loop3A_1370 : i32
      %parallel_loop3A_1393 = arith.constant 1024 : i32
      %parallel_loop3A_1394 = arith.muli %parallel_loop3A_1392, %parallel_loop3A_1393 : i32
      %parallel_loop3A_1395 = arith.subi %parallel_loop3A_1368, %parallel_loop3A_1394 : i32
      %parallel_loop3A_1396 = arith.constant 0 : i32
      %parallel_loop3A_1397 = arith.constant 0 : i32
      %parallel_loop3A_1398 = tpu.memref_slice %arg5[%parallel_loop3A_269, %parallel_loop3A_1396, %parallel_loop3A_1397] : memref<4x16x1024xf32, #tpu.memory_space<vmem>> -> memref<1x16x1024xf32, #tpu.memory_space<vmem>>
      %parallel_loop3A_1399 = tpu.memref_squeeze %parallel_loop3A_1398 : memref<1x16x1024xf32, #tpu.memory_space<vmem>> -> memref<16x1024xf32, #tpu.memory_space<vmem>>
      %parallel_loop3A_1400 = arith.index_cast %parallel_loop3A_1392 : i32 to index
      %parallel_loop3A_1401 = arith.index_cast %parallel_loop3A_1395 : i32 to index
      %parallel_loop3A_1402 = tpu.vector_load %parallel_loop3A_1399[%parallel_loop3A_1400, %parallel_loop3A_1401] {strides = array<i32>} : memref<16x1024xf32, #tpu.memory_space<vmem>>, vector<1x16xf32>,
      %parallel_loop3A_1403 = vector.shape_cast %parallel_loop3A_1402 : vector<1x16xf32> to vector<16xf32>
      %parallel_loop3A_1404 = arith.constant 0 : i32
      %parallel_loop3A_1405 = arith.constant 0 : i32
      %parallel_loop3A_1406 = tpu.memref_slice %arg6[%parallel_loop3A_270, %parallel_loop3A_1404, %parallel_loop3A_1405] : memref<2x16x1024xf32, #tpu.memory_space<vmem>> -> memref<1x16x1024xf32, #tpu.memory_space<vmem>>
      %parallel_loop3A_1407 = tpu.memref_squeeze %parallel_loop3A_1406 : memref<1x16x1024xf32, #tpu.memory_space<vmem>> -> memref<16x1024xf32, #tpu.memory_space<vmem>>
      %parallel_loop3A_1408 = arith.index_cast %parallel_loop3A_1392 : i32 to index
      %parallel_loop3A_1409 = arith.index_cast %parallel_loop3A_1395 : i32 to index
      %parallel_loop3A_1410 = tpu.vector_load %parallel_loop3A_1407[%parallel_loop3A_1408, %parallel_loop3A_1409] {strides = array<i32>} : memref<16x1024xf32, #tpu.memory_space<vmem>>, vector<1x16xf32>,
      %parallel_loop3A_1411 = vector.shape_cast %parallel_loop3A_1410 : vector<1x16xf32> to vector<16xf32>
      %parallel_loop3A_1412 = arith.addf %parallel_loop3A_1403, %parallel_loop3A_1411 : vector<16xf32>
      %parallel_loop3A_1413 = arith.constant 0 : i32
      %parallel_loop3A_1414 = arith.constant 0 : i32
      %parallel_loop3A_1415 = tpu.memref_slice %arg5[%parallel_loop3A_269, %parallel_loop3A_1413, %parallel_loop3A_1414] : memref<4x16x1024xf32, #tpu.memory_space<vmem>> -> memref<1x16x1024xf32, #tpu.memory_space<vmem>>
      %parallel_loop3A_1416 = tpu.memref_squeeze %parallel_loop3A_1415 : memref<1x16x1024xf32, #tpu.memory_space<vmem>> -> memref<16x1024xf32, #tpu.memory_space<vmem>>
      %parallel_loop3A_1417 = arith.index_cast %parallel_loop3A_1392 : i32 to index
      %parallel_loop3A_1418 = arith.index_cast %parallel_loop3A_1395 : i32 to index
      %parallel_loop3A_1419 = tpu.vector_load %parallel_loop3A_1416[%parallel_loop3A_1417, %parallel_loop3A_1418] {strides = array<i32>} : memref<16x1024xf32, #tpu.memory_space<vmem>>, vector<1x16xf32>,
      %parallel_loop3A_1420 = vector.shape_cast %parallel_loop3A_1419 : vector<1x16xf32> to vector<16xf32>
      %parallel_loop3A_1421 = vector.shape_cast %parallel_loop3A_1412 : vector<16xf32> to vector<1x16xf32>
      tpu.vector_store %parallel_loop3A_1416[%parallel_loop3A_1417, %parallel_loop3A_1418], %parallel_loop3A_1421 {strides = array<i32>} : memref<16x1024xf32, #tpu.memory_space<vmem>>, vector<1x16xf32>,
    } {sc.loop_unroll_factor = 8 : i64, sc.parallel_access}
    %add3A_271 = arith.constant 4096 : i32
    %add3A_272 = arith.addi %add3A_271, %mul3A_2 : i32
    %add3A_273 = arith.constant 0 : i32
    %add3A_274 = arith.addi %add3A_272, %add3A_273 : i32
    %dma_start3A_275 = arith.constant 2 : i32
    %dma_start3A_276 = arith.constant 2 : i32
    %dma_start3A_277 = arith.constant 0 : i32
    %dma_start3A_278 = arith.constant 0 : i32
    %dma_start3A_279 = tpu.memref_slice %arg5[%dma_start3A_275, %dma_start3A_277, %dma_start3A_278] : memref<4x16x1024xf32, #tpu.memory_space<vmem>> -> memref<1x16x1024xf32, #tpu.memory_space<vmem>>
    %dma_start3A_280 = tpu.memref_squeeze %dma_start3A_279 : memref<1x16x1024xf32, #tpu.memory_space<vmem>> -> memref<16x1024xf32, #tpu.memory_space<vmem>>
    %dma_start3A_281 = arith.constant 0 : i32
    %dma_start3A_282 = tpu.memref_slice %arg4[%add3A_274, %dma_start3A_281] : memref<8192x1024xf32, #tpu.memory_space<hbm>> -> memref<16x1024xf32, #tpu.memory_space<hbm>>
    %dma_start3A_283 = tpu.memref_slice %arg8[%dma_start3A_276] : memref<4x!tpu.dma_semaphore, #tpu.memory_space<semaphore_mem>> -> memref<1x!tpu.dma_semaphore, #tpu.memory_space<semaphore_mem>>
    %dma_start3A_284 = tpu.memref_squeeze %dma_start3A_283 : memref<1x!tpu.dma_semaphore, #tpu.memory_space<semaphore_mem>> -> memref<!tpu.dma_semaphore, #tpu.memory_space<semaphore_mem>>
    %dma_start3A_285 = arith.constant 0 : i32
    %dma_start3A_286 = tpu.memref_slice %arg4[%add3A_274, %dma_start3A_285] : memref<8192x1024xf32, #tpu.memory_space<hbm>> -> memref<16x1024xf32, #tpu.memory_space<hbm>>
    %dma_start3A_287 = arith.constant 0 : i32
    %dma_start3A_288 = arith.constant 0 : i32
    %dma_start3A_289 = tpu.memref_slice %arg5[%dma_start3A_275, %dma_start3A_287, %dma_start3A_288] : memref<4x16x1024xf32, #tpu.memory_space<vmem>> -> memref<1x16x1024xf32, #tpu.memory_space<vmem>>
    %dma_start3A_290 = tpu.memref_squeeze %dma_start3A_289 : memref<1x16x1024xf32, #tpu.memory_space<vmem>> -> memref<16x1024xf32, #tpu.memory_space<vmem>>
    tpu.enqueue_dma source(%dma_start3A_290 : memref<16x1024xf32, #tpu.memory_space<vmem>>) target(%dma_start3A_286 : memref<16x1024xf32, #tpu.memory_space<hbm>>) target_semaphore(%dma_start3A_284 : memref<!tpu.dma_semaphore, #tpu.memory_space<semaphore_mem>>)
    %dma_wait3A_291 = arith.constant 1 : i32
    %dma_wait3A_292 = arith.constant 1 : i32
    %dma_wait3A_293 = arith.constant 0 : i32
    %dma_wait3A_294 = arith.constant 0 : i32
    %dma_wait3A_295 = tpu.memref_slice %arg5[%dma_wait3A_291, %dma_wait3A_293, %dma_wait3A_294] : memref<4x16x1024xf32, #tpu.memory_space<vmem>> -> memref<1x16x1024xf32, #tpu.memory_space<vmem>>
    %dma_wait3A_296 = tpu.memref_squeeze %dma_wait3A_295 : memref<1x16x1024xf32, #tpu.memory_space<vmem>> -> memref<16x1024xf32, #tpu.memory_space<vmem>>
    %dma_wait3A_297 = arith.constant 0 : i32
    %dma_wait3A_298 = tpu.memref_slice %arg4[%add3A_197, %dma_wait3A_297] : memref<8192x1024xf32, #tpu.memory_space<hbm>> -> memref<16x1024xf32, #tpu.memory_space<hbm>>
    %dma_wait3A_299 = tpu.memref_slice %arg8[%dma_wait3A_292] : memref<4x!tpu.dma_semaphore, #tpu.memory_space<semaphore_mem>> -> memref<1x!tpu.dma_semaphore, #tpu.memory_space<semaphore_mem>>
    %dma_wait3A_300 = tpu.memref_squeeze %dma_wait3A_299 : memref<1x!tpu.dma_semaphore, #tpu.memory_space<semaphore_mem>> -> memref<!tpu.dma_semaphore, #tpu.memory_space<semaphore_mem>>
    %dma_wait3A_301 = arith.constant 0 : i32
    %dma_wait3A_302 = tpu.memref_slice %arg4[%add3A_197, %dma_wait3A_301] : memref<8192x1024xf32, #tpu.memory_space<hbm>> -> memref<16x1024xf32, #tpu.memory_space<hbm>>
    %dma_wait3A_303 = arith.constant 0 : i32
    %dma_wait3A_304 = arith.constant 0 : i32
    %dma_wait3A_305 = tpu.memref_slice %arg5[%dma_wait3A_291, %dma_wait3A_303, %dma_wait3A_304] : memref<4x16x1024xf32, #tpu.memory_space<vmem>> -> memref<1x16x1024xf32, #tpu.memory_space<vmem>>
    %dma_wait3A_306 = tpu.memref_squeeze %dma_wait3A_305 : memref<1x16x1024xf32, #tpu.memory_space<vmem>> -> memref<16x1024xf32, #tpu.memory_space<vmem>>
    tpu.wait_dma2 semaphore(%dma_wait3A_300 : memref<!tpu.dma_semaphore, #tpu.memory_space<semaphore_mem>>) src(%dma_wait3A_306 : memref<16x1024xf32, #tpu.memory_space<vmem>>) dst(%dma_wait3A_302 : memref<16x1024xf32, #tpu.memory_space<hbm>>)
    %add3A_307 = arith.constant 2048 : i32
    %add3A_308 = arith.addi %add3A_307, %mul3A_2 : i32
    %add3A_309 = arith.constant 16 : i32
    %add3A_310 = arith.addi %add3A_308, %add3A_309 : i32
    %dma_start3A_311 = arith.constant 1 : i32
    %dma_start3A_312 = arith.constant 1 : i32
    %dma_start3A_313 = arith.constant 0 : i32
    %dma_start3A_314 = arith.constant 0 : i32
    %dma_start3A_315 = tpu.memref_slice %arg5[%dma_start3A_311, %dma_start3A_313, %dma_start3A_314] : memref<4x16x1024xf32, #tpu.memory_space<vmem>> -> memref<1x16x1024xf32, #tpu.memory_space<vmem>>
    %dma_start3A_316 = tpu.memref_squeeze %dma_start3A_315 : memref<1x16x1024xf32, #tpu.memory_space<vmem>> -> memref<16x1024xf32, #tpu.memory_space<vmem>>
    %dma_start3A_317 = arith.constant 0 : i32
    %dma_start3A_318 = tpu.memref_slice %arg2[%add3A_310, %dma_start3A_317] : memref<8192x1024xf32, #tpu.memory_space<hbm>> -> memref<16x1024xf32, #tpu.memory_space<hbm>>
    %dma_start3A_319 = tpu.memref_slice %arg7[%dma_start3A_312] : memref<4x!tpu.dma_semaphore, #tpu.memory_space<semaphore_mem>> -> memref<1x!tpu.dma_semaphore, #tpu.memory_space<semaphore_mem>>
    %dma_start3A_320 = tpu.memref_squeeze %dma_start3A_319 : memref<1x!tpu.dma_semaphore, #tpu.memory_space<semaphore_mem>> -> memref<!tpu.dma_semaphore, #tpu.memory_space<semaphore_mem>>
    %dma_start3A_321 = arith.constant 0 : i32
    %dma_start3A_322 = arith.constant 0 : i32
    %dma_start3A_323 = tpu.memref_slice %arg5[%dma_start3A_311, %dma_start3A_321, %dma_start3A_322] : memref<4x16x1024xf32, #tpu.memory_space<vmem>> -> memref<1x16x1024xf32, #tpu.memory_space<vmem>>
    %dma_start3A_324 = tpu.memref_squeeze %dma_start3A_323 : memref<1x16x1024xf32, #tpu.memory_space<vmem>> -> memref<16x1024xf32, #tpu.memory_space<vmem>>
    %dma_start3A_325 = arith.constant 0 : i32
    %dma_start3A_326 = tpu.memref_slice %arg2[%add3A_310, %dma_start3A_325] : memref<8192x1024xf32, #tpu.memory_space<hbm>> -> memref<16x1024xf32, #tpu.memory_space<hbm>>
    tpu.enqueue_dma source(%dma_start3A_326 : memref<16x1024xf32, #tpu.memory_space<hbm>>) target(%dma_start3A_324 : memref<16x1024xf32, #tpu.memory_space<vmem>>) target_semaphore(%dma_start3A_320 : memref<!tpu.dma_semaphore, #tpu.memory_space<semaphore_mem>>)
    %dma_wait3A_327 = arith.constant 3 : i32
    %dma_wait3A_328 = arith.constant 3 : i32
    %dma_wait3A_329 = arith.constant 0 : i32
    %dma_wait3A_330 = arith.constant 0 : i32
    %dma_wait3A_331 = tpu.memref_slice %arg5[%dma_wait3A_327, %dma_wait3A_329, %dma_wait3A_330] : memref<4x16x1024xf32, #tpu.memory_space<vmem>> -> memref<1x16x1024xf32, #tpu.memory_space<vmem>>
    %dma_wait3A_332 = tpu.memref_squeeze %dma_wait3A_331 : memref<1x16x1024xf32, #tpu.memory_space<vmem>> -> memref<16x1024xf32, #tpu.memory_space<vmem>>
    %dma_wait3A_333 = arith.constant 0 : i32
    %dma_wait3A_334 = tpu.memref_slice %arg2[%add3A_65, %dma_wait3A_333] : memref<8192x1024xf32, #tpu.memory_space<hbm>> -> memref<16x1024xf32, #tpu.memory_space<hbm>>
    %dma_wait3A_335 = tpu.memref_slice %arg7[%dma_wait3A_328] : memref<4x!tpu.dma_semaphore, #tpu.memory_space<semaphore_mem>> -> memref<1x!tpu.dma_semaphore, #tpu.memory_space<semaphore_mem>>
    %dma_wait3A_336 = tpu.memref_squeeze %dma_wait3A_335 : memref<1x!tpu.dma_semaphore, #tpu.memory_space<semaphore_mem>> -> memref<!tpu.dma_semaphore, #tpu.memory_space<semaphore_mem>>
    %dma_wait3A_337 = arith.constant 0 : i32
    %dma_wait3A_338 = arith.constant 0 : i32
    %dma_wait3A_339 = tpu.memref_slice %arg5[%dma_wait3A_327, %dma_wait3A_337, %dma_wait3A_338] : memref<4x16x1024xf32, #tpu.memory_space<vmem>> -> memref<1x16x1024xf32, #tpu.memory_space<vmem>>
    %dma_wait3A_340 = tpu.memref_squeeze %dma_wait3A_339 : memref<1x16x1024xf32, #tpu.memory_space<vmem>> -> memref<16x1024xf32, #tpu.memory_space<vmem>>
    %dma_wait3A_341 = arith.constant 0 : i32
    %dma_wait3A_342 = tpu.memref_slice %arg2[%add3A_65, %dma_wait3A_341] : memref<8192x1024xf32, #tpu.memory_space<hbm>> -> memref<16x1024xf32, #tpu.memory_space<hbm>>
    tpu.wait_dma2 semaphore(%dma_wait3A_336 : memref<!tpu.dma_semaphore, #tpu.memory_space<semaphore_mem>>) src(%dma_wait3A_342 : memref<16x1024xf32, #tpu.memory_space<hbm>>) dst(%dma_wait3A_340 : memref<16x1024xf32, #tpu.memory_space<vmem>>)
    %parallel_loop3A_343 = arith.constant 0 : i32
    %parallel_loop3A_344 = arith.constant 16384 : i32
    %parallel_loop3A_345 = arith.constant 16 : i32
    %parallel_loop3A_346 = arith.constant 3 : i32
    %parallel_loop3A_347 = arith.constant 0 : i32
    scf.for %parallel_loop3A_1368 = %parallel_loop3A_343 to %parallel_loop3A_344 step %parallel_loop3A_345  : i32 {
      %parallel_loop3A_1369 = arith.constant 1024 : i32
      %parallel_loop3A_1370 = arith.divsi %parallel_loop3A_1368, %parallel_loop3A_1369 : i32
      %parallel_loop3A_1371 = arith.constant 0 : i32
      %parallel_loop3A_1372 = arith.cmpi sgt, %parallel_loop3A_1368, %parallel_loop3A_1371 : i32
      %parallel_loop3A_1373 = arith.extui %parallel_loop3A_1372 : i1 to i32
      %parallel_loop3A_1374 = arith.constant 0 : i32
      %parallel_loop3A_1375 = arith.cmpi slt, %parallel_loop3A_1368, %parallel_loop3A_1374 : i32
      %parallel_loop3A_1376 = arith.extui %parallel_loop3A_1375 : i1 to i32
      %parallel_loop3A_1377 = arith.subi %parallel_loop3A_1373, %parallel_loop3A_1376 : i32
      %parallel_loop3A_1378 = arith.constant 0 : i32
      %parallel_loop3A_1379 = arith.cmpi sgt, %parallel_loop3A_1369, %parallel_loop3A_1378 : i32
      %parallel_loop3A_1380 = arith.extui %parallel_loop3A_1379 : i1 to i32
      %parallel_loop3A_1381 = arith.constant 0 : i32
      %parallel_loop3A_1382 = arith.cmpi slt, %parallel_loop3A_1369, %parallel_loop3A_1381 : i32
      %parallel_loop3A_1383 = arith.extui %parallel_loop3A_1382 : i1 to i32
      %parallel_loop3A_1384 = arith.subi %parallel_loop3A_1380, %parallel_loop3A_1383 : i32
      %parallel_loop3A_1385 = arith.cmpi ne, %parallel_loop3A_1377, %parallel_loop3A_1384 : i32
      %parallel_loop3A_1386 = arith.remsi %parallel_loop3A_1368, %parallel_loop3A_1369 : i32
      %parallel_loop3A_1387 = arith.constant 0 : i32
      %parallel_loop3A_1388 = arith.cmpi ne, %parallel_loop3A_1386, %parallel_loop3A_1387 : i32
      %parallel_loop3A_1389 = arith.andi %parallel_loop3A_1385, %parallel_loop3A_1388 : i1
      %parallel_loop3A_1390 = arith.constant 1 : i32
      %parallel_loop3A_1391 = arith.subi %parallel_loop3A_1370, %parallel_loop3A_1390 : i32
      %parallel_loop3A_1392 = arith.select %parallel_loop3A_1389, %parallel_loop3A_1391, %parallel_loop3A_1370 : i32
      %parallel_loop3A_1393 = arith.constant 1024 : i32
      %parallel_loop3A_1394 = arith.muli %parallel_loop3A_1392, %parallel_loop3A_1393 : i32
      %parallel_loop3A_1395 = arith.subi %parallel_loop3A_1368, %parallel_loop3A_1394 : i32
      %parallel_loop3A_1396 = arith.constant 0 : i32
      %parallel_loop3A_1397 = arith.constant 0 : i32
      %parallel_loop3A_1398 = tpu.memref_slice %arg5[%parallel_loop3A_346, %parallel_loop3A_1396, %parallel_loop3A_1397] : memref<4x16x1024xf32, #tpu.memory_space<vmem>> -> memref<1x16x1024xf32, #tpu.memory_space<vmem>>
      %parallel_loop3A_1399 = tpu.memref_squeeze %parallel_loop3A_1398 : memref<1x16x1024xf32, #tpu.memory_space<vmem>> -> memref<16x1024xf32, #tpu.memory_space<vmem>>
      %parallel_loop3A_1400 = arith.index_cast %parallel_loop3A_1392 : i32 to index
      %parallel_loop3A_1401 = arith.index_cast %parallel_loop3A_1395 : i32 to index
      %parallel_loop3A_1402 = tpu.vector_load %parallel_loop3A_1399[%parallel_loop3A_1400, %parallel_loop3A_1401] {strides = array<i32>} : memref<16x1024xf32, #tpu.memory_space<vmem>>, vector<1x16xf32>,
      %parallel_loop3A_1403 = vector.shape_cast %parallel_loop3A_1402 : vector<1x16xf32> to vector<16xf32>
      %parallel_loop3A_1404 = arith.constant 0 : i32
      %parallel_loop3A_1405 = arith.constant 0 : i32
      %parallel_loop3A_1406 = tpu.memref_slice %arg6[%parallel_loop3A_347, %parallel_loop3A_1404, %parallel_loop3A_1405] : memref<2x16x1024xf32, #tpu.memory_space<vmem>> -> memref<1x16x1024xf32, #tpu.memory_space<vmem>>
      %parallel_loop3A_1407 = tpu.memref_squeeze %parallel_loop3A_1406 : memref<1x16x1024xf32, #tpu.memory_space<vmem>> -> memref<16x1024xf32, #tpu.memory_space<vmem>>
      %parallel_loop3A_1408 = arith.index_cast %parallel_loop3A_1392 : i32 to index
      %parallel_loop3A_1409 = arith.index_cast %parallel_loop3A_1395 : i32 to index
      %parallel_loop3A_1410 = tpu.vector_load %parallel_loop3A_1407[%parallel_loop3A_1408, %parallel_loop3A_1409] {strides = array<i32>} : memref<16x1024xf32, #tpu.memory_space<vmem>>, vector<1x16xf32>,
      %parallel_loop3A_1411 = vector.shape_cast %parallel_loop3A_1410 : vector<1x16xf32> to vector<16xf32>
      %parallel_loop3A_1412 = arith.addf %parallel_loop3A_1403, %parallel_loop3A_1411 : vector<16xf32>
      %parallel_loop3A_1413 = arith.constant 0 : i32
      %parallel_loop3A_1414 = arith.constant 0 : i32
      %parallel_loop3A_1415 = tpu.memref_slice %arg5[%parallel_loop3A_346, %parallel_loop3A_1413, %parallel_loop3A_1414] : memref<4x16x1024xf32, #tpu.memory_space<vmem>> -> memref<1x16x1024xf32, #tpu.memory_space<vmem>>
      %parallel_loop3A_1416 = tpu.memref_squeeze %parallel_loop3A_1415 : memref<1x16x1024xf32, #tpu.memory_space<vmem>> -> memref<16x1024xf32, #tpu.memory_space<vmem>>
      %parallel_loop3A_1417 = arith.index_cast %parallel_loop3A_1392 : i32 to index
      %parallel_loop3A_1418 = arith.index_cast %parallel_loop3A_1395 : i32 to index
      %parallel_loop3A_1419 = tpu.vector_load %parallel_loop3A_1416[%parallel_loop3A_1417, %parallel_loop3A_1418] {strides = array<i32>} : memref<16x1024xf32, #tpu.memory_space<vmem>>, vector<1x16xf32>,
      %parallel_loop3A_1420 = vector.shape_cast %parallel_loop3A_1419 : vector<1x16xf32> to vector<16xf32>
      %parallel_loop3A_1421 = vector.shape_cast %parallel_loop3A_1412 : vector<16xf32> to vector<1x16xf32>
      tpu.vector_store %parallel_loop3A_1416[%parallel_loop3A_1417, %parallel_loop3A_1418], %parallel_loop3A_1421 {strides = array<i32>} : memref<16x1024xf32, #tpu.memory_space<vmem>>, vector<1x16xf32>,
    } {sc.loop_unroll_factor = 8 : i64, sc.parallel_access}
    %add3A_348 = arith.constant 6144 : i32
    %add3A_349 = arith.addi %add3A_348, %mul3A_2 : i32
    %add3A_350 = arith.constant 0 : i32
    %add3A_351 = arith.addi %add3A_349, %add3A_350 : i32
    %dma_start3A_352 = arith.constant 3 : i32
    %dma_start3A_353 = arith.constant 3 : i32
    %dma_start3A_354 = arith.constant 0 : i32
    %dma_start3A_355 = arith.constant 0 : i32
    %dma_start3A_356 = tpu.memref_slice %arg5[%dma_start3A_352, %dma_start3A_354, %dma_start3A_355] : memref<4x16x1024xf32, #tpu.memory_space<vmem>> -> memref<1x16x1024xf32, #tpu.memory_space<vmem>>
    %dma_start3A_357 = tpu.memref_squeeze %dma_start3A_356 : memref<1x16x1024xf32, #tpu.memory_space<vmem>> -> memref<16x1024xf32, #tpu.memory_space<vmem>>
    %dma_start3A_358 = arith.constant 0 : i32
    %dma_start3A_359 = tpu.memref_slice %arg4[%add3A_351, %dma_start3A_358] : memref<8192x1024xf32, #tpu.memory_space<hbm>> -> memref<16x1024xf32, #tpu.memory_space<hbm>>
    %dma_start3A_360 = tpu.memref_slice %arg8[%dma_start3A_353] : memref<4x!tpu.dma_semaphore, #tpu.memory_space<semaphore_mem>> -> memref<1x!tpu.dma_semaphore, #tpu.memory_space<semaphore_mem>>
    %dma_start3A_361 = tpu.memref_squeeze %dma_start3A_360 : memref<1x!tpu.dma_semaphore, #tpu.memory_space<semaphore_mem>> -> memref<!tpu.dma_semaphore, #tpu.memory_space<semaphore_mem>>
    %dma_start3A_362 = arith.constant 0 : i32
    %dma_start3A_363 = tpu.memref_slice %arg4[%add3A_351, %dma_start3A_362] : memref<8192x1024xf32, #tpu.memory_space<hbm>> -> memref<16x1024xf32, #tpu.memory_space<hbm>>
    %dma_start3A_364 = arith.constant 0 : i32
    %dma_start3A_365 = arith.constant 0 : i32
    %dma_start3A_366 = tpu.memref_slice %arg5[%dma_start3A_352, %dma_start3A_364, %dma_start3A_365] : memref<4x16x1024xf32, #tpu.memory_space<vmem>> -> memref<1x16x1024xf32, #tpu.memory_space<vmem>>
    %dma_start3A_367 = tpu.memref_squeeze %dma_start3A_366 : memref<1x16x1024xf32, #tpu.memory_space<vmem>> -> memref<16x1024xf32, #tpu.memory_space<vmem>>
    tpu.enqueue_dma source(%dma_start3A_367 : memref<16x1024xf32, #tpu.memory_space<vmem>>) target(%dma_start3A_363 : memref<16x1024xf32, #tpu.memory_space<hbm>>) target_semaphore(%dma_start3A_361 : memref<!tpu.dma_semaphore, #tpu.memory_space<semaphore_mem>>)
    %dma_wait3A_368 = arith.constant 2 : i32
    %dma_wait3A_369 = arith.constant 2 : i32
    %dma_wait3A_370 = arith.constant 0 : i32
    %dma_wait3A_371 = arith.constant 0 : i32
    %dma_wait3A_372 = tpu.memref_slice %arg5[%dma_wait3A_368, %dma_wait3A_370, %dma_wait3A_371] : memref<4x16x1024xf32, #tpu.memory_space<vmem>> -> memref<1x16x1024xf32, #tpu.memory_space<vmem>>
    %dma_wait3A_373 = tpu.memref_squeeze %dma_wait3A_372 : memref<1x16x1024xf32, #tpu.memory_space<vmem>> -> memref<16x1024xf32, #tpu.memory_space<vmem>>
    %dma_wait3A_374 = arith.constant 0 : i32
    %dma_wait3A_375 = tpu.memref_slice %arg4[%add3A_274, %dma_wait3A_374] : memref<8192x1024xf32, #tpu.memory_space<hbm>> -> memref<16x1024xf32, #tpu.memory_space<hbm>>
    %dma_wait3A_376 = tpu.memref_slice %arg8[%dma_wait3A_369] : memref<4x!tpu.dma_semaphore, #tpu.memory_space<semaphore_mem>> -> memref<1x!tpu.dma_semaphore, #tpu.memory_space<semaphore_mem>>
    %dma_wait3A_377 = tpu.memref_squeeze %dma_wait3A_376 : memref<1x!tpu.dma_semaphore, #tpu.memory_space<semaphore_mem>> -> memref<!tpu.dma_semaphore, #tpu.memory_space<semaphore_mem>>
    %dma_wait3A_378 = arith.constant 0 : i32
    %dma_wait3A_379 = tpu.memref_slice %arg4[%add3A_274, %dma_wait3A_378] : memref<8192x1024xf32, #tpu.memory_space<hbm>> -> memref<16x1024xf32, #tpu.memory_space<hbm>>
    %dma_wait3A_380 = arith.constant 0 : i32
    %dma_wait3A_381 = arith.constant 0 : i32
    %dma_wait3A_382 = tpu.memref_slice %arg5[%dma_wait3A_368, %dma_wait3A_380, %dma_wait3A_381] : memref<4x16x1024xf32, #tpu.memory_space<vmem>> -> memref<1x16x1024xf32, #tpu.memory_space<vmem>>
    %dma_wait3A_383 = tpu.memref_squeeze %dma_wait3A_382 : memref<1x16x1024xf32, #tpu.memory_space<vmem>> -> memref<16x1024xf32, #tpu.memory_space<vmem>>
    tpu.wait_dma2 semaphore(%dma_wait3A_377 : memref<!tpu.dma_semaphore, #tpu.memory_space<semaphore_mem>>) src(%dma_wait3A_383 : memref<16x1024xf32, #tpu.memory_space<vmem>>) dst(%dma_wait3A_379 : memref<16x1024xf32, #tpu.memory_space<hbm>>)
    %add3A_384 = arith.constant 4096 : i32
    %add3A_385 = arith.addi %add3A_384, %mul3A_2 : i32
    %add3A_386 = arith.constant 16 : i32
    %add3A_387 = arith.addi %add3A_385, %add3A_386 : i32
    %dma_start3A_388 = arith.constant 2 : i32
    %dma_start3A_389 = arith.constant 2 : i32
    %dma_start3A_390 = arith.constant 0 : i32
    %dma_start3A_391 = arith.constant 0 : i32
    %dma_start3A_392 = tpu.memref_slice %arg5[%dma_start3A_388, %dma_start3A_390, %dma_start3A_391] : memref<4x16x1024xf32, #tpu.memory_space<vmem>> -> memref<1x16x1024xf32, #tpu.memory_space<vmem>>
    %dma_start3A_393 = tpu.memref_squeeze %dma_start3A_392 : memref<1x16x1024xf32, #tpu.memory_space<vmem>> -> memref<16x1024xf32, #tpu.memory_space<vmem>>
    %dma_start3A_394 = arith.constant 0 : i32
    %dma_start3A_395 = tpu.memref_slice %arg2[%add3A_387, %dma_start3A_394] : memref<8192x1024xf32, #tpu.memory_space<hbm>> -> memref<16x1024xf32, #tpu.memory_space<hbm>>
    %dma_start3A_396 = tpu.memref_slice %arg7[%dma_start3A_389] : memref<4x!tpu.dma_semaphore, #tpu.memory_space<semaphore_mem>> -> memref<1x!tpu.dma_semaphore, #tpu.memory_space<semaphore_mem>>
    %dma_start3A_397 = tpu.memref_squeeze %dma_start3A_396 : memref<1x!tpu.dma_semaphore, #tpu.memory_space<semaphore_mem>> -> memref<!tpu.dma_semaphore, #tpu.memory_space<semaphore_mem>>
    %dma_start3A_398 = arith.constant 0 : i32
    %dma_start3A_399 = arith.constant 0 : i32
    %dma_start3A_400 = tpu.memref_slice %arg5[%dma_start3A_388, %dma_start3A_398, %dma_start3A_399] : memref<4x16x1024xf32, #tpu.memory_space<vmem>> -> memref<1x16x1024xf32, #tpu.memory_space<vmem>>
    %dma_start3A_401 = tpu.memref_squeeze %dma_start3A_400 : memref<1x16x1024xf32, #tpu.memory_space<vmem>> -> memref<16x1024xf32, #tpu.memory_space<vmem>>
    %dma_start3A_402 = arith.constant 0 : i32
    %dma_start3A_403 = tpu.memref_slice %arg2[%add3A_387, %dma_start3A_402] : memref<8192x1024xf32, #tpu.memory_space<hbm>> -> memref<16x1024xf32, #tpu.memory_space<hbm>>
    tpu.enqueue_dma source(%dma_start3A_403 : memref<16x1024xf32, #tpu.memory_space<hbm>>) target(%dma_start3A_401 : memref<16x1024xf32, #tpu.memory_space<vmem>>) target_semaphore(%dma_start3A_397 : memref<!tpu.dma_semaphore, #tpu.memory_space<semaphore_mem>>)
    %add3A_404 = arith.constant 32 : i32
    %add3A_405 = arith.addi %mul3A_2, %add3A_404 : i32
    %dma_start3A_406 = arith.constant 0 : i32
    %dma_start3A_407 = arith.constant 0 : i32
    %dma_start3A_408 = arith.constant 0 : i32
    %dma_start3A_409 = arith.constant 0 : i32
    %dma_start3A_410 = tpu.memref_slice %arg6[%dma_start3A_406, %dma_start3A_408, %dma_start3A_409] : memref<2x16x1024xf32, #tpu.memory_space<vmem>> -> memref<1x16x1024xf32, #tpu.memory_space<vmem>>
    %dma_start3A_411 = tpu.memref_squeeze %dma_start3A_410 : memref<1x16x1024xf32, #tpu.memory_space<vmem>> -> memref<16x1024xf32, #tpu.memory_space<vmem>>
    %dma_start3A_412 = arith.constant 0 : i32
    %dma_start3A_413 = tpu.memref_slice %arg3[%add3A_405, %dma_start3A_412] : memref<2048x1024xf32, #tpu.memory_space<hbm>> -> memref<16x1024xf32, #tpu.memory_space<hbm>>
    %dma_start3A_414 = tpu.memref_slice %arg9[%dma_start3A_407] : memref<2x!tpu.dma_semaphore, #tpu.memory_space<semaphore_mem>> -> memref<1x!tpu.dma_semaphore, #tpu.memory_space<semaphore_mem>>
    %dma_start3A_415 = tpu.memref_squeeze %dma_start3A_414 : memref<1x!tpu.dma_semaphore, #tpu.memory_space<semaphore_mem>> -> memref<!tpu.dma_semaphore, #tpu.memory_space<semaphore_mem>>
    %dma_start3A_416 = arith.constant 0 : i32
    %dma_start3A_417 = arith.constant 0 : i32
    %dma_start3A_418 = tpu.memref_slice %arg6[%dma_start3A_406, %dma_start3A_416, %dma_start3A_417] : memref<2x16x1024xf32, #tpu.memory_space<vmem>> -> memref<1x16x1024xf32, #tpu.memory_space<vmem>>
    %dma_start3A_419 = tpu.memref_squeeze %dma_start3A_418 : memref<1x16x1024xf32, #tpu.memory_space<vmem>> -> memref<16x1024xf32, #tpu.memory_space<vmem>>
    %dma_start3A_420 = arith.constant 0 : i32
    %dma_start3A_421 = tpu.memref_slice %arg3[%add3A_405, %dma_start3A_420] : memref<2048x1024xf32, #tpu.memory_space<hbm>> -> memref<16x1024xf32, #tpu.memory_space<hbm>>
    tpu.enqueue_dma source(%dma_start3A_421 : memref<16x1024xf32, #tpu.memory_space<hbm>>) target(%dma_start3A_419 : memref<16x1024xf32, #tpu.memory_space<vmem>>) target_semaphore(%dma_start3A_415 : memref<!tpu.dma_semaphore, #tpu.memory_space<semaphore_mem>>)
    %dma_wait3A_422 = arith.constant 1 : i32
    %dma_wait3A_423 = arith.constant 1 : i32
    %dma_wait3A_424 = arith.constant 0 : i32
    %dma_wait3A_425 = arith.constant 0 : i32
    %dma_wait3A_426 = tpu.memref_slice %arg6[%dma_wait3A_422, %dma_wait3A_424, %dma_wait3A_425] : memref<2x16x1024xf32, #tpu.memory_space<vmem>> -> memref<1x16x1024xf32, #tpu.memory_space<vmem>>
    %dma_wait3A_427 = tpu.memref_squeeze %dma_wait3A_426 : memref<1x16x1024xf32, #tpu.memory_space<vmem>> -> memref<16x1024xf32, #tpu.memory_space<vmem>>
    %dma_wait3A_428 = arith.constant 0 : i32
    %dma_wait3A_429 = tpu.memref_slice %arg3[%add3A_101, %dma_wait3A_428] : memref<2048x1024xf32, #tpu.memory_space<hbm>> -> memref<16x1024xf32, #tpu.memory_space<hbm>>
    %dma_wait3A_430 = tpu.memref_slice %arg9[%dma_wait3A_423] : memref<2x!tpu.dma_semaphore, #tpu.memory_space<semaphore_mem>> -> memref<1x!tpu.dma_semaphore, #tpu.memory_space<semaphore_mem>>
    %dma_wait3A_431 = tpu.memref_squeeze %dma_wait3A_430 : memref<1x!tpu.dma_semaphore, #tpu.memory_space<semaphore_mem>> -> memref<!tpu.dma_semaphore, #tpu.memory_space<semaphore_mem>>
    %dma_wait3A_432 = arith.constant 0 : i32
    %dma_wait3A_433 = arith.constant 0 : i32
    %dma_wait3A_434 = tpu.memref_slice %arg6[%dma_wait3A_422, %dma_wait3A_432, %dma_wait3A_433] : memref<2x16x1024xf32, #tpu.memory_space<vmem>> -> memref<1x16x1024xf32, #tpu.memory_space<vmem>>
    %dma_wait3A_435 = tpu.memref_squeeze %dma_wait3A_434 : memref<1x16x1024xf32, #tpu.memory_space<vmem>> -> memref<16x1024xf32, #tpu.memory_space<vmem>>
    %dma_wait3A_436 = arith.constant 0 : i32
    %dma_wait3A_437 = tpu.memref_slice %arg3[%add3A_101, %dma_wait3A_436] : memref<2048x1024xf32, #tpu.memory_space<hbm>> -> memref<16x1024xf32, #tpu.memory_space<hbm>>
    tpu.wait_dma2 semaphore(%dma_wait3A_431 : memref<!tpu.dma_semaphore, #tpu.memory_space<semaphore_mem>>) src(%dma_wait3A_437 : memref<16x1024xf32, #tpu.memory_space<hbm>>) dst(%dma_wait3A_435 : memref<16x1024xf32, #tpu.memory_space<vmem>>)
    %dma_wait3A_438 = arith.constant 0 : i32
    %dma_wait3A_439 = arith.constant 0 : i32
    %dma_wait3A_440 = arith.constant 0 : i32
    %dma_wait3A_441 = arith.constant 0 : i32
    %dma_wait3A_442 = tpu.memref_slice %arg5[%dma_wait3A_438, %dma_wait3A_440, %dma_wait3A_441] : memref<4x16x1024xf32, #tpu.memory_space<vmem>> -> memref<1x16x1024xf32, #tpu.memory_space<vmem>>
    %dma_wait3A_443 = tpu.memref_squeeze %dma_wait3A_442 : memref<1x16x1024xf32, #tpu.memory_space<vmem>> -> memref<16x1024xf32, #tpu.memory_space<vmem>>
    %dma_wait3A_444 = arith.constant 0 : i32
    %dma_wait3A_445 = tpu.memref_slice %arg2[%add3A_233, %dma_wait3A_444] : memref<8192x1024xf32, #tpu.memory_space<hbm>> -> memref<16x1024xf32, #tpu.memory_space<hbm>>
    %dma_wait3A_446 = tpu.memref_slice %arg7[%dma_wait3A_439] : memref<4x!tpu.dma_semaphore, #tpu.memory_space<semaphore_mem>> -> memref<1x!tpu.dma_semaphore, #tpu.memory_space<semaphore_mem>>
    %dma_wait3A_447 = tpu.memref_squeeze %dma_wait3A_446 : memref<1x!tpu.dma_semaphore, #tpu.memory_space<semaphore_mem>> -> memref<!tpu.dma_semaphore, #tpu.memory_space<semaphore_mem>>
    %dma_wait3A_448 = arith.constant 0 : i32
    %dma_wait3A_449 = arith.constant 0 : i32
    %dma_wait3A_450 = tpu.memref_slice %arg5[%dma_wait3A_438, %dma_wait3A_448, %dma_wait3A_449] : memref<4x16x1024xf32, #tpu.memory_space<vmem>> -> memref<1x16x1024xf32, #tpu.memory_space<vmem>>
    %dma_wait3A_451 = tpu.memref_squeeze %dma_wait3A_450 : memref<1x16x1024xf32, #tpu.memory_space<vmem>> -> memref<16x1024xf32, #tpu.memory_space<vmem>>
    %dma_wait3A_452 = arith.constant 0 : i32
    %dma_wait3A_453 = tpu.memref_slice %arg2[%add3A_233, %dma_wait3A_452] : memref<8192x1024xf32, #tpu.memory_space<hbm>> -> memref<16x1024xf32, #tpu.memory_space<hbm>>
    tpu.wait_dma2 semaphore(%dma_wait3A_447 : memref<!tpu.dma_semaphore, #tpu.memory_space<semaphore_mem>>) src(%dma_wait3A_453 : memref<16x1024xf32, #tpu.memory_space<hbm>>) dst(%dma_wait3A_451 : memref<16x1024xf32, #tpu.memory_space<vmem>>)
    %parallel_loop3A_454 = arith.constant 0 : i32
    %parallel_loop3A_455 = arith.constant 16384 : i32
    %parallel_loop3A_456 = arith.constant 16 : i32
    %parallel_loop3A_457 = arith.constant 0 : i32
    %parallel_loop3A_458 = arith.constant 1 : i32
    scf.for %parallel_loop3A_1368 = %parallel_loop3A_454 to %parallel_loop3A_455 step %parallel_loop3A_456  : i32 {
      %parallel_loop3A_1369 = arith.constant 1024 : i32
      %parallel_loop3A_1370 = arith.divsi %parallel_loop3A_1368, %parallel_loop3A_1369 : i32
      %parallel_loop3A_1371 = arith.constant 0 : i32
      %parallel_loop3A_1372 = arith.cmpi sgt, %parallel_loop3A_1368, %parallel_loop3A_1371 : i32
      %parallel_loop3A_1373 = arith.extui %parallel_loop3A_1372 : i1 to i32
      %parallel_loop3A_1374 = arith.constant 0 : i32
      %parallel_loop3A_1375 = arith.cmpi slt, %parallel_loop3A_1368, %parallel_loop3A_1374 : i32
      %parallel_loop3A_1376 = arith.extui %parallel_loop3A_1375 : i1 to i32
      %parallel_loop3A_1377 = arith.subi %parallel_loop3A_1373, %parallel_loop3A_1376 : i32
      %parallel_loop3A_1378 = arith.constant 0 : i32
      %parallel_loop3A_1379 = arith.cmpi sgt, %parallel_loop3A_1369, %parallel_loop3A_1378 : i32
      %parallel_loop3A_1380 = arith.extui %parallel_loop3A_1379 : i1 to i32
      %parallel_loop3A_1381 = arith.constant 0 : i32
      %parallel_loop3A_1382 = arith.cmpi slt, %parallel_loop3A_1369, %parallel_loop3A_1381 : i32
      %parallel_loop3A_1383 = arith.extui %parallel_loop3A_1382 : i1 to i32
      %parallel_loop3A_1384 = arith.subi %parallel_loop3A_1380, %parallel_loop3A_1383 : i32
      %parallel_loop3A_1385 = arith.cmpi ne, %parallel_loop3A_1377, %parallel_loop3A_1384 : i32
      %parallel_loop3A_1386 = arith.remsi %parallel_loop3A_1368, %parallel_loop3A_1369 : i32
      %parallel_loop3A_1387 = arith.constant 0 : i32
      %parallel_loop3A_1388 = arith.cmpi ne, %parallel_loop3A_1386, %parallel_loop3A_1387 : i32
      %parallel_loop3A_1389 = arith.andi %parallel_loop3A_1385, %parallel_loop3A_1388 : i1
      %parallel_loop3A_1390 = arith.constant 1 : i32
      %parallel_loop3A_1391 = arith.subi %parallel_loop3A_1370, %parallel_loop3A_1390 : i32
      %parallel_loop3A_1392 = arith.select %parallel_loop3A_1389, %parallel_loop3A_1391, %parallel_loop3A_1370 : i32
      %parallel_loop3A_1393 = arith.constant 1024 : i32
      %parallel_loop3A_1394 = arith.muli %parallel_loop3A_1392, %parallel_loop3A_1393 : i32
      %parallel_loop3A_1395 = arith.subi %parallel_loop3A_1368, %parallel_loop3A_1394 : i32
      %parallel_loop3A_1396 = arith.constant 0 : i32
      %parallel_loop3A_1397 = arith.constant 0 : i32
      %parallel_loop3A_1398 = tpu.memref_slice %arg5[%parallel_loop3A_457, %parallel_loop3A_1396, %parallel_loop3A_1397] : memref<4x16x1024xf32, #tpu.memory_space<vmem>> -> memref<1x16x1024xf32, #tpu.memory_space<vmem>>
      %parallel_loop3A_1399 = tpu.memref_squeeze %parallel_loop3A_1398 : memref<1x16x1024xf32, #tpu.memory_space<vmem>> -> memref<16x1024xf32, #tpu.memory_space<vmem>>
      %parallel_loop3A_1400 = arith.index_cast %parallel_loop3A_1392 : i32 to index
      %parallel_loop3A_1401 = arith.index_cast %parallel_loop3A_1395 : i32 to index
      %parallel_loop3A_1402 = tpu.vector_load %parallel_loop3A_1399[%parallel_loop3A_1400, %parallel_loop3A_1401] {strides = array<i32>} : memref<16x1024xf32, #tpu.memory_space<vmem>>, vector<1x16xf32>,
      %parallel_loop3A_1403 = vector.shape_cast %parallel_loop3A_1402 : vector<1x16xf32> to vector<16xf32>
      %parallel_loop3A_1404 = arith.constant 0 : i32
      %parallel_loop3A_1405 = arith.constant 0 : i32
      %parallel_loop3A_1406 = tpu.memref_slice %arg6[%parallel_loop3A_458, %parallel_loop3A_1404, %parallel_loop3A_1405] : memref<2x16x1024xf32, #tpu.memory_space<vmem>> -> memref<1x16x1024xf32, #tpu.memory_space<vmem>>
      %parallel_loop3A_1407 = tpu.memref_squeeze %parallel_loop3A_1406 : memref<1x16x1024xf32, #tpu.memory_space<vmem>> -> memref<16x1024xf32, #tpu.memory_space<vmem>>
      %parallel_loop3A_1408 = arith.index_cast %parallel_loop3A_1392 : i32 to index
      %parallel_loop3A_1409 = arith.index_cast %parallel_loop3A_1395 : i32 to index
      %parallel_loop3A_1410 = tpu.vector_load %parallel_loop3A_1407[%parallel_loop3A_1408, %parallel_loop3A_1409] {strides = array<i32>} : memref<16x1024xf32, #tpu.memory_space<vmem>>, vector<1x16xf32>,
      %parallel_loop3A_1411 = vector.shape_cast %parallel_loop3A_1410 : vector<1x16xf32> to vector<16xf32>
      %parallel_loop3A_1412 = arith.addf %parallel_loop3A_1403, %parallel_loop3A_1411 : vector<16xf32>
      %parallel_loop3A_1413 = arith.constant 0 : i32
      %parallel_loop3A_1414 = arith.constant 0 : i32
      %parallel_loop3A_1415 = tpu.memref_slice %arg5[%parallel_loop3A_457, %parallel_loop3A_1413, %parallel_loop3A_1414] : memref<4x16x1024xf32, #tpu.memory_space<vmem>> -> memref<1x16x1024xf32, #tpu.memory_space<vmem>>
      %parallel_loop3A_1416 = tpu.memref_squeeze %parallel_loop3A_1415 : memref<1x16x1024xf32, #tpu.memory_space<vmem>> -> memref<16x1024xf32, #tpu.memory_space<vmem>>
      %parallel_loop3A_1417 = arith.index_cast %parallel_loop3A_1392 : i32 to index
      %parallel_loop3A_1418 = arith.index_cast %parallel_loop3A_1395 : i32 to index
      %parallel_loop3A_1419 = tpu.vector_load %parallel_loop3A_1416[%parallel_loop3A_1417, %parallel_loop3A_1418] {strides = array<i32>} : memref<16x1024xf32, #tpu.memory_space<vmem>>, vector<1x16xf32>,
      %parallel_loop3A_1420 = vector.shape_cast %parallel_loop3A_1419 : vector<1x16xf32> to vector<16xf32>
      %parallel_loop3A_1421 = vector.shape_cast %parallel_loop3A_1412 : vector<16xf32> to vector<1x16xf32>
      tpu.vector_store %parallel_loop3A_1416[%parallel_loop3A_1417, %parallel_loop3A_1418], %parallel_loop3A_1421 {strides = array<i32>} : memref<16x1024xf32, #tpu.memory_space<vmem>>, vector<1x16xf32>,
    } {sc.loop_unroll_factor = 8 : i64, sc.parallel_access}
    %add3A_459 = arith.constant 0 : i32
    %add3A_460 = arith.addi %add3A_459, %mul3A_2 : i32
    %add3A_461 = arith.constant 16 : i32
    %add3A_462 = arith.addi %add3A_460, %add3A_461 : i32
    %dma_start3A_463 = arith.constant 0 : i32
    %dma_start3A_464 = arith.constant 0 : i32
    %dma_start3A_465 = arith.constant 0 : i32
    %dma_start3A_466 = arith.constant 0 : i32
    %dma_start3A_467 = tpu.memref_slice %arg5[%dma_start3A_463, %dma_start3A_465, %dma_start3A_466] : memref<4x16x1024xf32, #tpu.memory_space<vmem>> -> memref<1x16x1024xf32, #tpu.memory_space<vmem>>
    %dma_start3A_468 = tpu.memref_squeeze %dma_start3A_467 : memref<1x16x1024xf32, #tpu.memory_space<vmem>> -> memref<16x1024xf32, #tpu.memory_space<vmem>>
    %dma_start3A_469 = arith.constant 0 : i32
    %dma_start3A_470 = tpu.memref_slice %arg4[%add3A_462, %dma_start3A_469] : memref<8192x1024xf32, #tpu.memory_space<hbm>> -> memref<16x1024xf32, #tpu.memory_space<hbm>>
    %dma_start3A_471 = tpu.memref_slice %arg8[%dma_start3A_464] : memref<4x!tpu.dma_semaphore, #tpu.memory_space<semaphore_mem>> -> memref<1x!tpu.dma_semaphore, #tpu.memory_space<semaphore_mem>>
    %dma_start3A_472 = tpu.memref_squeeze %dma_start3A_471 : memref<1x!tpu.dma_semaphore, #tpu.memory_space<semaphore_mem>> -> memref<!tpu.dma_semaphore, #tpu.memory_space<semaphore_mem>>
    %dma_start3A_473 = arith.constant 0 : i32
    %dma_start3A_474 = tpu.memref_slice %arg4[%add3A_462, %dma_start3A_473] : memref<8192x1024xf32, #tpu.memory_space<hbm>> -> memref<16x1024xf32, #tpu.memory_space<hbm>>
    %dma_start3A_475 = arith.constant 0 : i32
    %dma_start3A_476 = arith.constant 0 : i32
    %dma_start3A_477 = tpu.memref_slice %arg5[%dma_start3A_463, %dma_start3A_475, %dma_start3A_476] : memref<4x16x1024xf32, #tpu.memory_space<vmem>> -> memref<1x16x1024xf32, #tpu.memory_space<vmem>>
    %dma_start3A_478 = tpu.memref_squeeze %dma_start3A_477 : memref<1x16x1024xf32, #tpu.memory_space<vmem>> -> memref<16x1024xf32, #tpu.memory_space<vmem>>
    tpu.enqueue_dma source(%dma_start3A_478 : memref<16x1024xf32, #tpu.memory_space<vmem>>) target(%dma_start3A_474 : memref<16x1024xf32, #tpu.memory_space<hbm>>) target_semaphore(%dma_start3A_472 : memref<!tpu.dma_semaphore, #tpu.memory_space<semaphore_mem>>)
    %dma_wait3A_479 = arith.constant 3 : i32
    %dma_wait3A_480 = arith.constant 3 : i32
    %dma_wait3A_481 = arith.constant 0 : i32
    %dma_wait3A_482 = arith.constant 0 : i32
    %dma_wait3A_483 = tpu.memref_slice %arg5[%dma_wait3A_479, %dma_wait3A_481, %dma_wait3A_482] : memref<4x16x1024xf32, #tpu.memory_space<vmem>> -> memref<1x16x1024xf32, #tpu.memory_space<vmem>>
    %dma_wait3A_484 = tpu.memref_squeeze %dma_wait3A_483 : memref<1x16x1024xf32, #tpu.memory_space<vmem>> -> memref<16x1024xf32, #tpu.memory_space<vmem>>
    %dma_wait3A_485 = arith.constant 0 : i32
    %dma_wait3A_486 = tpu.memref_slice %arg4[%add3A_351, %dma_wait3A_485] : memref<8192x1024xf32, #tpu.memory_space<hbm>> -> memref<16x1024xf32, #tpu.memory_space<hbm>>
    %dma_wait3A_487 = tpu.memref_slice %arg8[%dma_wait3A_480] : memref<4x!tpu.dma_semaphore, #tpu.memory_space<semaphore_mem>> -> memref<1x!tpu.dma_semaphore, #tpu.memory_space<semaphore_mem>>
    %dma_wait3A_488 = tpu.memref_squeeze %dma_wait3A_487 : memref<1x!tpu.dma_semaphore, #tpu.memory_space<semaphore_mem>> -> memref<!tpu.dma_semaphore, #tpu.memory_space<semaphore_mem>>
    %dma_wait3A_489 = arith.constant 0 : i32
    %dma_wait3A_490 = tpu.memref_slice %arg4[%add3A_351, %dma_wait3A_489] : memref<8192x1024xf32, #tpu.memory_space<hbm>> -> memref<16x1024xf32, #tpu.memory_space<hbm>>
    %dma_wait3A_491 = arith.constant 0 : i32
    %dma_wait3A_492 = arith.constant 0 : i32
    %dma_wait3A_493 = tpu.memref_slice %arg5[%dma_wait3A_479, %dma_wait3A_491, %dma_wait3A_492] : memref<4x16x1024xf32, #tpu.memory_space<vmem>> -> memref<1x16x1024xf32, #tpu.memory_space<vmem>>
    %dma_wait3A_494 = tpu.memref_squeeze %dma_wait3A_493 : memref<1x16x1024xf32, #tpu.memory_space<vmem>> -> memref<16x1024xf32, #tpu.memory_space<vmem>>
    tpu.wait_dma2 semaphore(%dma_wait3A_488 : memref<!tpu.dma_semaphore, #tpu.memory_space<semaphore_mem>>) src(%dma_wait3A_494 : memref<16x1024xf32, #tpu.memory_space<vmem>>) dst(%dma_wait3A_490 : memref<16x1024xf32, #tpu.memory_space<hbm>>)
    %add3A_495 = arith.constant 6144 : i32
    %add3A_496 = arith.addi %add3A_495, %mul3A_2 : i32
    %add3A_497 = arith.constant 16 : i32
    %add3A_498 = arith.addi %add3A_496, %add3A_497 : i32
    %dma_start3A_499 = arith.constant 3 : i32
    %dma_start3A_500 = arith.constant 3 : i32
    %dma_start3A_501 = arith.constant 0 : i32
    %dma_start3A_502 = arith.constant 0 : i32
    %dma_start3A_503 = tpu.memref_slice %arg5[%dma_start3A_499, %dma_start3A_501, %dma_start3A_502] : memref<4x16x1024xf32, #tpu.memory_space<vmem>> -> memref<1x16x1024xf32, #tpu.memory_space<vmem>>
    %dma_start3A_504 = tpu.memref_squeeze %dma_start3A_503 : memref<1x16x1024xf32, #tpu.memory_space<vmem>> -> memref<16x1024xf32, #tpu.memory_space<vmem>>
    %dma_start3A_505 = arith.constant 0 : i32
    %dma_start3A_506 = tpu.memref_slice %arg2[%add3A_498, %dma_start3A_505] : memref<8192x1024xf32, #tpu.memory_space<hbm>> -> memref<16x1024xf32, #tpu.memory_space<hbm>>
    %dma_start3A_507 = tpu.memref_slice %arg7[%dma_start3A_500] : memref<4x!tpu.dma_semaphore, #tpu.memory_space<semaphore_mem>> -> memref<1x!tpu.dma_semaphore, #tpu.memory_space<semaphore_mem>>
    %dma_start3A_508 = tpu.memref_squeeze %dma_start3A_507 : memref<1x!tpu.dma_semaphore, #tpu.memory_space<semaphore_mem>> -> memref<!tpu.dma_semaphore, #tpu.memory_space<semaphore_mem>>
    %dma_start3A_509 = arith.constant 0 : i32
    %dma_start3A_510 = arith.constant 0 : i32
    %dma_start3A_511 = tpu.memref_slice %arg5[%dma_start3A_499, %dma_start3A_509, %dma_start3A_510] : memref<4x16x1024xf32, #tpu.memory_space<vmem>> -> memref<1x16x1024xf32, #tpu.memory_space<vmem>>
    %dma_start3A_512 = tpu.memref_squeeze %dma_start3A_511 : memref<1x16x1024xf32, #tpu.memory_space<vmem>> -> memref<16x1024xf32, #tpu.memory_space<vmem>>
    %dma_start3A_513 = arith.constant 0 : i32
    %dma_start3A_514 = tpu.memref_slice %arg2[%add3A_498, %dma_start3A_513] : memref<8192x1024xf32, #tpu.memory_space<hbm>> -> memref<16x1024xf32, #tpu.memory_space<hbm>>
    tpu.enqueue_dma source(%dma_start3A_514 : memref<16x1024xf32, #tpu.memory_space<hbm>>) target(%dma_start3A_512 : memref<16x1024xf32, #tpu.memory_space<vmem>>) target_semaphore(%dma_start3A_508 : memref<!tpu.dma_semaphore, #tpu.memory_space<semaphore_mem>>)
    %dma_wait3A_515 = arith.constant 1 : i32
    %dma_wait3A_516 = arith.constant 1 : i32
    %dma_wait3A_517 = arith.constant 0 : i32
    %dma_wait3A_518 = arith.constant 0 : i32
    %dma_wait3A_519 = tpu.memref_slice %arg5[%dma_wait3A_515, %dma_wait3A_517, %dma_wait3A_518] : memref<4x16x1024xf32, #tpu.memory_space<vmem>> -> memref<1x16x1024xf32, #tpu.memory_space<vmem>>
    %dma_wait3A_520 = tpu.memref_squeeze %dma_wait3A_519 : memref<1x16x1024xf32, #tpu.memory_space<vmem>> -> memref<16x1024xf32, #tpu.memory_space<vmem>>
    %dma_wait3A_521 = arith.constant 0 : i32
    %dma_wait3A_522 = tpu.memref_slice %arg2[%add3A_310, %dma_wait3A_521] : memref<8192x1024xf32, #tpu.memory_space<hbm>> -> memref<16x1024xf32, #tpu.memory_space<hbm>>
    %dma_wait3A_523 = tpu.memref_slice %arg7[%dma_wait3A_516] : memref<4x!tpu.dma_semaphore, #tpu.memory_space<semaphore_mem>> -> memref<1x!tpu.dma_semaphore, #tpu.memory_space<semaphore_mem>>
    %dma_wait3A_524 = tpu.memref_squeeze %dma_wait3A_523 : memref<1x!tpu.dma_semaphore, #tpu.memory_space<semaphore_mem>> -> memref<!tpu.dma_semaphore, #tpu.memory_space<semaphore_mem>>
    %dma_wait3A_525 = arith.constant 0 : i32
    %dma_wait3A_526 = arith.constant 0 : i32
    %dma_wait3A_527 = tpu.memref_slice %arg5[%dma_wait3A_515, %dma_wait3A_525, %dma_wait3A_526] : memref<4x16x1024xf32, #tpu.memory_space<vmem>> -> memref<1x16x1024xf32, #tpu.memory_space<vmem>>
    %dma_wait3A_528 = tpu.memref_squeeze %dma_wait3A_527 : memref<1x16x1024xf32, #tpu.memory_space<vmem>> -> memref<16x1024xf32, #tpu.memory_space<vmem>>
    %dma_wait3A_529 = arith.constant 0 : i32
    %dma_wait3A_530 = tpu.memref_slice %arg2[%add3A_310, %dma_wait3A_529] : memref<8192x1024xf32, #tpu.memory_space<hbm>> -> memref<16x1024xf32, #tpu.memory_space<hbm>>
    tpu.wait_dma2 semaphore(%dma_wait3A_524 : memref<!tpu.dma_semaphore, #tpu.memory_space<semaphore_mem>>) src(%dma_wait3A_530 : memref<16x1024xf32, #tpu.memory_space<hbm>>) dst(%dma_wait3A_528 : memref<16x1024xf32, #tpu.memory_space<vmem>>)
    %parallel_loop3A_531 = arith.constant 0 : i32
    %parallel_loop3A_532 = arith.constant 16384 : i32
    %parallel_loop3A_533 = arith.constant 16 : i32
    %parallel_loop3A_534 = arith.constant 1 : i32
    %parallel_loop3A_535 = arith.constant 1 : i32
    scf.for %parallel_loop3A_1368 = %parallel_loop3A_531 to %parallel_loop3A_532 step %parallel_loop3A_533  : i32 {
      %parallel_loop3A_1369 = arith.constant 1024 : i32
      %parallel_loop3A_1370 = arith.divsi %parallel_loop3A_1368, %parallel_loop3A_1369 : i32
      %parallel_loop3A_1371 = arith.constant 0 : i32
      %parallel_loop3A_1372 = arith.cmpi sgt, %parallel_loop3A_1368, %parallel_loop3A_1371 : i32
      %parallel_loop3A_1373 = arith.extui %parallel_loop3A_1372 : i1 to i32
      %parallel_loop3A_1374 = arith.constant 0 : i32
      %parallel_loop3A_1375 = arith.cmpi slt, %parallel_loop3A_1368, %parallel_loop3A_1374 : i32
      %parallel_loop3A_1376 = arith.extui %parallel_loop3A_1375 : i1 to i32
      %parallel_loop3A_1377 = arith.subi %parallel_loop3A_1373, %parallel_loop3A_1376 : i32
      %parallel_loop3A_1378 = arith.constant 0 : i32
      %parallel_loop3A_1379 = arith.cmpi sgt, %parallel_loop3A_1369, %parallel_loop3A_1378 : i32
      %parallel_loop3A_1380 = arith.extui %parallel_loop3A_1379 : i1 to i32
      %parallel_loop3A_1381 = arith.constant 0 : i32
      %parallel_loop3A_1382 = arith.cmpi slt, %parallel_loop3A_1369, %parallel_loop3A_1381 : i32
      %parallel_loop3A_1383 = arith.extui %parallel_loop3A_1382 : i1 to i32
      %parallel_loop3A_1384 = arith.subi %parallel_loop3A_1380, %parallel_loop3A_1383 : i32
      %parallel_loop3A_1385 = arith.cmpi ne, %parallel_loop3A_1377, %parallel_loop3A_1384 : i32
      %parallel_loop3A_1386 = arith.remsi %parallel_loop3A_1368, %parallel_loop3A_1369 : i32
      %parallel_loop3A_1387 = arith.constant 0 : i32
      %parallel_loop3A_1388 = arith.cmpi ne, %parallel_loop3A_1386, %parallel_loop3A_1387 : i32
      %parallel_loop3A_1389 = arith.andi %parallel_loop3A_1385, %parallel_loop3A_1388 : i1
      %parallel_loop3A_1390 = arith.constant 1 : i32
      %parallel_loop3A_1391 = arith.subi %parallel_loop3A_1370, %parallel_loop3A_1390 : i32
      %parallel_loop3A_1392 = arith.select %parallel_loop3A_1389, %parallel_loop3A_1391, %parallel_loop3A_1370 : i32
      %parallel_loop3A_1393 = arith.constant 1024 : i32
      %parallel_loop3A_1394 = arith.muli %parallel_loop3A_1392, %parallel_loop3A_1393 : i32
      %parallel_loop3A_1395 = arith.subi %parallel_loop3A_1368, %parallel_loop3A_1394 : i32
      %parallel_loop3A_1396 = arith.constant 0 : i32
      %parallel_loop3A_1397 = arith.constant 0 : i32
      %parallel_loop3A_1398 = tpu.memref_slice %arg5[%parallel_loop3A_534, %parallel_loop3A_1396, %parallel_loop3A_1397] : memref<4x16x1024xf32, #tpu.memory_space<vmem>> -> memref<1x16x1024xf32, #tpu.memory_space<vmem>>
      %parallel_loop3A_1399 = tpu.memref_squeeze %parallel_loop3A_1398 : memref<1x16x1024xf32, #tpu.memory_space<vmem>> -> memref<16x1024xf32, #tpu.memory_space<vmem>>
      %parallel_loop3A_1400 = arith.index_cast %parallel_loop3A_1392 : i32 to index
      %parallel_loop3A_1401 = arith.index_cast %parallel_loop3A_1395 : i32 to index
      %parallel_loop3A_1402 = tpu.vector_load %parallel_loop3A_1399[%parallel_loop3A_1400, %parallel_loop3A_1401] {strides = array<i32>} : memref<16x1024xf32, #tpu.memory_space<vmem>>, vector<1x16xf32>,
      %parallel_loop3A_1403 = vector.shape_cast %parallel_loop3A_1402 : vector<1x16xf32> to vector<16xf32>
      %parallel_loop3A_1404 = arith.constant 0 : i32
      %parallel_loop3A_1405 = arith.constant 0 : i32
      %parallel_loop3A_1406 = tpu.memref_slice %arg6[%parallel_loop3A_535, %parallel_loop3A_1404, %parallel_loop3A_1405] : memref<2x16x1024xf32, #tpu.memory_space<vmem>> -> memref<1x16x1024xf32, #tpu.memory_space<vmem>>
      %parallel_loop3A_1407 = tpu.memref_squeeze %parallel_loop3A_1406 : memref<1x16x1024xf32, #tpu.memory_space<vmem>> -> memref<16x1024xf32, #tpu.memory_space<vmem>>
      %parallel_loop3A_1408 = arith.index_cast %parallel_loop3A_1392 : i32 to index
      %parallel_loop3A_1409 = arith.index_cast %parallel_loop3A_1395 : i32 to index
      %parallel_loop3A_1410 = tpu.vector_load %parallel_loop3A_1407[%parallel_loop3A_1408, %parallel_loop3A_1409] {strides = array<i32>} : memref<16x1024xf32, #tpu.memory_space<vmem>>, vector<1x16xf32>,
      %parallel_loop3A_1411 = vector.shape_cast %parallel_loop3A_1410 : vector<1x16xf32> to vector<16xf32>
      %parallel_loop3A_1412 = arith.addf %parallel_loop3A_1403, %parallel_loop3A_1411 : vector<16xf32>
      %parallel_loop3A_1413 = arith.constant 0 : i32
      %parallel_loop3A_1414 = arith.constant 0 : i32
      %parallel_loop3A_1415 = tpu.memref_slice %arg5[%parallel_loop3A_534, %parallel_loop3A_1413, %parallel_loop3A_1414] : memref<4x16x1024xf32, #tpu.memory_space<vmem>> -> memref<1x16x1024xf32, #tpu.memory_space<vmem>>
      %parallel_loop3A_1416 = tpu.memref_squeeze %parallel_loop3A_1415 : memref<1x16x1024xf32, #tpu.memory_space<vmem>> -> memref<16x1024xf32, #tpu.memory_space<vmem>>
      %parallel_loop3A_1417 = arith.index_cast %parallel_loop3A_1392 : i32 to index
      %parallel_loop3A_1418 = arith.index_cast %parallel_loop3A_1395 : i32 to index
      %parallel_loop3A_1419 = tpu.vector_load %parallel_loop3A_1416[%parallel_loop3A_1417, %parallel_loop3A_1418] {strides = array<i32>} : memref<16x1024xf32, #tpu.memory_space<vmem>>, vector<1x16xf32>,
      %parallel_loop3A_1420 = vector.shape_cast %parallel_loop3A_1419 : vector<1x16xf32> to vector<16xf32>
      %parallel_loop3A_1421 = vector.shape_cast %parallel_loop3A_1412 : vector<16xf32> to vector<1x16xf32>
      tpu.vector_store %parallel_loop3A_1416[%parallel_loop3A_1417, %parallel_loop3A_1418], %parallel_loop3A_1421 {strides = array<i32>} : memref<16x1024xf32, #tpu.memory_space<vmem>>, vector<1x16xf32>,
    } {sc.loop_unroll_factor = 8 : i64, sc.parallel_access}
    %add3A_536 = arith.constant 2048 : i32
    %add3A_537 = arith.addi %add3A_536, %mul3A_2 : i32
    %add3A_538 = arith.constant 16 : i32
    %add3A_539 = arith.addi %add3A_537, %add3A_538 : i32
    %dma_start3A_540 = arith.constant 1 : i32
    %dma_start3A_541 = arith.constant 1 : i32
    %dma_start3A_542 = arith.constant 0 : i32
    %dma_start3A_543 = arith.constant 0 : i32
    %dma_start3A_544 = tpu.memref_slice %arg5[%dma_start3A_540, %dma_start3A_542, %dma_start3A_543] : memref<4x16x1024xf32, #tpu.memory_space<vmem>> -> memref<1x16x1024xf32, #tpu.memory_space<vmem>>
    %dma_start3A_545 = tpu.memref_squeeze %dma_start3A_544 : memref<1x16x1024xf32, #tpu.memory_space<vmem>> -> memref<16x1024xf32, #tpu.memory_space<vmem>>
    %dma_start3A_546 = arith.constant 0 : i32
    %dma_start3A_547 = tpu.memref_slice %arg4[%add3A_539, %dma_start3A_546] : memref<8192x1024xf32, #tpu.memory_space<hbm>> -> memref<16x1024xf32, #tpu.memory_space<hbm>>
    %dma_start3A_548 = tpu.memref_slice %arg8[%dma_start3A_541] : memref<4x!tpu.dma_semaphore, #tpu.memory_space<semaphore_mem>> -> memref<1x!tpu.dma_semaphore, #tpu.memory_space<semaphore_mem>>
    %dma_start3A_549 = tpu.memref_squeeze %dma_start3A_548 : memref<1x!tpu.dma_semaphore, #tpu.memory_space<semaphore_mem>> -> memref<!tpu.dma_semaphore, #tpu.memory_space<semaphore_mem>>
    %dma_start3A_550 = arith.constant 0 : i32
    %dma_start3A_551 = tpu.memref_slice %arg4[%add3A_539, %dma_start3A_550] : memref<8192x1024xf32, #tpu.memory_space<hbm>> -> memref<16x1024xf32, #tpu.memory_space<hbm>>
    %dma_start3A_552 = arith.constant 0 : i32
    %dma_start3A_553 = arith.constant 0 : i32
    %dma_start3A_554 = tpu.memref_slice %arg5[%dma_start3A_540, %dma_start3A_552, %dma_start3A_553] : memref<4x16x1024xf32, #tpu.memory_space<vmem>> -> memref<1x16x1024xf32, #tpu.memory_space<vmem>>
    %dma_start3A_555 = tpu.memref_squeeze %dma_start3A_554 : memref<1x16x1024xf32, #tpu.memory_space<vmem>> -> memref<16x1024xf32, #tpu.memory_space<vmem>>
    tpu.enqueue_dma source(%dma_start3A_555 : memref<16x1024xf32, #tpu.memory_space<vmem>>) target(%dma_start3A_551 : memref<16x1024xf32, #tpu.memory_space<hbm>>) target_semaphore(%dma_start3A_549 : memref<!tpu.dma_semaphore, #tpu.memory_space<semaphore_mem>>)
    %dma_wait3A_556 = arith.constant 0 : i32
    %dma_wait3A_557 = arith.constant 0 : i32
    %dma_wait3A_558 = arith.constant 0 : i32
    %dma_wait3A_559 = arith.constant 0 : i32
    %dma_wait3A_560 = tpu.memref_slice %arg5[%dma_wait3A_556, %dma_wait3A_558, %dma_wait3A_559] : memref<4x16x1024xf32, #tpu.memory_space<vmem>> -> memref<1x16x1024xf32, #tpu.memory_space<vmem>>
    %dma_wait3A_561 = tpu.memref_squeeze %dma_wait3A_560 : memref<1x16x1024xf32, #tpu.memory_space<vmem>> -> memref<16x1024xf32, #tpu.memory_space<vmem>>
    %dma_wait3A_562 = arith.constant 0 : i32
    %dma_wait3A_563 = tpu.memref_slice %arg4[%add3A_462, %dma_wait3A_562] : memref<8192x1024xf32, #tpu.memory_space<hbm>> -> memref<16x1024xf32, #tpu.memory_space<hbm>>
    %dma_wait3A_564 = tpu.memref_slice %arg8[%dma_wait3A_557] : memref<4x!tpu.dma_semaphore, #tpu.memory_space<semaphore_mem>> -> memref<1x!tpu.dma_semaphore, #tpu.memory_space<semaphore_mem>>
    %dma_wait3A_565 = tpu.memref_squeeze %dma_wait3A_564 : memref<1x!tpu.dma_semaphore, #tpu.memory_space<semaphore_mem>> -> memref<!tpu.dma_semaphore, #tpu.memory_space<semaphore_mem>>
    %dma_wait3A_566 = arith.constant 0 : i32
    %dma_wait3A_567 = tpu.memref_slice %arg4[%add3A_462, %dma_wait3A_566] : memref<8192x1024xf32, #tpu.memory_space<hbm>> -> memref<16x1024xf32, #tpu.memory_space<hbm>>
    %dma_wait3A_568 = arith.constant 0 : i32
    %dma_wait3A_569 = arith.constant 0 : i32
    %dma_wait3A_570 = tpu.memref_slice %arg5[%dma_wait3A_556, %dma_wait3A_568, %dma_wait3A_569] : memref<4x16x1024xf32, #tpu.memory_space<vmem>> -> memref<1x16x1024xf32, #tpu.memory_space<vmem>>
    %dma_wait3A_571 = tpu.memref_squeeze %dma_wait3A_570 : memref<1x16x1024xf32, #tpu.memory_space<vmem>> -> memref<16x1024xf32, #tpu.memory_space<vmem>>
    tpu.wait_dma2 semaphore(%dma_wait3A_565 : memref<!tpu.dma_semaphore, #tpu.memory_space<semaphore_mem>>) src(%dma_wait3A_571 : memref<16x1024xf32, #tpu.memory_space<vmem>>) dst(%dma_wait3A_567 : memref<16x1024xf32, #tpu.memory_space<hbm>>)
    %add3A_572 = arith.constant 0 : i32
    %add3A_573 = arith.addi %add3A_572, %mul3A_2 : i32
    %add3A_574 = arith.constant 32 : i32
    %add3A_575 = arith.addi %add3A_573, %add3A_574 : i32
    %dma_start3A_576 = arith.constant 0 : i32
    %dma_start3A_577 = arith.constant 0 : i32
    %dma_start3A_578 = arith.constant 0 : i32
    %dma_start3A_579 = arith.constant 0 : i32
    %dma_start3A_580 = tpu.memref_slice %arg5[%dma_start3A_576, %dma_start3A_578, %dma_start3A_579] : memref<4x16x1024xf32, #tpu.memory_space<vmem>> -> memref<1x16x1024xf32, #tpu.memory_space<vmem>>
    %dma_start3A_581 = tpu.memref_squeeze %dma_start3A_580 : memref<1x16x1024xf32, #tpu.memory_space<vmem>> -> memref<16x1024xf32, #tpu.memory_space<vmem>>
    %dma_start3A_582 = arith.constant 0 : i32
    %dma_start3A_583 = tpu.memref_slice %arg2[%add3A_575, %dma_start3A_582] : memref<8192x1024xf32, #tpu.memory_space<hbm>> -> memref<16x1024xf32, #tpu.memory_space<hbm>>
    %dma_start3A_584 = tpu.memref_slice %arg7[%dma_start3A_577] : memref<4x!tpu.dma_semaphore, #tpu.memory_space<semaphore_mem>> -> memref<1x!tpu.dma_semaphore, #tpu.memory_space<semaphore_mem>>
    %dma_start3A_585 = tpu.memref_squeeze %dma_start3A_584 : memref<1x!tpu.dma_semaphore, #tpu.memory_space<semaphore_mem>> -> memref<!tpu.dma_semaphore, #tpu.memory_space<semaphore_mem>>
    %dma_start3A_586 = arith.constant 0 : i32
    %dma_start3A_587 = arith.constant 0 : i32
    %dma_start3A_588 = tpu.memref_slice %arg5[%dma_start3A_576, %dma_start3A_586, %dma_start3A_587] : memref<4x16x1024xf32, #tpu.memory_space<vmem>> -> memref<1x16x1024xf32, #tpu.memory_space<vmem>>
    %dma_start3A_589 = tpu.memref_squeeze %dma_start3A_588 : memref<1x16x1024xf32, #tpu.memory_space<vmem>> -> memref<16x1024xf32, #tpu.memory_space<vmem>>
    %dma_start3A_590 = arith.constant 0 : i32
    %dma_start3A_591 = tpu.memref_slice %arg2[%add3A_575, %dma_start3A_590] : memref<8192x1024xf32, #tpu.memory_space<hbm>> -> memref<16x1024xf32, #tpu.memory_space<hbm>>
    tpu.enqueue_dma source(%dma_start3A_591 : memref<16x1024xf32, #tpu.memory_space<hbm>>) target(%dma_start3A_589 : memref<16x1024xf32, #tpu.memory_space<vmem>>) target_semaphore(%dma_start3A_585 : memref<!tpu.dma_semaphore, #tpu.memory_space<semaphore_mem>>)
    %dma_wait3A_592 = arith.constant 2 : i32
    %dma_wait3A_593 = arith.constant 2 : i32
    %dma_wait3A_594 = arith.constant 0 : i32
    %dma_wait3A_595 = arith.constant 0 : i32
    %dma_wait3A_596 = tpu.memref_slice %arg5[%dma_wait3A_592, %dma_wait3A_594, %dma_wait3A_595] : memref<4x16x1024xf32, #tpu.memory_space<vmem>> -> memref<1x16x1024xf32, #tpu.memory_space<vmem>>
    %dma_wait3A_597 = tpu.memref_squeeze %dma_wait3A_596 : memref<1x16x1024xf32, #tpu.memory_space<vmem>> -> memref<16x1024xf32, #tpu.memory_space<vmem>>
    %dma_wait3A_598 = arith.constant 0 : i32
    %dma_wait3A_599 = tpu.memref_slice %arg2[%add3A_387, %dma_wait3A_598] : memref<8192x1024xf32, #tpu.memory_space<hbm>> -> memref<16x1024xf32, #tpu.memory_space<hbm>>
    %dma_wait3A_600 = tpu.memref_slice %arg7[%dma_wait3A_593] : memref<4x!tpu.dma_semaphore, #tpu.memory_space<semaphore_mem>> -> memref<1x!tpu.dma_semaphore, #tpu.memory_space<semaphore_mem>>
    %dma_wait3A_601 = tpu.memref_squeeze %dma_wait3A_600 : memref<1x!tpu.dma_semaphore, #tpu.memory_space<semaphore_mem>> -> memref<!tpu.dma_semaphore, #tpu.memory_space<semaphore_mem>>
    %dma_wait3A_602 = arith.constant 0 : i32
    %dma_wait3A_603 = arith.constant 0 : i32
    %dma_wait3A_604 = tpu.memref_slice %arg5[%dma_wait3A_592, %dma_wait3A_602, %dma_wait3A_603] : memref<4x16x1024xf32, #tpu.memory_space<vmem>> -> memref<1x16x1024xf32, #tpu.memory_space<vmem>>
    %dma_wait3A_605 = tpu.memref_squeeze %dma_wait3A_604 : memref<1x16x1024xf32, #tpu.memory_space<vmem>> -> memref<16x1024xf32, #tpu.memory_space<vmem>>
    %dma_wait3A_606 = arith.constant 0 : i32
    %dma_wait3A_607 = tpu.memref_slice %arg2[%add3A_387, %dma_wait3A_606] : memref<8192x1024xf32, #tpu.memory_space<hbm>> -> memref<16x1024xf32, #tpu.memory_space<hbm>>
    tpu.wait_dma2 semaphore(%dma_wait3A_601 : memref<!tpu.dma_semaphore, #tpu.memory_space<semaphore_mem>>) src(%dma_wait3A_607 : memref<16x1024xf32, #tpu.memory_space<hbm>>) dst(%dma_wait3A_605 : memref<16x1024xf32, #tpu.memory_space<vmem>>)
    %parallel_loop3A_608 = arith.constant 0 : i32
    %parallel_loop3A_609 = arith.constant 16384 : i32
    %parallel_loop3A_610 = arith.constant 16 : i32
    %parallel_loop3A_611 = arith.constant 2 : i32
    %parallel_loop3A_612 = arith.constant 1 : i32
    scf.for %parallel_loop3A_1368 = %parallel_loop3A_608 to %parallel_loop3A_609 step %parallel_loop3A_610  : i32 {
      %parallel_loop3A_1369 = arith.constant 1024 : i32
      %parallel_loop3A_1370 = arith.divsi %parallel_loop3A_1368, %parallel_loop3A_1369 : i32
      %parallel_loop3A_1371 = arith.constant 0 : i32
      %parallel_loop3A_1372 = arith.cmpi sgt, %parallel_loop3A_1368, %parallel_loop3A_1371 : i32
      %parallel_loop3A_1373 = arith.extui %parallel_loop3A_1372 : i1 to i32
      %parallel_loop3A_1374 = arith.constant 0 : i32
      %parallel_loop3A_1375 = arith.cmpi slt, %parallel_loop3A_1368, %parallel_loop3A_1374 : i32
      %parallel_loop3A_1376 = arith.extui %parallel_loop3A_1375 : i1 to i32
      %parallel_loop3A_1377 = arith.subi %parallel_loop3A_1373, %parallel_loop3A_1376 : i32
      %parallel_loop3A_1378 = arith.constant 0 : i32
      %parallel_loop3A_1379 = arith.cmpi sgt, %parallel_loop3A_1369, %parallel_loop3A_1378 : i32
      %parallel_loop3A_1380 = arith.extui %parallel_loop3A_1379 : i1 to i32
      %parallel_loop3A_1381 = arith.constant 0 : i32
      %parallel_loop3A_1382 = arith.cmpi slt, %parallel_loop3A_1369, %parallel_loop3A_1381 : i32
      %parallel_loop3A_1383 = arith.extui %parallel_loop3A_1382 : i1 to i32
      %parallel_loop3A_1384 = arith.subi %parallel_loop3A_1380, %parallel_loop3A_1383 : i32
      %parallel_loop3A_1385 = arith.cmpi ne, %parallel_loop3A_1377, %parallel_loop3A_1384 : i32
      %parallel_loop3A_1386 = arith.remsi %parallel_loop3A_1368, %parallel_loop3A_1369 : i32
      %parallel_loop3A_1387 = arith.constant 0 : i32
      %parallel_loop3A_1388 = arith.cmpi ne, %parallel_loop3A_1386, %parallel_loop3A_1387 : i32
      %parallel_loop3A_1389 = arith.andi %parallel_loop3A_1385, %parallel_loop3A_1388 : i1
      %parallel_loop3A_1390 = arith.constant 1 : i32
      %parallel_loop3A_1391 = arith.subi %parallel_loop3A_1370, %parallel_loop3A_1390 : i32
      %parallel_loop3A_1392 = arith.select %parallel_loop3A_1389, %parallel_loop3A_1391, %parallel_loop3A_1370 : i32
      %parallel_loop3A_1393 = arith.constant 1024 : i32
      %parallel_loop3A_1394 = arith.muli %parallel_loop3A_1392, %parallel_loop3A_1393 : i32
      %parallel_loop3A_1395 = arith.subi %parallel_loop3A_1368, %parallel_loop3A_1394 : i32
      %parallel_loop3A_1396 = arith.constant 0 : i32
      %parallel_loop3A_1397 = arith.constant 0 : i32
      %parallel_loop3A_1398 = tpu.memref_slice %arg5[%parallel_loop3A_611, %parallel_loop3A_1396, %parallel_loop3A_1397] : memref<4x16x1024xf32, #tpu.memory_space<vmem>> -> memref<1x16x1024xf32, #tpu.memory_space<vmem>>
      %parallel_loop3A_1399 = tpu.memref_squeeze %parallel_loop3A_1398 : memref<1x16x1024xf32, #tpu.memory_space<vmem>> -> memref<16x1024xf32, #tpu.memory_space<vmem>>
      %parallel_loop3A_1400 = arith.index_cast %parallel_loop3A_1392 : i32 to index
      %parallel_loop3A_1401 = arith.index_cast %parallel_loop3A_1395 : i32 to index
      %parallel_loop3A_1402 = tpu.vector_load %parallel_loop3A_1399[%parallel_loop3A_1400, %parallel_loop3A_1401] {strides = array<i32>} : memref<16x1024xf32, #tpu.memory_space<vmem>>, vector<1x16xf32>,
      %parallel_loop3A_1403 = vector.shape_cast %parallel_loop3A_1402 : vector<1x16xf32> to vector<16xf32>
      %parallel_loop3A_1404 = arith.constant 0 : i32
      %parallel_loop3A_1405 = arith.constant 0 : i32
      %parallel_loop3A_1406 = tpu.memref_slice %arg6[%parallel_loop3A_612, %parallel_loop3A_1404, %parallel_loop3A_1405] : memref<2x16x1024xf32, #tpu.memory_space<vmem>> -> memref<1x16x1024xf32, #tpu.memory_space<vmem>>
      %parallel_loop3A_1407 = tpu.memref_squeeze %parallel_loop3A_1406 : memref<1x16x1024xf32, #tpu.memory_space<vmem>> -> memref<16x1024xf32, #tpu.memory_space<vmem>>
      %parallel_loop3A_1408 = arith.index_cast %parallel_loop3A_1392 : i32 to index
      %parallel_loop3A_1409 = arith.index_cast %parallel_loop3A_1395 : i32 to index
      %parallel_loop3A_1410 = tpu.vector_load %parallel_loop3A_1407[%parallel_loop3A_1408, %parallel_loop3A_1409] {strides = array<i32>} : memref<16x1024xf32, #tpu.memory_space<vmem>>, vector<1x16xf32>,
      %parallel_loop3A_1411 = vector.shape_cast %parallel_loop3A_1410 : vector<1x16xf32> to vector<16xf32>
      %parallel_loop3A_1412 = arith.addf %parallel_loop3A_1403, %parallel_loop3A_1411 : vector<16xf32>
      %parallel_loop3A_1413 = arith.constant 0 : i32
      %parallel_loop3A_1414 = arith.constant 0 : i32
      %parallel_loop3A_1415 = tpu.memref_slice %arg5[%parallel_loop3A_611, %parallel_loop3A_1413, %parallel_loop3A_1414] : memref<4x16x1024xf32, #tpu.memory_space<vmem>> -> memref<1x16x1024xf32, #tpu.memory_space<vmem>>
      %parallel_loop3A_1416 = tpu.memref_squeeze %parallel_loop3A_1415 : memref<1x16x1024xf32, #tpu.memory_space<vmem>> -> memref<16x1024xf32, #tpu.memory_space<vmem>>
      %parallel_loop3A_1417 = arith.index_cast %parallel_loop3A_1392 : i32 to index
      %parallel_loop3A_1418 = arith.index_cast %parallel_loop3A_1395 : i32 to index
      %parallel_loop3A_1419 = tpu.vector_load %parallel_loop3A_1416[%parallel_loop3A_1417, %parallel_loop3A_1418] {strides = array<i32>} : memref<16x1024xf32, #tpu.memory_space<vmem>>, vector<1x16xf32>,
      %parallel_loop3A_1420 = vector.shape_cast %parallel_loop3A_1419 : vector<1x16xf32> to vector<16xf32>
      %parallel_loop3A_1421 = vector.shape_cast %parallel_loop3A_1412 : vector<16xf32> to vector<1x16xf32>
      tpu.vector_store %parallel_loop3A_1416[%parallel_loop3A_1417, %parallel_loop3A_1418], %parallel_loop3A_1421 {strides = array<i32>} : memref<16x1024xf32, #tpu.memory_space<vmem>>, vector<1x16xf32>,
    } {sc.loop_unroll_factor = 8 : i64, sc.parallel_access}
    %add3A_613 = arith.constant 4096 : i32
    %add3A_614 = arith.addi %add3A_613, %mul3A_2 : i32
    %add3A_615 = arith.constant 16 : i32
    %add3A_616 = arith.addi %add3A_614, %add3A_615 : i32
    %dma_start3A_617 = arith.constant 2 : i32
    %dma_start3A_618 = arith.constant 2 : i32
    %dma_start3A_619 = arith.constant 0 : i32
    %dma_start3A_620 = arith.constant 0 : i32
    %dma_start3A_621 = tpu.memref_slice %arg5[%dma_start3A_617, %dma_start3A_619, %dma_start3A_620] : memref<4x16x1024xf32, #tpu.memory_space<vmem>> -> memref<1x16x1024xf32, #tpu.memory_space<vmem>>
    %dma_start3A_622 = tpu.memref_squeeze %dma_start3A_621 : memref<1x16x1024xf32, #tpu.memory_space<vmem>> -> memref<16x1024xf32, #tpu.memory_space<vmem>>
    %dma_start3A_623 = arith.constant 0 : i32
    %dma_start3A_624 = tpu.memref_slice %arg4[%add3A_616, %dma_start3A_623] : memref<8192x1024xf32, #tpu.memory_space<hbm>> -> memref<16x1024xf32, #tpu.memory_space<hbm>>
    %dma_start3A_625 = tpu.memref_slice %arg8[%dma_start3A_618] : memref<4x!tpu.dma_semaphore, #tpu.memory_space<semaphore_mem>> -> memref<1x!tpu.dma_semaphore, #tpu.memory_space<semaphore_mem>>
    %dma_start3A_626 = tpu.memref_squeeze %dma_start3A_625 : memref<1x!tpu.dma_semaphore, #tpu.memory_space<semaphore_mem>> -> memref<!tpu.dma_semaphore, #tpu.memory_space<semaphore_mem>>
    %dma_start3A_627 = arith.constant 0 : i32
    %dma_start3A_628 = tpu.memref_slice %arg4[%add3A_616, %dma_start3A_627] : memref<8192x1024xf32, #tpu.memory_space<hbm>> -> memref<16x1024xf32, #tpu.memory_space<hbm>>
    %dma_start3A_629 = arith.constant 0 : i32
    %dma_start3A_630 = arith.constant 0 : i32
    %dma_start3A_631 = tpu.memref_slice %arg5[%dma_start3A_617, %dma_start3A_629, %dma_start3A_630] : memref<4x16x1024xf32, #tpu.memory_space<vmem>> -> memref<1x16x1024xf32, #tpu.memory_space<vmem>>
    %dma_start3A_632 = tpu.memref_squeeze %dma_start3A_631 : memref<1x16x1024xf32, #tpu.memory_space<vmem>> -> memref<16x1024xf32, #tpu.memory_space<vmem>>
    tpu.enqueue_dma source(%dma_start3A_632 : memref<16x1024xf32, #tpu.memory_space<vmem>>) target(%dma_start3A_628 : memref<16x1024xf32, #tpu.memory_space<hbm>>) target_semaphore(%dma_start3A_626 : memref<!tpu.dma_semaphore, #tpu.memory_space<semaphore_mem>>)
    %dma_wait3A_633 = arith.constant 1 : i32
    %dma_wait3A_634 = arith.constant 1 : i32
    %dma_wait3A_635 = arith.constant 0 : i32
    %dma_wait3A_636 = arith.constant 0 : i32
    %dma_wait3A_637 = tpu.memref_slice %arg5[%dma_wait3A_633, %dma_wait3A_635, %dma_wait3A_636] : memref<4x16x1024xf32, #tpu.memory_space<vmem>> -> memref<1x16x1024xf32, #tpu.memory_space<vmem>>
    %dma_wait3A_638 = tpu.memref_squeeze %dma_wait3A_637 : memref<1x16x1024xf32, #tpu.memory_space<vmem>> -> memref<16x1024xf32, #tpu.memory_space<vmem>>
    %dma_wait3A_639 = arith.constant 0 : i32
    %dma_wait3A_640 = tpu.memref_slice %arg4[%add3A_539, %dma_wait3A_639] : memref<8192x1024xf32, #tpu.memory_space<hbm>> -> memref<16x1024xf32, #tpu.memory_space<hbm>>
    %dma_wait3A_641 = tpu.memref_slice %arg8[%dma_wait3A_634] : memref<4x!tpu.dma_semaphore, #tpu.memory_space<semaphore_mem>> -> memref<1x!tpu.dma_semaphore, #tpu.memory_space<semaphore_mem>>
    %dma_wait3A_642 = tpu.memref_squeeze %dma_wait3A_641 : memref<1x!tpu.dma_semaphore, #tpu.memory_space<semaphore_mem>> -> memref<!tpu.dma_semaphore, #tpu.memory_space<semaphore_mem>>
    %dma_wait3A_643 = arith.constant 0 : i32
    %dma_wait3A_644 = tpu.memref_slice %arg4[%add3A_539, %dma_wait3A_643] : memref<8192x1024xf32, #tpu.memory_space<hbm>> -> memref<16x1024xf32, #tpu.memory_space<hbm>>
    %dma_wait3A_645 = arith.constant 0 : i32
    %dma_wait3A_646 = arith.constant 0 : i32
    %dma_wait3A_647 = tpu.memref_slice %arg5[%dma_wait3A_633, %dma_wait3A_645, %dma_wait3A_646] : memref<4x16x1024xf32, #tpu.memory_space<vmem>> -> memref<1x16x1024xf32, #tpu.memory_space<vmem>>
    %dma_wait3A_648 = tpu.memref_squeeze %dma_wait3A_647 : memref<1x16x1024xf32, #tpu.memory_space<vmem>> -> memref<16x1024xf32, #tpu.memory_space<vmem>>
    tpu.wait_dma2 semaphore(%dma_wait3A_642 : memref<!tpu.dma_semaphore, #tpu.memory_space<semaphore_mem>>) src(%dma_wait3A_648 : memref<16x1024xf32, #tpu.memory_space<vmem>>) dst(%dma_wait3A_644 : memref<16x1024xf32, #tpu.memory_space<hbm>>)
    %add3A_649 = arith.constant 2048 : i32
    %add3A_650 = arith.addi %add3A_649, %mul3A_2 : i32
    %add3A_651 = arith.constant 32 : i32
    %add3A_652 = arith.addi %add3A_650, %add3A_651 : i32
    %dma_start3A_653 = arith.constant 1 : i32
    %dma_start3A_654 = arith.constant 1 : i32
    %dma_start3A_655 = arith.constant 0 : i32
    %dma_start3A_656 = arith.constant 0 : i32
    %dma_start3A_657 = tpu.memref_slice %arg5[%dma_start3A_653, %dma_start3A_655, %dma_start3A_656] : memref<4x16x1024xf32, #tpu.memory_space<vmem>> -> memref<1x16x1024xf32, #tpu.memory_space<vmem>>
    %dma_start3A_658 = tpu.memref_squeeze %dma_start3A_657 : memref<1x16x1024xf32, #tpu.memory_space<vmem>> -> memref<16x1024xf32, #tpu.memory_space<vmem>>
    %dma_start3A_659 = arith.constant 0 : i32
    %dma_start3A_660 = tpu.memref_slice %arg2[%add3A_652, %dma_start3A_659] : memref<8192x1024xf32, #tpu.memory_space<hbm>> -> memref<16x1024xf32, #tpu.memory_space<hbm>>
    %dma_start3A_661 = tpu.memref_slice %arg7[%dma_start3A_654] : memref<4x!tpu.dma_semaphore, #tpu.memory_space<semaphore_mem>> -> memref<1x!tpu.dma_semaphore, #tpu.memory_space<semaphore_mem>>
    %dma_start3A_662 = tpu.memref_squeeze %dma_start3A_661 : memref<1x!tpu.dma_semaphore, #tpu.memory_space<semaphore_mem>> -> memref<!tpu.dma_semaphore, #tpu.memory_space<semaphore_mem>>
    %dma_start3A_663 = arith.constant 0 : i32
    %dma_start3A_664 = arith.constant 0 : i32
    %dma_start3A_665 = tpu.memref_slice %arg5[%dma_start3A_653, %dma_start3A_663, %dma_start3A_664] : memref<4x16x1024xf32, #tpu.memory_space<vmem>> -> memref<1x16x1024xf32, #tpu.memory_space<vmem>>
    %dma_start3A_666 = tpu.memref_squeeze %dma_start3A_665 : memref<1x16x1024xf32, #tpu.memory_space<vmem>> -> memref<16x1024xf32, #tpu.memory_space<vmem>>
    %dma_start3A_667 = arith.constant 0 : i32
    %dma_start3A_668 = tpu.memref_slice %arg2[%add3A_652, %dma_start3A_667] : memref<8192x1024xf32, #tpu.memory_space<hbm>> -> memref<16x1024xf32, #tpu.memory_space<hbm>>
    tpu.enqueue_dma source(%dma_start3A_668 : memref<16x1024xf32, #tpu.memory_space<hbm>>) target(%dma_start3A_666 : memref<16x1024xf32, #tpu.memory_space<vmem>>) target_semaphore(%dma_start3A_662 : memref<!tpu.dma_semaphore, #tpu.memory_space<semaphore_mem>>)
    %dma_wait3A_669 = arith.constant 3 : i32
    %dma_wait3A_670 = arith.constant 3 : i32
    %dma_wait3A_671 = arith.constant 0 : i32
    %dma_wait3A_672 = arith.constant 0 : i32
    %dma_wait3A_673 = tpu.memref_slice %arg5[%dma_wait3A_669, %dma_wait3A_671, %dma_wait3A_672] : memref<4x16x1024xf32, #tpu.memory_space<vmem>> -> memref<1x16x1024xf32, #tpu.memory_space<vmem>>
    %dma_wait3A_674 = tpu.memref_squeeze %dma_wait3A_673 : memref<1x16x1024xf32, #tpu.memory_space<vmem>> -> memref<16x1024xf32, #tpu.memory_space<vmem>>
    %dma_wait3A_675 = arith.constant 0 : i32
    %dma_wait3A_676 = tpu.memref_slice %arg2[%add3A_498, %dma_wait3A_675] : memref<8192x1024xf32, #tpu.memory_space<hbm>> -> memref<16x1024xf32, #tpu.memory_space<hbm>>
    %dma_wait3A_677 = tpu.memref_slice %arg7[%dma_wait3A_670] : memref<4x!tpu.dma_semaphore, #tpu.memory_space<semaphore_mem>> -> memref<1x!tpu.dma_semaphore, #tpu.memory_space<semaphore_mem>>
    %dma_wait3A_678 = tpu.memref_squeeze %dma_wait3A_677 : memref<1x!tpu.dma_semaphore, #tpu.memory_space<semaphore_mem>> -> memref<!tpu.dma_semaphore, #tpu.memory_space<semaphore_mem>>
    %dma_wait3A_679 = arith.constant 0 : i32
    %dma_wait3A_680 = arith.constant 0 : i32
    %dma_wait3A_681 = tpu.memref_slice %arg5[%dma_wait3A_669, %dma_wait3A_679, %dma_wait3A_680] : memref<4x16x1024xf32, #tpu.memory_space<vmem>> -> memref<1x16x1024xf32, #tpu.memory_space<vmem>>
    %dma_wait3A_682 = tpu.memref_squeeze %dma_wait3A_681 : memref<1x16x1024xf32, #tpu.memory_space<vmem>> -> memref<16x1024xf32, #tpu.memory_space<vmem>>
    %dma_wait3A_683 = arith.constant 0 : i32
    %dma_wait3A_684 = tpu.memref_slice %arg2[%add3A_498, %dma_wait3A_683] : memref<8192x1024xf32, #tpu.memory_space<hbm>> -> memref<16x1024xf32, #tpu.memory_space<hbm>>
    tpu.wait_dma2 semaphore(%dma_wait3A_678 : memref<!tpu.dma_semaphore, #tpu.memory_space<semaphore_mem>>) src(%dma_wait3A_684 : memref<16x1024xf32, #tpu.memory_space<hbm>>) dst(%dma_wait3A_682 : memref<16x1024xf32, #tpu.memory_space<vmem>>)
    %parallel_loop3A_685 = arith.constant 0 : i32
    %parallel_loop3A_686 = arith.constant 16384 : i32
    %parallel_loop3A_687 = arith.constant 16 : i32
    %parallel_loop3A_688 = arith.constant 3 : i32
    %parallel_loop3A_689 = arith.constant 1 : i32
    scf.for %parallel_loop3A_1368 = %parallel_loop3A_685 to %parallel_loop3A_686 step %parallel_loop3A_687  : i32 {
      %parallel_loop3A_1369 = arith.constant 1024 : i32
      %parallel_loop3A_1370 = arith.divsi %parallel_loop3A_1368, %parallel_loop3A_1369 : i32
      %parallel_loop3A_1371 = arith.constant 0 : i32
      %parallel_loop3A_1372 = arith.cmpi sgt, %parallel_loop3A_1368, %parallel_loop3A_1371 : i32
      %parallel_loop3A_1373 = arith.extui %parallel_loop3A_1372 : i1 to i32
      %parallel_loop3A_1374 = arith.constant 0 : i32
      %parallel_loop3A_1375 = arith.cmpi slt, %parallel_loop3A_1368, %parallel_loop3A_1374 : i32
      %parallel_loop3A_1376 = arith.extui %parallel_loop3A_1375 : i1 to i32
      %parallel_loop3A_1377 = arith.subi %parallel_loop3A_1373, %parallel_loop3A_1376 : i32
      %parallel_loop3A_1378 = arith.constant 0 : i32
      %parallel_loop3A_1379 = arith.cmpi sgt, %parallel_loop3A_1369, %parallel_loop3A_1378 : i32
      %parallel_loop3A_1380 = arith.extui %parallel_loop3A_1379 : i1 to i32
      %parallel_loop3A_1381 = arith.constant 0 : i32
      %parallel_loop3A_1382 = arith.cmpi slt, %parallel_loop3A_1369, %parallel_loop3A_1381 : i32
      %parallel_loop3A_1383 = arith.extui %parallel_loop3A_1382 : i1 to i32
      %parallel_loop3A_1384 = arith.subi %parallel_loop3A_1380, %parallel_loop3A_1383 : i32
      %parallel_loop3A_1385 = arith.cmpi ne, %parallel_loop3A_1377, %parallel_loop3A_1384 : i32
      %parallel_loop3A_1386 = arith.remsi %parallel_loop3A_1368, %parallel_loop3A_1369 : i32
      %parallel_loop3A_1387 = arith.constant 0 : i32
      %parallel_loop3A_1388 = arith.cmpi ne, %parallel_loop3A_1386, %parallel_loop3A_1387 : i32
      %parallel_loop3A_1389 = arith.andi %parallel_loop3A_1385, %parallel_loop3A_1388 : i1
      %parallel_loop3A_1390 = arith.constant 1 : i32
      %parallel_loop3A_1391 = arith.subi %parallel_loop3A_1370, %parallel_loop3A_1390 : i32
      %parallel_loop3A_1392 = arith.select %parallel_loop3A_1389, %parallel_loop3A_1391, %parallel_loop3A_1370 : i32
      %parallel_loop3A_1393 = arith.constant 1024 : i32
      %parallel_loop3A_1394 = arith.muli %parallel_loop3A_1392, %parallel_loop3A_1393 : i32
      %parallel_loop3A_1395 = arith.subi %parallel_loop3A_1368, %parallel_loop3A_1394 : i32
      %parallel_loop3A_1396 = arith.constant 0 : i32
      %parallel_loop3A_1397 = arith.constant 0 : i32
      %parallel_loop3A_1398 = tpu.memref_slice %arg5[%parallel_loop3A_688, %parallel_loop3A_1396, %parallel_loop3A_1397] : memref<4x16x1024xf32, #tpu.memory_space<vmem>> -> memref<1x16x1024xf32, #tpu.memory_space<vmem>>
      %parallel_loop3A_1399 = tpu.memref_squeeze %parallel_loop3A_1398 : memref<1x16x1024xf32, #tpu.memory_space<vmem>> -> memref<16x1024xf32, #tpu.memory_space<vmem>>
      %parallel_loop3A_1400 = arith.index_cast %parallel_loop3A_1392 : i32 to index
      %parallel_loop3A_1401 = arith.index_cast %parallel_loop3A_1395 : i32 to index
      %parallel_loop3A_1402 = tpu.vector_load %parallel_loop3A_1399[%parallel_loop3A_1400, %parallel_loop3A_1401] {strides = array<i32>} : memref<16x1024xf32, #tpu.memory_space<vmem>>, vector<1x16xf32>,
      %parallel_loop3A_1403 = vector.shape_cast %parallel_loop3A_1402 : vector<1x16xf32> to vector<16xf32>
      %parallel_loop3A_1404 = arith.constant 0 : i32
      %parallel_loop3A_1405 = arith.constant 0 : i32
      %parallel_loop3A_1406 = tpu.memref_slice %arg6[%parallel_loop3A_689, %parallel_loop3A_1404, %parallel_loop3A_1405] : memref<2x16x1024xf32, #tpu.memory_space<vmem>> -> memref<1x16x1024xf32, #tpu.memory_space<vmem>>
      %parallel_loop3A_1407 = tpu.memref_squeeze %parallel_loop3A_1406 : memref<1x16x1024xf32, #tpu.memory_space<vmem>> -> memref<16x1024xf32, #tpu.memory_space<vmem>>
      %parallel_loop3A_1408 = arith.index_cast %parallel_loop3A_1392 : i32 to index
      %parallel_loop3A_1409 = arith.index_cast %parallel_loop3A_1395 : i32 to index
      %parallel_loop3A_1410 = tpu.vector_load %parallel_loop3A_1407[%parallel_loop3A_1408, %parallel_loop3A_1409] {strides = array<i32>} : memref<16x1024xf32, #tpu.memory_space<vmem>>, vector<1x16xf32>,
      %parallel_loop3A_1411 = vector.shape_cast %parallel_loop3A_1410 : vector<1x16xf32> to vector<16xf32>
      %parallel_loop3A_1412 = arith.addf %parallel_loop3A_1403, %parallel_loop3A_1411 : vector<16xf32>
      %parallel_loop3A_1413 = arith.constant 0 : i32
      %parallel_loop3A_1414 = arith.constant 0 : i32
      %parallel_loop3A_1415 = tpu.memref_slice %arg5[%parallel_loop3A_688, %parallel_loop3A_1413, %parallel_loop3A_1414] : memref<4x16x1024xf32, #tpu.memory_space<vmem>> -> memref<1x16x1024xf32, #tpu.memory_space<vmem>>
      %parallel_loop3A_1416 = tpu.memref_squeeze %parallel_loop3A_1415 : memref<1x16x1024xf32, #tpu.memory_space<vmem>> -> memref<16x1024xf32, #tpu.memory_space<vmem>>
      %parallel_loop3A_1417 = arith.index_cast %parallel_loop3A_1392 : i32 to index
      %parallel_loop3A_1418 = arith.index_cast %parallel_loop3A_1395 : i32 to index
      %parallel_loop3A_1419 = tpu.vector_load %parallel_loop3A_1416[%parallel_loop3A_1417, %parallel_loop3A_1418] {strides = array<i32>} : memref<16x1024xf32, #tpu.memory_space<vmem>>, vector<1x16xf32>,
      %parallel_loop3A_1420 = vector.shape_cast %parallel_loop3A_1419 : vector<1x16xf32> to vector<16xf32>
      %parallel_loop3A_1421 = vector.shape_cast %parallel_loop3A_1412 : vector<16xf32> to vector<1x16xf32>
      tpu.vector_store %parallel_loop3A_1416[%parallel_loop3A_1417, %parallel_loop3A_1418], %parallel_loop3A_1421 {strides = array<i32>} : memref<16x1024xf32, #tpu.memory_space<vmem>>, vector<1x16xf32>,
    } {sc.loop_unroll_factor = 8 : i64, sc.parallel_access}
    %add3A_690 = arith.constant 6144 : i32
    %add3A_691 = arith.addi %add3A_690, %mul3A_2 : i32
    %add3A_692 = arith.constant 16 : i32
    %add3A_693 = arith.addi %add3A_691, %add3A_692 : i32
    %dma_start3A_694 = arith.constant 3 : i32
    %dma_start3A_695 = arith.constant 3 : i32
    %dma_start3A_696 = arith.constant 0 : i32
    %dma_start3A_697 = arith.constant 0 : i32
    %dma_start3A_698 = tpu.memref_slice %arg5[%dma_start3A_694, %dma_start3A_696, %dma_start3A_697] : memref<4x16x1024xf32, #tpu.memory_space<vmem>> -> memref<1x16x1024xf32, #tpu.memory_space<vmem>>
    %dma_start3A_699 = tpu.memref_squeeze %dma_start3A_698 : memref<1x16x1024xf32, #tpu.memory_space<vmem>> -> memref<16x1024xf32, #tpu.memory_space<vmem>>
    %dma_start3A_700 = arith.constant 0 : i32
    %dma_start3A_701 = tpu.memref_slice %arg4[%add3A_693, %dma_start3A_700] : memref<8192x1024xf32, #tpu.memory_space<hbm>> -> memref<16x1024xf32, #tpu.memory_space<hbm>>
    %dma_start3A_702 = tpu.memref_slice %arg8[%dma_start3A_695] : memref<4x!tpu.dma_semaphore, #tpu.memory_space<semaphore_mem>> -> memref<1x!tpu.dma_semaphore, #tpu.memory_space<semaphore_mem>>
    %dma_start3A_703 = tpu.memref_squeeze %dma_start3A_702 : memref<1x!tpu.dma_semaphore, #tpu.memory_space<semaphore_mem>> -> memref<!tpu.dma_semaphore, #tpu.memory_space<semaphore_mem>>
    %dma_start3A_704 = arith.constant 0 : i32
    %dma_start3A_705 = tpu.memref_slice %arg4[%add3A_693, %dma_start3A_704] : memref<8192x1024xf32, #tpu.memory_space<hbm>> -> memref<16x1024xf32, #tpu.memory_space<hbm>>
    %dma_start3A_706 = arith.constant 0 : i32
    %dma_start3A_707 = arith.constant 0 : i32
    %dma_start3A_708 = tpu.memref_slice %arg5[%dma_start3A_694, %dma_start3A_706, %dma_start3A_707] : memref<4x16x1024xf32, #tpu.memory_space<vmem>> -> memref<1x16x1024xf32, #tpu.memory_space<vmem>>
    %dma_start3A_709 = tpu.memref_squeeze %dma_start3A_708 : memref<1x16x1024xf32, #tpu.memory_space<vmem>> -> memref<16x1024xf32, #tpu.memory_space<vmem>>
    tpu.enqueue_dma source(%dma_start3A_709 : memref<16x1024xf32, #tpu.memory_space<vmem>>) target(%dma_start3A_705 : memref<16x1024xf32, #tpu.memory_space<hbm>>) target_semaphore(%dma_start3A_703 : memref<!tpu.dma_semaphore, #tpu.memory_space<semaphore_mem>>)
    %dma_wait3A_710 = arith.constant 2 : i32
    %dma_wait3A_711 = arith.constant 2 : i32
    %dma_wait3A_712 = arith.constant 0 : i32
    %dma_wait3A_713 = arith.constant 0 : i32
    %dma_wait3A_714 = tpu.memref_slice %arg5[%dma_wait3A_710, %dma_wait3A_712, %dma_wait3A_713] : memref<4x16x1024xf32, #tpu.memory_space<vmem>> -> memref<1x16x1024xf32, #tpu.memory_space<vmem>>
    %dma_wait3A_715 = tpu.memref_squeeze %dma_wait3A_714 : memref<1x16x1024xf32, #tpu.memory_space<vmem>> -> memref<16x1024xf32, #tpu.memory_space<vmem>>
    %dma_wait3A_716 = arith.constant 0 : i32
    %dma_wait3A_717 = tpu.memref_slice %arg4[%add3A_616, %dma_wait3A_716] : memref<8192x1024xf32, #tpu.memory_space<hbm>> -> memref<16x1024xf32, #tpu.memory_space<hbm>>
    %dma_wait3A_718 = tpu.memref_slice %arg8[%dma_wait3A_711] : memref<4x!tpu.dma_semaphore, #tpu.memory_space<semaphore_mem>> -> memref<1x!tpu.dma_semaphore, #tpu.memory_space<semaphore_mem>>
    %dma_wait3A_719 = tpu.memref_squeeze %dma_wait3A_718 : memref<1x!tpu.dma_semaphore, #tpu.memory_space<semaphore_mem>> -> memref<!tpu.dma_semaphore, #tpu.memory_space<semaphore_mem>>
    %dma_wait3A_720 = arith.constant 0 : i32
    %dma_wait3A_721 = tpu.memref_slice %arg4[%add3A_616, %dma_wait3A_720] : memref<8192x1024xf32, #tpu.memory_space<hbm>> -> memref<16x1024xf32, #tpu.memory_space<hbm>>
    %dma_wait3A_722 = arith.constant 0 : i32
    %dma_wait3A_723 = arith.constant 0 : i32
    %dma_wait3A_724 = tpu.memref_slice %arg5[%dma_wait3A_710, %dma_wait3A_722, %dma_wait3A_723] : memref<4x16x1024xf32, #tpu.memory_space<vmem>> -> memref<1x16x1024xf32, #tpu.memory_space<vmem>>
    %dma_wait3A_725 = tpu.memref_squeeze %dma_wait3A_724 : memref<1x16x1024xf32, #tpu.memory_space<vmem>> -> memref<16x1024xf32, #tpu.memory_space<vmem>>
    tpu.wait_dma2 semaphore(%dma_wait3A_719 : memref<!tpu.dma_semaphore, #tpu.memory_space<semaphore_mem>>) src(%dma_wait3A_725 : memref<16x1024xf32, #tpu.memory_space<vmem>>) dst(%dma_wait3A_721 : memref<16x1024xf32, #tpu.memory_space<hbm>>)
    %add3A_726 = arith.constant 4096 : i32
    %add3A_727 = arith.addi %add3A_726, %mul3A_2 : i32
    %add3A_728 = arith.constant 32 : i32
    %add3A_729 = arith.addi %add3A_727, %add3A_728 : i32
    %dma_start3A_730 = arith.constant 2 : i32
    %dma_start3A_731 = arith.constant 2 : i32
    %dma_start3A_732 = arith.constant 0 : i32
    %dma_start3A_733 = arith.constant 0 : i32
    %dma_start3A_734 = tpu.memref_slice %arg5[%dma_start3A_730, %dma_start3A_732, %dma_start3A_733] : memref<4x16x1024xf32, #tpu.memory_space<vmem>> -> memref<1x16x1024xf32, #tpu.memory_space<vmem>>
    %dma_start3A_735 = tpu.memref_squeeze %dma_start3A_734 : memref<1x16x1024xf32, #tpu.memory_space<vmem>> -> memref<16x1024xf32, #tpu.memory_space<vmem>>
    %dma_start3A_736 = arith.constant 0 : i32
    %dma_start3A_737 = tpu.memref_slice %arg2[%add3A_729, %dma_start3A_736] : memref<8192x1024xf32, #tpu.memory_space<hbm>> -> memref<16x1024xf32, #tpu.memory_space<hbm>>
    %dma_start3A_738 = tpu.memref_slice %arg7[%dma_start3A_731] : memref<4x!tpu.dma_semaphore, #tpu.memory_space<semaphore_mem>> -> memref<1x!tpu.dma_semaphore, #tpu.memory_space<semaphore_mem>>
    %dma_start3A_739 = tpu.memref_squeeze %dma_start3A_738 : memref<1x!tpu.dma_semaphore, #tpu.memory_space<semaphore_mem>> -> memref<!tpu.dma_semaphore, #tpu.memory_space<semaphore_mem>>
    %dma_start3A_740 = arith.constant 0 : i32
    %dma_start3A_741 = arith.constant 0 : i32
    %dma_start3A_742 = tpu.memref_slice %arg5[%dma_start3A_730, %dma_start3A_740, %dma_start3A_741] : memref<4x16x1024xf32, #tpu.memory_space<vmem>> -> memref<1x16x1024xf32, #tpu.memory_space<vmem>>
    %dma_start3A_743 = tpu.memref_squeeze %dma_start3A_742 : memref<1x16x1024xf32, #tpu.memory_space<vmem>> -> memref<16x1024xf32, #tpu.memory_space<vmem>>
    %dma_start3A_744 = arith.constant 0 : i32
    %dma_start3A_745 = tpu.memref_slice %arg2[%add3A_729, %dma_start3A_744] : memref<8192x1024xf32, #tpu.memory_space<hbm>> -> memref<16x1024xf32, #tpu.memory_space<hbm>>
    tpu.enqueue_dma source(%dma_start3A_745 : memref<16x1024xf32, #tpu.memory_space<hbm>>) target(%dma_start3A_743 : memref<16x1024xf32, #tpu.memory_space<vmem>>) target_semaphore(%dma_start3A_739 : memref<!tpu.dma_semaphore, #tpu.memory_space<semaphore_mem>>)
    %add3A_746 = arith.constant 48 : i32
    %add3A_747 = arith.addi %mul3A_2, %add3A_746 : i32
    %dma_start3A_748 = arith.constant 1 : i32
    %dma_start3A_749 = arith.constant 1 : i32
    %dma_start3A_750 = arith.constant 0 : i32
    %dma_start3A_751 = arith.constant 0 : i32
    %dma_start3A_752 = tpu.memref_slice %arg6[%dma_start3A_748, %dma_start3A_750, %dma_start3A_751] : memref<2x16x1024xf32, #tpu.memory_space<vmem>> -> memref<1x16x1024xf32, #tpu.memory_space<vmem>>
    %dma_start3A_753 = tpu.memref_squeeze %dma_start3A_752 : memref<1x16x1024xf32, #tpu.memory_space<vmem>> -> memref<16x1024xf32, #tpu.memory_space<vmem>>
    %dma_start3A_754 = arith.constant 0 : i32
    %dma_start3A_755 = tpu.memref_slice %arg3[%add3A_747, %dma_start3A_754] : memref<2048x1024xf32, #tpu.memory_space<hbm>> -> memref<16x1024xf32, #tpu.memory_space<hbm>>
    %dma_start3A_756 = tpu.memref_slice %arg9[%dma_start3A_749] : memref<2x!tpu.dma_semaphore, #tpu.memory_space<semaphore_mem>> -> memref<1x!tpu.dma_semaphore, #tpu.memory_space<semaphore_mem>>
    %dma_start3A_757 = tpu.memref_squeeze %dma_start3A_756 : memref<1x!tpu.dma_semaphore, #tpu.memory_space<semaphore_mem>> -> memref<!tpu.dma_semaphore, #tpu.memory_space<semaphore_mem>>
    %dma_start3A_758 = arith.constant 0 : i32
    %dma_start3A_759 = arith.constant 0 : i32
    %dma_start3A_760 = tpu.memref_slice %arg6[%dma_start3A_748, %dma_start3A_758, %dma_start3A_759] : memref<2x16x1024xf32, #tpu.memory_space<vmem>> -> memref<1x16x1024xf32, #tpu.memory_space<vmem>>
    %dma_start3A_761 = tpu.memref_squeeze %dma_start3A_760 : memref<1x16x1024xf32, #tpu.memory_space<vmem>> -> memref<16x1024xf32, #tpu.memory_space<vmem>>
    %dma_start3A_762 = arith.constant 0 : i32
    %dma_start3A_763 = tpu.memref_slice %arg3[%add3A_747, %dma_start3A_762] : memref<2048x1024xf32, #tpu.memory_space<hbm>> -> memref<16x1024xf32, #tpu.memory_space<hbm>>
    tpu.enqueue_dma source(%dma_start3A_763 : memref<16x1024xf32, #tpu.memory_space<hbm>>) target(%dma_start3A_761 : memref<16x1024xf32, #tpu.memory_space<vmem>>) target_semaphore(%dma_start3A_757 : memref<!tpu.dma_semaphore, #tpu.memory_space<semaphore_mem>>)
    %dma_wait3A_764 = arith.constant 0 : i32
    %dma_wait3A_765 = arith.constant 0 : i32
    %dma_wait3A_766 = arith.constant 0 : i32
    %dma_wait3A_767 = arith.constant 0 : i32
    %dma_wait3A_768 = tpu.memref_slice %arg6[%dma_wait3A_764, %dma_wait3A_766, %dma_wait3A_767] : memref<2x16x1024xf32, #tpu.memory_space<vmem>> -> memref<1x16x1024xf32, #tpu.memory_space<vmem>>
    %dma_wait3A_769 = tpu.memref_squeeze %dma_wait3A_768 : memref<1x16x1024xf32, #tpu.memory_space<vmem>> -> memref<16x1024xf32, #tpu.memory_space<vmem>>
    %dma_wait3A_770 = arith.constant 0 : i32
    %dma_wait3A_771 = tpu.memref_slice %arg3[%add3A_405, %dma_wait3A_770] : memref<2048x1024xf32, #tpu.memory_space<hbm>> -> memref<16x1024xf32, #tpu.memory_space<hbm>>
    %dma_wait3A_772 = tpu.memref_slice %arg9[%dma_wait3A_765] : memref<2x!tpu.dma_semaphore, #tpu.memory_space<semaphore_mem>> -> memref<1x!tpu.dma_semaphore, #tpu.memory_space<semaphore_mem>>
    %dma_wait3A_773 = tpu.memref_squeeze %dma_wait3A_772 : memref<1x!tpu.dma_semaphore, #tpu.memory_space<semaphore_mem>> -> memref<!tpu.dma_semaphore, #tpu.memory_space<semaphore_mem>>
    %dma_wait3A_774 = arith.constant 0 : i32
    %dma_wait3A_775 = arith.constant 0 : i32
    %dma_wait3A_776 = tpu.memref_slice %arg6[%dma_wait3A_764, %dma_wait3A_774, %dma_wait3A_775] : memref<2x16x1024xf32, #tpu.memory_space<vmem>> -> memref<1x16x1024xf32, #tpu.memory_space<vmem>>
    %dma_wait3A_777 = tpu.memref_squeeze %dma_wait3A_776 : memref<1x16x1024xf32, #tpu.memory_space<vmem>> -> memref<16x1024xf32, #tpu.memory_space<vmem>>
    %dma_wait3A_778 = arith.constant 0 : i32
    %dma_wait3A_779 = tpu.memref_slice %arg3[%add3A_405, %dma_wait3A_778] : memref<2048x1024xf32, #tpu.memory_space<hbm>> -> memref<16x1024xf32, #tpu.memory_space<hbm>>
    tpu.wait_dma2 semaphore(%dma_wait3A_773 : memref<!tpu.dma_semaphore, #tpu.memory_space<semaphore_mem>>) src(%dma_wait3A_779 : memref<16x1024xf32, #tpu.memory_space<hbm>>) dst(%dma_wait3A_777 : memref<16x1024xf32, #tpu.memory_space<vmem>>)
    %dma_wait3A_780 = arith.constant 0 : i32
    %dma_wait3A_781 = arith.constant 0 : i32
    %dma_wait3A_782 = arith.constant 0 : i32
    %dma_wait3A_783 = arith.constant 0 : i32
    %dma_wait3A_784 = tpu.memref_slice %arg5[%dma_wait3A_780, %dma_wait3A_782, %dma_wait3A_783] : memref<4x16x1024xf32, #tpu.memory_space<vmem>> -> memref<1x16x1024xf32, #tpu.memory_space<vmem>>
    %dma_wait3A_785 = tpu.memref_squeeze %dma_wait3A_784 : memref<1x16x1024xf32, #tpu.memory_space<vmem>> -> memref<16x1024xf32, #tpu.memory_space<vmem>>
    %dma_wait3A_786 = arith.constant 0 : i32
    %dma_wait3A_787 = tpu.memref_slice %arg2[%add3A_575, %dma_wait3A_786] : memref<8192x1024xf32, #tpu.memory_space<hbm>> -> memref<16x1024xf32, #tpu.memory_space<hbm>>
    %dma_wait3A_788 = tpu.memref_slice %arg7[%dma_wait3A_781] : memref<4x!tpu.dma_semaphore, #tpu.memory_space<semaphore_mem>> -> memref<1x!tpu.dma_semaphore, #tpu.memory_space<semaphore_mem>>
    %dma_wait3A_789 = tpu.memref_squeeze %dma_wait3A_788 : memref<1x!tpu.dma_semaphore, #tpu.memory_space<semaphore_mem>> -> memref<!tpu.dma_semaphore, #tpu.memory_space<semaphore_mem>>
    %dma_wait3A_790 = arith.constant 0 : i32
    %dma_wait3A_791 = arith.constant 0 : i32
    %dma_wait3A_792 = tpu.memref_slice %arg5[%dma_wait3A_780, %dma_wait3A_790, %dma_wait3A_791] : memref<4x16x1024xf32, #tpu.memory_space<vmem>> -> memref<1x16x1024xf32, #tpu.memory_space<vmem>>
    %dma_wait3A_793 = tpu.memref_squeeze %dma_wait3A_792 : memref<1x16x1024xf32, #tpu.memory_space<vmem>> -> memref<16x1024xf32, #tpu.memory_space<vmem>>
    %dma_wait3A_794 = arith.constant 0 : i32
    %dma_wait3A_795 = tpu.memref_slice %arg2[%add3A_575, %dma_wait3A_794] : memref<8192x1024xf32, #tpu.memory_space<hbm>> -> memref<16x1024xf32, #tpu.memory_space<hbm>>
    tpu.wait_dma2 semaphore(%dma_wait3A_789 : memref<!tpu.dma_semaphore, #tpu.memory_space<semaphore_mem>>) src(%dma_wait3A_795 : memref<16x1024xf32, #tpu.memory_space<hbm>>) dst(%dma_wait3A_793 : memref<16x1024xf32, #tpu.memory_space<vmem>>)
    %parallel_loop3A_796 = arith.constant 0 : i32
    %parallel_loop3A_797 = arith.constant 16384 : i32
    %parallel_loop3A_798 = arith.constant 16 : i32
    %parallel_loop3A_799 = arith.constant 0 : i32
    %parallel_loop3A_800 = arith.constant 0 : i32
    scf.for %parallel_loop3A_1368 = %parallel_loop3A_796 to %parallel_loop3A_797 step %parallel_loop3A_798  : i32 {
      %parallel_loop3A_1369 = arith.constant 1024 : i32
      %parallel_loop3A_1370 = arith.divsi %parallel_loop3A_1368, %parallel_loop3A_1369 : i32
      %parallel_loop3A_1371 = arith.constant 0 : i32
      %parallel_loop3A_1372 = arith.cmpi sgt, %parallel_loop3A_1368, %parallel_loop3A_1371 : i32
      %parallel_loop3A_1373 = arith.extui %parallel_loop3A_1372 : i1 to i32
      %parallel_loop3A_1374 = arith.constant 0 : i32
      %parallel_loop3A_1375 = arith.cmpi slt, %parallel_loop3A_1368, %parallel_loop3A_1374 : i32
      %parallel_loop3A_1376 = arith.extui %parallel_loop3A_1375 : i1 to i32
      %parallel_loop3A_1377 = arith.subi %parallel_loop3A_1373, %parallel_loop3A_1376 : i32
      %parallel_loop3A_1378 = arith.constant 0 : i32
      %parallel_loop3A_1379 = arith.cmpi sgt, %parallel_loop3A_1369, %parallel_loop3A_1378 : i32
      %parallel_loop3A_1380 = arith.extui %parallel_loop3A_1379 : i1 to i32
      %parallel_loop3A_1381 = arith.constant 0 : i32
      %parallel_loop3A_1382 = arith.cmpi slt, %parallel_loop3A_1369, %parallel_loop3A_1381 : i32
      %parallel_loop3A_1383 = arith.extui %parallel_loop3A_1382 : i1 to i32
      %parallel_loop3A_1384 = arith.subi %parallel_loop3A_1380, %parallel_loop3A_1383 : i32
      %parallel_loop3A_1385 = arith.cmpi ne, %parallel_loop3A_1377, %parallel_loop3A_1384 : i32
      %parallel_loop3A_1386 = arith.remsi %parallel_loop3A_1368, %parallel_loop3A_1369 : i32
      %parallel_loop3A_1387 = arith.constant 0 : i32
      %parallel_loop3A_1388 = arith.cmpi ne, %parallel_loop3A_1386, %parallel_loop3A_1387 : i32
      %parallel_loop3A_1389 = arith.andi %parallel_loop3A_1385, %parallel_loop3A_1388 : i1
      %parallel_loop3A_1390 = arith.constant 1 : i32
      %parallel_loop3A_1391 = arith.subi %parallel_loop3A_1370, %parallel_loop3A_1390 : i32
      %parallel_loop3A_1392 = arith.select %parallel_loop3A_1389, %parallel_loop3A_1391, %parallel_loop3A_1370 : i32
      %parallel_loop3A_1393 = arith.constant 1024 : i32
      %parallel_loop3A_1394 = arith.muli %parallel_loop3A_1392, %parallel_loop3A_1393 : i32
      %parallel_loop3A_1395 = arith.subi %parallel_loop3A_1368, %parallel_loop3A_1394 : i32
      %parallel_loop3A_1396 = arith.constant 0 : i32
      %parallel_loop3A_1397 = arith.constant 0 : i32
      %parallel_loop3A_1398 = tpu.memref_slice %arg5[%parallel_loop3A_799, %parallel_loop3A_1396, %parallel_loop3A_1397] : memref<4x16x1024xf32, #tpu.memory_space<vmem>> -> memref<1x16x1024xf32, #tpu.memory_space<vmem>>
      %parallel_loop3A_1399 = tpu.memref_squeeze %parallel_loop3A_1398 : memref<1x16x1024xf32, #tpu.memory_space<vmem>> -> memref<16x1024xf32, #tpu.memory_space<vmem>>
      %parallel_loop3A_1400 = arith.index_cast %parallel_loop3A_1392 : i32 to index
      %parallel_loop3A_1401 = arith.index_cast %parallel_loop3A_1395 : i32 to index
      %parallel_loop3A_1402 = tpu.vector_load %parallel_loop3A_1399[%parallel_loop3A_1400, %parallel_loop3A_1401] {strides = array<i32>} : memref<16x1024xf32, #tpu.memory_space<vmem>>, vector<1x16xf32>,
      %parallel_loop3A_1403 = vector.shape_cast %parallel_loop3A_1402 : vector<1x16xf32> to vector<16xf32>
      %parallel_loop3A_1404 = arith.constant 0 : i32
      %parallel_loop3A_1405 = arith.constant 0 : i32
      %parallel_loop3A_1406 = tpu.memref_slice %arg6[%parallel_loop3A_800, %parallel_loop3A_1404, %parallel_loop3A_1405] : memref<2x16x1024xf32, #tpu.memory_space<vmem>> -> memref<1x16x1024xf32, #tpu.memory_space<vmem>>
      %parallel_loop3A_1407 = tpu.memref_squeeze %parallel_loop3A_1406 : memref<1x16x1024xf32, #tpu.memory_space<vmem>> -> memref<16x1024xf32, #tpu.memory_space<vmem>>
      %parallel_loop3A_1408 = arith.index_cast %parallel_loop3A_1392 : i32 to index
      %parallel_loop3A_1409 = arith.index_cast %parallel_loop3A_1395 : i32 to index
      %parallel_loop3A_1410 = tpu.vector_load %parallel_loop3A_1407[%parallel_loop3A_1408, %parallel_loop3A_1409] {strides = array<i32>} : memref<16x1024xf32, #tpu.memory_space<vmem>>, vector<1x16xf32>,
      %parallel_loop3A_1411 = vector.shape_cast %parallel_loop3A_1410 : vector<1x16xf32> to vector<16xf32>
      %parallel_loop3A_1412 = arith.addf %parallel_loop3A_1403, %parallel_loop3A_1411 : vector<16xf32>
      %parallel_loop3A_1413 = arith.constant 0 : i32
      %parallel_loop3A_1414 = arith.constant 0 : i32
      %parallel_loop3A_1415 = tpu.memref_slice %arg5[%parallel_loop3A_799, %parallel_loop3A_1413, %parallel_loop3A_1414] : memref<4x16x1024xf32, #tpu.memory_space<vmem>> -> memref<1x16x1024xf32, #tpu.memory_space<vmem>>
      %parallel_loop3A_1416 = tpu.memref_squeeze %parallel_loop3A_1415 : memref<1x16x1024xf32, #tpu.memory_space<vmem>> -> memref<16x1024xf32, #tpu.memory_space<vmem>>
      %parallel_loop3A_1417 = arith.index_cast %parallel_loop3A_1392 : i32 to index
      %parallel_loop3A_1418 = arith.index_cast %parallel_loop3A_1395 : i32 to index
      %parallel_loop3A_1419 = tpu.vector_load %parallel_loop3A_1416[%parallel_loop3A_1417, %parallel_loop3A_1418] {strides = array<i32>} : memref<16x1024xf32, #tpu.memory_space<vmem>>, vector<1x16xf32>,
      %parallel_loop3A_1420 = vector.shape_cast %parallel_loop3A_1419 : vector<1x16xf32> to vector<16xf32>
      %parallel_loop3A_1421 = vector.shape_cast %parallel_loop3A_1412 : vector<16xf32> to vector<1x16xf32>
      tpu.vector_store %parallel_loop3A_1416[%parallel_loop3A_1417, %parallel_loop3A_1418], %parallel_loop3A_1421 {strides = array<i32>} : memref<16x1024xf32, #tpu.memory_space<vmem>>, vector<1x16xf32>,
    } {sc.loop_unroll_factor = 8 : i64, sc.parallel_access}
    %add3A_801 = arith.constant 0 : i32
    %add3A_802 = arith.addi %add3A_801, %mul3A_2 : i32
    %add3A_803 = arith.constant 32 : i32
    %add3A_804 = arith.addi %add3A_802, %add3A_803 : i32
    %dma_start3A_805 = arith.constant 0 : i32
    %dma_start3A_806 = arith.constant 0 : i32
    %dma_start3A_807 = arith.constant 0 : i32
    %dma_start3A_808 = arith.constant 0 : i32
    %dma_start3A_809 = tpu.memref_slice %arg5[%dma_start3A_805, %dma_start3A_807, %dma_start3A_808] : memref<4x16x1024xf32, #tpu.memory_space<vmem>> -> memref<1x16x1024xf32, #tpu.memory_space<vmem>>
    %dma_start3A_810 = tpu.memref_squeeze %dma_start3A_809 : memref<1x16x1024xf32, #tpu.memory_space<vmem>> -> memref<16x1024xf32, #tpu.memory_space<vmem>>
    %dma_start3A_811 = arith.constant 0 : i32
    %dma_start3A_812 = tpu.memref_slice %arg4[%add3A_804, %dma_start3A_811] : memref<8192x1024xf32, #tpu.memory_space<hbm>> -> memref<16x1024xf32, #tpu.memory_space<hbm>>
    %dma_start3A_813 = tpu.memref_slice %arg8[%dma_start3A_806] : memref<4x!tpu.dma_semaphore, #tpu.memory_space<semaphore_mem>> -> memref<1x!tpu.dma_semaphore, #tpu.memory_space<semaphore_mem>>
    %dma_start3A_814 = tpu.memref_squeeze %dma_start3A_813 : memref<1x!tpu.dma_semaphore, #tpu.memory_space<semaphore_mem>> -> memref<!tpu.dma_semaphore, #tpu.memory_space<semaphore_mem>>
    %dma_start3A_815 = arith.constant 0 : i32
    %dma_start3A_816 = tpu.memref_slice %arg4[%add3A_804, %dma_start3A_815] : memref<8192x1024xf32, #tpu.memory_space<hbm>> -> memref<16x1024xf32, #tpu.memory_space<hbm>>
    %dma_start3A_817 = arith.constant 0 : i32
    %dma_start3A_818 = arith.constant 0 : i32
    %dma_start3A_819 = tpu.memref_slice %arg5[%dma_start3A_805, %dma_start3A_817, %dma_start3A_818] : memref<4x16x1024xf32, #tpu.memory_space<vmem>> -> memref<1x16x1024xf32, #tpu.memory_space<vmem>>
    %dma_start3A_820 = tpu.memref_squeeze %dma_start3A_819 : memref<1x16x1024xf32, #tpu.memory_space<vmem>> -> memref<16x1024xf32, #tpu.memory_space<vmem>>
    tpu.enqueue_dma source(%dma_start3A_820 : memref<16x1024xf32, #tpu.memory_space<vmem>>) target(%dma_start3A_816 : memref<16x1024xf32, #tpu.memory_space<hbm>>) target_semaphore(%dma_start3A_814 : memref<!tpu.dma_semaphore, #tpu.memory_space<semaphore_mem>>)
    %dma_wait3A_821 = arith.constant 3 : i32
    %dma_wait3A_822 = arith.constant 3 : i32
    %dma_wait3A_823 = arith.constant 0 : i32
    %dma_wait3A_824 = arith.constant 0 : i32
    %dma_wait3A_825 = tpu.memref_slice %arg5[%dma_wait3A_821, %dma_wait3A_823, %dma_wait3A_824] : memref<4x16x1024xf32, #tpu.memory_space<vmem>> -> memref<1x16x1024xf32, #tpu.memory_space<vmem>>
    %dma_wait3A_826 = tpu.memref_squeeze %dma_wait3A_825 : memref<1x16x1024xf32, #tpu.memory_space<vmem>> -> memref<16x1024xf32, #tpu.memory_space<vmem>>
    %dma_wait3A_827 = arith.constant 0 : i32
    %dma_wait3A_828 = tpu.memref_slice %arg4[%add3A_693, %dma_wait3A_827] : memref<8192x1024xf32, #tpu.memory_space<hbm>> -> memref<16x1024xf32, #tpu.memory_space<hbm>>
    %dma_wait3A_829 = tpu.memref_slice %arg8[%dma_wait3A_822] : memref<4x!tpu.dma_semaphore, #tpu.memory_space<semaphore_mem>> -> memref<1x!tpu.dma_semaphore, #tpu.memory_space<semaphore_mem>>
    %dma_wait3A_830 = tpu.memref_squeeze %dma_wait3A_829 : memref<1x!tpu.dma_semaphore, #tpu.memory_space<semaphore_mem>> -> memref<!tpu.dma_semaphore, #tpu.memory_space<semaphore_mem>>
    %dma_wait3A_831 = arith.constant 0 : i32
    %dma_wait3A_832 = tpu.memref_slice %arg4[%add3A_693, %dma_wait3A_831] : memref<8192x1024xf32, #tpu.memory_space<hbm>> -> memref<16x1024xf32, #tpu.memory_space<hbm>>
    %dma_wait3A_833 = arith.constant 0 : i32
    %dma_wait3A_834 = arith.constant 0 : i32
    %dma_wait3A_835 = tpu.memref_slice %arg5[%dma_wait3A_821, %dma_wait3A_833, %dma_wait3A_834] : memref<4x16x1024xf32, #tpu.memory_space<vmem>> -> memref<1x16x1024xf32, #tpu.memory_space<vmem>>
    %dma_wait3A_836 = tpu.memref_squeeze %dma_wait3A_835 : memref<1x16x1024xf32, #tpu.memory_space<vmem>> -> memref<16x1024xf32, #tpu.memory_space<vmem>>
    tpu.wait_dma2 semaphore(%dma_wait3A_830 : memref<!tpu.dma_semaphore, #tpu.memory_space<semaphore_mem>>) src(%dma_wait3A_836 : memref<16x1024xf32, #tpu.memory_space<vmem>>) dst(%dma_wait3A_832 : memref<16x1024xf32, #tpu.memory_space<hbm>>)
    %add3A_837 = arith.constant 6144 : i32
    %add3A_838 = arith.addi %add3A_837, %mul3A_2 : i32
    %add3A_839 = arith.constant 32 : i32
    %add3A_840 = arith.addi %add3A_838, %add3A_839 : i32
    %dma_start3A_841 = arith.constant 3 : i32
    %dma_start3A_842 = arith.constant 3 : i32
    %dma_start3A_843 = arith.constant 0 : i32
    %dma_start3A_844 = arith.constant 0 : i32
    %dma_start3A_845 = tpu.memref_slice %arg5[%dma_start3A_841, %dma_start3A_843, %dma_start3A_844] : memref<4x16x1024xf32, #tpu.memory_space<vmem>> -> memref<1x16x1024xf32, #tpu.memory_space<vmem>>
    %dma_start3A_846 = tpu.memref_squeeze %dma_start3A_845 : memref<1x16x1024xf32, #tpu.memory_space<vmem>> -> memref<16x1024xf32, #tpu.memory_space<vmem>>
    %dma_start3A_847 = arith.constant 0 : i32
    %dma_start3A_848 = tpu.memref_slice %arg2[%add3A_840, %dma_start3A_847] : memref<8192x1024xf32, #tpu.memory_space<hbm>> -> memref<16x1024xf32, #tpu.memory_space<hbm>>
    %dma_start3A_849 = tpu.memref_slice %arg7[%dma_start3A_842] : memref<4x!tpu.dma_semaphore, #tpu.memory_space<semaphore_mem>> -> memref<1x!tpu.dma_semaphore, #tpu.memory_space<semaphore_mem>>
    %dma_start3A_850 = tpu.memref_squeeze %dma_start3A_849 : memref<1x!tpu.dma_semaphore, #tpu.memory_space<semaphore_mem>> -> memref<!tpu.dma_semaphore, #tpu.memory_space<semaphore_mem>>
    %dma_start3A_851 = arith.constant 0 : i32
    %dma_start3A_852 = arith.constant 0 : i32
    %dma_start3A_853 = tpu.memref_slice %arg5[%dma_start3A_841, %dma_start3A_851, %dma_start3A_852] : memref<4x16x1024xf32, #tpu.memory_space<vmem>> -> memref<1x16x1024xf32, #tpu.memory_space<vmem>>
    %dma_start3A_854 = tpu.memref_squeeze %dma_start3A_853 : memref<1x16x1024xf32, #tpu.memory_space<vmem>> -> memref<16x1024xf32, #tpu.memory_space<vmem>>
    %dma_start3A_855 = arith.constant 0 : i32
    %dma_start3A_856 = tpu.memref_slice %arg2[%add3A_840, %dma_start3A_855] : memref<8192x1024xf32, #tpu.memory_space<hbm>> -> memref<16x1024xf32, #tpu.memory_space<hbm>>
    tpu.enqueue_dma source(%dma_start3A_856 : memref<16x1024xf32, #tpu.memory_space<hbm>>) target(%dma_start3A_854 : memref<16x1024xf32, #tpu.memory_space<vmem>>) target_semaphore(%dma_start3A_850 : memref<!tpu.dma_semaphore, #tpu.memory_space<semaphore_mem>>)
    %dma_wait3A_857 = arith.constant 1 : i32
    %dma_wait3A_858 = arith.constant 1 : i32
    %dma_wait3A_859 = arith.constant 0 : i32
    %dma_wait3A_860 = arith.constant 0 : i32
    %dma_wait3A_861 = tpu.memref_slice %arg5[%dma_wait3A_857, %dma_wait3A_859, %dma_wait3A_860] : memref<4x16x1024xf32, #tpu.memory_space<vmem>> -> memref<1x16x1024xf32, #tpu.memory_space<vmem>>
    %dma_wait3A_862 = tpu.memref_squeeze %dma_wait3A_861 : memref<1x16x1024xf32, #tpu.memory_space<vmem>> -> memref<16x1024xf32, #tpu.memory_space<vmem>>
    %dma_wait3A_863 = arith.constant 0 : i32
    %dma_wait3A_864 = tpu.memref_slice %arg2[%add3A_652, %dma_wait3A_863] : memref<8192x1024xf32, #tpu.memory_space<hbm>> -> memref<16x1024xf32, #tpu.memory_space<hbm>>
    %dma_wait3A_865 = tpu.memref_slice %arg7[%dma_wait3A_858] : memref<4x!tpu.dma_semaphore, #tpu.memory_space<semaphore_mem>> -> memref<1x!tpu.dma_semaphore, #tpu.memory_space<semaphore_mem>>
    %dma_wait3A_866 = tpu.memref_squeeze %dma_wait3A_865 : memref<1x!tpu.dma_semaphore, #tpu.memory_space<semaphore_mem>> -> memref<!tpu.dma_semaphore, #tpu.memory_space<semaphore_mem>>
    %dma_wait3A_867 = arith.constant 0 : i32
    %dma_wait3A_868 = arith.constant 0 : i32
    %dma_wait3A_869 = tpu.memref_slice %arg5[%dma_wait3A_857, %dma_wait3A_867, %dma_wait3A_868] : memref<4x16x1024xf32, #tpu.memory_space<vmem>> -> memref<1x16x1024xf32, #tpu.memory_space<vmem>>
    %dma_wait3A_870 = tpu.memref_squeeze %dma_wait3A_869 : memref<1x16x1024xf32, #tpu.memory_space<vmem>> -> memref<16x1024xf32, #tpu.memory_space<vmem>>
    %dma_wait3A_871 = arith.constant 0 : i32
    %dma_wait3A_872 = tpu.memref_slice %arg2[%add3A_652, %dma_wait3A_871] : memref<8192x1024xf32, #tpu.memory_space<hbm>> -> memref<16x1024xf32, #tpu.memory_space<hbm>>
    tpu.wait_dma2 semaphore(%dma_wait3A_866 : memref<!tpu.dma_semaphore, #tpu.memory_space<semaphore_mem>>) src(%dma_wait3A_872 : memref<16x1024xf32, #tpu.memory_space<hbm>>) dst(%dma_wait3A_870 : memref<16x1024xf32, #tpu.memory_space<vmem>>)
    %parallel_loop3A_873 = arith.constant 0 : i32
    %parallel_loop3A_874 = arith.constant 16384 : i32
    %parallel_loop3A_875 = arith.constant 16 : i32
    %parallel_loop3A_876 = arith.constant 1 : i32
    %parallel_loop3A_877 = arith.constant 0 : i32
    scf.for %parallel_loop3A_1368 = %parallel_loop3A_873 to %parallel_loop3A_874 step %parallel_loop3A_875  : i32 {
      %parallel_loop3A_1369 = arith.constant 1024 : i32
      %parallel_loop3A_1370 = arith.divsi %parallel_loop3A_1368, %parallel_loop3A_1369 : i32
      %parallel_loop3A_1371 = arith.constant 0 : i32
      %parallel_loop3A_1372 = arith.cmpi sgt, %parallel_loop3A_1368, %parallel_loop3A_1371 : i32
      %parallel_loop3A_1373 = arith.extui %parallel_loop3A_1372 : i1 to i32
      %parallel_loop3A_1374 = arith.constant 0 : i32
      %parallel_loop3A_1375 = arith.cmpi slt, %parallel_loop3A_1368, %parallel_loop3A_1374 : i32
      %parallel_loop3A_1376 = arith.extui %parallel_loop3A_1375 : i1 to i32
      %parallel_loop3A_1377 = arith.subi %parallel_loop3A_1373, %parallel_loop3A_1376 : i32
      %parallel_loop3A_1378 = arith.constant 0 : i32
      %parallel_loop3A_1379 = arith.cmpi sgt, %parallel_loop3A_1369, %parallel_loop3A_1378 : i32
      %parallel_loop3A_1380 = arith.extui %parallel_loop3A_1379 : i1 to i32
      %parallel_loop3A_1381 = arith.constant 0 : i32
      %parallel_loop3A_1382 = arith.cmpi slt, %parallel_loop3A_1369, %parallel_loop3A_1381 : i32
      %parallel_loop3A_1383 = arith.extui %parallel_loop3A_1382 : i1 to i32
      %parallel_loop3A_1384 = arith.subi %parallel_loop3A_1380, %parallel_loop3A_1383 : i32
      %parallel_loop3A_1385 = arith.cmpi ne, %parallel_loop3A_1377, %parallel_loop3A_1384 : i32
      %parallel_loop3A_1386 = arith.remsi %parallel_loop3A_1368, %parallel_loop3A_1369 : i32
      %parallel_loop3A_1387 = arith.constant 0 : i32
      %parallel_loop3A_1388 = arith.cmpi ne, %parallel_loop3A_1386, %parallel_loop3A_1387 : i32
      %parallel_loop3A_1389 = arith.andi %parallel_loop3A_1385, %parallel_loop3A_1388 : i1
      %parallel_loop3A_1390 = arith.constant 1 : i32
      %parallel_loop3A_1391 = arith.subi %parallel_loop3A_1370, %parallel_loop3A_1390 : i32
      %parallel_loop3A_1392 = arith.select %parallel_loop3A_1389, %parallel_loop3A_1391, %parallel_loop3A_1370 : i32
      %parallel_loop3A_1393 = arith.constant 1024 : i32
      %parallel_loop3A_1394 = arith.muli %parallel_loop3A_1392, %parallel_loop3A_1393 : i32
      %parallel_loop3A_1395 = arith.subi %parallel_loop3A_1368, %parallel_loop3A_1394 : i32
      %parallel_loop3A_1396 = arith.constant 0 : i32
      %parallel_loop3A_1397 = arith.constant 0 : i32
      %parallel_loop3A_1398 = tpu.memref_slice %arg5[%parallel_loop3A_876, %parallel_loop3A_1396, %parallel_loop3A_1397] : memref<4x16x1024xf32, #tpu.memory_space<vmem>> -> memref<1x16x1024xf32, #tpu.memory_space<vmem>>
      %parallel_loop3A_1399 = tpu.memref_squeeze %parallel_loop3A_1398 : memref<1x16x1024xf32, #tpu.memory_space<vmem>> -> memref<16x1024xf32, #tpu.memory_space<vmem>>
      %parallel_loop3A_1400 = arith.index_cast %parallel_loop3A_1392 : i32 to index
      %parallel_loop3A_1401 = arith.index_cast %parallel_loop3A_1395 : i32 to index
      %parallel_loop3A_1402 = tpu.vector_load %parallel_loop3A_1399[%parallel_loop3A_1400, %parallel_loop3A_1401] {strides = array<i32>} : memref<16x1024xf32, #tpu.memory_space<vmem>>, vector<1x16xf32>,
      %parallel_loop3A_1403 = vector.shape_cast %parallel_loop3A_1402 : vector<1x16xf32> to vector<16xf32>
      %parallel_loop3A_1404 = arith.constant 0 : i32
      %parallel_loop3A_1405 = arith.constant 0 : i32
      %parallel_loop3A_1406 = tpu.memref_slice %arg6[%parallel_loop3A_877, %parallel_loop3A_1404, %parallel_loop3A_1405] : memref<2x16x1024xf32, #tpu.memory_space<vmem>> -> memref<1x16x1024xf32, #tpu.memory_space<vmem>>
      %parallel_loop3A_1407 = tpu.memref_squeeze %parallel_loop3A_1406 : memref<1x16x1024xf32, #tpu.memory_space<vmem>> -> memref<16x1024xf32, #tpu.memory_space<vmem>>
      %parallel_loop3A_1408 = arith.index_cast %parallel_loop3A_1392 : i32 to index
      %parallel_loop3A_1409 = arith.index_cast %parallel_loop3A_1395 : i32 to index
      %parallel_loop3A_1410 = tpu.vector_load %parallel_loop3A_1407[%parallel_loop3A_1408, %parallel_loop3A_1409] {strides = array<i32>} : memref<16x1024xf32, #tpu.memory_space<vmem>>, vector<1x16xf32>,
      %parallel_loop3A_1411 = vector.shape_cast %parallel_loop3A_1410 : vector<1x16xf32> to vector<16xf32>
      %parallel_loop3A_1412 = arith.addf %parallel_loop3A_1403, %parallel_loop3A_1411 : vector<16xf32>
      %parallel_loop3A_1413 = arith.constant 0 : i32
      %parallel_loop3A_1414 = arith.constant 0 : i32
      %parallel_loop3A_1415 = tpu.memref_slice %arg5[%parallel_loop3A_876, %parallel_loop3A_1413, %parallel_loop3A_1414] : memref<4x16x1024xf32, #tpu.memory_space<vmem>> -> memref<1x16x1024xf32, #tpu.memory_space<vmem>>
      %parallel_loop3A_1416 = tpu.memref_squeeze %parallel_loop3A_1415 : memref<1x16x1024xf32, #tpu.memory_space<vmem>> -> memref<16x1024xf32, #tpu.memory_space<vmem>>
      %parallel_loop3A_1417 = arith.index_cast %parallel_loop3A_1392 : i32 to index
      %parallel_loop3A_1418 = arith.index_cast %parallel_loop3A_1395 : i32 to index
      %parallel_loop3A_1419 = tpu.vector_load %parallel_loop3A_1416[%parallel_loop3A_1417, %parallel_loop3A_1418] {strides = array<i32>} : memref<16x1024xf32, #tpu.memory_space<vmem>>, vector<1x16xf32>,
      %parallel_loop3A_1420 = vector.shape_cast %parallel_loop3A_1419 : vector<1x16xf32> to vector<16xf32>
      %parallel_loop3A_1421 = vector.shape_cast %parallel_loop3A_1412 : vector<16xf32> to vector<1x16xf32>
      tpu.vector_store %parallel_loop3A_1416[%parallel_loop3A_1417, %parallel_loop3A_1418], %parallel_loop3A_1421 {strides = array<i32>} : memref<16x1024xf32, #tpu.memory_space<vmem>>, vector<1x16xf32>,
    } {sc.loop_unroll_factor = 8 : i64, sc.parallel_access}
    %add3A_878 = arith.constant 2048 : i32
    %add3A_879 = arith.addi %add3A_878, %mul3A_2 : i32
    %add3A_880 = arith.constant 32 : i32
    %add3A_881 = arith.addi %add3A_879, %add3A_880 : i32
    %dma_start3A_882 = arith.constant 1 : i32
    %dma_start3A_883 = arith.constant 1 : i32
    %dma_start3A_884 = arith.constant 0 : i32
    %dma_start3A_885 = arith.constant 0 : i32
    %dma_start3A_886 = tpu.memref_slice %arg5[%dma_start3A_882, %dma_start3A_884, %dma_start3A_885] : memref<4x16x1024xf32, #tpu.memory_space<vmem>> -> memref<1x16x1024xf32, #tpu.memory_space<vmem>>
    %dma_start3A_887 = tpu.memref_squeeze %dma_start3A_886 : memref<1x16x1024xf32, #tpu.memory_space<vmem>> -> memref<16x1024xf32, #tpu.memory_space<vmem>>
    %dma_start3A_888 = arith.constant 0 : i32
    %dma_start3A_889 = tpu.memref_slice %arg4[%add3A_881, %dma_start3A_888] : memref<8192x1024xf32, #tpu.memory_space<hbm>> -> memref<16x1024xf32, #tpu.memory_space<hbm>>
    %dma_start3A_890 = tpu.memref_slice %arg8[%dma_start3A_883] : memref<4x!tpu.dma_semaphore, #tpu.memory_space<semaphore_mem>> -> memref<1x!tpu.dma_semaphore, #tpu.memory_space<semaphore_mem>>
    %dma_start3A_891 = tpu.memref_squeeze %dma_start3A_890 : memref<1x!tpu.dma_semaphore, #tpu.memory_space<semaphore_mem>> -> memref<!tpu.dma_semaphore, #tpu.memory_space<semaphore_mem>>
    %dma_start3A_892 = arith.constant 0 : i32
    %dma_start3A_893 = tpu.memref_slice %arg4[%add3A_881, %dma_start3A_892] : memref<8192x1024xf32, #tpu.memory_space<hbm>> -> memref<16x1024xf32, #tpu.memory_space<hbm>>
    %dma_start3A_894 = arith.constant 0 : i32
    %dma_start3A_895 = arith.constant 0 : i32
    %dma_start3A_896 = tpu.memref_slice %arg5[%dma_start3A_882, %dma_start3A_894, %dma_start3A_895] : memref<4x16x1024xf32, #tpu.memory_space<vmem>> -> memref<1x16x1024xf32, #tpu.memory_space<vmem>>
    %dma_start3A_897 = tpu.memref_squeeze %dma_start3A_896 : memref<1x16x1024xf32, #tpu.memory_space<vmem>> -> memref<16x1024xf32, #tpu.memory_space<vmem>>
    tpu.enqueue_dma source(%dma_start3A_897 : memref<16x1024xf32, #tpu.memory_space<vmem>>) target(%dma_start3A_893 : memref<16x1024xf32, #tpu.memory_space<hbm>>) target_semaphore(%dma_start3A_891 : memref<!tpu.dma_semaphore, #tpu.memory_space<semaphore_mem>>)
    %dma_wait3A_898 = arith.constant 0 : i32
    %dma_wait3A_899 = arith.constant 0 : i32
    %dma_wait3A_900 = arith.constant 0 : i32
    %dma_wait3A_901 = arith.constant 0 : i32
    %dma_wait3A_902 = tpu.memref_slice %arg5[%dma_wait3A_898, %dma_wait3A_900, %dma_wait3A_901] : memref<4x16x1024xf32, #tpu.memory_space<vmem>> -> memref<1x16x1024xf32, #tpu.memory_space<vmem>>
    %dma_wait3A_903 = tpu.memref_squeeze %dma_wait3A_902 : memref<1x16x1024xf32, #tpu.memory_space<vmem>> -> memref<16x1024xf32, #tpu.memory_space<vmem>>
    %dma_wait3A_904 = arith.constant 0 : i32
    %dma_wait3A_905 = tpu.memref_slice %arg4[%add3A_804, %dma_wait3A_904] : memref<8192x1024xf32, #tpu.memory_space<hbm>> -> memref<16x1024xf32, #tpu.memory_space<hbm>>
    %dma_wait3A_906 = tpu.memref_slice %arg8[%dma_wait3A_899] : memref<4x!tpu.dma_semaphore, #tpu.memory_space<semaphore_mem>> -> memref<1x!tpu.dma_semaphore, #tpu.memory_space<semaphore_mem>>
    %dma_wait3A_907 = tpu.memref_squeeze %dma_wait3A_906 : memref<1x!tpu.dma_semaphore, #tpu.memory_space<semaphore_mem>> -> memref<!tpu.dma_semaphore, #tpu.memory_space<semaphore_mem>>
    %dma_wait3A_908 = arith.constant 0 : i32
    %dma_wait3A_909 = tpu.memref_slice %arg4[%add3A_804, %dma_wait3A_908] : memref<8192x1024xf32, #tpu.memory_space<hbm>> -> memref<16x1024xf32, #tpu.memory_space<hbm>>
    %dma_wait3A_910 = arith.constant 0 : i32
    %dma_wait3A_911 = arith.constant 0 : i32
    %dma_wait3A_912 = tpu.memref_slice %arg5[%dma_wait3A_898, %dma_wait3A_910, %dma_wait3A_911] : memref<4x16x1024xf32, #tpu.memory_space<vmem>> -> memref<1x16x1024xf32, #tpu.memory_space<vmem>>
    %dma_wait3A_913 = tpu.memref_squeeze %dma_wait3A_912 : memref<1x16x1024xf32, #tpu.memory_space<vmem>> -> memref<16x1024xf32, #tpu.memory_space<vmem>>
    tpu.wait_dma2 semaphore(%dma_wait3A_907 : memref<!tpu.dma_semaphore, #tpu.memory_space<semaphore_mem>>) src(%dma_wait3A_913 : memref<16x1024xf32, #tpu.memory_space<vmem>>) dst(%dma_wait3A_909 : memref<16x1024xf32, #tpu.memory_space<hbm>>)
    %add3A_914 = arith.constant 0 : i32
    %add3A_915 = arith.addi %add3A_914, %mul3A_2 : i32
    %add3A_916 = arith.constant 48 : i32
    %add3A_917 = arith.addi %add3A_915, %add3A_916 : i32
    %dma_start3A_918 = arith.constant 0 : i32
    %dma_start3A_919 = arith.constant 0 : i32
    %dma_start3A_920 = arith.constant 0 : i32
    %dma_start3A_921 = arith.constant 0 : i32
    %dma_start3A_922 = tpu.memref_slice %arg5[%dma_start3A_918, %dma_start3A_920, %dma_start3A_921] : memref<4x16x1024xf32, #tpu.memory_space<vmem>> -> memref<1x16x1024xf32, #tpu.memory_space<vmem>>
    %dma_start3A_923 = tpu.memref_squeeze %dma_start3A_922 : memref<1x16x1024xf32, #tpu.memory_space<vmem>> -> memref<16x1024xf32, #tpu.memory_space<vmem>>
    %dma_start3A_924 = arith.constant 0 : i32
    %dma_start3A_925 = tpu.memref_slice %arg2[%add3A_917, %dma_start3A_924] : memref<8192x1024xf32, #tpu.memory_space<hbm>> -> memref<16x1024xf32, #tpu.memory_space<hbm>>
    %dma_start3A_926 = tpu.memref_slice %arg7[%dma_start3A_919] : memref<4x!tpu.dma_semaphore, #tpu.memory_space<semaphore_mem>> -> memref<1x!tpu.dma_semaphore, #tpu.memory_space<semaphore_mem>>
    %dma_start3A_927 = tpu.memref_squeeze %dma_start3A_926 : memref<1x!tpu.dma_semaphore, #tpu.memory_space<semaphore_mem>> -> memref<!tpu.dma_semaphore, #tpu.memory_space<semaphore_mem>>
    %dma_start3A_928 = arith.constant 0 : i32
    %dma_start3A_929 = arith.constant 0 : i32
    %dma_start3A_930 = tpu.memref_slice %arg5[%dma_start3A_918, %dma_start3A_928, %dma_start3A_929] : memref<4x16x1024xf32, #tpu.memory_space<vmem>> -> memref<1x16x1024xf32, #tpu.memory_space<vmem>>
    %dma_start3A_931 = tpu.memref_squeeze %dma_start3A_930 : memref<1x16x1024xf32, #tpu.memory_space<vmem>> -> memref<16x1024xf32, #tpu.memory_space<vmem>>
    %dma_start3A_932 = arith.constant 0 : i32
    %dma_start3A_933 = tpu.memref_slice %arg2[%add3A_917, %dma_start3A_932] : memref<8192x1024xf32, #tpu.memory_space<hbm>> -> memref<16x1024xf32, #tpu.memory_space<hbm>>
    tpu.enqueue_dma source(%dma_start3A_933 : memref<16x1024xf32, #tpu.memory_space<hbm>>) target(%dma_start3A_931 : memref<16x1024xf32, #tpu.memory_space<vmem>>) target_semaphore(%dma_start3A_927 : memref<!tpu.dma_semaphore, #tpu.memory_space<semaphore_mem>>)
    %dma_wait3A_934 = arith.constant 2 : i32
    %dma_wait3A_935 = arith.constant 2 : i32
    %dma_wait3A_936 = arith.constant 0 : i32
    %dma_wait3A_937 = arith.constant 0 : i32
    %dma_wait3A_938 = tpu.memref_slice %arg5[%dma_wait3A_934, %dma_wait3A_936, %dma_wait3A_937] : memref<4x16x1024xf32, #tpu.memory_space<vmem>> -> memref<1x16x1024xf32, #tpu.memory_space<vmem>>
    %dma_wait3A_939 = tpu.memref_squeeze %dma_wait3A_938 : memref<1x16x1024xf32, #tpu.memory_space<vmem>> -> memref<16x1024xf32, #tpu.memory_space<vmem>>
    %dma_wait3A_940 = arith.constant 0 : i32
    %dma_wait3A_941 = tpu.memref_slice %arg2[%add3A_729, %dma_wait3A_940] : memref<8192x1024xf32, #tpu.memory_space<hbm>> -> memref<16x1024xf32, #tpu.memory_space<hbm>>
    %dma_wait3A_942 = tpu.memref_slice %arg7[%dma_wait3A_935] : memref<4x!tpu.dma_semaphore, #tpu.memory_space<semaphore_mem>> -> memref<1x!tpu.dma_semaphore, #tpu.memory_space<semaphore_mem>>
    %dma_wait3A_943 = tpu.memref_squeeze %dma_wait3A_942 : memref<1x!tpu.dma_semaphore, #tpu.memory_space<semaphore_mem>> -> memref<!tpu.dma_semaphore, #tpu.memory_space<semaphore_mem>>
    %dma_wait3A_944 = arith.constant 0 : i32
    %dma_wait3A_945 = arith.constant 0 : i32
    %dma_wait3A_946 = tpu.memref_slice %arg5[%dma_wait3A_934, %dma_wait3A_944, %dma_wait3A_945] : memref<4x16x1024xf32, #tpu.memory_space<vmem>> -> memref<1x16x1024xf32, #tpu.memory_space<vmem>>
    %dma_wait3A_947 = tpu.memref_squeeze %dma_wait3A_946 : memref<1x16x1024xf32, #tpu.memory_space<vmem>> -> memref<16x1024xf32, #tpu.memory_space<vmem>>
    %dma_wait3A_948 = arith.constant 0 : i32
    %dma_wait3A_949 = tpu.memref_slice %arg2[%add3A_729, %dma_wait3A_948] : memref<8192x1024xf32, #tpu.memory_space<hbm>> -> memref<16x1024xf32, #tpu.memory_space<hbm>>
    tpu.wait_dma2 semaphore(%dma_wait3A_943 : memref<!tpu.dma_semaphore, #tpu.memory_space<semaphore_mem>>) src(%dma_wait3A_949 : memref<16x1024xf32, #tpu.memory_space<hbm>>) dst(%dma_wait3A_947 : memref<16x1024xf32, #tpu.memory_space<vmem>>)
    %parallel_loop3A_950 = arith.constant 0 : i32
    %parallel_loop3A_951 = arith.constant 16384 : i32
    %parallel_loop3A_952 = arith.constant 16 : i32
    %parallel_loop3A_953 = arith.constant 2 : i32
    %parallel_loop3A_954 = arith.constant 0 : i32
    scf.for %parallel_loop3A_1368 = %parallel_loop3A_950 to %parallel_loop3A_951 step %parallel_loop3A_952  : i32 {
      %parallel_loop3A_1369 = arith.constant 1024 : i32
      %parallel_loop3A_1370 = arith.divsi %parallel_loop3A_1368, %parallel_loop3A_1369 : i32
      %parallel_loop3A_1371 = arith.constant 0 : i32
      %parallel_loop3A_1372 = arith.cmpi sgt, %parallel_loop3A_1368, %parallel_loop3A_1371 : i32
      %parallel_loop3A_1373 = arith.extui %parallel_loop3A_1372 : i1 to i32
      %parallel_loop3A_1374 = arith.constant 0 : i32
      %parallel_loop3A_1375 = arith.cmpi slt, %parallel_loop3A_1368, %parallel_loop3A_1374 : i32
      %parallel_loop3A_1376 = arith.extui %parallel_loop3A_1375 : i1 to i32
      %parallel_loop3A_1377 = arith.subi %parallel_loop3A_1373, %parallel_loop3A_1376 : i32
      %parallel_loop3A_1378 = arith.constant 0 : i32
      %parallel_loop3A_1379 = arith.cmpi sgt, %parallel_loop3A_1369, %parallel_loop3A_1378 : i32
      %parallel_loop3A_1380 = arith.extui %parallel_loop3A_1379 : i1 to i32
      %parallel_loop3A_1381 = arith.constant 0 : i32
      %parallel_loop3A_1382 = arith.cmpi slt, %parallel_loop3A_1369, %parallel_loop3A_1381 : i32
      %parallel_loop3A_1383 = arith.extui %parallel_loop3A_1382 : i1 to i32
      %parallel_loop3A_1384 = arith.subi %parallel_loop3A_1380, %parallel_loop3A_1383 : i32
      %parallel_loop3A_1385 = arith.cmpi ne, %parallel_loop3A_1377, %parallel_loop3A_1384 : i32
      %parallel_loop3A_1386 = arith.remsi %parallel_loop3A_1368, %parallel_loop3A_1369 : i32
      %parallel_loop3A_1387 = arith.constant 0 : i32
      %parallel_loop3A_1388 = arith.cmpi ne, %parallel_loop3A_1386, %parallel_loop3A_1387 : i32
      %parallel_loop3A_1389 = arith.andi %parallel_loop3A_1385, %parallel_loop3A_1388 : i1
      %parallel_loop3A_1390 = arith.constant 1 : i32
      %parallel_loop3A_1391 = arith.subi %parallel_loop3A_1370, %parallel_loop3A_1390 : i32
      %parallel_loop3A_1392 = arith.select %parallel_loop3A_1389, %parallel_loop3A_1391, %parallel_loop3A_1370 : i32
      %parallel_loop3A_1393 = arith.constant 1024 : i32
      %parallel_loop3A_1394 = arith.muli %parallel_loop3A_1392, %parallel_loop3A_1393 : i32
      %parallel_loop3A_1395 = arith.subi %parallel_loop3A_1368, %parallel_loop3A_1394 : i32
      %parallel_loop3A_1396 = arith.constant 0 : i32
      %parallel_loop3A_1397 = arith.constant 0 : i32
      %parallel_loop3A_1398 = tpu.memref_slice %arg5[%parallel_loop3A_953, %parallel_loop3A_1396, %parallel_loop3A_1397] : memref<4x16x1024xf32, #tpu.memory_space<vmem>> -> memref<1x16x1024xf32, #tpu.memory_space<vmem>>
      %parallel_loop3A_1399 = tpu.memref_squeeze %parallel_loop3A_1398 : memref<1x16x1024xf32, #tpu.memory_space<vmem>> -> memref<16x1024xf32, #tpu.memory_space<vmem>>
      %parallel_loop3A_1400 = arith.index_cast %parallel_loop3A_1392 : i32 to index
      %parallel_loop3A_1401 = arith.index_cast %parallel_loop3A_1395 : i32 to index
      %parallel_loop3A_1402 = tpu.vector_load %parallel_loop3A_1399[%parallel_loop3A_1400, %parallel_loop3A_1401] {strides = array<i32>} : memref<16x1024xf32, #tpu.memory_space<vmem>>, vector<1x16xf32>,
      %parallel_loop3A_1403 = vector.shape_cast %parallel_loop3A_1402 : vector<1x16xf32> to vector<16xf32>
      %parallel_loop3A_1404 = arith.constant 0 : i32
      %parallel_loop3A_1405 = arith.constant 0 : i32
      %parallel_loop3A_1406 = tpu.memref_slice %arg6[%parallel_loop3A_954, %parallel_loop3A_1404, %parallel_loop3A_1405] : memref<2x16x1024xf32, #tpu.memory_space<vmem>> -> memref<1x16x1024xf32, #tpu.memory_space<vmem>>
      %parallel_loop3A_1407 = tpu.memref_squeeze %parallel_loop3A_1406 : memref<1x16x1024xf32, #tpu.memory_space<vmem>> -> memref<16x1024xf32, #tpu.memory_space<vmem>>
      %parallel_loop3A_1408 = arith.index_cast %parallel_loop3A_1392 : i32 to index
      %parallel_loop3A_1409 = arith.index_cast %parallel_loop3A_1395 : i32 to index
      %parallel_loop3A_1410 = tpu.vector_load %parallel_loop3A_1407[%parallel_loop3A_1408, %parallel_loop3A_1409] {strides = array<i32>} : memref<16x1024xf32, #tpu.memory_space<vmem>>, vector<1x16xf32>,
      %parallel_loop3A_1411 = vector.shape_cast %parallel_loop3A_1410 : vector<1x16xf32> to vector<16xf32>
      %parallel_loop3A_1412 = arith.addf %parallel_loop3A_1403, %parallel_loop3A_1411 : vector<16xf32>
      %parallel_loop3A_1413 = arith.constant 0 : i32
      %parallel_loop3A_1414 = arith.constant 0 : i32
      %parallel_loop3A_1415 = tpu.memref_slice %arg5[%parallel_loop3A_953, %parallel_loop3A_1413, %parallel_loop3A_1414] : memref<4x16x1024xf32, #tpu.memory_space<vmem>> -> memref<1x16x1024xf32, #tpu.memory_space<vmem>>
      %parallel_loop3A_1416 = tpu.memref_squeeze %parallel_loop3A_1415 : memref<1x16x1024xf32, #tpu.memory_space<vmem>> -> memref<16x1024xf32, #tpu.memory_space<vmem>>
      %parallel_loop3A_1417 = arith.index_cast %parallel_loop3A_1392 : i32 to index
      %parallel_loop3A_1418 = arith.index_cast %parallel_loop3A_1395 : i32 to index
      %parallel_loop3A_1419 = tpu.vector_load %parallel_loop3A_1416[%parallel_loop3A_1417, %parallel_loop3A_1418] {strides = array<i32>} : memref<16x1024xf32, #tpu.memory_space<vmem>>, vector<1x16xf32>,
      %parallel_loop3A_1420 = vector.shape_cast %parallel_loop3A_1419 : vector<1x16xf32> to vector<16xf32>
      %parallel_loop3A_1421 = vector.shape_cast %parallel_loop3A_1412 : vector<16xf32> to vector<1x16xf32>
      tpu.vector_store %parallel_loop3A_1416[%parallel_loop3A_1417, %parallel_loop3A_1418], %parallel_loop3A_1421 {strides = array<i32>} : memref<16x1024xf32, #tpu.memory_space<vmem>>, vector<1x16xf32>,
    } {sc.loop_unroll_factor = 8 : i64, sc.parallel_access}
    %add3A_955 = arith.constant 4096 : i32
    %add3A_956 = arith.addi %add3A_955, %mul3A_2 : i32
    %add3A_957 = arith.constant 32 : i32
    %add3A_958 = arith.addi %add3A_956, %add3A_957 : i32
    %dma_start3A_959 = arith.constant 2 : i32
    %dma_start3A_960 = arith.constant 2 : i32
    %dma_start3A_961 = arith.constant 0 : i32
    %dma_start3A_962 = arith.constant 0 : i32
    %dma_start3A_963 = tpu.memref_slice %arg5[%dma_start3A_959, %dma_start3A_961, %dma_start3A_962] : memref<4x16x1024xf32, #tpu.memory_space<vmem>> -> memref<1x16x1024xf32, #tpu.memory_space<vmem>>
    %dma_start3A_964 = tpu.memref_squeeze %dma_start3A_963 : memref<1x16x1024xf32, #tpu.memory_space<vmem>> -> memref<16x1024xf32, #tpu.memory_space<vmem>>
    %dma_start3A_965 = arith.constant 0 : i32
    %dma_start3A_966 = tpu.memref_slice %arg4[%add3A_958, %dma_start3A_965] : memref<8192x1024xf32, #tpu.memory_space<hbm>> -> memref<16x1024xf32, #tpu.memory_space<hbm>>
    %dma_start3A_967 = tpu.memref_slice %arg8[%dma_start3A_960] : memref<4x!tpu.dma_semaphore, #tpu.memory_space<semaphore_mem>> -> memref<1x!tpu.dma_semaphore, #tpu.memory_space<semaphore_mem>>
    %dma_start3A_968 = tpu.memref_squeeze %dma_start3A_967 : memref<1x!tpu.dma_semaphore, #tpu.memory_space<semaphore_mem>> -> memref<!tpu.dma_semaphore, #tpu.memory_space<semaphore_mem>>
    %dma_start3A_969 = arith.constant 0 : i32
    %dma_start3A_970 = tpu.memref_slice %arg4[%add3A_958, %dma_start3A_969] : memref<8192x1024xf32, #tpu.memory_space<hbm>> -> memref<16x1024xf32, #tpu.memory_space<hbm>>
    %dma_start3A_971 = arith.constant 0 : i32
    %dma_start3A_972 = arith.constant 0 : i32
    %dma_start3A_973 = tpu.memref_slice %arg5[%dma_start3A_959, %dma_start3A_971, %dma_start3A_972] : memref<4x16x1024xf32, #tpu.memory_space<vmem>> -> memref<1x16x1024xf32, #tpu.memory_space<vmem>>
    %dma_start3A_974 = tpu.memref_squeeze %dma_start3A_973 : memref<1x16x1024xf32, #tpu.memory_space<vmem>> -> memref<16x1024xf32, #tpu.memory_space<vmem>>
    tpu.enqueue_dma source(%dma_start3A_974 : memref<16x1024xf32, #tpu.memory_space<vmem>>) target(%dma_start3A_970 : memref<16x1024xf32, #tpu.memory_space<hbm>>) target_semaphore(%dma_start3A_968 : memref<!tpu.dma_semaphore, #tpu.memory_space<semaphore_mem>>)
    %dma_wait3A_975 = arith.constant 1 : i32
    %dma_wait3A_976 = arith.constant 1 : i32
    %dma_wait3A_977 = arith.constant 0 : i32
    %dma_wait3A_978 = arith.constant 0 : i32
    %dma_wait3A_979 = tpu.memref_slice %arg5[%dma_wait3A_975, %dma_wait3A_977, %dma_wait3A_978] : memref<4x16x1024xf32, #tpu.memory_space<vmem>> -> memref<1x16x1024xf32, #tpu.memory_space<vmem>>
    %dma_wait3A_980 = tpu.memref_squeeze %dma_wait3A_979 : memref<1x16x1024xf32, #tpu.memory_space<vmem>> -> memref<16x1024xf32, #tpu.memory_space<vmem>>
    %dma_wait3A_981 = arith.constant 0 : i32
    %dma_wait3A_982 = tpu.memref_slice %arg4[%add3A_881, %dma_wait3A_981] : memref<8192x1024xf32, #tpu.memory_space<hbm>> -> memref<16x1024xf32, #tpu.memory_space<hbm>>
    %dma_wait3A_983 = tpu.memref_slice %arg8[%dma_wait3A_976] : memref<4x!tpu.dma_semaphore, #tpu.memory_space<semaphore_mem>> -> memref<1x!tpu.dma_semaphore, #tpu.memory_space<semaphore_mem>>
    %dma_wait3A_984 = tpu.memref_squeeze %dma_wait3A_983 : memref<1x!tpu.dma_semaphore, #tpu.memory_space<semaphore_mem>> -> memref<!tpu.dma_semaphore, #tpu.memory_space<semaphore_mem>>
    %dma_wait3A_985 = arith.constant 0 : i32
    %dma_wait3A_986 = tpu.memref_slice %arg4[%add3A_881, %dma_wait3A_985] : memref<8192x1024xf32, #tpu.memory_space<hbm>> -> memref<16x1024xf32, #tpu.memory_space<hbm>>
    %dma_wait3A_987 = arith.constant 0 : i32
    %dma_wait3A_988 = arith.constant 0 : i32
    %dma_wait3A_989 = tpu.memref_slice %arg5[%dma_wait3A_975, %dma_wait3A_987, %dma_wait3A_988] : memref<4x16x1024xf32, #tpu.memory_space<vmem>> -> memref<1x16x1024xf32, #tpu.memory_space<vmem>>
    %dma_wait3A_990 = tpu.memref_squeeze %dma_wait3A_989 : memref<1x16x1024xf32, #tpu.memory_space<vmem>> -> memref<16x1024xf32, #tpu.memory_space<vmem>>
    tpu.wait_dma2 semaphore(%dma_wait3A_984 : memref<!tpu.dma_semaphore, #tpu.memory_space<semaphore_mem>>) src(%dma_wait3A_990 : memref<16x1024xf32, #tpu.memory_space<vmem>>) dst(%dma_wait3A_986 : memref<16x1024xf32, #tpu.memory_space<hbm>>)
    %add3A_991 = arith.constant 2048 : i32
    %add3A_992 = arith.addi %add3A_991, %mul3A_2 : i32
    %add3A_993 = arith.constant 48 : i32
    %add3A_994 = arith.addi %add3A_992, %add3A_993 : i32
    %dma_start3A_995 = arith.constant 1 : i32
    %dma_start3A_996 = arith.constant 1 : i32
    %dma_start3A_997 = arith.constant 0 : i32
    %dma_start3A_998 = arith.constant 0 : i32
    %dma_start3A_999 = tpu.memref_slice %arg5[%dma_start3A_995, %dma_start3A_997, %dma_start3A_998] : memref<4x16x1024xf32, #tpu.memory_space<vmem>> -> memref<1x16x1024xf32, #tpu.memory_space<vmem>>
    %dma_start3A_1000 = tpu.memref_squeeze %dma_start3A_999 : memref<1x16x1024xf32, #tpu.memory_space<vmem>> -> memref<16x1024xf32, #tpu.memory_space<vmem>>
    %dma_start3A_1001 = arith.constant 0 : i32
    %dma_start3A_1002 = tpu.memref_slice %arg2[%add3A_994, %dma_start3A_1001] : memref<8192x1024xf32, #tpu.memory_space<hbm>> -> memref<16x1024xf32, #tpu.memory_space<hbm>>
    %dma_start3A_1003 = tpu.memref_slice %arg7[%dma_start3A_996] : memref<4x!tpu.dma_semaphore, #tpu.memory_space<semaphore_mem>> -> memref<1x!tpu.dma_semaphore, #tpu.memory_space<semaphore_mem>>
    %dma_start3A_1004 = tpu.memref_squeeze %dma_start3A_1003 : memref<1x!tpu.dma_semaphore, #tpu.memory_space<semaphore_mem>> -> memref<!tpu.dma_semaphore, #tpu.memory_space<semaphore_mem>>
    %dma_start3A_1005 = arith.constant 0 : i32
    %dma_start3A_1006 = arith.constant 0 : i32
    %dma_start3A_1007 = tpu.memref_slice %arg5[%dma_start3A_995, %dma_start3A_1005, %dma_start3A_1006] : memref<4x16x1024xf32, #tpu.memory_space<vmem>> -> memref<1x16x1024xf32, #tpu.memory_space<vmem>>
    %dma_start3A_1008 = tpu.memref_squeeze %dma_start3A_1007 : memref<1x16x1024xf32, #tpu.memory_space<vmem>> -> memref<16x1024xf32, #tpu.memory_space<vmem>>
    %dma_start3A_1009 = arith.constant 0 : i32
    %dma_start3A_1010 = tpu.memref_slice %arg2[%add3A_994, %dma_start3A_1009] : memref<8192x1024xf32, #tpu.memory_space<hbm>> -> memref<16x1024xf32, #tpu.memory_space<hbm>>
    tpu.enqueue_dma source(%dma_start3A_1010 : memref<16x1024xf32, #tpu.memory_space<hbm>>) target(%dma_start3A_1008 : memref<16x1024xf32, #tpu.memory_space<vmem>>) target_semaphore(%dma_start3A_1004 : memref<!tpu.dma_semaphore, #tpu.memory_space<semaphore_mem>>)
    %dma_wait3A_1011 = arith.constant 3 : i32
    %dma_wait3A_1012 = arith.constant 3 : i32
    %dma_wait3A_1013 = arith.constant 0 : i32
    %dma_wait3A_1014 = arith.constant 0 : i32
    %dma_wait3A_1015 = tpu.memref_slice %arg5[%dma_wait3A_1011, %dma_wait3A_1013, %dma_wait3A_1014] : memref<4x16x1024xf32, #tpu.memory_space<vmem>> -> memref<1x16x1024xf32, #tpu.memory_space<vmem>>
    %dma_wait3A_1016 = tpu.memref_squeeze %dma_wait3A_1015 : memref<1x16x1024xf32, #tpu.memory_space<vmem>> -> memref<16x1024xf32, #tpu.memory_space<vmem>>
    %dma_wait3A_1017 = arith.constant 0 : i32
    %dma_wait3A_1018 = tpu.memref_slice %arg2[%add3A_840, %dma_wait3A_1017] : memref<8192x1024xf32, #tpu.memory_space<hbm>> -> memref<16x1024xf32, #tpu.memory_space<hbm>>
    %dma_wait3A_1019 = tpu.memref_slice %arg7[%dma_wait3A_1012] : memref<4x!tpu.dma_semaphore, #tpu.memory_space<semaphore_mem>> -> memref<1x!tpu.dma_semaphore, #tpu.memory_space<semaphore_mem>>
    %dma_wait3A_1020 = tpu.memref_squeeze %dma_wait3A_1019 : memref<1x!tpu.dma_semaphore, #tpu.memory_space<semaphore_mem>> -> memref<!tpu.dma_semaphore, #tpu.memory_space<semaphore_mem>>
    %dma_wait3A_1021 = arith.constant 0 : i32
    %dma_wait3A_1022 = arith.constant 0 : i32
    %dma_wait3A_1023 = tpu.memref_slice %arg5[%dma_wait3A_1011, %dma_wait3A_1021, %dma_wait3A_1022] : memref<4x16x1024xf32, #tpu.memory_space<vmem>> -> memref<1x16x1024xf32, #tpu.memory_space<vmem>>
    %dma_wait3A_1024 = tpu.memref_squeeze %dma_wait3A_1023 : memref<1x16x1024xf32, #tpu.memory_space<vmem>> -> memref<16x1024xf32, #tpu.memory_space<vmem>>
    %dma_wait3A_1025 = arith.constant 0 : i32
    %dma_wait3A_1026 = tpu.memref_slice %arg2[%add3A_840, %dma_wait3A_1025] : memref<8192x1024xf32, #tpu.memory_space<hbm>> -> memref<16x1024xf32, #tpu.memory_space<hbm>>
    tpu.wait_dma2 semaphore(%dma_wait3A_1020 : memref<!tpu.dma_semaphore, #tpu.memory_space<semaphore_mem>>) src(%dma_wait3A_1026 : memref<16x1024xf32, #tpu.memory_space<hbm>>) dst(%dma_wait3A_1024 : memref<16x1024xf32, #tpu.memory_space<vmem>>)
    %parallel_loop3A_1027 = arith.constant 0 : i32
    %parallel_loop3A_1028 = arith.constant 16384 : i32
    %parallel_loop3A_1029 = arith.constant 16 : i32
    %parallel_loop3A_1030 = arith.constant 3 : i32
    %parallel_loop3A_1031 = arith.constant 0 : i32
    scf.for %parallel_loop3A_1368 = %parallel_loop3A_1027 to %parallel_loop3A_1028 step %parallel_loop3A_1029  : i32 {
      %parallel_loop3A_1369 = arith.constant 1024 : i32
      %parallel_loop3A_1370 = arith.divsi %parallel_loop3A_1368, %parallel_loop3A_1369 : i32
      %parallel_loop3A_1371 = arith.constant 0 : i32
      %parallel_loop3A_1372 = arith.cmpi sgt, %parallel_loop3A_1368, %parallel_loop3A_1371 : i32
      %parallel_loop3A_1373 = arith.extui %parallel_loop3A_1372 : i1 to i32
      %parallel_loop3A_1374 = arith.constant 0 : i32
      %parallel_loop3A_1375 = arith.cmpi slt, %parallel_loop3A_1368, %parallel_loop3A_1374 : i32
      %parallel_loop3A_1376 = arith.extui %parallel_loop3A_1375 : i1 to i32
      %parallel_loop3A_1377 = arith.subi %parallel_loop3A_1373, %parallel_loop3A_1376 : i32
      %parallel_loop3A_1378 = arith.constant 0 : i32
      %parallel_loop3A_1379 = arith.cmpi sgt, %parallel_loop3A_1369, %parallel_loop3A_1378 : i32
      %parallel_loop3A_1380 = arith.extui %parallel_loop3A_1379 : i1 to i32
      %parallel_loop3A_1381 = arith.constant 0 : i32
      %parallel_loop3A_1382 = arith.cmpi slt, %parallel_loop3A_1369, %parallel_loop3A_1381 : i32
      %parallel_loop3A_1383 = arith.extui %parallel_loop3A_1382 : i1 to i32
      %parallel_loop3A_1384 = arith.subi %parallel_loop3A_1380, %parallel_loop3A_1383 : i32
      %parallel_loop3A_1385 = arith.cmpi ne, %parallel_loop3A_1377, %parallel_loop3A_1384 : i32
      %parallel_loop3A_1386 = arith.remsi %parallel_loop3A_1368, %parallel_loop3A_1369 : i32
      %parallel_loop3A_1387 = arith.constant 0 : i32
      %parallel_loop3A_1388 = arith.cmpi ne, %parallel_loop3A_1386, %parallel_loop3A_1387 : i32
      %parallel_loop3A_1389 = arith.andi %parallel_loop3A_1385, %parallel_loop3A_1388 : i1
      %parallel_loop3A_1390 = arith.constant 1 : i32
      %parallel_loop3A_1391 = arith.subi %parallel_loop3A_1370, %parallel_loop3A_1390 : i32
      %parallel_loop3A_1392 = arith.select %parallel_loop3A_1389, %parallel_loop3A_1391, %parallel_loop3A_1370 : i32
      %parallel_loop3A_1393 = arith.constant 1024 : i32
      %parallel_loop3A_1394 = arith.muli %parallel_loop3A_1392, %parallel_loop3A_1393 : i32
      %parallel_loop3A_1395 = arith.subi %parallel_loop3A_1368, %parallel_loop3A_1394 : i32
      %parallel_loop3A_1396 = arith.constant 0 : i32
      %parallel_loop3A_1397 = arith.constant 0 : i32
      %parallel_loop3A_1398 = tpu.memref_slice %arg5[%parallel_loop3A_1030, %parallel_loop3A_1396, %parallel_loop3A_1397] : memref<4x16x1024xf32, #tpu.memory_space<vmem>> -> memref<1x16x1024xf32, #tpu.memory_space<vmem>>
      %parallel_loop3A_1399 = tpu.memref_squeeze %parallel_loop3A_1398 : memref<1x16x1024xf32, #tpu.memory_space<vmem>> -> memref<16x1024xf32, #tpu.memory_space<vmem>>
      %parallel_loop3A_1400 = arith.index_cast %parallel_loop3A_1392 : i32 to index
      %parallel_loop3A_1401 = arith.index_cast %parallel_loop3A_1395 : i32 to index
      %parallel_loop3A_1402 = tpu.vector_load %parallel_loop3A_1399[%parallel_loop3A_1400, %parallel_loop3A_1401] {strides = array<i32>} : memref<16x1024xf32, #tpu.memory_space<vmem>>, vector<1x16xf32>,
      %parallel_loop3A_1403 = vector.shape_cast %parallel_loop3A_1402 : vector<1x16xf32> to vector<16xf32>
      %parallel_loop3A_1404 = arith.constant 0 : i32
      %parallel_loop3A_1405 = arith.constant 0 : i32
      %parallel_loop3A_1406 = tpu.memref_slice %arg6[%parallel_loop3A_1031, %parallel_loop3A_1404, %parallel_loop3A_1405] : memref<2x16x1024xf32, #tpu.memory_space<vmem>> -> memref<1x16x1024xf32, #tpu.memory_space<vmem>>
      %parallel_loop3A_1407 = tpu.memref_squeeze %parallel_loop3A_1406 : memref<1x16x1024xf32, #tpu.memory_space<vmem>> -> memref<16x1024xf32, #tpu.memory_space<vmem>>
      %parallel_loop3A_1408 = arith.index_cast %parallel_loop3A_1392 : i32 to index
      %parallel_loop3A_1409 = arith.index_cast %parallel_loop3A_1395 : i32 to index
      %parallel_loop3A_1410 = tpu.vector_load %parallel_loop3A_1407[%parallel_loop3A_1408, %parallel_loop3A_1409] {strides = array<i32>} : memref<16x1024xf32, #tpu.memory_space<vmem>>, vector<1x16xf32>,
      %parallel_loop3A_1411 = vector.shape_cast %parallel_loop3A_1410 : vector<1x16xf32> to vector<16xf32>
      %parallel_loop3A_1412 = arith.addf %parallel_loop3A_1403, %parallel_loop3A_1411 : vector<16xf32>
      %parallel_loop3A_1413 = arith.constant 0 : i32
      %parallel_loop3A_1414 = arith.constant 0 : i32
      %parallel_loop3A_1415 = tpu.memref_slice %arg5[%parallel_loop3A_1030, %parallel_loop3A_1413, %parallel_loop3A_1414] : memref<4x16x1024xf32, #tpu.memory_space<vmem>> -> memref<1x16x1024xf32, #tpu.memory_space<vmem>>
      %parallel_loop3A_1416 = tpu.memref_squeeze %parallel_loop3A_1415 : memref<1x16x1024xf32, #tpu.memory_space<vmem>> -> memref<16x1024xf32, #tpu.memory_space<vmem>>
      %parallel_loop3A_1417 = arith.index_cast %parallel_loop3A_1392 : i32 to index
      %parallel_loop3A_1418 = arith.index_cast %parallel_loop3A_1395 : i32 to index
      %parallel_loop3A_1419 = tpu.vector_load %parallel_loop3A_1416[%parallel_loop3A_1417, %parallel_loop3A_1418] {strides = array<i32>} : memref<16x1024xf32, #tpu.memory_space<vmem>>, vector<1x16xf32>,
      %parallel_loop3A_1420 = vector.shape_cast %parallel_loop3A_1419 : vector<1x16xf32> to vector<16xf32>
      %parallel_loop3A_1421 = vector.shape_cast %parallel_loop3A_1412 : vector<16xf32> to vector<1x16xf32>
      tpu.vector_store %parallel_loop3A_1416[%parallel_loop3A_1417, %parallel_loop3A_1418], %parallel_loop3A_1421 {strides = array<i32>} : memref<16x1024xf32, #tpu.memory_space<vmem>>, vector<1x16xf32>,
    } {sc.loop_unroll_factor = 8 : i64, sc.parallel_access}
    %add3A_1032 = arith.constant 6144 : i32
    %add3A_1033 = arith.addi %add3A_1032, %mul3A_2 : i32
    %add3A_1034 = arith.constant 32 : i32
    %add3A_1035 = arith.addi %add3A_1033, %add3A_1034 : i32
    %dma_start3A_1036 = arith.constant 3 : i32
    %dma_start3A_1037 = arith.constant 3 : i32
    %dma_start3A_1038 = arith.constant 0 : i32
    %dma_start3A_1039 = arith.constant 0 : i32
    %dma_start3A_1040 = tpu.memref_slice %arg5[%dma_start3A_1036, %dma_start3A_1038, %dma_start3A_1039] : memref<4x16x1024xf32, #tpu.memory_space<vmem>> -> memref<1x16x1024xf32, #tpu.memory_space<vmem>>
    %dma_start3A_1041 = tpu.memref_squeeze %dma_start3A_1040 : memref<1x16x1024xf32, #tpu.memory_space<vmem>> -> memref<16x1024xf32, #tpu.memory_space<vmem>>
    %dma_start3A_1042 = arith.constant 0 : i32
    %dma_start3A_1043 = tpu.memref_slice %arg4[%add3A_1035, %dma_start3A_1042] : memref<8192x1024xf32, #tpu.memory_space<hbm>> -> memref<16x1024xf32, #tpu.memory_space<hbm>>
    %dma_start3A_1044 = tpu.memref_slice %arg8[%dma_start3A_1037] : memref<4x!tpu.dma_semaphore, #tpu.memory_space<semaphore_mem>> -> memref<1x!tpu.dma_semaphore, #tpu.memory_space<semaphore_mem>>
    %dma_start3A_1045 = tpu.memref_squeeze %dma_start3A_1044 : memref<1x!tpu.dma_semaphore, #tpu.memory_space<semaphore_mem>> -> memref<!tpu.dma_semaphore, #tpu.memory_space<semaphore_mem>>
    %dma_start3A_1046 = arith.constant 0 : i32
    %dma_start3A_1047 = tpu.memref_slice %arg4[%add3A_1035, %dma_start3A_1046] : memref<8192x1024xf32, #tpu.memory_space<hbm>> -> memref<16x1024xf32, #tpu.memory_space<hbm>>
    %dma_start3A_1048 = arith.constant 0 : i32
    %dma_start3A_1049 = arith.constant 0 : i32
    %dma_start3A_1050 = tpu.memref_slice %arg5[%dma_start3A_1036, %dma_start3A_1048, %dma_start3A_1049] : memref<4x16x1024xf32, #tpu.memory_space<vmem>> -> memref<1x16x1024xf32, #tpu.memory_space<vmem>>
    %dma_start3A_1051 = tpu.memref_squeeze %dma_start3A_1050 : memref<1x16x1024xf32, #tpu.memory_space<vmem>> -> memref<16x1024xf32, #tpu.memory_space<vmem>>
    tpu.enqueue_dma source(%dma_start3A_1051 : memref<16x1024xf32, #tpu.memory_space<vmem>>) target(%dma_start3A_1047 : memref<16x1024xf32, #tpu.memory_space<hbm>>) target_semaphore(%dma_start3A_1045 : memref<!tpu.dma_semaphore, #tpu.memory_space<semaphore_mem>>)
    %dma_wait3A_1052 = arith.constant 2 : i32
    %dma_wait3A_1053 = arith.constant 2 : i32
    %dma_wait3A_1054 = arith.constant 0 : i32
    %dma_wait3A_1055 = arith.constant 0 : i32
    %dma_wait3A_1056 = tpu.memref_slice %arg5[%dma_wait3A_1052, %dma_wait3A_1054, %dma_wait3A_1055] : memref<4x16x1024xf32, #tpu.memory_space<vmem>> -> memref<1x16x1024xf32, #tpu.memory_space<vmem>>
    %dma_wait3A_1057 = tpu.memref_squeeze %dma_wait3A_1056 : memref<1x16x1024xf32, #tpu.memory_space<vmem>> -> memref<16x1024xf32, #tpu.memory_space<vmem>>
    %dma_wait3A_1058 = arith.constant 0 : i32
    %dma_wait3A_1059 = tpu.memref_slice %arg4[%add3A_958, %dma_wait3A_1058] : memref<8192x1024xf32, #tpu.memory_space<hbm>> -> memref<16x1024xf32, #tpu.memory_space<hbm>>
    %dma_wait3A_1060 = tpu.memref_slice %arg8[%dma_wait3A_1053] : memref<4x!tpu.dma_semaphore, #tpu.memory_space<semaphore_mem>> -> memref<1x!tpu.dma_semaphore, #tpu.memory_space<semaphore_mem>>
    %dma_wait3A_1061 = tpu.memref_squeeze %dma_wait3A_1060 : memref<1x!tpu.dma_semaphore, #tpu.memory_space<semaphore_mem>> -> memref<!tpu.dma_semaphore, #tpu.memory_space<semaphore_mem>>
    %dma_wait3A_1062 = arith.constant 0 : i32
    %dma_wait3A_1063 = tpu.memref_slice %arg4[%add3A_958, %dma_wait3A_1062] : memref<8192x1024xf32, #tpu.memory_space<hbm>> -> memref<16x1024xf32, #tpu.memory_space<hbm>>
    %dma_wait3A_1064 = arith.constant 0 : i32
    %dma_wait3A_1065 = arith.constant 0 : i32
    %dma_wait3A_1066 = tpu.memref_slice %arg5[%dma_wait3A_1052, %dma_wait3A_1064, %dma_wait3A_1065] : memref<4x16x1024xf32, #tpu.memory_space<vmem>> -> memref<1x16x1024xf32, #tpu.memory_space<vmem>>
    %dma_wait3A_1067 = tpu.memref_squeeze %dma_wait3A_1066 : memref<1x16x1024xf32, #tpu.memory_space<vmem>> -> memref<16x1024xf32, #tpu.memory_space<vmem>>
    tpu.wait_dma2 semaphore(%dma_wait3A_1061 : memref<!tpu.dma_semaphore, #tpu.memory_space<semaphore_mem>>) src(%dma_wait3A_1067 : memref<16x1024xf32, #tpu.memory_space<vmem>>) dst(%dma_wait3A_1063 : memref<16x1024xf32, #tpu.memory_space<hbm>>)
    %add3A_1068 = arith.constant 4096 : i32
    %add3A_1069 = arith.addi %add3A_1068, %mul3A_2 : i32
    %add3A_1070 = arith.constant 48 : i32
    %add3A_1071 = arith.addi %add3A_1069, %add3A_1070 : i32
    %dma_start3A_1072 = arith.constant 2 : i32
    %dma_start3A_1073 = arith.constant 2 : i32
    %dma_start3A_1074 = arith.constant 0 : i32
    %dma_start3A_1075 = arith.constant 0 : i32
    %dma_start3A_1076 = tpu.memref_slice %arg5[%dma_start3A_1072, %dma_start3A_1074, %dma_start3A_1075] : memref<4x16x1024xf32, #tpu.memory_space<vmem>> -> memref<1x16x1024xf32, #tpu.memory_space<vmem>>
    %dma_start3A_1077 = tpu.memref_squeeze %dma_start3A_1076 : memref<1x16x1024xf32, #tpu.memory_space<vmem>> -> memref<16x1024xf32, #tpu.memory_space<vmem>>
    %dma_start3A_1078 = arith.constant 0 : i32
    %dma_start3A_1079 = tpu.memref_slice %arg2[%add3A_1071, %dma_start3A_1078] : memref<8192x1024xf32, #tpu.memory_space<hbm>> -> memref<16x1024xf32, #tpu.memory_space<hbm>>
    %dma_start3A_1080 = tpu.memref_slice %arg7[%dma_start3A_1073] : memref<4x!tpu.dma_semaphore, #tpu.memory_space<semaphore_mem>> -> memref<1x!tpu.dma_semaphore, #tpu.memory_space<semaphore_mem>>
    %dma_start3A_1081 = tpu.memref_squeeze %dma_start3A_1080 : memref<1x!tpu.dma_semaphore, #tpu.memory_space<semaphore_mem>> -> memref<!tpu.dma_semaphore, #tpu.memory_space<semaphore_mem>>
    %dma_start3A_1082 = arith.constant 0 : i32
    %dma_start3A_1083 = arith.constant 0 : i32
    %dma_start3A_1084 = tpu.memref_slice %arg5[%dma_start3A_1072, %dma_start3A_1082, %dma_start3A_1083] : memref<4x16x1024xf32, #tpu.memory_space<vmem>> -> memref<1x16x1024xf32, #tpu.memory_space<vmem>>
    %dma_start3A_1085 = tpu.memref_squeeze %dma_start3A_1084 : memref<1x16x1024xf32, #tpu.memory_space<vmem>> -> memref<16x1024xf32, #tpu.memory_space<vmem>>
    %dma_start3A_1086 = arith.constant 0 : i32
    %dma_start3A_1087 = tpu.memref_slice %arg2[%add3A_1071, %dma_start3A_1086] : memref<8192x1024xf32, #tpu.memory_space<hbm>> -> memref<16x1024xf32, #tpu.memory_space<hbm>>
    tpu.enqueue_dma source(%dma_start3A_1087 : memref<16x1024xf32, #tpu.memory_space<hbm>>) target(%dma_start3A_1085 : memref<16x1024xf32, #tpu.memory_space<vmem>>) target_semaphore(%dma_start3A_1081 : memref<!tpu.dma_semaphore, #tpu.memory_space<semaphore_mem>>)
    %dma_wait3A_1088 = arith.constant 1 : i32
    %dma_wait3A_1089 = arith.constant 1 : i32
    %dma_wait3A_1090 = arith.constant 0 : i32
    %dma_wait3A_1091 = arith.constant 0 : i32
    %dma_wait3A_1092 = tpu.memref_slice %arg6[%dma_wait3A_1088, %dma_wait3A_1090, %dma_wait3A_1091] : memref<2x16x1024xf32, #tpu.memory_space<vmem>> -> memref<1x16x1024xf32, #tpu.memory_space<vmem>>
    %dma_wait3A_1093 = tpu.memref_squeeze %dma_wait3A_1092 : memref<1x16x1024xf32, #tpu.memory_space<vmem>> -> memref<16x1024xf32, #tpu.memory_space<vmem>>
    %dma_wait3A_1094 = arith.constant 0 : i32
    %dma_wait3A_1095 = tpu.memref_slice %arg3[%add3A_747, %dma_wait3A_1094] : memref<2048x1024xf32, #tpu.memory_space<hbm>> -> memref<16x1024xf32, #tpu.memory_space<hbm>>
    %dma_wait3A_1096 = tpu.memref_slice %arg9[%dma_wait3A_1089] : memref<2x!tpu.dma_semaphore, #tpu.memory_space<semaphore_mem>> -> memref<1x!tpu.dma_semaphore, #tpu.memory_space<semaphore_mem>>
    %dma_wait3A_1097 = tpu.memref_squeeze %dma_wait3A_1096 : memref<1x!tpu.dma_semaphore, #tpu.memory_space<semaphore_mem>> -> memref<!tpu.dma_semaphore, #tpu.memory_space<semaphore_mem>>
    %dma_wait3A_1098 = arith.constant 0 : i32
    %dma_wait3A_1099 = arith.constant 0 : i32
    %dma_wait3A_1100 = tpu.memref_slice %arg6[%dma_wait3A_1088, %dma_wait3A_1098, %dma_wait3A_1099] : memref<2x16x1024xf32, #tpu.memory_space<vmem>> -> memref<1x16x1024xf32, #tpu.memory_space<vmem>>
    %dma_wait3A_1101 = tpu.memref_squeeze %dma_wait3A_1100 : memref<1x16x1024xf32, #tpu.memory_space<vmem>> -> memref<16x1024xf32, #tpu.memory_space<vmem>>
    %dma_wait3A_1102 = arith.constant 0 : i32
    %dma_wait3A_1103 = tpu.memref_slice %arg3[%add3A_747, %dma_wait3A_1102] : memref<2048x1024xf32, #tpu.memory_space<hbm>> -> memref<16x1024xf32, #tpu.memory_space<hbm>>
    tpu.wait_dma2 semaphore(%dma_wait3A_1097 : memref<!tpu.dma_semaphore, #tpu.memory_space<semaphore_mem>>) src(%dma_wait3A_1103 : memref<16x1024xf32, #tpu.memory_space<hbm>>) dst(%dma_wait3A_1101 : memref<16x1024xf32, #tpu.memory_space<vmem>>)
    %dma_wait3A_1104 = arith.constant 0 : i32
    %dma_wait3A_1105 = arith.constant 0 : i32
    %dma_wait3A_1106 = arith.constant 0 : i32
    %dma_wait3A_1107 = arith.constant 0 : i32
    %dma_wait3A_1108 = tpu.memref_slice %arg5[%dma_wait3A_1104, %dma_wait3A_1106, %dma_wait3A_1107] : memref<4x16x1024xf32, #tpu.memory_space<vmem>> -> memref<1x16x1024xf32, #tpu.memory_space<vmem>>
    %dma_wait3A_1109 = tpu.memref_squeeze %dma_wait3A_1108 : memref<1x16x1024xf32, #tpu.memory_space<vmem>> -> memref<16x1024xf32, #tpu.memory_space<vmem>>
    %dma_wait3A_1110 = arith.constant 0 : i32
    %dma_wait3A_1111 = tpu.memref_slice %arg2[%add3A_917, %dma_wait3A_1110] : memref<8192x1024xf32, #tpu.memory_space<hbm>> -> memref<16x1024xf32, #tpu.memory_space<hbm>>
    %dma_wait3A_1112 = tpu.memref_slice %arg7[%dma_wait3A_1105] : memref<4x!tpu.dma_semaphore, #tpu.memory_space<semaphore_mem>> -> memref<1x!tpu.dma_semaphore, #tpu.memory_space<semaphore_mem>>
    %dma_wait3A_1113 = tpu.memref_squeeze %dma_wait3A_1112 : memref<1x!tpu.dma_semaphore, #tpu.memory_space<semaphore_mem>> -> memref<!tpu.dma_semaphore, #tpu.memory_space<semaphore_mem>>
    %dma_wait3A_1114 = arith.constant 0 : i32
    %dma_wait3A_1115 = arith.constant 0 : i32
    %dma_wait3A_1116 = tpu.memref_slice %arg5[%dma_wait3A_1104, %dma_wait3A_1114, %dma_wait3A_1115] : memref<4x16x1024xf32, #tpu.memory_space<vmem>> -> memref<1x16x1024xf32, #tpu.memory_space<vmem>>
    %dma_wait3A_1117 = tpu.memref_squeeze %dma_wait3A_1116 : memref<1x16x1024xf32, #tpu.memory_space<vmem>> -> memref<16x1024xf32, #tpu.memory_space<vmem>>
    %dma_wait3A_1118 = arith.constant 0 : i32
    %dma_wait3A_1119 = tpu.memref_slice %arg2[%add3A_917, %dma_wait3A_1118] : memref<8192x1024xf32, #tpu.memory_space<hbm>> -> memref<16x1024xf32, #tpu.memory_space<hbm>>
    tpu.wait_dma2 semaphore(%dma_wait3A_1113 : memref<!tpu.dma_semaphore, #tpu.memory_space<semaphore_mem>>) src(%dma_wait3A_1119 : memref<16x1024xf32, #tpu.memory_space<hbm>>) dst(%dma_wait3A_1117 : memref<16x1024xf32, #tpu.memory_space<vmem>>)
    %parallel_loop3A_1120 = arith.constant 0 : i32
    %parallel_loop3A_1121 = arith.constant 16384 : i32
    %parallel_loop3A_1122 = arith.constant 16 : i32
    %parallel_loop3A_1123 = arith.constant 0 : i32
    %parallel_loop3A_1124 = arith.constant 1 : i32
    scf.for %parallel_loop3A_1368 = %parallel_loop3A_1120 to %parallel_loop3A_1121 step %parallel_loop3A_1122  : i32 {
      %parallel_loop3A_1369 = arith.constant 1024 : i32
      %parallel_loop3A_1370 = arith.divsi %parallel_loop3A_1368, %parallel_loop3A_1369 : i32
      %parallel_loop3A_1371 = arith.constant 0 : i32
      %parallel_loop3A_1372 = arith.cmpi sgt, %parallel_loop3A_1368, %parallel_loop3A_1371 : i32
      %parallel_loop3A_1373 = arith.extui %parallel_loop3A_1372 : i1 to i32
      %parallel_loop3A_1374 = arith.constant 0 : i32
      %parallel_loop3A_1375 = arith.cmpi slt, %parallel_loop3A_1368, %parallel_loop3A_1374 : i32
      %parallel_loop3A_1376 = arith.extui %parallel_loop3A_1375 : i1 to i32
      %parallel_loop3A_1377 = arith.subi %parallel_loop3A_1373, %parallel_loop3A_1376 : i32
      %parallel_loop3A_1378 = arith.constant 0 : i32
      %parallel_loop3A_1379 = arith.cmpi sgt, %parallel_loop3A_1369, %parallel_loop3A_1378 : i32
      %parallel_loop3A_1380 = arith.extui %parallel_loop3A_1379 : i1 to i32
      %parallel_loop3A_1381 = arith.constant 0 : i32
      %parallel_loop3A_1382 = arith.cmpi slt, %parallel_loop3A_1369, %parallel_loop3A_1381 : i32
      %parallel_loop3A_1383 = arith.extui %parallel_loop3A_1382 : i1 to i32
      %parallel_loop3A_1384 = arith.subi %parallel_loop3A_1380, %parallel_loop3A_1383 : i32
      %parallel_loop3A_1385 = arith.cmpi ne, %parallel_loop3A_1377, %parallel_loop3A_1384 : i32
      %parallel_loop3A_1386 = arith.remsi %parallel_loop3A_1368, %parallel_loop3A_1369 : i32
      %parallel_loop3A_1387 = arith.constant 0 : i32
      %parallel_loop3A_1388 = arith.cmpi ne, %parallel_loop3A_1386, %parallel_loop3A_1387 : i32
      %parallel_loop3A_1389 = arith.andi %parallel_loop3A_1385, %parallel_loop3A_1388 : i1
      %parallel_loop3A_1390 = arith.constant 1 : i32
      %parallel_loop3A_1391 = arith.subi %parallel_loop3A_1370, %parallel_loop3A_1390 : i32
      %parallel_loop3A_1392 = arith.select %parallel_loop3A_1389, %parallel_loop3A_1391, %parallel_loop3A_1370 : i32
      %parallel_loop3A_1393 = arith.constant 1024 : i32
      %parallel_loop3A_1394 = arith.muli %parallel_loop3A_1392, %parallel_loop3A_1393 : i32
      %parallel_loop3A_1395 = arith.subi %parallel_loop3A_1368, %parallel_loop3A_1394 : i32
      %parallel_loop3A_1396 = arith.constant 0 : i32
      %parallel_loop3A_1397 = arith.constant 0 : i32
      %parallel_loop3A_1398 = tpu.memref_slice %arg5[%parallel_loop3A_1123, %parallel_loop3A_1396, %parallel_loop3A_1397] : memref<4x16x1024xf32, #tpu.memory_space<vmem>> -> memref<1x16x1024xf32, #tpu.memory_space<vmem>>
      %parallel_loop3A_1399 = tpu.memref_squeeze %parallel_loop3A_1398 : memref<1x16x1024xf32, #tpu.memory_space<vmem>> -> memref<16x1024xf32, #tpu.memory_space<vmem>>
      %parallel_loop3A_1400 = arith.index_cast %parallel_loop3A_1392 : i32 to index
      %parallel_loop3A_1401 = arith.index_cast %parallel_loop3A_1395 : i32 to index
      %parallel_loop3A_1402 = tpu.vector_load %parallel_loop3A_1399[%parallel_loop3A_1400, %parallel_loop3A_1401] {strides = array<i32>} : memref<16x1024xf32, #tpu.memory_space<vmem>>, vector<1x16xf32>,
      %parallel_loop3A_1403 = vector.shape_cast %parallel_loop3A_1402 : vector<1x16xf32> to vector<16xf32>
      %parallel_loop3A_1404 = arith.constant 0 : i32
      %parallel_loop3A_1405 = arith.constant 0 : i32
      %parallel_loop3A_1406 = tpu.memref_slice %arg6[%parallel_loop3A_1124, %parallel_loop3A_1404, %parallel_loop3A_1405] : memref<2x16x1024xf32, #tpu.memory_space<vmem>> -> memref<1x16x1024xf32, #tpu.memory_space<vmem>>
      %parallel_loop3A_1407 = tpu.memref_squeeze %parallel_loop3A_1406 : memref<1x16x1024xf32, #tpu.memory_space<vmem>> -> memref<16x1024xf32, #tpu.memory_space<vmem>>
      %parallel_loop3A_1408 = arith.index_cast %parallel_loop3A_1392 : i32 to index
      %parallel_loop3A_1409 = arith.index_cast %parallel_loop3A_1395 : i32 to index
      %parallel_loop3A_1410 = tpu.vector_load %parallel_loop3A_1407[%parallel_loop3A_1408, %parallel_loop3A_1409] {strides = array<i32>} : memref<16x1024xf32, #tpu.memory_space<vmem>>, vector<1x16xf32>,
      %parallel_loop3A_1411 = vector.shape_cast %parallel_loop3A_1410 : vector<1x16xf32> to vector<16xf32>
      %parallel_loop3A_1412 = arith.addf %parallel_loop3A_1403, %parallel_loop3A_1411 : vector<16xf32>
      %parallel_loop3A_1413 = arith.constant 0 : i32
      %parallel_loop3A_1414 = arith.constant 0 : i32
      %parallel_loop3A_1415 = tpu.memref_slice %arg5[%parallel_loop3A_1123, %parallel_loop3A_1413, %parallel_loop3A_1414] : memref<4x16x1024xf32, #tpu.memory_space<vmem>> -> memref<1x16x1024xf32, #tpu.memory_space<vmem>>
      %parallel_loop3A_1416 = tpu.memref_squeeze %parallel_loop3A_1415 : memref<1x16x1024xf32, #tpu.memory_space<vmem>> -> memref<16x1024xf32, #tpu.memory_space<vmem>>
      %parallel_loop3A_1417 = arith.index_cast %parallel_loop3A_1392 : i32 to index
      %parallel_loop3A_1418 = arith.index_cast %parallel_loop3A_1395 : i32 to index
      %parallel_loop3A_1419 = tpu.vector_load %parallel_loop3A_1416[%parallel_loop3A_1417, %parallel_loop3A_1418] {strides = array<i32>} : memref<16x1024xf32, #tpu.memory_space<vmem>>, vector<1x16xf32>,
      %parallel_loop3A_1420 = vector.shape_cast %parallel_loop3A_1419 : vector<1x16xf32> to vector<16xf32>
      %parallel_loop3A_1421 = vector.shape_cast %parallel_loop3A_1412 : vector<16xf32> to vector<1x16xf32>
      tpu.vector_store %parallel_loop3A_1416[%parallel_loop3A_1417, %parallel_loop3A_1418], %parallel_loop3A_1421 {strides = array<i32>} : memref<16x1024xf32, #tpu.memory_space<vmem>>, vector<1x16xf32>,
    } {sc.loop_unroll_factor = 8 : i64, sc.parallel_access}
    %add3A_1125 = arith.constant 0 : i32
    %add3A_1126 = arith.addi %add3A_1125, %mul3A_2 : i32
    %add3A_1127 = arith.constant 48 : i32
    %add3A_1128 = arith.addi %add3A_1126, %add3A_1127 : i32
    %dma_start3A_1129 = arith.constant 0 : i32
    %dma_start3A_1130 = arith.constant 0 : i32
    %dma_start3A_1131 = arith.constant 0 : i32
    %dma_start3A_1132 = arith.constant 0 : i32
    %dma_start3A_1133 = tpu.memref_slice %arg5[%dma_start3A_1129, %dma_start3A_1131, %dma_start3A_1132] : memref<4x16x1024xf32, #tpu.memory_space<vmem>> -> memref<1x16x1024xf32, #tpu.memory_space<vmem>>
    %dma_start3A_1134 = tpu.memref_squeeze %dma_start3A_1133 : memref<1x16x1024xf32, #tpu.memory_space<vmem>> -> memref<16x1024xf32, #tpu.memory_space<vmem>>
    %dma_start3A_1135 = arith.constant 0 : i32
    %dma_start3A_1136 = tpu.memref_slice %arg4[%add3A_1128, %dma_start3A_1135] : memref<8192x1024xf32, #tpu.memory_space<hbm>> -> memref<16x1024xf32, #tpu.memory_space<hbm>>
    %dma_start3A_1137 = tpu.memref_slice %arg8[%dma_start3A_1130] : memref<4x!tpu.dma_semaphore, #tpu.memory_space<semaphore_mem>> -> memref<1x!tpu.dma_semaphore, #tpu.memory_space<semaphore_mem>>
    %dma_start3A_1138 = tpu.memref_squeeze %dma_start3A_1137 : memref<1x!tpu.dma_semaphore, #tpu.memory_space<semaphore_mem>> -> memref<!tpu.dma_semaphore, #tpu.memory_space<semaphore_mem>>
    %dma_start3A_1139 = arith.constant 0 : i32
    %dma_start3A_1140 = tpu.memref_slice %arg4[%add3A_1128, %dma_start3A_1139] : memref<8192x1024xf32, #tpu.memory_space<hbm>> -> memref<16x1024xf32, #tpu.memory_space<hbm>>
    %dma_start3A_1141 = arith.constant 0 : i32
    %dma_start3A_1142 = arith.constant 0 : i32
    %dma_start3A_1143 = tpu.memref_slice %arg5[%dma_start3A_1129, %dma_start3A_1141, %dma_start3A_1142] : memref<4x16x1024xf32, #tpu.memory_space<vmem>> -> memref<1x16x1024xf32, #tpu.memory_space<vmem>>
    %dma_start3A_1144 = tpu.memref_squeeze %dma_start3A_1143 : memref<1x16x1024xf32, #tpu.memory_space<vmem>> -> memref<16x1024xf32, #tpu.memory_space<vmem>>
    tpu.enqueue_dma source(%dma_start3A_1144 : memref<16x1024xf32, #tpu.memory_space<vmem>>) target(%dma_start3A_1140 : memref<16x1024xf32, #tpu.memory_space<hbm>>) target_semaphore(%dma_start3A_1138 : memref<!tpu.dma_semaphore, #tpu.memory_space<semaphore_mem>>)
    %dma_wait3A_1145 = arith.constant 3 : i32
    %dma_wait3A_1146 = arith.constant 3 : i32
    %dma_wait3A_1147 = arith.constant 0 : i32
    %dma_wait3A_1148 = arith.constant 0 : i32
    %dma_wait3A_1149 = tpu.memref_slice %arg5[%dma_wait3A_1145, %dma_wait3A_1147, %dma_wait3A_1148] : memref<4x16x1024xf32, #tpu.memory_space<vmem>> -> memref<1x16x1024xf32, #tpu.memory_space<vmem>>
    %dma_wait3A_1150 = tpu.memref_squeeze %dma_wait3A_1149 : memref<1x16x1024xf32, #tpu.memory_space<vmem>> -> memref<16x1024xf32, #tpu.memory_space<vmem>>
    %dma_wait3A_1151 = arith.constant 0 : i32
    %dma_wait3A_1152 = tpu.memref_slice %arg4[%add3A_1035, %dma_wait3A_1151] : memref<8192x1024xf32, #tpu.memory_space<hbm>> -> memref<16x1024xf32, #tpu.memory_space<hbm>>
    %dma_wait3A_1153 = tpu.memref_slice %arg8[%dma_wait3A_1146] : memref<4x!tpu.dma_semaphore, #tpu.memory_space<semaphore_mem>> -> memref<1x!tpu.dma_semaphore, #tpu.memory_space<semaphore_mem>>
    %dma_wait3A_1154 = tpu.memref_squeeze %dma_wait3A_1153 : memref<1x!tpu.dma_semaphore, #tpu.memory_space<semaphore_mem>> -> memref<!tpu.dma_semaphore, #tpu.memory_space<semaphore_mem>>
    %dma_wait3A_1155 = arith.constant 0 : i32
    %dma_wait3A_1156 = tpu.memref_slice %arg4[%add3A_1035, %dma_wait3A_1155] : memref<8192x1024xf32, #tpu.memory_space<hbm>> -> memref<16x1024xf32, #tpu.memory_space<hbm>>
    %dma_wait3A_1157 = arith.constant 0 : i32
    %dma_wait3A_1158 = arith.constant 0 : i32
    %dma_wait3A_1159 = tpu.memref_slice %arg5[%dma_wait3A_1145, %dma_wait3A_1157, %dma_wait3A_1158] : memref<4x16x1024xf32, #tpu.memory_space<vmem>> -> memref<1x16x1024xf32, #tpu.memory_space<vmem>>
    %dma_wait3A_1160 = tpu.memref_squeeze %dma_wait3A_1159 : memref<1x16x1024xf32, #tpu.memory_space<vmem>> -> memref<16x1024xf32, #tpu.memory_space<vmem>>
    tpu.wait_dma2 semaphore(%dma_wait3A_1154 : memref<!tpu.dma_semaphore, #tpu.memory_space<semaphore_mem>>) src(%dma_wait3A_1160 : memref<16x1024xf32, #tpu.memory_space<vmem>>) dst(%dma_wait3A_1156 : memref<16x1024xf32, #tpu.memory_space<hbm>>)
    %add3A_1161 = arith.constant 6144 : i32
    %add3A_1162 = arith.addi %add3A_1161, %mul3A_2 : i32
    %add3A_1163 = arith.constant 48 : i32
    %add3A_1164 = arith.addi %add3A_1162, %add3A_1163 : i32
    %dma_start3A_1165 = arith.constant 3 : i32
    %dma_start3A_1166 = arith.constant 3 : i32
    %dma_start3A_1167 = arith.constant 0 : i32
    %dma_start3A_1168 = arith.constant 0 : i32
    %dma_start3A_1169 = tpu.memref_slice %arg5[%dma_start3A_1165, %dma_start3A_1167, %dma_start3A_1168] : memref<4x16x1024xf32, #tpu.memory_space<vmem>> -> memref<1x16x1024xf32, #tpu.memory_space<vmem>>
    %dma_start3A_1170 = tpu.memref_squeeze %dma_start3A_1169 : memref<1x16x1024xf32, #tpu.memory_space<vmem>> -> memref<16x1024xf32, #tpu.memory_space<vmem>>
    %dma_start3A_1171 = arith.constant 0 : i32
    %dma_start3A_1172 = tpu.memref_slice %arg2[%add3A_1164, %dma_start3A_1171] : memref<8192x1024xf32, #tpu.memory_space<hbm>> -> memref<16x1024xf32, #tpu.memory_space<hbm>>
    %dma_start3A_1173 = tpu.memref_slice %arg7[%dma_start3A_1166] : memref<4x!tpu.dma_semaphore, #tpu.memory_space<semaphore_mem>> -> memref<1x!tpu.dma_semaphore, #tpu.memory_space<semaphore_mem>>
    %dma_start3A_1174 = tpu.memref_squeeze %dma_start3A_1173 : memref<1x!tpu.dma_semaphore, #tpu.memory_space<semaphore_mem>> -> memref<!tpu.dma_semaphore, #tpu.memory_space<semaphore_mem>>
    %dma_start3A_1175 = arith.constant 0 : i32
    %dma_start3A_1176 = arith.constant 0 : i32
    %dma_start3A_1177 = tpu.memref_slice %arg5[%dma_start3A_1165, %dma_start3A_1175, %dma_start3A_1176] : memref<4x16x1024xf32, #tpu.memory_space<vmem>> -> memref<1x16x1024xf32, #tpu.memory_space<vmem>>
    %dma_start3A_1178 = tpu.memref_squeeze %dma_start3A_1177 : memref<1x16x1024xf32, #tpu.memory_space<vmem>> -> memref<16x1024xf32, #tpu.memory_space<vmem>>
    %dma_start3A_1179 = arith.constant 0 : i32
    %dma_start3A_1180 = tpu.memref_slice %arg2[%add3A_1164, %dma_start3A_1179] : memref<8192x1024xf32, #tpu.memory_space<hbm>> -> memref<16x1024xf32, #tpu.memory_space<hbm>>
    tpu.enqueue_dma source(%dma_start3A_1180 : memref<16x1024xf32, #tpu.memory_space<hbm>>) target(%dma_start3A_1178 : memref<16x1024xf32, #tpu.memory_space<vmem>>) target_semaphore(%dma_start3A_1174 : memref<!tpu.dma_semaphore, #tpu.memory_space<semaphore_mem>>)
    %dma_wait3A_1181 = arith.constant 1 : i32
    %dma_wait3A_1182 = arith.constant 1 : i32
    %dma_wait3A_1183 = arith.constant 0 : i32
    %dma_wait3A_1184 = arith.constant 0 : i32
    %dma_wait3A_1185 = tpu.memref_slice %arg5[%dma_wait3A_1181, %dma_wait3A_1183, %dma_wait3A_1184] : memref<4x16x1024xf32, #tpu.memory_space<vmem>> -> memref<1x16x1024xf32, #tpu.memory_space<vmem>>
    %dma_wait3A_1186 = tpu.memref_squeeze %dma_wait3A_1185 : memref<1x16x1024xf32, #tpu.memory_space<vmem>> -> memref<16x1024xf32, #tpu.memory_space<vmem>>
    %dma_wait3A_1187 = arith.constant 0 : i32
    %dma_wait3A_1188 = tpu.memref_slice %arg2[%add3A_994, %dma_wait3A_1187] : memref<8192x1024xf32, #tpu.memory_space<hbm>> -> memref<16x1024xf32, #tpu.memory_space<hbm>>
    %dma_wait3A_1189 = tpu.memref_slice %arg7[%dma_wait3A_1182] : memref<4x!tpu.dma_semaphore, #tpu.memory_space<semaphore_mem>> -> memref<1x!tpu.dma_semaphore, #tpu.memory_space<semaphore_mem>>
    %dma_wait3A_1190 = tpu.memref_squeeze %dma_wait3A_1189 : memref<1x!tpu.dma_semaphore, #tpu.memory_space<semaphore_mem>> -> memref<!tpu.dma_semaphore, #tpu.memory_space<semaphore_mem>>
    %dma_wait3A_1191 = arith.constant 0 : i32
    %dma_wait3A_1192 = arith.constant 0 : i32
    %dma_wait3A_1193 = tpu.memref_slice %arg5[%dma_wait3A_1181, %dma_wait3A_1191, %dma_wait3A_1192] : memref<4x16x1024xf32, #tpu.memory_space<vmem>> -> memref<1x16x1024xf32, #tpu.memory_space<vmem>>
    %dma_wait3A_1194 = tpu.memref_squeeze %dma_wait3A_1193 : memref<1x16x1024xf32, #tpu.memory_space<vmem>> -> memref<16x1024xf32, #tpu.memory_space<vmem>>
    %dma_wait3A_1195 = arith.constant 0 : i32
    %dma_wait3A_1196 = tpu.memref_slice %arg2[%add3A_994, %dma_wait3A_1195] : memref<8192x1024xf32, #tpu.memory_space<hbm>> -> memref<16x1024xf32, #tpu.memory_space<hbm>>
    tpu.wait_dma2 semaphore(%dma_wait3A_1190 : memref<!tpu.dma_semaphore, #tpu.memory_space<semaphore_mem>>) src(%dma_wait3A_1196 : memref<16x1024xf32, #tpu.memory_space<hbm>>) dst(%dma_wait3A_1194 : memref<16x1024xf32, #tpu.memory_space<vmem>>)
    %parallel_loop3A_1197 = arith.constant 0 : i32
    %parallel_loop3A_1198 = arith.constant 16384 : i32
    %parallel_loop3A_1199 = arith.constant 16 : i32
    %parallel_loop3A_1200 = arith.constant 1 : i32
    %parallel_loop3A_1201 = arith.constant 1 : i32
    scf.for %parallel_loop3A_1368 = %parallel_loop3A_1197 to %parallel_loop3A_1198 step %parallel_loop3A_1199  : i32 {
      %parallel_loop3A_1369 = arith.constant 1024 : i32
      %parallel_loop3A_1370 = arith.divsi %parallel_loop3A_1368, %parallel_loop3A_1369 : i32
      %parallel_loop3A_1371 = arith.constant 0 : i32
      %parallel_loop3A_1372 = arith.cmpi sgt, %parallel_loop3A_1368, %parallel_loop3A_1371 : i32
      %parallel_loop3A_1373 = arith.extui %parallel_loop3A_1372 : i1 to i32
      %parallel_loop3A_1374 = arith.constant 0 : i32
      %parallel_loop3A_1375 = arith.cmpi slt, %parallel_loop3A_1368, %parallel_loop3A_1374 : i32
      %parallel_loop3A_1376 = arith.extui %parallel_loop3A_1375 : i1 to i32
      %parallel_loop3A_1377 = arith.subi %parallel_loop3A_1373, %parallel_loop3A_1376 : i32
      %parallel_loop3A_1378 = arith.constant 0 : i32
      %parallel_loop3A_1379 = arith.cmpi sgt, %parallel_loop3A_1369, %parallel_loop3A_1378 : i32
      %parallel_loop3A_1380 = arith.extui %parallel_loop3A_1379 : i1 to i32
      %parallel_loop3A_1381 = arith.constant 0 : i32
      %parallel_loop3A_1382 = arith.cmpi slt, %parallel_loop3A_1369, %parallel_loop3A_1381 : i32
      %parallel_loop3A_1383 = arith.extui %parallel_loop3A_1382 : i1 to i32
      %parallel_loop3A_1384 = arith.subi %parallel_loop3A_1380, %parallel_loop3A_1383 : i32
      %parallel_loop3A_1385 = arith.cmpi ne, %parallel_loop3A_1377, %parallel_loop3A_1384 : i32
      %parallel_loop3A_1386 = arith.remsi %parallel_loop3A_1368, %parallel_loop3A_1369 : i32
      %parallel_loop3A_1387 = arith.constant 0 : i32
      %parallel_loop3A_1388 = arith.cmpi ne, %parallel_loop3A_1386, %parallel_loop3A_1387 : i32
      %parallel_loop3A_1389 = arith.andi %parallel_loop3A_1385, %parallel_loop3A_1388 : i1
      %parallel_loop3A_1390 = arith.constant 1 : i32
      %parallel_loop3A_1391 = arith.subi %parallel_loop3A_1370, %parallel_loop3A_1390 : i32
      %parallel_loop3A_1392 = arith.select %parallel_loop3A_1389, %parallel_loop3A_1391, %parallel_loop3A_1370 : i32
      %parallel_loop3A_1393 = arith.constant 1024 : i32
      %parallel_loop3A_1394 = arith.muli %parallel_loop3A_1392, %parallel_loop3A_1393 : i32
      %parallel_loop3A_1395 = arith.subi %parallel_loop3A_1368, %parallel_loop3A_1394 : i32
      %parallel_loop3A_1396 = arith.constant 0 : i32
      %parallel_loop3A_1397 = arith.constant 0 : i32
      %parallel_loop3A_1398 = tpu.memref_slice %arg5[%parallel_loop3A_1200, %parallel_loop3A_1396, %parallel_loop3A_1397] : memref<4x16x1024xf32, #tpu.memory_space<vmem>> -> memref<1x16x1024xf32, #tpu.memory_space<vmem>>
      %parallel_loop3A_1399 = tpu.memref_squeeze %parallel_loop3A_1398 : memref<1x16x1024xf32, #tpu.memory_space<vmem>> -> memref<16x1024xf32, #tpu.memory_space<vmem>>
      %parallel_loop3A_1400 = arith.index_cast %parallel_loop3A_1392 : i32 to index
      %parallel_loop3A_1401 = arith.index_cast %parallel_loop3A_1395 : i32 to index
      %parallel_loop3A_1402 = tpu.vector_load %parallel_loop3A_1399[%parallel_loop3A_1400, %parallel_loop3A_1401] {strides = array<i32>} : memref<16x1024xf32, #tpu.memory_space<vmem>>, vector<1x16xf32>,
      %parallel_loop3A_1403 = vector.shape_cast %parallel_loop3A_1402 : vector<1x16xf32> to vector<16xf32>
      %parallel_loop3A_1404 = arith.constant 0 : i32
      %parallel_loop3A_1405 = arith.constant 0 : i32
      %parallel_loop3A_1406 = tpu.memref_slice %arg6[%parallel_loop3A_1201, %parallel_loop3A_1404, %parallel_loop3A_1405] : memref<2x16x1024xf32, #tpu.memory_space<vmem>> -> memref<1x16x1024xf32, #tpu.memory_space<vmem>>
      %parallel_loop3A_1407 = tpu.memref_squeeze %parallel_loop3A_1406 : memref<1x16x1024xf32, #tpu.memory_space<vmem>> -> memref<16x1024xf32, #tpu.memory_space<vmem>>
      %parallel_loop3A_1408 = arith.index_cast %parallel_loop3A_1392 : i32 to index
      %parallel_loop3A_1409 = arith.index_cast %parallel_loop3A_1395 : i32 to index
      %parallel_loop3A_1410 = tpu.vector_load %parallel_loop3A_1407[%parallel_loop3A_1408, %parallel_loop3A_1409] {strides = array<i32>} : memref<16x1024xf32, #tpu.memory_space<vmem>>, vector<1x16xf32>,
      %parallel_loop3A_1411 = vector.shape_cast %parallel_loop3A_1410 : vector<1x16xf32> to vector<16xf32>
      %parallel_loop3A_1412 = arith.addf %parallel_loop3A_1403, %parallel_loop3A_1411 : vector<16xf32>
      %parallel_loop3A_1413 = arith.constant 0 : i32
      %parallel_loop3A_1414 = arith.constant 0 : i32
      %parallel_loop3A_1415 = tpu.memref_slice %arg5[%parallel_loop3A_1200, %parallel_loop3A_1413, %parallel_loop3A_1414] : memref<4x16x1024xf32, #tpu.memory_space<vmem>> -> memref<1x16x1024xf32, #tpu.memory_space<vmem>>
      %parallel_loop3A_1416 = tpu.memref_squeeze %parallel_loop3A_1415 : memref<1x16x1024xf32, #tpu.memory_space<vmem>> -> memref<16x1024xf32, #tpu.memory_space<vmem>>
      %parallel_loop3A_1417 = arith.index_cast %parallel_loop3A_1392 : i32 to index
      %parallel_loop3A_1418 = arith.index_cast %parallel_loop3A_1395 : i32 to index
      %parallel_loop3A_1419 = tpu.vector_load %parallel_loop3A_1416[%parallel_loop3A_1417, %parallel_loop3A_1418] {strides = array<i32>} : memref<16x1024xf32, #tpu.memory_space<vmem>>, vector<1x16xf32>,
      %parallel_loop3A_1420 = vector.shape_cast %parallel_loop3A_1419 : vector<1x16xf32> to vector<16xf32>
      %parallel_loop3A_1421 = vector.shape_cast %parallel_loop3A_1412 : vector<16xf32> to vector<1x16xf32>
      tpu.vector_store %parallel_loop3A_1416[%parallel_loop3A_1417, %parallel_loop3A_1418], %parallel_loop3A_1421 {strides = array<i32>} : memref<16x1024xf32, #tpu.memory_space<vmem>>, vector<1x16xf32>,
    } {sc.loop_unroll_factor = 8 : i64, sc.parallel_access}
    %add3A_1202 = arith.constant 2048 : i32
    %add3A_1203 = arith.addi %add3A_1202, %mul3A_2 : i32
    %add3A_1204 = arith.constant 48 : i32
    %add3A_1205 = arith.addi %add3A_1203, %add3A_1204 : i32
    %dma_start3A_1206 = arith.constant 1 : i32
    %dma_start3A_1207 = arith.constant 1 : i32
    %dma_start3A_1208 = arith.constant 0 : i32
    %dma_start3A_1209 = arith.constant 0 : i32
    %dma_start3A_1210 = tpu.memref_slice %arg5[%dma_start3A_1206, %dma_start3A_1208, %dma_start3A_1209] : memref<4x16x1024xf32, #tpu.memory_space<vmem>> -> memref<1x16x1024xf32, #tpu.memory_space<vmem>>
    %dma_start3A_1211 = tpu.memref_squeeze %dma_start3A_1210 : memref<1x16x1024xf32, #tpu.memory_space<vmem>> -> memref<16x1024xf32, #tpu.memory_space<vmem>>
    %dma_start3A_1212 = arith.constant 0 : i32
    %dma_start3A_1213 = tpu.memref_slice %arg4[%add3A_1205, %dma_start3A_1212] : memref<8192x1024xf32, #tpu.memory_space<hbm>> -> memref<16x1024xf32, #tpu.memory_space<hbm>>
    %dma_start3A_1214 = tpu.memref_slice %arg8[%dma_start3A_1207] : memref<4x!tpu.dma_semaphore, #tpu.memory_space<semaphore_mem>> -> memref<1x!tpu.dma_semaphore, #tpu.memory_space<semaphore_mem>>
    %dma_start3A_1215 = tpu.memref_squeeze %dma_start3A_1214 : memref<1x!tpu.dma_semaphore, #tpu.memory_space<semaphore_mem>> -> memref<!tpu.dma_semaphore, #tpu.memory_space<semaphore_mem>>
    %dma_start3A_1216 = arith.constant 0 : i32
    %dma_start3A_1217 = tpu.memref_slice %arg4[%add3A_1205, %dma_start3A_1216] : memref<8192x1024xf32, #tpu.memory_space<hbm>> -> memref<16x1024xf32, #tpu.memory_space<hbm>>
    %dma_start3A_1218 = arith.constant 0 : i32
    %dma_start3A_1219 = arith.constant 0 : i32
    %dma_start3A_1220 = tpu.memref_slice %arg5[%dma_start3A_1206, %dma_start3A_1218, %dma_start3A_1219] : memref<4x16x1024xf32, #tpu.memory_space<vmem>> -> memref<1x16x1024xf32, #tpu.memory_space<vmem>>
    %dma_start3A_1221 = tpu.memref_squeeze %dma_start3A_1220 : memref<1x16x1024xf32, #tpu.memory_space<vmem>> -> memref<16x1024xf32, #tpu.memory_space<vmem>>
    tpu.enqueue_dma source(%dma_start3A_1221 : memref<16x1024xf32, #tpu.memory_space<vmem>>) target(%dma_start3A_1217 : memref<16x1024xf32, #tpu.memory_space<hbm>>) target_semaphore(%dma_start3A_1215 : memref<!tpu.dma_semaphore, #tpu.memory_space<semaphore_mem>>)
    %dma_wait3A_1222 = arith.constant 2 : i32
    %dma_wait3A_1223 = arith.constant 2 : i32
    %dma_wait3A_1224 = arith.constant 0 : i32
    %dma_wait3A_1225 = arith.constant 0 : i32
    %dma_wait3A_1226 = tpu.memref_slice %arg5[%dma_wait3A_1222, %dma_wait3A_1224, %dma_wait3A_1225] : memref<4x16x1024xf32, #tpu.memory_space<vmem>> -> memref<1x16x1024xf32, #tpu.memory_space<vmem>>
    %dma_wait3A_1227 = tpu.memref_squeeze %dma_wait3A_1226 : memref<1x16x1024xf32, #tpu.memory_space<vmem>> -> memref<16x1024xf32, #tpu.memory_space<vmem>>
    %dma_wait3A_1228 = arith.constant 0 : i32
    %dma_wait3A_1229 = tpu.memref_slice %arg2[%add3A_1071, %dma_wait3A_1228] : memref<8192x1024xf32, #tpu.memory_space<hbm>> -> memref<16x1024xf32, #tpu.memory_space<hbm>>
    %dma_wait3A_1230 = tpu.memref_slice %arg7[%dma_wait3A_1223] : memref<4x!tpu.dma_semaphore, #tpu.memory_space<semaphore_mem>> -> memref<1x!tpu.dma_semaphore, #tpu.memory_space<semaphore_mem>>
    %dma_wait3A_1231 = tpu.memref_squeeze %dma_wait3A_1230 : memref<1x!tpu.dma_semaphore, #tpu.memory_space<semaphore_mem>> -> memref<!tpu.dma_semaphore, #tpu.memory_space<semaphore_mem>>
    %dma_wait3A_1232 = arith.constant 0 : i32
    %dma_wait3A_1233 = arith.constant 0 : i32
    %dma_wait3A_1234 = tpu.memref_slice %arg5[%dma_wait3A_1222, %dma_wait3A_1232, %dma_wait3A_1233] : memref<4x16x1024xf32, #tpu.memory_space<vmem>> -> memref<1x16x1024xf32, #tpu.memory_space<vmem>>
    %dma_wait3A_1235 = tpu.memref_squeeze %dma_wait3A_1234 : memref<1x16x1024xf32, #tpu.memory_space<vmem>> -> memref<16x1024xf32, #tpu.memory_space<vmem>>
    %dma_wait3A_1236 = arith.constant 0 : i32
    %dma_wait3A_1237 = tpu.memref_slice %arg2[%add3A_1071, %dma_wait3A_1236] : memref<8192x1024xf32, #tpu.memory_space<hbm>> -> memref<16x1024xf32, #tpu.memory_space<hbm>>
    tpu.wait_dma2 semaphore(%dma_wait3A_1231 : memref<!tpu.dma_semaphore, #tpu.memory_space<semaphore_mem>>) src(%dma_wait3A_1237 : memref<16x1024xf32, #tpu.memory_space<hbm>>) dst(%dma_wait3A_1235 : memref<16x1024xf32, #tpu.memory_space<vmem>>)
    %parallel_loop3A_1238 = arith.constant 0 : i32
    %parallel_loop3A_1239 = arith.constant 16384 : i32
    %parallel_loop3A_1240 = arith.constant 16 : i32
    %parallel_loop3A_1241 = arith.constant 2 : i32
    %parallel_loop3A_1242 = arith.constant 1 : i32
    scf.for %parallel_loop3A_1368 = %parallel_loop3A_1238 to %parallel_loop3A_1239 step %parallel_loop3A_1240  : i32 {
      %parallel_loop3A_1369 = arith.constant 1024 : i32
      %parallel_loop3A_1370 = arith.divsi %parallel_loop3A_1368, %parallel_loop3A_1369 : i32
      %parallel_loop3A_1371 = arith.constant 0 : i32
      %parallel_loop3A_1372 = arith.cmpi sgt, %parallel_loop3A_1368, %parallel_loop3A_1371 : i32
      %parallel_loop3A_1373 = arith.extui %parallel_loop3A_1372 : i1 to i32
      %parallel_loop3A_1374 = arith.constant 0 : i32
      %parallel_loop3A_1375 = arith.cmpi slt, %parallel_loop3A_1368, %parallel_loop3A_1374 : i32
      %parallel_loop3A_1376 = arith.extui %parallel_loop3A_1375 : i1 to i32
      %parallel_loop3A_1377 = arith.subi %parallel_loop3A_1373, %parallel_loop3A_1376 : i32
      %parallel_loop3A_1378 = arith.constant 0 : i32
      %parallel_loop3A_1379 = arith.cmpi sgt, %parallel_loop3A_1369, %parallel_loop3A_1378 : i32
      %parallel_loop3A_1380 = arith.extui %parallel_loop3A_1379 : i1 to i32
      %parallel_loop3A_1381 = arith.constant 0 : i32
      %parallel_loop3A_1382 = arith.cmpi slt, %parallel_loop3A_1369, %parallel_loop3A_1381 : i32
      %parallel_loop3A_1383 = arith.extui %parallel_loop3A_1382 : i1 to i32
      %parallel_loop3A_1384 = arith.subi %parallel_loop3A_1380, %parallel_loop3A_1383 : i32
      %parallel_loop3A_1385 = arith.cmpi ne, %parallel_loop3A_1377, %parallel_loop3A_1384 : i32
      %parallel_loop3A_1386 = arith.remsi %parallel_loop3A_1368, %parallel_loop3A_1369 : i32
      %parallel_loop3A_1387 = arith.constant 0 : i32
      %parallel_loop3A_1388 = arith.cmpi ne, %parallel_loop3A_1386, %parallel_loop3A_1387 : i32
      %parallel_loop3A_1389 = arith.andi %parallel_loop3A_1385, %parallel_loop3A_1388 : i1
      %parallel_loop3A_1390 = arith.constant 1 : i32
      %parallel_loop3A_1391 = arith.subi %parallel_loop3A_1370, %parallel_loop3A_1390 : i32
      %parallel_loop3A_1392 = arith.select %parallel_loop3A_1389, %parallel_loop3A_1391, %parallel_loop3A_1370 : i32
      %parallel_loop3A_1393 = arith.constant 1024 : i32
      %parallel_loop3A_1394 = arith.muli %parallel_loop3A_1392, %parallel_loop3A_1393 : i32
      %parallel_loop3A_1395 = arith.subi %parallel_loop3A_1368, %parallel_loop3A_1394 : i32
      %parallel_loop3A_1396 = arith.constant 0 : i32
      %parallel_loop3A_1397 = arith.constant 0 : i32
      %parallel_loop3A_1398 = tpu.memref_slice %arg5[%parallel_loop3A_1241, %parallel_loop3A_1396, %parallel_loop3A_1397] : memref<4x16x1024xf32, #tpu.memory_space<vmem>> -> memref<1x16x1024xf32, #tpu.memory_space<vmem>>
      %parallel_loop3A_1399 = tpu.memref_squeeze %parallel_loop3A_1398 : memref<1x16x1024xf32, #tpu.memory_space<vmem>> -> memref<16x1024xf32, #tpu.memory_space<vmem>>
      %parallel_loop3A_1400 = arith.index_cast %parallel_loop3A_1392 : i32 to index
      %parallel_loop3A_1401 = arith.index_cast %parallel_loop3A_1395 : i32 to index
      %parallel_loop3A_1402 = tpu.vector_load %parallel_loop3A_1399[%parallel_loop3A_1400, %parallel_loop3A_1401] {strides = array<i32>} : memref<16x1024xf32, #tpu.memory_space<vmem>>, vector<1x16xf32>,
      %parallel_loop3A_1403 = vector.shape_cast %parallel_loop3A_1402 : vector<1x16xf32> to vector<16xf32>
      %parallel_loop3A_1404 = arith.constant 0 : i32
      %parallel_loop3A_1405 = arith.constant 0 : i32
      %parallel_loop3A_1406 = tpu.memref_slice %arg6[%parallel_loop3A_1242, %parallel_loop3A_1404, %parallel_loop3A_1405] : memref<2x16x1024xf32, #tpu.memory_space<vmem>> -> memref<1x16x1024xf32, #tpu.memory_space<vmem>>
      %parallel_loop3A_1407 = tpu.memref_squeeze %parallel_loop3A_1406 : memref<1x16x1024xf32, #tpu.memory_space<vmem>> -> memref<16x1024xf32, #tpu.memory_space<vmem>>
      %parallel_loop3A_1408 = arith.index_cast %parallel_loop3A_1392 : i32 to index
      %parallel_loop3A_1409 = arith.index_cast %parallel_loop3A_1395 : i32 to index
      %parallel_loop3A_1410 = tpu.vector_load %parallel_loop3A_1407[%parallel_loop3A_1408, %parallel_loop3A_1409] {strides = array<i32>} : memref<16x1024xf32, #tpu.memory_space<vmem>>, vector<1x16xf32>,
      %parallel_loop3A_1411 = vector.shape_cast %parallel_loop3A_1410 : vector<1x16xf32> to vector<16xf32>
      %parallel_loop3A_1412 = arith.addf %parallel_loop3A_1403, %parallel_loop3A_1411 : vector<16xf32>
      %parallel_loop3A_1413 = arith.constant 0 : i32
      %parallel_loop3A_1414 = arith.constant 0 : i32
      %parallel_loop3A_1415 = tpu.memref_slice %arg5[%parallel_loop3A_1241, %parallel_loop3A_1413, %parallel_loop3A_1414] : memref<4x16x1024xf32, #tpu.memory_space<vmem>> -> memref<1x16x1024xf32, #tpu.memory_space<vmem>>
      %parallel_loop3A_1416 = tpu.memref_squeeze %parallel_loop3A_1415 : memref<1x16x1024xf32, #tpu.memory_space<vmem>> -> memref<16x1024xf32, #tpu.memory_space<vmem>>
      %parallel_loop3A_1417 = arith.index_cast %parallel_loop3A_1392 : i32 to index
      %parallel_loop3A_1418 = arith.index_cast %parallel_loop3A_1395 : i32 to index
      %parallel_loop3A_1419 = tpu.vector_load %parallel_loop3A_1416[%parallel_loop3A_1417, %parallel_loop3A_1418] {strides = array<i32>} : memref<16x1024xf32, #tpu.memory_space<vmem>>, vector<1x16xf32>,
      %parallel_loop3A_1420 = vector.shape_cast %parallel_loop3A_1419 : vector<1x16xf32> to vector<16xf32>
      %parallel_loop3A_1421 = vector.shape_cast %parallel_loop3A_1412 : vector<16xf32> to vector<1x16xf32>
      tpu.vector_store %parallel_loop3A_1416[%parallel_loop3A_1417, %parallel_loop3A_1418], %parallel_loop3A_1421 {strides = array<i32>} : memref<16x1024xf32, #tpu.memory_space<vmem>>, vector<1x16xf32>,
    } {sc.loop_unroll_factor = 8 : i64, sc.parallel_access}
    %add3A_1243 = arith.constant 4096 : i32
    %add3A_1244 = arith.addi %add3A_1243, %mul3A_2 : i32
    %add3A_1245 = arith.constant 48 : i32
    %add3A_1246 = arith.addi %add3A_1244, %add3A_1245 : i32
    %dma_start3A_1247 = arith.constant 2 : i32
    %dma_start3A_1248 = arith.constant 2 : i32
    %dma_start3A_1249 = arith.constant 0 : i32
    %dma_start3A_1250 = arith.constant 0 : i32
    %dma_start3A_1251 = tpu.memref_slice %arg5[%dma_start3A_1247, %dma_start3A_1249, %dma_start3A_1250] : memref<4x16x1024xf32, #tpu.memory_space<vmem>> -> memref<1x16x1024xf32, #tpu.memory_space<vmem>>
    %dma_start3A_1252 = tpu.memref_squeeze %dma_start3A_1251 : memref<1x16x1024xf32, #tpu.memory_space<vmem>> -> memref<16x1024xf32, #tpu.memory_space<vmem>>
    %dma_start3A_1253 = arith.constant 0 : i32
    %dma_start3A_1254 = tpu.memref_slice %arg4[%add3A_1246, %dma_start3A_1253] : memref<8192x1024xf32, #tpu.memory_space<hbm>> -> memref<16x1024xf32, #tpu.memory_space<hbm>>
    %dma_start3A_1255 = tpu.memref_slice %arg8[%dma_start3A_1248] : memref<4x!tpu.dma_semaphore, #tpu.memory_space<semaphore_mem>> -> memref<1x!tpu.dma_semaphore, #tpu.memory_space<semaphore_mem>>
    %dma_start3A_1256 = tpu.memref_squeeze %dma_start3A_1255 : memref<1x!tpu.dma_semaphore, #tpu.memory_space<semaphore_mem>> -> memref<!tpu.dma_semaphore, #tpu.memory_space<semaphore_mem>>
    %dma_start3A_1257 = arith.constant 0 : i32
    %dma_start3A_1258 = tpu.memref_slice %arg4[%add3A_1246, %dma_start3A_1257] : memref<8192x1024xf32, #tpu.memory_space<hbm>> -> memref<16x1024xf32, #tpu.memory_space<hbm>>
    %dma_start3A_1259 = arith.constant 0 : i32
    %dma_start3A_1260 = arith.constant 0 : i32
    %dma_start3A_1261 = tpu.memref_slice %arg5[%dma_start3A_1247, %dma_start3A_1259, %dma_start3A_1260] : memref<4x16x1024xf32, #tpu.memory_space<vmem>> -> memref<1x16x1024xf32, #tpu.memory_space<vmem>>
    %dma_start3A_1262 = tpu.memref_squeeze %dma_start3A_1261 : memref<1x16x1024xf32, #tpu.memory_space<vmem>> -> memref<16x1024xf32, #tpu.memory_space<vmem>>
    tpu.enqueue_dma source(%dma_start3A_1262 : memref<16x1024xf32, #tpu.memory_space<vmem>>) target(%dma_start3A_1258 : memref<16x1024xf32, #tpu.memory_space<hbm>>) target_semaphore(%dma_start3A_1256 : memref<!tpu.dma_semaphore, #tpu.memory_space<semaphore_mem>>)
    %dma_wait3A_1263 = arith.constant 3 : i32
    %dma_wait3A_1264 = arith.constant 3 : i32
    %dma_wait3A_1265 = arith.constant 0 : i32
    %dma_wait3A_1266 = arith.constant 0 : i32
    %dma_wait3A_1267 = tpu.memref_slice %arg5[%dma_wait3A_1263, %dma_wait3A_1265, %dma_wait3A_1266] : memref<4x16x1024xf32, #tpu.memory_space<vmem>> -> memref<1x16x1024xf32, #tpu.memory_space<vmem>>
    %dma_wait3A_1268 = tpu.memref_squeeze %dma_wait3A_1267 : memref<1x16x1024xf32, #tpu.memory_space<vmem>> -> memref<16x1024xf32, #tpu.memory_space<vmem>>
    %dma_wait3A_1269 = arith.constant 0 : i32
    %dma_wait3A_1270 = tpu.memref_slice %arg2[%add3A_1164, %dma_wait3A_1269] : memref<8192x1024xf32, #tpu.memory_space<hbm>> -> memref<16x1024xf32, #tpu.memory_space<hbm>>
    %dma_wait3A_1271 = tpu.memref_slice %arg7[%dma_wait3A_1264] : memref<4x!tpu.dma_semaphore, #tpu.memory_space<semaphore_mem>> -> memref<1x!tpu.dma_semaphore, #tpu.memory_space<semaphore_mem>>
    %dma_wait3A_1272 = tpu.memref_squeeze %dma_wait3A_1271 : memref<1x!tpu.dma_semaphore, #tpu.memory_space<semaphore_mem>> -> memref<!tpu.dma_semaphore, #tpu.memory_space<semaphore_mem>>
    %dma_wait3A_1273 = arith.constant 0 : i32
    %dma_wait3A_1274 = arith.constant 0 : i32
    %dma_wait3A_1275 = tpu.memref_slice %arg5[%dma_wait3A_1263, %dma_wait3A_1273, %dma_wait3A_1274] : memref<4x16x1024xf32, #tpu.memory_space<vmem>> -> memref<1x16x1024xf32, #tpu.memory_space<vmem>>
    %dma_wait3A_1276 = tpu.memref_squeeze %dma_wait3A_1275 : memref<1x16x1024xf32, #tpu.memory_space<vmem>> -> memref<16x1024xf32, #tpu.memory_space<vmem>>
    %dma_wait3A_1277 = arith.constant 0 : i32
    %dma_wait3A_1278 = tpu.memref_slice %arg2[%add3A_1164, %dma_wait3A_1277] : memref<8192x1024xf32, #tpu.memory_space<hbm>> -> memref<16x1024xf32, #tpu.memory_space<hbm>>
    tpu.wait_dma2 semaphore(%dma_wait3A_1272 : memref<!tpu.dma_semaphore, #tpu.memory_space<semaphore_mem>>) src(%dma_wait3A_1278 : memref<16x1024xf32, #tpu.memory_space<hbm>>) dst(%dma_wait3A_1276 : memref<16x1024xf32, #tpu.memory_space<vmem>>)
    %parallel_loop3A_1279 = arith.constant 0 : i32
    %parallel_loop3A_1280 = arith.constant 16384 : i32
    %parallel_loop3A_1281 = arith.constant 16 : i32
    %parallel_loop3A_1282 = arith.constant 3 : i32
    %parallel_loop3A_1283 = arith.constant 1 : i32
    scf.for %parallel_loop3A_1368 = %parallel_loop3A_1279 to %parallel_loop3A_1280 step %parallel_loop3A_1281  : i32 {
      %parallel_loop3A_1369 = arith.constant 1024 : i32
      %parallel_loop3A_1370 = arith.divsi %parallel_loop3A_1368, %parallel_loop3A_1369 : i32
      %parallel_loop3A_1371 = arith.constant 0 : i32
      %parallel_loop3A_1372 = arith.cmpi sgt, %parallel_loop3A_1368, %parallel_loop3A_1371 : i32
      %parallel_loop3A_1373 = arith.extui %parallel_loop3A_1372 : i1 to i32
      %parallel_loop3A_1374 = arith.constant 0 : i32
      %parallel_loop3A_1375 = arith.cmpi slt, %parallel_loop3A_1368, %parallel_loop3A_1374 : i32
      %parallel_loop3A_1376 = arith.extui %parallel_loop3A_1375 : i1 to i32
      %parallel_loop3A_1377 = arith.subi %parallel_loop3A_1373, %parallel_loop3A_1376 : i32
      %parallel_loop3A_1378 = arith.constant 0 : i32
      %parallel_loop3A_1379 = arith.cmpi sgt, %parallel_loop3A_1369, %parallel_loop3A_1378 : i32
      %parallel_loop3A_1380 = arith.extui %parallel_loop3A_1379 : i1 to i32
      %parallel_loop3A_1381 = arith.constant 0 : i32
      %parallel_loop3A_1382 = arith.cmpi slt, %parallel_loop3A_1369, %parallel_loop3A_1381 : i32
      %parallel_loop3A_1383 = arith.extui %parallel_loop3A_1382 : i1 to i32
      %parallel_loop3A_1384 = arith.subi %parallel_loop3A_1380, %parallel_loop3A_1383 : i32
      %parallel_loop3A_1385 = arith.cmpi ne, %parallel_loop3A_1377, %parallel_loop3A_1384 : i32
      %parallel_loop3A_1386 = arith.remsi %parallel_loop3A_1368, %parallel_loop3A_1369 : i32
      %parallel_loop3A_1387 = arith.constant 0 : i32
      %parallel_loop3A_1388 = arith.cmpi ne, %parallel_loop3A_1386, %parallel_loop3A_1387 : i32
      %parallel_loop3A_1389 = arith.andi %parallel_loop3A_1385, %parallel_loop3A_1388 : i1
      %parallel_loop3A_1390 = arith.constant 1 : i32
      %parallel_loop3A_1391 = arith.subi %parallel_loop3A_1370, %parallel_loop3A_1390 : i32
      %parallel_loop3A_1392 = arith.select %parallel_loop3A_1389, %parallel_loop3A_1391, %parallel_loop3A_1370 : i32
      %parallel_loop3A_1393 = arith.constant 1024 : i32
      %parallel_loop3A_1394 = arith.muli %parallel_loop3A_1392, %parallel_loop3A_1393 : i32
      %parallel_loop3A_1395 = arith.subi %parallel_loop3A_1368, %parallel_loop3A_1394 : i32
      %parallel_loop3A_1396 = arith.constant 0 : i32
      %parallel_loop3A_1397 = arith.constant 0 : i32
      %parallel_loop3A_1398 = tpu.memref_slice %arg5[%parallel_loop3A_1282, %parallel_loop3A_1396, %parallel_loop3A_1397] : memref<4x16x1024xf32, #tpu.memory_space<vmem>> -> memref<1x16x1024xf32, #tpu.memory_space<vmem>>
      %parallel_loop3A_1399 = tpu.memref_squeeze %parallel_loop3A_1398 : memref<1x16x1024xf32, #tpu.memory_space<vmem>> -> memref<16x1024xf32, #tpu.memory_space<vmem>>
      %parallel_loop3A_1400 = arith.index_cast %parallel_loop3A_1392 : i32 to index
      %parallel_loop3A_1401 = arith.index_cast %parallel_loop3A_1395 : i32 to index
      %parallel_loop3A_1402 = tpu.vector_load %parallel_loop3A_1399[%parallel_loop3A_1400, %parallel_loop3A_1401] {strides = array<i32>} : memref<16x1024xf32, #tpu.memory_space<vmem>>, vector<1x16xf32>,
      %parallel_loop3A_1403 = vector.shape_cast %parallel_loop3A_1402 : vector<1x16xf32> to vector<16xf32>
      %parallel_loop3A_1404 = arith.constant 0 : i32
      %parallel_loop3A_1405 = arith.constant 0 : i32
      %parallel_loop3A_1406 = tpu.memref_slice %arg6[%parallel_loop3A_1283, %parallel_loop3A_1404, %parallel_loop3A_1405] : memref<2x16x1024xf32, #tpu.memory_space<vmem>> -> memref<1x16x1024xf32, #tpu.memory_space<vmem>>
      %parallel_loop3A_1407 = tpu.memref_squeeze %parallel_loop3A_1406 : memref<1x16x1024xf32, #tpu.memory_space<vmem>> -> memref<16x1024xf32, #tpu.memory_space<vmem>>
      %parallel_loop3A_1408 = arith.index_cast %parallel_loop3A_1392 : i32 to index
      %parallel_loop3A_1409 = arith.index_cast %parallel_loop3A_1395 : i32 to index
      %parallel_loop3A_1410 = tpu.vector_load %parallel_loop3A_1407[%parallel_loop3A_1408, %parallel_loop3A_1409] {strides = array<i32>} : memref<16x1024xf32, #tpu.memory_space<vmem>>, vector<1x16xf32>,
      %parallel_loop3A_1411 = vector.shape_cast %parallel_loop3A_1410 : vector<1x16xf32> to vector<16xf32>
      %parallel_loop3A_1412 = arith.addf %parallel_loop3A_1403, %parallel_loop3A_1411 : vector<16xf32>
      %parallel_loop3A_1413 = arith.constant 0 : i32
      %parallel_loop3A_1414 = arith.constant 0 : i32
      %parallel_loop3A_1415 = tpu.memref_slice %arg5[%parallel_loop3A_1282, %parallel_loop3A_1413, %parallel_loop3A_1414] : memref<4x16x1024xf32, #tpu.memory_space<vmem>> -> memref<1x16x1024xf32, #tpu.memory_space<vmem>>
      %parallel_loop3A_1416 = tpu.memref_squeeze %parallel_loop3A_1415 : memref<1x16x1024xf32, #tpu.memory_space<vmem>> -> memref<16x1024xf32, #tpu.memory_space<vmem>>
      %parallel_loop3A_1417 = arith.index_cast %parallel_loop3A_1392 : i32 to index
      %parallel_loop3A_1418 = arith.index_cast %parallel_loop3A_1395 : i32 to index
      %parallel_loop3A_1419 = tpu.vector_load %parallel_loop3A_1416[%parallel_loop3A_1417, %parallel_loop3A_1418] {strides = array<i32>} : memref<16x1024xf32, #tpu.memory_space<vmem>>, vector<1x16xf32>,
      %parallel_loop3A_1420 = vector.shape_cast %parallel_loop3A_1419 : vector<1x16xf32> to vector<16xf32>
      %parallel_loop3A_1421 = vector.shape_cast %parallel_loop3A_1412 : vector<16xf32> to vector<1x16xf32>
      tpu.vector_store %parallel_loop3A_1416[%parallel_loop3A_1417, %parallel_loop3A_1418], %parallel_loop3A_1421 {strides = array<i32>} : memref<16x1024xf32, #tpu.memory_space<vmem>>, vector<1x16xf32>,
    } {sc.loop_unroll_factor = 8 : i64, sc.parallel_access}
    %add3A_1284 = arith.constant 6144 : i32
    %add3A_1285 = arith.addi %add3A_1284, %mul3A_2 : i32
    %add3A_1286 = arith.constant 48 : i32
    %add3A_1287 = arith.addi %add3A_1285, %add3A_1286 : i32
    %dma_start3A_1288 = arith.constant 3 : i32
    %dma_start3A_1289 = arith.constant 3 : i32
    %dma_start3A_1290 = arith.constant 0 : i32
    %dma_start3A_1291 = arith.constant 0 : i32
    %dma_start3A_1292 = tpu.memref_slice %arg5[%dma_start3A_1288, %dma_start3A_1290, %dma_start3A_1291] : memref<4x16x1024xf32, #tpu.memory_space<vmem>> -> memref<1x16x1024xf32, #tpu.memory_space<vmem>>
    %dma_start3A_1293 = tpu.memref_squeeze %dma_start3A_1292 : memref<1x16x1024xf32, #tpu.memory_space<vmem>> -> memref<16x1024xf32, #tpu.memory_space<vmem>>
    %dma_start3A_1294 = arith.constant 0 : i32
    %dma_start3A_1295 = tpu.memref_slice %arg4[%add3A_1287, %dma_start3A_1294] : memref<8192x1024xf32, #tpu.memory_space<hbm>> -> memref<16x1024xf32, #tpu.memory_space<hbm>>
    %dma_start3A_1296 = tpu.memref_slice %arg8[%dma_start3A_1289] : memref<4x!tpu.dma_semaphore, #tpu.memory_space<semaphore_mem>> -> memref<1x!tpu.dma_semaphore, #tpu.memory_space<semaphore_mem>>
    %dma_start3A_1297 = tpu.memref_squeeze %dma_start3A_1296 : memref<1x!tpu.dma_semaphore, #tpu.memory_space<semaphore_mem>> -> memref<!tpu.dma_semaphore, #tpu.memory_space<semaphore_mem>>
    %dma_start3A_1298 = arith.constant 0 : i32
    %dma_start3A_1299 = tpu.memref_slice %arg4[%add3A_1287, %dma_start3A_1298] : memref<8192x1024xf32, #tpu.memory_space<hbm>> -> memref<16x1024xf32, #tpu.memory_space<hbm>>
    %dma_start3A_1300 = arith.constant 0 : i32
    %dma_start3A_1301 = arith.constant 0 : i32
    %dma_start3A_1302 = tpu.memref_slice %arg5[%dma_start3A_1288, %dma_start3A_1300, %dma_start3A_1301] : memref<4x16x1024xf32, #tpu.memory_space<vmem>> -> memref<1x16x1024xf32, #tpu.memory_space<vmem>>
    %dma_start3A_1303 = tpu.memref_squeeze %dma_start3A_1302 : memref<1x16x1024xf32, #tpu.memory_space<vmem>> -> memref<16x1024xf32, #tpu.memory_space<vmem>>
    tpu.enqueue_dma source(%dma_start3A_1303 : memref<16x1024xf32, #tpu.memory_space<vmem>>) target(%dma_start3A_1299 : memref<16x1024xf32, #tpu.memory_space<hbm>>) target_semaphore(%dma_start3A_1297 : memref<!tpu.dma_semaphore, #tpu.memory_space<semaphore_mem>>)
    %dma_wait3A_1304 = arith.constant 0 : i32
    %dma_wait3A_1305 = arith.constant 0 : i32
    %dma_wait3A_1306 = arith.constant 0 : i32
    %dma_wait3A_1307 = arith.constant 0 : i32
    %dma_wait3A_1308 = tpu.memref_slice %arg5[%dma_wait3A_1304, %dma_wait3A_1306, %dma_wait3A_1307] : memref<4x16x1024xf32, #tpu.memory_space<vmem>> -> memref<1x16x1024xf32, #tpu.memory_space<vmem>>
    %dma_wait3A_1309 = tpu.memref_squeeze %dma_wait3A_1308 : memref<1x16x1024xf32, #tpu.memory_space<vmem>> -> memref<16x1024xf32, #tpu.memory_space<vmem>>
    %dma_wait3A_1310 = arith.constant 0 : i32
    %dma_wait3A_1311 = tpu.memref_slice %arg4[%add3A_1128, %dma_wait3A_1310] : memref<8192x1024xf32, #tpu.memory_space<hbm>> -> memref<16x1024xf32, #tpu.memory_space<hbm>>
    %dma_wait3A_1312 = tpu.memref_slice %arg8[%dma_wait3A_1305] : memref<4x!tpu.dma_semaphore, #tpu.memory_space<semaphore_mem>> -> memref<1x!tpu.dma_semaphore, #tpu.memory_space<semaphore_mem>>
    %dma_wait3A_1313 = tpu.memref_squeeze %dma_wait3A_1312 : memref<1x!tpu.dma_semaphore, #tpu.memory_space<semaphore_mem>> -> memref<!tpu.dma_semaphore, #tpu.memory_space<semaphore_mem>>
    %dma_wait3A_1314 = arith.constant 0 : i32
    %dma_wait3A_1315 = tpu.memref_slice %arg4[%add3A_1128, %dma_wait3A_1314] : memref<8192x1024xf32, #tpu.memory_space<hbm>> -> memref<16x1024xf32, #tpu.memory_space<hbm>>
    %dma_wait3A_1316 = arith.constant 0 : i32
    %dma_wait3A_1317 = arith.constant 0 : i32
    %dma_wait3A_1318 = tpu.memref_slice %arg5[%dma_wait3A_1304, %dma_wait3A_1316, %dma_wait3A_1317] : memref<4x16x1024xf32, #tpu.memory_space<vmem>> -> memref<1x16x1024xf32, #tpu.memory_space<vmem>>
    %dma_wait3A_1319 = tpu.memref_squeeze %dma_wait3A_1318 : memref<1x16x1024xf32, #tpu.memory_space<vmem>> -> memref<16x1024xf32, #tpu.memory_space<vmem>>
    tpu.wait_dma2 semaphore(%dma_wait3A_1313 : memref<!tpu.dma_semaphore, #tpu.memory_space<semaphore_mem>>) src(%dma_wait3A_1319 : memref<16x1024xf32, #tpu.memory_space<vmem>>) dst(%dma_wait3A_1315 : memref<16x1024xf32, #tpu.memory_space<hbm>>)
    %dma_wait3A_1320 = arith.constant 1 : i32
    %dma_wait3A_1321 = arith.constant 1 : i32
    %dma_wait3A_1322 = arith.constant 0 : i32
    %dma_wait3A_1323 = arith.constant 0 : i32
    %dma_wait3A_1324 = tpu.memref_slice %arg5[%dma_wait3A_1320, %dma_wait3A_1322, %dma_wait3A_1323] : memref<4x16x1024xf32, #tpu.memory_space<vmem>> -> memref<1x16x1024xf32, #tpu.memory_space<vmem>>
    %dma_wait3A_1325 = tpu.memref_squeeze %dma_wait3A_1324 : memref<1x16x1024xf32, #tpu.memory_space<vmem>> -> memref<16x1024xf32, #tpu.memory_space<vmem>>
    %dma_wait3A_1326 = arith.constant 0 : i32
    %dma_wait3A_1327 = tpu.memref_slice %arg4[%add3A_1205, %dma_wait3A_1326] : memref<8192x1024xf32, #tpu.memory_space<hbm>> -> memref<16x1024xf32, #tpu.memory_space<hbm>>
    %dma_wait3A_1328 = tpu.memref_slice %arg8[%dma_wait3A_1321] : memref<4x!tpu.dma_semaphore, #tpu.memory_space<semaphore_mem>> -> memref<1x!tpu.dma_semaphore, #tpu.memory_space<semaphore_mem>>
    %dma_wait3A_1329 = tpu.memref_squeeze %dma_wait3A_1328 : memref<1x!tpu.dma_semaphore, #tpu.memory_space<semaphore_mem>> -> memref<!tpu.dma_semaphore, #tpu.memory_space<semaphore_mem>>
    %dma_wait3A_1330 = arith.constant 0 : i32
    %dma_wait3A_1331 = tpu.memref_slice %arg4[%add3A_1205, %dma_wait3A_1330] : memref<8192x1024xf32, #tpu.memory_space<hbm>> -> memref<16x1024xf32, #tpu.memory_space<hbm>>
    %dma_wait3A_1332 = arith.constant 0 : i32
    %dma_wait3A_1333 = arith.constant 0 : i32
    %dma_wait3A_1334 = tpu.memref_slice %arg5[%dma_wait3A_1320, %dma_wait3A_1332, %dma_wait3A_1333] : memref<4x16x1024xf32, #tpu.memory_space<vmem>> -> memref<1x16x1024xf32, #tpu.memory_space<vmem>>
    %dma_wait3A_1335 = tpu.memref_squeeze %dma_wait3A_1334 : memref<1x16x1024xf32, #tpu.memory_space<vmem>> -> memref<16x1024xf32, #tpu.memory_space<vmem>>
    tpu.wait_dma2 semaphore(%dma_wait3A_1329 : memref<!tpu.dma_semaphore, #tpu.memory_space<semaphore_mem>>) src(%dma_wait3A_1335 : memref<16x1024xf32, #tpu.memory_space<vmem>>) dst(%dma_wait3A_1331 : memref<16x1024xf32, #tpu.memory_space<hbm>>)
    %dma_wait3A_1336 = arith.constant 2 : i32
    %dma_wait3A_1337 = arith.constant 2 : i32
    %dma_wait3A_1338 = arith.constant 0 : i32
    %dma_wait3A_1339 = arith.constant 0 : i32
    %dma_wait3A_1340 = tpu.memref_slice %arg5[%dma_wait3A_1336, %dma_wait3A_1338, %dma_wait3A_1339] : memref<4x16x1024xf32, #tpu.memory_space<vmem>> -> memref<1x16x1024xf32, #tpu.memory_space<vmem>>
    %dma_wait3A_1341 = tpu.memref_squeeze %dma_wait3A_1340 : memref<1x16x1024xf32, #tpu.memory_space<vmem>> -> memref<16x1024xf32, #tpu.memory_space<vmem>>
    %dma_wait3A_1342 = arith.constant 0 : i32
    %dma_wait3A_1343 = tpu.memref_slice %arg4[%add3A_1246, %dma_wait3A_1342] : memref<8192x1024xf32, #tpu.memory_space<hbm>> -> memref<16x1024xf32, #tpu.memory_space<hbm>>
    %dma_wait3A_1344 = tpu.memref_slice %arg8[%dma_wait3A_1337] : memref<4x!tpu.dma_semaphore, #tpu.memory_space<semaphore_mem>> -> memref<1x!tpu.dma_semaphore, #tpu.memory_space<semaphore_mem>>
    %dma_wait3A_1345 = tpu.memref_squeeze %dma_wait3A_1344 : memref<1x!tpu.dma_semaphore, #tpu.memory_space<semaphore_mem>> -> memref<!tpu.dma_semaphore, #tpu.memory_space<semaphore_mem>>
    %dma_wait3A_1346 = arith.constant 0 : i32
    %dma_wait3A_1347 = tpu.memref_slice %arg4[%add3A_1246, %dma_wait3A_1346] : memref<8192x1024xf32, #tpu.memory_space<hbm>> -> memref<16x1024xf32, #tpu.memory_space<hbm>>
    %dma_wait3A_1348 = arith.constant 0 : i32
    %dma_wait3A_1349 = arith.constant 0 : i32
    %dma_wait3A_1350 = tpu.memref_slice %arg5[%dma_wait3A_1336, %dma_wait3A_1348, %dma_wait3A_1349] : memref<4x16x1024xf32, #tpu.memory_space<vmem>> -> memref<1x16x1024xf32, #tpu.memory_space<vmem>>
    %dma_wait3A_1351 = tpu.memref_squeeze %dma_wait3A_1350 : memref<1x16x1024xf32, #tpu.memory_space<vmem>> -> memref<16x1024xf32, #tpu.memory_space<vmem>>
    tpu.wait_dma2 semaphore(%dma_wait3A_1345 : memref<!tpu.dma_semaphore, #tpu.memory_space<semaphore_mem>>) src(%dma_wait3A_1351 : memref<16x1024xf32, #tpu.memory_space<vmem>>) dst(%dma_wait3A_1347 : memref<16x1024xf32, #tpu.memory_space<hbm>>)
    %dma_wait3A_1352 = arith.constant 3 : i32
    %dma_wait3A_1353 = arith.constant 3 : i32
    %dma_wait3A_1354 = arith.constant 0 : i32
    %dma_wait3A_1355 = arith.constant 0 : i32
    %dma_wait3A_1356 = tpu.memref_slice %arg5[%dma_wait3A_1352, %dma_wait3A_1354, %dma_wait3A_1355] : memref<4x16x1024xf32, #tpu.memory_space<vmem>> -> memref<1x16x1024xf32, #tpu.memory_space<vmem>>
    %dma_wait3A_1357 = tpu.memref_squeeze %dma_wait3A_1356 : memref<1x16x1024xf32, #tpu.memory_space<vmem>> -> memref<16x1024xf32, #tpu.memory_space<vmem>>
    %dma_wait3A_1358 = arith.constant 0 : i32
    %dma_wait3A_1359 = tpu.memref_slice %arg4[%add3A_1287, %dma_wait3A_1358] : memref<8192x1024xf32, #tpu.memory_space<hbm>> -> memref<16x1024xf32, #tpu.memory_space<hbm>>
    %dma_wait3A_1360 = tpu.memref_slice %arg8[%dma_wait3A_1353] : memref<4x!tpu.dma_semaphore, #tpu.memory_space<semaphore_mem>> -> memref<1x!tpu.dma_semaphore, #tpu.memory_space<semaphore_mem>>
    %dma_wait3A_1361 = tpu.memref_squeeze %dma_wait3A_1360 : memref<1x!tpu.dma_semaphore, #tpu.memory_space<semaphore_mem>> -> memref<!tpu.dma_semaphore, #tpu.memory_space<semaphore_mem>>
    %dma_wait3A_1362 = arith.constant 0 : i32
    %dma_wait3A_1363 = tpu.memref_slice %arg4[%add3A_1287, %dma_wait3A_1362] : memref<8192x1024xf32, #tpu.memory_space<hbm>> -> memref<16x1024xf32, #tpu.memory_space<hbm>>
    %dma_wait3A_1364 = arith.constant 0 : i32
    %dma_wait3A_1365 = arith.constant 0 : i32
    %dma_wait3A_1366 = tpu.memref_slice %arg5[%dma_wait3A_1352, %dma_wait3A_1364, %dma_wait3A_1365] : memref<4x16x1024xf32, #tpu.memory_space<vmem>> -> memref<1x16x1024xf32, #tpu.memory_space<vmem>>
    %dma_wait3A_1367 = tpu.memref_squeeze %dma_wait3A_1366 : memref<1x16x1024xf32, #tpu.memory_space<vmem>> -> memref<16x1024xf32, #tpu.memory_space<vmem>>
    tpu.wait_dma2 semaphore(%dma_wait3A_1361 : memref<!tpu.dma_semaphore, #tpu.memory_space<semaphore_mem>>) src(%dma_wait3A_1367 : memref<16x1024xf32, #tpu.memory_space<vmem>>) dst(%dma_wait3A_1363 : memref<16x1024xf32, #tpu.memory_space<hbm>>)
    return
  }
}

</mosaic_0001>

<sc_bundles>
// kernel: kernel.3.cloned.1.call-start
scs
__scs_entry_jumppad:
0x0: {  	(pc) =	sbr.rel $0x88, $3  }
0x1: {  	(tag) =	ssettag $0x0;
	lr =	simm.s32 $0x1  }
0x2: {  	[smem:$0x3F9F] =	sst lr;
	_ =	strace $0xD0000000  }
0x3: {  	_ = 	snop  }
0x4: {  	_ = 	snop  }
0x5: {  	_ = 	snop  }
0x6: {  	_ = 	snop  }
0x7: {  	_ = 	snop  }
__scs_overlays_trampoline_lowered:
0x8: {  	[smem:$0x3FAE] =	sst s0  }
0x9: {  	[smem:$0x3FAF] =	sst s1  }
0xa: {  	[smem:$0x3FB0] =	sst s2  }
0xb: {  	[smem:$0x3FB1] =	sst s3  }
0xc: {  	[smem:$0x3FB2] =	sst s4  }
0xd: {  	[smem:$0x3FB3] =	sst s5  }
0xe: {  	[smem:$0x3FB4] =	sst s6  }
0xf: {  	[smem:$0x3FB5] =	sst s7  }
0x10: {  	[smem:$0x3FB6] =	sst s8  }
0x11: {  	[smem:$0x3FB7] =	sst s9;
	s0 =	simm.s32 @!p0 $0x0  }
0x12: {  	s1 =	sld [smem:$0x3F9D];
	s0 =	simm.s32 @p0 $0x1  }
0x13: {  	[smem:$0x3FB8] =	sst s0;
	s0 =	simm.s32 @!p1 $0x0  }
0x14: {  	s2 =	sld [smem:$0x3F9C];
	s0 =	simm.s32 @p1 $0x1  }
0x15: {  	[smem:$0x3FB9] =	sst s0;
	s0 =	simm.s32 @!p2 $0x0  }
0x16: {  	s3 =	sld [smem:$0x3FDB];
	s0 =	simm.s32 @p2 $0x1  }
0x17: {  	s4 =	simm.s32 $0x1BF5;
	[smem:$0x3FBB] =	sst s0  }
0x18: {  	s0 =	sld [smem:$0x3F9E];
	_ =	swait.ge [sflag:s4], $0x0  }
0x19: {  	s7 =	sld [smem:$0x3F9F]  }
0x1a: {  	s8 =	sadd.s32 $0xFFFFE003, lr  }
0x1b: {  	s9 =	sadd.s32 $0xFFFFFEF7, lr;
	s5 =	simm.s32 $0xFFFFFFFF;
	p2 =	slt.u32 s8, $0xFFFFF086  }
0x1c: {  	p1 =	slt.u32 s9, $0xF7A;
	s5 =	simm.s32 @!p2 $0x0  }
0x1d: {  	s5 =	simm.s32 @p1 $0x1;
	p0 =	seq.s32 s7, s2  }
0x1e: {  	s7 =	smul.u32 @!p0 $0xF7A, s2;
	p2 =	seq.s32 @!p0 s5, $0x0  }
0x1f: {  	s9 =	smul.u32 $0xF7A, s1;
	s8 =	simm.s32 @!p0 $0x1BF5;
	p2 =	por !p2, p0  }
0x20: {  	[sflag:s8] =	ssyncset.s32 @!p0 $0xFFFFF086;
	s6 =	sadd.s32 @!p0 s3, s7;
	s7 =	simm.s32 @!p0 $0x108  }
0x21: {  	s3 =	sadd.s32 s3, s9;
	s6 =	sadd.s32 @!p0 $0x88, s6;
	s7 =	simm.s32 @p2 $0x1082  }
0x22: {  	[simem:s7], [sflag:s8] =	dma.local @!p0 [hbm:s6], $0xF7A  }
0x23: {  	s9 =	sor.u32 $0xD0000000, s2;
	s6 =	simm.s32 $0x108;
	_ =	swait.ge @!p0 [sflag:s8], $0x0  }
0x24: {  	s3 =	sadd.s32 $0x88, s3;
	s6 =	simm.s32 @!p1 $0x1082;
	[sflag:s4] =	ssyncset.s32 $0xFFFFF086  }
0x25: {  	[simem:s6], [sflag:s4] =	dma.local [hbm:s3], $0xF7A  }
0x26: {  	[smem:$0x3F9F] =	sst s1;
	(tag) =	ssettag s2;
	_ =	strace s9  }
0x27: {  	s1 =	sld [smem:$0x3FAF]  }
0x28: {  	s2 =	sld [smem:$0x3FB0]  }
0x29: {  	s4 =	sld [smem:$0x3FB2]  }
0x2a: {  	p0 =	seq.s32 s5, $0x0;
	s5 =	sld [smem:$0x3FB3]  }
0x2b: {  	s6 =	sld [smem:$0x3FB4]  }
0x2c: {  	s7 =	sld [smem:$0x3FB5]  }
0x2d: {  	s3 =	simm.s32 $0x108;
	s8 =	sld [smem:$0x3FB6]  }
0x2e: {  	s3 =	simm.s32 @!p0 $0x1082;
	s9 =	sld [smem:$0x3FB7]  }
0x2f: {  	lr =	sadd.s32 s0, s3;
	s0 =	sld [smem:$0x3FAE]  }
0x30: {  	s3 =	sld [smem:$0x3FB1]  }
0x31: {  	[smem:$0x3FBA] =	sst s10  }
0x32: {  	s10 =	sld [smem:$0x3FB8];
	_ =	sdelay $0x3  }
0x33: {  	p0 =	seq.s32 s10, $0x1;
	s10 =	sld [smem:$0x3FBA];
	_ =	sdelay $0x3  }
0x34: {  	[smem:$0x3FBA] =	sst s10  }
0x35: {  	s10 =	sld [smem:$0x3FB9];
	_ =	sdelay $0x3  }
0x36: {  	p1 =	seq.s32 s10, $0x1;
	s10 =	sld [smem:$0x3FBA];
	_ =	sdelay $0x3  }
0x37: {  	[smem:$0x3FBA] =	sst s10  }
0x38: {  	s10 =	sld [smem:$0x3FBB]  }
0x39: {  	_ = 	snop;
	(pc) =	sbr.ind lr, $3  }
0x3a: {  	_ = 	snop  }
0x3b: {  	_ = 	snop  }
0x3c: {  	p2 =	seq.s32 s10, $0x1;
	s10 =	sld [smem:$0x3FBA]  }
0x3d: {  	_ =	shalt  }
0x3e: {  	_ =	shalt  }
0x3f: {  	_ =	shalt  }
0x40: {  	_ =	shalt  }
0x41: {  	_ =	shalt  }
0x42: {  	_ =	shalt  }
0x43: {  	_ =	shalt  }
0x44: {  	_ =	shalt  }
0x45: {  	_ =	shalt  }
0x46: {  	_ =	shalt  }
0x47: {  	_ =	shalt  }
0x48: {  	_ =	shalt  }
0x49: {  	_ =	shalt  }
0x4a: {  	_ =	shalt  }
0x4b: {  	_ =	shalt  }
0x4c: {  	_ =	shalt  }
0x4d: {  	_ =	shalt  }
0x4e: {  	_ =	shalt  }
0x4f: {  	_ =	shalt  }
0x50: {  	_ =	shalt  }
0x51: {  	_ =	shalt  }
0x52: {  	_ =	shalt  }
0x53: {  	_ =	shalt  }
0x54: {  	_ =	shalt  }
0x55: {  	_ =	shalt  }
0x56: {  	_ =	shalt  }
0x57: {  	_ =	shalt  }
0x58: {  	_ =	shalt  }
0x59: {  	_ =	shalt  }
0x5a: {  	_ =	shalt  }
0x5b: {  	_ =	shalt  }
0x5c: {  	_ =	shalt  }
0x5d: {  	_ =	shalt  }
0x5e: {  	_ =	shalt  }
0x5f: {  	_ =	shalt  }
0x60: {  	_ =	shalt  }
0x61: {  	_ =	shalt  }
0x62: {  	_ =	shalt  }
0x63: {  	_ =	shalt  }
0x64: {  	_ =	shalt  }
0x65: {  	_ =	shalt  }
0x66: {  	_ =	shalt  }
0x67: {  	_ =	shalt  }
0x68: {  	_ =	shalt  }
0x69: {  	_ =	shalt  }
0x6a: {  	_ =	shalt  }
0x6b: {  	_ =	shalt  }
0x6c: {  	_ =	shalt  }
0x6d: {  	_ =	shalt  }
0x6e: {  	_ =	shalt  }
0x6f: {  	_ =	shalt  }
0x70: {  	_ =	shalt  }
0x71: {  	_ =	shalt  }
0x72: {  	_ =	shalt  }
0x73: {  	_ =	shalt  }
0x74: {  	_ =	shalt  }
0x75: {  	_ =	shalt  }
0x76: {  	_ =	shalt  }
0x77: {  	_ =	shalt  }
0x78: {  	_ =	shalt  }
0x79: {  	_ =	shalt  }
0x7a: {  	_ =	shalt  }
0x7b: {  	_ =	shalt  }
0x7c: {  	_ =	shalt  }
0x7d: {  	_ =	shalt  }
0x7e: {  	_ =	shalt  }
0x7f: {  	_ =	shalt  }
0x80: {  	_ =	shalt  }
0x81: {  	_ =	shalt  }
0x82: {  	_ =	shalt  }
0x83: {  	_ =	shalt  }
0x84: {  	_ =	shalt  }
0x85: {  	_ =	shalt  }
0x86: {  	_ =	shalt  }
0x87: {  	_ =	shalt  }
.Lfunc_end0:
.L_simem_size_0:
called_computation_lowered:
.L_overlay_start_0:
0x88: {  	s2 =	sld [smem:$0x3FD9]  }
0x89: {  	s3 =	sld [smem:$0x3FFE];
	_ =	sdelay $0x1  }
0x8a: {  	s1 =	srdreg.scid  }
0x8b: {  	s0 =	sand.u32 $0x1, s1  }
0x8c: {  	s18 =	sshll.u32 s0, $0xA;
	s2 =	sadd.s32 s3, s2  }
0x8d: {  	s2 =	sadd.s32 s2, s18  }
0x8e: {  	[smem:$0x3FC6] =	sst s2  }
0x8f: {  	_ = 	snop  }
0x90: {  	s2 =	sld [smem:$0x3FC9]  }
0x91: {  	s19 =	sld [smem:$0x3FC8]  }
0x92: {  	s4 =	sld [smem:$0x3FD0];
	(tm) =	ssettm $0x1  }
0x93: {  	s5 =	sld [smem:$0x3FFB];
	_ =	sdelay $0x3  }
0x94: {  	_ =	strace s5  }
0x95: {  	s5 =	sld [smem:$0x3FFC];
	_ =	sdelay $0x3  }
0x96: {  	_ =	strace s5  }
0x97: {  	s5 =	sld [smem:$0x3FFD];
	_ =	sdelay $0x3  }
0x98: {  	_ =	strace s5  }
0x99: {  	_ =	strace $0x8FFFFFFF  }
0x9a: {  	s20 =	sld [smem:$0x3FDB];
	_ =	sdelay $0x1  }
0x9b: {  	s6 =	simm.s32 $_scs_section_size  }
0x9c: {  	s7 =	simm.s32 $_size__tile_overlayer_lowered;
	s8 =	simm.s32 $_tile_overlayer_lowered  }
0x9d: {  	s23 =	simm.s32 $0x1BFF;
	s22 =	sshll.u32 s8, $0x1;
	s5 =	sadd.s32 s6, s20  }
0x9e: {  	s9 =	simm.s32 $0x0;
	s21 =	sshll.u32 s7, $0x1;
	s7 =	sadd.s32 s22, s5  }
0x9f: {  	[timem:s9], [sflag:s23] =	dma.local [hbm:s7], s21  }
0xa0: {  	_ =	swait.ge [sflag:s23], s21  }
0xa1: {  	s6 =	ssub.s32 $0x0, s21;
	[sflag:s23] =	ssyncset.done $0x0  }
0xa2: {  	[sflag:s23] =	ssyncadd.s32 s6;
	_ =	sdelay $0x1  }
0xa3: {  	s24 =	simm.s32 $0x1B8B  }
0xa4: {  	_ =	swait.ge [sflag:s24], $0x1  }
0xa5: {  	[sflag:s24] =	ssyncset.done $0x0  }
0xa6: {  	s25 =	simm.s32 $0x1B8E;
	[sflag:s24] =	ssyncadd.s32 $0xFFFFFFFF  }
0xa7: {  	s26 =	simm.s32 $execute0_lowered;
	[smem:$0x3FD2] =	sst s25  }
0xa8: {  	s6 =	sshll.u32 s26, $0x1;
	_ =	strace $0x80000046;
	[dreg:$0x1] =	wrdreg $0xFFFFFFFF  }
0xa9: {  	s28 =	simm.s32 $_size_execute0_lowered;
	s5 =	sadd.s32 s5, s6;
	[dreg:$0x0] =	wrdreg $0x0  }
0xaa: {  	s6 =	sshll.u32 s28, $0x1;
	[dreg:$0x2] =	wrdreg s5  }
0xab: {  	[dreg:$0x3] =	wrdreg s6  }
0xac: {  	[dreg:$0x4] =	wrdreg $0xC0  }
0xad: {  	_ =	task [dreg:s9], $0x5FFFF  }
0xae: {  	[dreg:$0x1] =	wrdreg $0xFFFFFFFF  }
0xaf: {  	[dreg:$0x0] =	wrdreg $0x60  }
0xb0: {  	[dreg:$0x2] =	wrdreg s2  }
0xb1: {  	[dreg:$0x3] =	wrdreg s19  }
0xb2: {  	[dreg:$0x4] =	wrdreg s4  }
0xb3: {  	[dreg:$0x5] =	wrdreg $0x9  }
0xb4: {  	_ =	task.clear_ibuf [dreg:s9], $0x6FFFF;
	_ =	strace $0x90000046  }
0xb5: {  	s29 =	simm.s32 $0x9;
	_ =	strace $0x80000048  }
0xb6: {  	_ =	swait.ge [sflag:s29], $0x1  }
0xb7: {  	[sflag:s29] =	ssyncadd.s32 $0xFFFFFFFF  }
0xb8: {  	_ =	strace $0x90000048  }
0xb9: {  	_ =	sfence  }
0xba: {  	s30 =	sld [smem:$0x0];
	_ =	sdelay $0x2  }
0xbb: {  	s31 =	sshll.u32 s1, $0xD;
	s1 =	sshrl.u32 s1, $0x2  }
0xbc: {  	s3 =	sand.u32 $0x4000, s31;
	s1 =	sadd.s32 s1, s30  }
0xbd: {  	s0 =	sor.u32 s3, s0;
	s1 =	sshll.u32 s1, $0x11  }
0xbe: {  	s0 =	sor.u32 s1, s0  }
0xbf: {  	s0 =	sadd.s32 $0x8F2B, s0  }
0xc0: {  	[sflag:s0] =	ssyncadd.remote.s32 $0x1  }
0xc1: {  	_ =	sfence.sel $0xFFFF  }
0xc2: {  	[dreg:$0x0] =	wrdreg $0xFFFFFFFF;
	(pc) =	sbr.abs _section_cstart, $3  }
0xc3: {  	[dreg:$0x1] =	wrdreg $0xFFFFFFFF  }
0xc4: {  	_ =	task.clear_ibuf [dreg:s9], $0x2FFFF;
	_ =	strace $0x9FFFFFFF  }
0xc5: {  	(tm) =	ssettm $0x7FFFFFFF  }
tec
execute0_lowered:
.L_overlay_start_1:
0x0: {  	(tag) =	ssettag $0x1  }
0x1: {  	s4 =	rddreg [dreg:$0x0]  }
0x2: {  	s0 =	rddreg [dreg:$0x1]  }
0x3: {  	s1 =	srdreg.scid;
	s3 =	stileid.u32  }
0x4: {  	s7 =	rddreg [dreg:$0x2];
	s1 =	sand.u32 $0x1, s1;
	s3 =	sshll.u32 s3, $0xE  }
0x5: {  	s2 =	ssub.s32 $0x2, s1;
	s5 =	sshll.u32 s1, $0xD;
	s1 =	simm.s32 $0x0  }
0x6: {  	s6 =	sshrl.u32 s2, $0x1;
	s3 =	sor.u32 s5, s3;
	[smem:$0x7FF] =	sst s1  }
0x7: {  	s8 =	ssub.s32 s2, s6;
	s14 =	sor.u32 $0x40000, s3;
	s10 =	sadd.s32 s0, s3  }
0x8: {  	s16 =	sor.u32 $0x80000, s3;
	s15 =	sadd.s32 s4, s14;
	[dreg:$0x7] =	wrdreg s10  }
0x9: {  	s17 =	sor.u32 $0xC0000, s3;
	s9 =	sadd.s32 s4, s16;
	[dreg:$0x4] =	wrdreg s15  }
0xa: {  	s19 =	sor.u32 $0x800, s3;
	s18 =	sadd.s32 s4, s17;
	[dreg:$0x5] =	wrdreg s9  }
0xb: {  	s23 =	sor.u32 $0x40800, s3;
	s20 =	sadd.s32 s0, s19;
	[dreg:$0x6] =	wrdreg s18  }
0xc: {  	s26 =	sor.u32 $0x80800, s3;
	s2 =	sadd.s32 s7, s14;
	[dreg:$0x8] =	wrdreg s20  }
0xd: {  	s29 =	sor.u32 $0x1000, s3;
	s21 =	sadd.s32 s4, s19;
	[dreg:$0x9] =	wrdreg s2  }
0xe: {  	s30 =	sor.u32 $0xC0800, s3;
	s22 =	sadd.s32 s7, s16;
	[dreg:$0xa] =	wrdreg s21  }
0xf: {  	s31 =	sadd.s32 s4, s3;
	s24 =	sadd.s32 s4, s23;
	[dreg:$0xb] =	wrdreg s22  }
0x10: {  	s25 =	sadd.s32 s7, s17;
	s28 =	sadd.s32 s4, s26;
	[dreg:$0xc] =	wrdreg s24  }
0x11: {  	s11 =	sadd.s32 s0, s29;
	s12 =	sadd.s32 s4, s30;
	[dreg:$0xd] =	wrdreg s25  }
0x12: {  	s13 =	sadd.s32 s7, s26;
	s14 =	sor.u32 $0x1800, s3;
	[dreg:$0xe] =	wrdreg s28  }
0x13: {  	s16 =	sor.u32 $0x41000, s3;
	s17 =	sadd.s32 s4, s29;
	[dreg:$0xf] =	wrdreg s11  }
0x14: {  	s8 =	smax.u32 s8, $0x1;
	s10 =	simm.s32 $0x8000;
	[dreg:$0x11] =	wrdreg s12  }
0x15: {  	s9 =	sadd.s32 s7, s19;
	s2 =	sadd.s32 s7, s23;
	[dreg:$0x13] =	wrdreg s13  }
0x16: {  	s15 =	sadd.s32 s7, s30;
	s0 =	sadd.s32 s0, s14;
	[dreg:$0x16] =	wrdreg s17  }
0x17: {  	s18 =	sadd.s32 s7, s29;
	s19 =	sadd.s32 s4, s16;
	s20 =	sor.u32 $0x81000, s3  }
0x18: {  	s21 =	sor.u32 $0xC1000, s3;
	s25 =	sadd.s32 s4, s14;
	[dreg:$0x10] =	wrdreg s9  }
0x19: {  	s26 =	sadd.s32 s7, s14;
	s28 =	sor.u32 $0x41800, s3;
	[dreg:$0x12] =	wrdreg s2  }
0x1a: {  	s29 =	sor.u32 $0x81800, s3;
	s30 =	sor.u32 $0xC1800, s3;
	[dreg:$0x14] =	wrdreg s15  }
0x1b: {  	s11 =	simm.s32 $0xC000;
	s14 =	simm.s32 $0x9;
	[dreg:$0x15] =	wrdreg s0  }
0x1c: {  	s17 =	simm.s32 $0x5;
	s12 =	simm.s32 $0x4;
	[dreg:$0x17] =	wrdreg s18  }
0x1d: {  	s13 =	simm.s32 $0xA;
	[dreg:$0x18] =	wrdreg s19;
	s0 =	sadd.s32 s7, s16  }
0x1e: {  	s22 =	sadd.s32 s4, s20;
	s23 =	sadd.s32 s4, s21;
	[dreg:$0x1e] =	wrdreg s25  }
0x1f: {  	s24 =	sadd.s32 s7, s21;
	[dreg:$0x1f] =	wrdreg s26;
	s2 =	sadd.s32 s4, s28  }
0x20: {  	s5 =	sadd.s32 s7, s28;
	s6 =	sadd.s32 s7, s29;
	s9 =	simm.s32 $0x4000  }
0x21: {  	s15 =	simm.s32 $0x1;
	s16 =	simm.s32 $0x2;
	[dreg:$0x19] =	wrdreg s0  }
0x22: {  	s18 =	simm.s32 $0x3;
	s19 =	simm.s32 $0x6;
	[dreg:$0x1a] =	wrdreg s22  }
0x23: {  	s21 =	simm.s32 $0x8;
	s0 =	sadd.s32 s7, s20;
	[dreg:$0x1c] =	wrdreg s23  }
0x24: {  	[dreg:$0x1d] =	wrdreg s24;
	s20 =	simm.s32 $0x7;
	s22 =	simm.s32 $0x0  }
0x25: {  	[dreg:$0x1b] =	wrdreg s0;
	s0 =	sadd.s32 s7, s3;
	s3 =	sadd.s32 s4, s29  }
0x26: {  	s4 =	sadd.s32 s4, s30;
	s7 =	sadd.s32 s7, s30;
	_ =	strace $0x80000047  }
.LBB2_1:
0x27: {  	[tilespmem:s1], [sflag:$0x1] =	stream.linear.gather [hbm4b:s31+s1], $0x4000, $0x38;
	[tilespmem:$0x18000] =	vst v63  }
0x28: {  	s23 =	rddreg [dreg:$0x4]  }
0x29: {  	[tilespmem:s9], [sflag:$0x2] =	stream.linear.gather [hbm4b:s23+s1], $0x4000, $0x38;
	[tilespmem:$0x18000] =	vst v63  }
0x2a: {  	s28 =	rddreg [dreg:$0x5]  }
0x2b: {  	[tilespmem:s10], [sflag:$0x3] =	stream.linear.gather [hbm4b:s28+s1], $0x4000, $0x38;
	[tilespmem:$0x18000] =	vst v63  }
0x2c: {  	s29 =	rddreg [dreg:$0x6]  }
0x2d: {  	[tilespmem:s11], [sflag:$0x4] =	stream.linear.gather [hbm4b:s29+s1], $0x4000, $0x38;
	[tilespmem:$0x18000] =	vst v63  }
0x2e: {  	s30 =	rddreg [dreg:$0x7];
	s24 =	simm.s32 $0x10000  }
0x2f: {  	[tilespmem:s24], [sflag:$0x9] =	stream.linear.gather [hbm4b:s30+s1], $0x4000, $0x38;
	[tilespmem:$0x18000] =	vst v63  }
0x30: {  	s25 =	rddreg [dreg:$0x8];
	s26 =	simm.s32 $0x14000  }
0x31: {  	[tilespmem:s26], [sflag:$0xA] =	stream.linear.gather [hbm4b:s25+s1], $0x4000, $0x38;
	[tilespmem:$0x18000] =	vst v63  }
0x32: {  	_ =	swait.ge [sflag:s14], $0x4000  }
0x33: {  	s28 =	sand.u32 $0xFFFFE000, s1;
	[sflag:s14] =	ssyncset.done $0x0  }
0x34: {  	s23 =	sadd.s32 $0x0, s28;
	s29 =	simm.s32 $0x0;
	[sflag:s14] =	ssyncadd.s32 $0xFFFFC000  }
0x35: {  	s24 =	sand.u32 $0x380, s29;
	s25 =	simm.s32 $0x0;
	_ =	swait.ge [sflag:s15], $0x4000  }
0x36: {  	s23 =	sadd.s32 s24, s23;
	s30 =	sand.u32 $0xFFFFE000, s25;
	[sflag:s15] =	ssyncset.done $0x0  }
0x37: {  	s23 =	ssub.s32 s23, s30;
	[sflag:s15] =	ssyncadd.s32 $0xFFFFC000  }
0x38: {  	v0 =	vld [tilespmem:s23+$0x70]  }
0x39: {  	v1 =	vld [tilespmem:s23+$0x10070]  }
0x3a: {  	v3 =	vld [tilespmem:s23+$0x0]  }
0x3b: {  	v4 =	vld [tilespmem:s23+$0x10000]  }
0x3c: {  	v6 =	vld [tilespmem:s23+$0x10]  }
0x3d: {  	v7 =	vld [tilespmem:s23+$0x10010]  }
0x3e: {  	v2 =	vld [tilespmem:s23+$0x20]  }
0x3f: {  	v5 =	vld [tilespmem:s23+$0x10020]  }
0x40: {  	v1 =	vadd.f32 v1, v0;
	v0 =	vld [tilespmem:s23+$0x30]  }
0x41: {  	v4 =	vadd.f32 v4, v3;
	v3 =	vld [tilespmem:s23+$0x10030]  }
0x42: {  	v6 =	vadd.f32 v7, v6;
	[tilespmem:s23+$0x70] =	vst v1;
	v1 =	vld [tilespmem:s23+$0x40]  }
0x43: {  	s24 =	simm.s32 $0x0;
	s26 =	simm.s32 $0x400;
	s25 =	simm.s32 $0x80;
	[tilespmem:s23+$0x0] =	vst v4;
	v4 =	vld [tilespmem:s23+$0x10040]  }
.LBB2_2:
0x44: {  	s28 =	sand.u32 $0xFFFFE000, s25;
	s29 =	sshrl.u32 s25, $0x3;
	s30 =	sshll.u32 s25, $0x3;
	[tilespmem:s23+$0x10] =	vst v6;
	v2 =	vadd.f32 v5, v2;
	v5 =	vld [tilespmem:s23+$0x50]  }
0x45: {  	s24 =	sadd.s32 $0x80, s24;
	s28 =	sadd.s32 s28, s26;
	s29 =	sand.u32 $0x380, s29;
	v6 =	vld [tilespmem:s23+$0x10050]  }
0x46: {  	p0 =	slt.u32 s24, $0x3F80;
	s28 =	sadd.s32 s29, s28;
	s29 =	sand.u32 $0xFFFFE000, s30;
	[tilespmem:s23+$0x20] =	vst v2;
	v0 =	vadd.f32 v3, v0;
	v2 =	vld [tilespmem:s23+$0x60]  }
0x47: {  	s28 =	ssub.s32 s28, s29;
	v3 =	vld [tilespmem:s23+$0x10060]  }
0x48: {  	v7 =	vld [tilespmem:s28+$0x70];
	[tilespmem:s23+$0x30] =	vst v0;
	v0 =	vadd.f32 v4, v1  }
0x49: {  	v1 =	vld [tilespmem:s28+$0x10070]  }
0x4a: {  	v4 =	vld [tilespmem:s28+$0x0];
	[tilespmem:s23+$0x40] =	vst v0;
	v0 =	vadd.f32 v6, v5  }
0x4b: {  	v6 =	vld [tilespmem:s28+$0x10000]  }
0x4c: {  	v8 =	vld [tilespmem:s28+$0x10];
	[tilespmem:s23+$0x50] =	vst v0;
	v0 =	vadd.f32 v3, v2  }
0x4d: {  	v9 =	vld [tilespmem:s28+$0x10010]  }
0x4e: {  	v2 =	vld [tilespmem:s28+$0x20];
	v1 =	vadd.f32 v1, v7;
	[tilespmem:s23+$0x60] =	vst v0;
	s23 =	smov.u32 s28  }
.Ltmp0:
0x4f: {  	v5 =	vld [tilespmem:s23+$0x10020];
	(pc) =	sbr.rel @p0 .LBB2_2-.Ltmp0, $4  }
0x50: {  	v4 =	vadd.f32 v6, v4;
	v0 =	vld [tilespmem:s23+$0x30];
	[tilespmem:s23+$0x70] =	vst v1  }
0x51: {  	v3 =	vld [tilespmem:s23+$0x10030]  }
0x52: {  	[tilespmem:s23+$0x0] =	vst v4;
	v6 =	vadd.f32 v9, v8;
	v1 =	vld [tilespmem:s23+$0x40]  }
0x53: {  	s25 =	sadd.s32 $0x80, s25;
	s26 =	sadd.s32 $0x400, s26;
	v4 =	vld [tilespmem:s23+$0x10040]  }
0x54: {  	v7 =	vld [tilespmem:s23+$0x50]  }
0x55: {  	v8 =	vld [tilespmem:s23+$0x10050]  }
0x56: {  	v9 =	vld [tilespmem:s23+$0x60]  }
0x57: {  	v10 =	vld [tilespmem:s23+$0x10060]  }
0x58: {  	v2 =	vadd.f32 v5, v2  }
0x59: {  	[tilespmem:s23+$0x10] =	vst v6;
	v0 =	vadd.f32 v3, v0  }
0x5a: {  	[tilespmem:s23+$0x20] =	vst v2;
	v1 =	vadd.f32 v4, v1  }
0x5b: {  	[tilespmem:s23+$0x30] =	vst v0;
	v0 =	vadd.f32 v8, v7  }
0x5c: {  	[tilespmem:s23+$0x40] =	vst v1;
	v1 =	vadd.f32 v10, v9  }
0x5d: {  	s29 =	simm.s32 $0x0;
	[tilespmem:s23+$0x50] =	vst v0  }
0x5e: {  	s24 =	simm.s32 $0x0;
	s25 =	simm.s32 $0x0;
	[tilespmem:s23+$0x60] =	vst v1;
	s23 =	sand.u32 $0xFFFFE000, s29  }
0x5f: {  	[hbm4b:s0+s29] =	stream.linear.scatter [tilespmem:s29], [sflag:$0x5], $0x4000, $0x38;
	[tilespmem:$0x18000] =	vst v63  }
0x60: {  	s24 =	sand.u32 $0x380, s24;
	s23 =	sadd.s32 $0x0, s23;
	_ =	swait.ge [sflag:s16], $0x4000  }
0x61: {  	s30 =	sand.u32 $0xFFFFE000, s25;
	s23 =	sadd.s32 s24, s23;
	[sflag:s16] =	ssyncset.done $0x0  }
0x62: {  	s23 =	ssub.s32 s23, s30;
	[sflag:s16] =	ssyncadd.s32 $0xFFFFC000  }
0x63: {  	v0 =	vld [tilespmem:s23+$0x4070]  }
0x64: {  	v1 =	vld [tilespmem:s23+$0x10070]  }
0x65: {  	v3 =	vld [tilespmem:s23+$0x4000]  }
0x66: {  	v4 =	vld [tilespmem:s23+$0x10000]  }
0x67: {  	v6 =	vld [tilespmem:s23+$0x4010]  }
0x68: {  	v7 =	vld [tilespmem:s23+$0x10010]  }
0x69: {  	v2 =	vld [tilespmem:s23+$0x4020]  }
0x6a: {  	v5 =	vld [tilespmem:s23+$0x10020]  }
0x6b: {  	v1 =	vadd.f32 v1, v0;
	v0 =	vld [tilespmem:s23+$0x4030]  }
0x6c: {  	v4 =	vadd.f32 v4, v3;
	v3 =	vld [tilespmem:s23+$0x10030]  }
0x6d: {  	v6 =	vadd.f32 v7, v6;
	[tilespmem:s23+$0x4070] =	vst v1;
	v1 =	vld [tilespmem:s23+$0x4040]  }
0x6e: {  	s26 =	simm.s32 $0x400;
	s25 =	simm.s32 $0x80;
	s24 =	simm.s32 $0x0;
	[tilespmem:s23+$0x4000] =	vst v4;
	v4 =	vld [tilespmem:s23+$0x10040]  }
.LBB2_4:
0x6f: {  	s28 =	sand.u32 $0xFFFFE000, s25;
	s29 =	sshrl.u32 s25, $0x3;
	s30 =	sshll.u32 s25, $0x3;
	[tilespmem:s23+$0x4010] =	vst v6;
	v2 =	vadd.f32 v5, v2;
	v5 =	vld [tilespmem:s23+$0x4050]  }
0x70: {  	s24 =	sadd.s32 $0x80, s24;
	s28 =	sadd.s32 s28, s26;
	s29 =	sand.u32 $0x380, s29;
	v6 =	vld [tilespmem:s23+$0x10050]  }
0x71: {  	p0 =	slt.u32 s24, $0x3F80;
	s28 =	sadd.s32 s29, s28;
	s29 =	sand.u32 $0xFFFFE000, s30;
	[tilespmem:s23+$0x4020] =	vst v2;
	v0 =	vadd.f32 v3, v0;
	v2 =	vld [tilespmem:s23+$0x4060]  }
0x72: {  	s28 =	ssub.s32 s28, s29;
	v3 =	vld [tilespmem:s23+$0x10060]  }
0x73: {  	v7 =	vld [tilespmem:s28+$0x4070];
	[tilespmem:s23+$0x4030] =	vst v0;
	v0 =	vadd.f32 v4, v1  }
0x74: {  	v1 =	vld [tilespmem:s28+$0x10070]  }
0x75: {  	v4 =	vld [tilespmem:s28+$0x4000];
	[tilespmem:s23+$0x4040] =	vst v0;
	v0 =	vadd.f32 v6, v5  }
0x76: {  	v6 =	vld [tilespmem:s28+$0x10000]  }
0x77: {  	v8 =	vld [tilespmem:s28+$0x4010];
	[tilespmem:s23+$0x4050] =	vst v0;
	v0 =	vadd.f32 v3, v2  }
0x78: {  	v9 =	vld [tilespmem:s28+$0x10010]  }
0x79: {  	v2 =	vld [tilespmem:s28+$0x4020];
	v1 =	vadd.f32 v1, v7;
	[tilespmem:s23+$0x4060] =	vst v0;
	s23 =	smov.u32 s28  }
.Ltmp1:
0x7a: {  	v5 =	vld [tilespmem:s23+$0x10020];
	(pc) =	sbr.rel @p0 .LBB2_4-.Ltmp1, $4  }
0x7b: {  	v4 =	vadd.f32 v6, v4;
	v0 =	vld [tilespmem:s23+$0x4030];
	[tilespmem:s23+$0x4070] =	vst v1  }
0x7c: {  	v3 =	vld [tilespmem:s23+$0x10030]  }
0x7d: {  	[tilespmem:s23+$0x4000] =	vst v4;
	v6 =	vadd.f32 v9, v8;
	v1 =	vld [tilespmem:s23+$0x4040]  }
0x7e: {  	s25 =	sadd.s32 $0x80, s25;
	s26 =	sadd.s32 $0x400, s26;
	v4 =	vld [tilespmem:s23+$0x10040]  }
0x7f: {  	v7 =	vld [tilespmem:s23+$0x4050]  }
0x80: {  	v8 =	vld [tilespmem:s23+$0x10050]  }
0x81: {  	v9 =	vld [tilespmem:s23+$0x4060]  }
0x82: {  	v10 =	vld [tilespmem:s23+$0x10060]  }
0x83: {  	v2 =	vadd.f32 v5, v2  }
0x84: {  	[tilespmem:s23+$0x4010] =	vst v6;
	v0 =	vadd.f32 v3, v0  }
0x85: {  	[tilespmem:s23+$0x4020] =	vst v2;
	v1 =	vadd.f32 v4, v1  }
0x86: {  	[tilespmem:s23+$0x4030] =	vst v0;
	v0 =	vadd.f32 v8, v7  }
0x87: {  	[tilespmem:s23+$0x4040] =	vst v1;
	v1 =	vadd.f32 v10, v9  }
0x88: {  	[tilespmem:s23+$0x4050] =	vst v0  }
0x89: {  	[tilespmem:s23+$0x4060] =	vst v1  }
0x8a: {  	s26 =	simm.s32 $0x0;
	s24 =	rddreg [dreg:$0x9]  }
0x8b: {  	[hbm4b:s24+s26] =	stream.linear.scatter [tilespmem:s9], [sflag:$0x6], $0x4000, $0x38;
	[tilespmem:$0x18000] =	vst v63  }
0x8c: {  	_ =	swait.ge [sflag:s17], $0x4000  }
0x8d: {  	s29 =	simm.s32 $0x0;
	s25 =	simm.s32 $0x0;
	[sflag:s17] =	ssyncset.done $0x0  }
0x8e: {  	s23 =	sand.u32 $0xFFFFE000, s26;
	s28 =	rddreg [dreg:$0xa];
	[sflag:s17] =	ssyncadd.s32 $0xFFFFC000  }
0x8f: {  	[tilespmem:s26], [sflag:$0x1] =	stream.linear.gather [hbm4b:s28+s26], $0x4000, $0x38;
	[tilespmem:$0x18000] =	vst v63  }
0x90: {  	s23 =	sadd.s32 $0x0, s23;
	s24 =	sand.u32 $0x380, s29;
	_ =	swait.ge [sflag:s18], $0x4000  }
0x91: {  	s30 =	sand.u32 $0xFFFFE000, s25;
	s23 =	sadd.s32 s24, s23;
	[sflag:s18] =	ssyncset.done $0x0  }
0x92: {  	s23 =	ssub.s32 s23, s30;
	[sflag:s18] =	ssyncadd.s32 $0xFFFFC000  }
0x93: {  	v0 =	vld [tilespmem:s23+$0x8070]  }
0x94: {  	v1 =	vld [tilespmem:s23+$0x10070]  }
0x95: {  	v3 =	vld [tilespmem:s23+$0x8000]  }
0x96: {  	v4 =	vld [tilespmem:s23+$0x10000]  }
0x97: {  	v6 =	vld [tilespmem:s23+$0x8010]  }
0x98: {  	v7 =	vld [tilespmem:s23+$0x10010]  }
0x99: {  	v2 =	vld [tilespmem:s23+$0x8020]  }
0x9a: {  	v5 =	vld [tilespmem:s23+$0x10020]  }
0x9b: {  	v1 =	vadd.f32 v1, v0;
	v0 =	vld [tilespmem:s23+$0x8030]  }
0x9c: {  	v4 =	vadd.f32 v4, v3;
	v3 =	vld [tilespmem:s23+$0x10030]  }
0x9d: {  	v6 =	vadd.f32 v7, v6;
	[tilespmem:s23+$0x8070] =	vst v1;
	v1 =	vld [tilespmem:s23+$0x8040]  }
0x9e: {  	s25 =	simm.s32 $0x80;
	s24 =	simm.s32 $0x0;
	s26 =	simm.s32 $0x400;
	[tilespmem:s23+$0x8000] =	vst v4;
	v4 =	vld [tilespmem:s23+$0x10040]  }
.LBB2_6:
0x9f: {  	s28 =	sand.u32 $0xFFFFE000, s25;
	s29 =	sshrl.u32 s25, $0x3;
	s30 =	sshll.u32 s25, $0x3;
	[tilespmem:s23+$0x8010] =	vst v6;
	v2 =	vadd.f32 v5, v2;
	v5 =	vld [tilespmem:s23+$0x8050]  }
0xa0: {  	s24 =	sadd.s32 $0x80, s24;
	s28 =	sadd.s32 s28, s26;
	s29 =	sand.u32 $0x380, s29;
	v6 =	vld [tilespmem:s23+$0x10050]  }
0xa1: {  	p0 =	slt.u32 s24, $0x3F80;
	s28 =	sadd.s32 s29, s28;
	s29 =	sand.u32 $0xFFFFE000, s30;
	[tilespmem:s23+$0x8020] =	vst v2;
	v0 =	vadd.f32 v3, v0;
	v2 =	vld [tilespmem:s23+$0x8060]  }
0xa2: {  	s28 =	ssub.s32 s28, s29;
	v3 =	vld [tilespmem:s23+$0x10060]  }
0xa3: {  	v7 =	vld [tilespmem:s28+$0x8070];
	[tilespmem:s23+$0x8030] =	vst v0;
	v0 =	vadd.f32 v4, v1  }
0xa4: {  	v1 =	vld [tilespmem:s28+$0x10070]  }
0xa5: {  	v4 =	vld [tilespmem:s28+$0x8000];
	[tilespmem:s23+$0x8040] =	vst v0;
	v0 =	vadd.f32 v6, v5  }
0xa6: {  	v6 =	vld [tilespmem:s28+$0x10000]  }
0xa7: {  	v8 =	vld [tilespmem:s28+$0x8010];
	[tilespmem:s23+$0x8050] =	vst v0;
	v0 =	vadd.f32 v3, v2  }
0xa8: {  	v9 =	vld [tilespmem:s28+$0x10010]  }
0xa9: {  	v2 =	vld [tilespmem:s28+$0x8020];
	v1 =	vadd.f32 v1, v7;
	[tilespmem:s23+$0x8060] =	vst v0;
	s23 =	smov.u32 s28  }
.Ltmp2:
0xaa: {  	v5 =	vld [tilespmem:s23+$0x10020];
	(pc) =	sbr.rel @p0 .LBB2_6-.Ltmp2, $4  }
0xab: {  	v4 =	vadd.f32 v6, v4;
	v0 =	vld [tilespmem:s23+$0x8030];
	[tilespmem:s23+$0x8070] =	vst v1  }
0xac: {  	v3 =	vld [tilespmem:s23+$0x10030]  }
0xad: {  	[tilespmem:s23+$0x8000] =	vst v4;
	v6 =	vadd.f32 v9, v8;
	v1 =	vld [tilespmem:s23+$0x8040]  }
0xae: {  	s25 =	sadd.s32 $0x80, s25;
	s26 =	sadd.s32 $0x400, s26;
	v4 =	vld [tilespmem:s23+$0x10040]  }
0xaf: {  	v7 =	vld [tilespmem:s23+$0x8050]  }
0xb0: {  	v8 =	vld [tilespmem:s23+$0x10050]  }
0xb1: {  	v9 =	vld [tilespmem:s23+$0x8060]  }
0xb2: {  	v10 =	vld [tilespmem:s23+$0x10060]  }
0xb3: {  	v2 =	vadd.f32 v5, v2  }
0xb4: {  	[tilespmem:s23+$0x8010] =	vst v6;
	v0 =	vadd.f32 v3, v0  }
0xb5: {  	[tilespmem:s23+$0x8020] =	vst v2;
	v1 =	vadd.f32 v4, v1  }
0xb6: {  	[tilespmem:s23+$0x8030] =	vst v0;
	v0 =	vadd.f32 v8, v7  }
0xb7: {  	[tilespmem:s23+$0x8040] =	vst v1;
	v1 =	vadd.f32 v10, v9  }
0xb8: {  	[tilespmem:s23+$0x8050] =	vst v0  }
0xb9: {  	[tilespmem:s23+$0x8060] =	vst v1  }
0xba: {  	s26 =	simm.s32 $0x0;
	s24 =	rddreg [dreg:$0xb]  }
0xbb: {  	[hbm4b:s24+s26] =	stream.linear.scatter [tilespmem:s10], [sflag:$0x7], $0x4000, $0x38;
	[tilespmem:$0x18000] =	vst v63  }
0xbc: {  	_ =	swait.ge [sflag:s19], $0x4000  }
0xbd: {  	s29 =	simm.s32 $0x0;
	s25 =	simm.s32 $0x0;
	[sflag:s19] =	ssyncset.done $0x0  }
0xbe: {  	s23 =	sand.u32 $0xFFFFE000, s26;
	s28 =	rddreg [dreg:$0xc];
	[sflag:s19] =	ssyncadd.s32 $0xFFFFC000  }
0xbf: {  	[tilespmem:s9], [sflag:$0x2] =	stream.linear.gather [hbm4b:s28+s26], $0x4000, $0x38;
	[tilespmem:$0x18000] =	vst v63  }
0xc0: {  	s23 =	sadd.s32 $0x0, s23;
	s24 =	sand.u32 $0x380, s29;
	_ =	swait.ge [sflag:s12], $0x4000  }
0xc1: {  	s30 =	sand.u32 $0xFFFFE000, s25;
	s23 =	sadd.s32 s24, s23;
	[sflag:s12] =	ssyncset.done $0x0  }
0xc2: {  	s23 =	ssub.s32 s23, s30;
	[sflag:s12] =	ssyncadd.s32 $0xFFFFC000  }
0xc3: {  	v0 =	vld [tilespmem:s23+$0xC070]  }
0xc4: {  	v1 =	vld [tilespmem:s23+$0x10070]  }
0xc5: {  	v3 =	vld [tilespmem:s23+$0xC000]  }
0xc6: {  	v4 =	vld [tilespmem:s23+$0x10000]  }
0xc7: {  	v6 =	vld [tilespmem:s23+$0xC010]  }
0xc8: {  	v7 =	vld [tilespmem:s23+$0x10010]  }
0xc9: {  	v2 =	vld [tilespmem:s23+$0xC020]  }
0xca: {  	v5 =	vld [tilespmem:s23+$0x10020]  }
0xcb: {  	v1 =	vadd.f32 v1, v0;
	v0 =	vld [tilespmem:s23+$0xC030]  }
0xcc: {  	v4 =	vadd.f32 v4, v3;
	v3 =	vld [tilespmem:s23+$0x10030]  }
0xcd: {  	v6 =	vadd.f32 v7, v6;
	[tilespmem:s23+$0xC070] =	vst v1;
	v1 =	vld [tilespmem:s23+$0xC040]  }
0xce: {  	s25 =	simm.s32 $0x80;
	s24 =	simm.s32 $0x0;
	s26 =	simm.s32 $0x400;
	[tilespmem:s23+$0xC000] =	vst v4;
	v4 =	vld [tilespmem:s23+$0x10040]  }
.LBB2_8:
0xcf: {  	s28 =	sand.u32 $0xFFFFE000, s25;
	s29 =	sshrl.u32 s25, $0x3;
	s30 =	sshll.u32 s25, $0x3;
	[tilespmem:s23+$0xC010] =	vst v6;
	v2 =	vadd.f32 v5, v2;
	v5 =	vld [tilespmem:s23+$0xC050]  }
0xd0: {  	s24 =	sadd.s32 $0x80, s24;
	s28 =	sadd.s32 s28, s26;
	s29 =	sand.u32 $0x380, s29;
	v6 =	vld [tilespmem:s23+$0x10050]  }
0xd1: {  	p0 =	slt.u32 s24, $0x3F80;
	s28 =	sadd.s32 s29, s28;
	s29 =	sand.u32 $0xFFFFE000, s30;
	[tilespmem:s23+$0xC020] =	vst v2;
	v0 =	vadd.f32 v3, v0;
	v2 =	vld [tilespmem:s23+$0xC060]  }
0xd2: {  	s28 =	ssub.s32 s28, s29;
	v3 =	vld [tilespmem:s23+$0x10060]  }
0xd3: {  	v7 =	vld [tilespmem:s28+$0xC070];
	[tilespmem:s23+$0xC030] =	vst v0;
	v0 =	vadd.f32 v4, v1  }
0xd4: {  	v1 =	vld [tilespmem:s28+$0x10070]  }
0xd5: {  	v4 =	vld [tilespmem:s28+$0xC000];
	[tilespmem:s23+$0xC040] =	vst v0;
	v0 =	vadd.f32 v6, v5  }
0xd6: {  	v6 =	vld [tilespmem:s28+$0x10000]  }
0xd7: {  	v8 =	vld [tilespmem:s28+$0xC010];
	[tilespmem:s23+$0xC050] =	vst v0;
	v0 =	vadd.f32 v3, v2  }
0xd8: {  	v9 =	vld [tilespmem:s28+$0x10010]  }
0xd9: {  	v2 =	vld [tilespmem:s28+$0xC020];
	v1 =	vadd.f32 v1, v7;
	[tilespmem:s23+$0xC060] =	vst v0;
	s23 =	smov.u32 s28  }
.Ltmp3:
0xda: {  	v5 =	vld [tilespmem:s23+$0x10020];
	(pc) =	sbr.rel @p0 .LBB2_8-.Ltmp3, $4  }
0xdb: {  	v4 =	vadd.f32 v6, v4;
	v0 =	vld [tilespmem:s23+$0xC030];
	[tilespmem:s23+$0xC070] =	vst v1  }
0xdc: {  	v3 =	vld [tilespmem:s23+$0x10030]  }
0xdd: {  	[tilespmem:s23+$0xC000] =	vst v4;
	v6 =	vadd.f32 v9, v8;
	v1 =	vld [tilespmem:s23+$0xC040]  }
0xde: {  	s25 =	sadd.s32 $0x80, s25;
	s26 =	sadd.s32 $0x400, s26;
	v4 =	vld [tilespmem:s23+$0x10040]  }
0xdf: {  	v7 =	vld [tilespmem:s23+$0xC050]  }
0xe0: {  	v8 =	vld [tilespmem:s23+$0x10050]  }
0xe1: {  	v9 =	vld [tilespmem:s23+$0xC060]  }
0xe2: {  	v10 =	vld [tilespmem:s23+$0x10060]  }
0xe3: {  	v2 =	vadd.f32 v5, v2  }
0xe4: {  	[tilespmem:s23+$0xC010] =	vst v6;
	v0 =	vadd.f32 v3, v0  }
0xe5: {  	[tilespmem:s23+$0xC020] =	vst v2;
	v1 =	vadd.f32 v4, v1  }
0xe6: {  	[tilespmem:s23+$0xC030] =	vst v0;
	v0 =	vadd.f32 v8, v7  }
0xe7: {  	[tilespmem:s23+$0xC040] =	vst v1;
	v1 =	vadd.f32 v10, v9  }
0xe8: {  	[tilespmem:s23+$0xC050] =	vst v0  }
0xe9: {  	[tilespmem:s23+$0xC060] =	vst v1  }
0xea: {  	s30 =	simm.s32 $0x0;
	s24 =	rddreg [dreg:$0xd]  }
0xeb: {  	[hbm4b:s24+s30] =	stream.linear.scatter [tilespmem:s11], [sflag:$0x8], $0x4000, $0x38;
	[tilespmem:$0x18000] =	vst v63  }
0xec: {  	_ =	swait.ge [sflag:s20], $0x4000  }
0xed: {  	[sflag:s20] =	ssyncset.done $0x0  }
0xee: {  	s25 =	rddreg [dreg:$0xe];
	[sflag:s20] =	ssyncadd.s32 $0xFFFFC000  }
0xef: {  	[tilespmem:s10], [sflag:$0x3] =	stream.linear.gather [hbm4b:s25+s30], $0x4000, $0x38;
	[tilespmem:$0x18000] =	vst v63  }
0xf0: {  	s26 =	rddreg [dreg:$0xf];
	s25 =	simm.s32 $0x10000  }
0xf1: {  	[tilespmem:s25], [sflag:$0x9] =	stream.linear.gather [hbm4b:s26+s30], $0x4000, $0x38;
	[tilespmem:$0x18000] =	vst v63  }
0xf2: {  	_ =	swait.ge [sflag:s13], $0x4000  }
0xf3: {  	s28 =	simm.s32 $0x0;
	[sflag:s13] =	ssyncset.done $0x0  }
0xf4: {  	s29 =	simm.s32 $0x0;
	s23 =	sand.u32 $0xFFFFE000, s30;
	[sflag:s13] =	ssyncadd.s32 $0xFFFFC000  }
0xf5: {  	s23 =	sadd.s32 $0x0, s23;
	s24 =	sand.u32 $0x380, s28;
	_ =	swait.ge [sflag:s15], $0x4000  }
0xf6: {  	s23 =	sadd.s32 s24, s23;
	s30 =	sand.u32 $0xFFFFE000, s29;
	[sflag:s15] =	ssyncset.done $0x0  }
0xf7: {  	s23 =	ssub.s32 s23, s30;
	[sflag:s15] =	ssyncadd.s32 $0xFFFFC000  }
0xf8: {  	v0 =	vld [tilespmem:s23+$0x70]  }
0xf9: {  	v1 =	vld [tilespmem:s23+$0x14070]  }
0xfa: {  	v3 =	vld [tilespmem:s23+$0x0]  }
0xfb: {  	v4 =	vld [tilespmem:s23+$0x14000]  }
0xfc: {  	v6 =	vld [tilespmem:s23+$0x10]  }
0xfd: {  	v7 =	vld [tilespmem:s23+$0x14010]  }
0xfe: {  	v2 =	vld [tilespmem:s23+$0x20]  }
0xff: {  	v5 =	vld [tilespmem:s23+$0x14020]  }
0x100: {  	v1 =	vadd.f32 v1, v0;
	v0 =	vld [tilespmem:s23+$0x30]  }
0x101: {  	v4 =	vadd.f32 v4, v3;
	v3 =	vld [tilespmem:s23+$0x14030]  }
0x102: {  	v6 =	vadd.f32 v7, v6;
	[tilespmem:s23+$0x70] =	vst v1;
	v1 =	vld [tilespmem:s23+$0x40]  }
0x103: {  	s24 =	simm.s32 $0x0;
	s25 =	simm.s32 $0x80;
	s26 =	simm.s32 $0x400;
	[tilespmem:s23+$0x0] =	vst v4;
	v4 =	vld [tilespmem:s23+$0x14040]  }
.LBB2_10:
0x104: {  	s28 =	sand.u32 $0xFFFFE000, s25;
	s29 =	sshrl.u32 s25, $0x3;
	s30 =	sshll.u32 s25, $0x3;
	[tilespmem:s23+$0x10] =	vst v6;
	v2 =	vadd.f32 v5, v2;
	v5 =	vld [tilespmem:s23+$0x50]  }
0x105: {  	s24 =	sadd.s32 $0x80, s24;
	s28 =	sadd.s32 s28, s26;
	s29 =	sand.u32 $0x380, s29;
	v6 =	vld [tilespmem:s23+$0x14050]  }
0x106: {  	p0 =	slt.u32 s24, $0x3F80;
	s28 =	sadd.s32 s29, s28;
	s29 =	sand.u32 $0xFFFFE000, s30;
	[tilespmem:s23+$0x20] =	vst v2;
	v0 =	vadd.f32 v3, v0;
	v2 =	vld [tilespmem:s23+$0x60]  }
0x107: {  	s28 =	ssub.s32 s28, s29;
	v3 =	vld [tilespmem:s23+$0x14060]  }
0x108: {  	v7 =	vld [tilespmem:s28+$0x70];
	[tilespmem:s23+$0x30] =	vst v0;
	v0 =	vadd.f32 v4, v1  }
0x109: {  	v1 =	vld [tilespmem:s28+$0x14070]  }
0x10a: {  	v4 =	vld [tilespmem:s28+$0x0];
	[tilespmem:s23+$0x40] =	vst v0;
	v0 =	vadd.f32 v6, v5  }
0x10b: {  	v6 =	vld [tilespmem:s28+$0x14000]  }
0x10c: {  	v8 =	vld [tilespmem:s28+$0x10];
	[tilespmem:s23+$0x50] =	vst v0;
	v0 =	vadd.f32 v3, v2  }
0x10d: {  	v9 =	vld [tilespmem:s28+$0x14010]  }
0x10e: {  	v2 =	vld [tilespmem:s28+$0x20];
	v1 =	vadd.f32 v1, v7;
	[tilespmem:s23+$0x60] =	vst v0;
	s23 =	smov.u32 s28  }
.Ltmp4:
0x10f: {  	v5 =	vld [tilespmem:s23+$0x14020];
	(pc) =	sbr.rel @p0 .LBB2_10-.Ltmp4, $4  }
0x110: {  	v4 =	vadd.f32 v6, v4;
	v0 =	vld [tilespmem:s23+$0x30];
	[tilespmem:s23+$0x70] =	vst v1  }
0x111: {  	v3 =	vld [tilespmem:s23+$0x14030]  }
0x112: {  	[tilespmem:s23+$0x0] =	vst v4;
	v6 =	vadd.f32 v9, v8;
	v1 =	vld [tilespmem:s23+$0x40]  }
0x113: {  	s25 =	sadd.s32 $0x80, s25;
	s26 =	sadd.s32 $0x400, s26;
	v4 =	vld [tilespmem:s23+$0x14040]  }
0x114: {  	v7 =	vld [tilespmem:s23+$0x50]  }
0x115: {  	v8 =	vld [tilespmem:s23+$0x14050]  }
0x116: {  	v9 =	vld [tilespmem:s23+$0x60]  }
0x117: {  	v10 =	vld [tilespmem:s23+$0x14060]  }
0x118: {  	v2 =	vadd.f32 v5, v2  }
0x119: {  	[tilespmem:s23+$0x10] =	vst v6;
	v0 =	vadd.f32 v3, v0  }
0x11a: {  	[tilespmem:s23+$0x20] =	vst v2;
	v1 =	vadd.f32 v4, v1  }
0x11b: {  	[tilespmem:s23+$0x30] =	vst v0;
	v0 =	vadd.f32 v8, v7  }
0x11c: {  	[tilespmem:s23+$0x40] =	vst v1;
	v1 =	vadd.f32 v10, v9  }
0x11d: {  	[tilespmem:s23+$0x50] =	vst v0  }
0x11e: {  	[tilespmem:s23+$0x60] =	vst v1  }
0x11f: {  	s26 =	simm.s32 $0x0;
	s24 =	rddreg [dreg:$0x10]  }
0x120: {  	[hbm4b:s24+s26] =	stream.linear.scatter [tilespmem:s26], [sflag:$0x5], $0x4000, $0x38;
	[tilespmem:$0x18000] =	vst v63  }
0x121: {  	_ =	swait.ge [sflag:s21], $0x4000  }
0x122: {  	s29 =	simm.s32 $0x0;
	s25 =	simm.s32 $0x0;
	[sflag:s21] =	ssyncset.done $0x0  }
0x123: {  	s23 =	sand.u32 $0xFFFFE000, s26;
	s28 =	rddreg [dreg:$0x11];
	[sflag:s21] =	ssyncadd.s32 $0xFFFFC000  }
0x124: {  	[tilespmem:s11], [sflag:$0x4] =	stream.linear.gather [hbm4b:s28+s26], $0x4000, $0x38;
	[tilespmem:$0x18000] =	vst v63  }
0x125: {  	s23 =	sadd.s32 $0x0, s23;
	s24 =	sand.u32 $0x380, s29;
	_ =	swait.ge [sflag:s16], $0x4000  }
0x126: {  	s30 =	sand.u32 $0xFFFFE000, s25;
	s23 =	sadd.s32 s24, s23;
	[sflag:s16] =	ssyncset.done $0x0  }
0x127: {  	s23 =	ssub.s32 s23, s30;
	[sflag:s16] =	ssyncadd.s32 $0xFFFFC000  }
0x128: {  	v0 =	vld [tilespmem:s23+$0x4070]  }
0x129: {  	v1 =	vld [tilespmem:s23+$0x14070]  }
0x12a: {  	v3 =	vld [tilespmem:s23+$0x4000]  }
0x12b: {  	v4 =	vld [tilespmem:s23+$0x14000]  }
0x12c: {  	v6 =	vld [tilespmem:s23+$0x4010]  }
0x12d: {  	v7 =	vld [tilespmem:s23+$0x14010]  }
0x12e: {  	v2 =	vld [tilespmem:s23+$0x4020]  }
0x12f: {  	v5 =	vld [tilespmem:s23+$0x14020]  }
0x130: {  	v1 =	vadd.f32 v1, v0;
	v0 =	vld [tilespmem:s23+$0x4030]  }
0x131: {  	v4 =	vadd.f32 v4, v3;
	v3 =	vld [tilespmem:s23+$0x14030]  }
0x132: {  	v6 =	vadd.f32 v7, v6;
	[tilespmem:s23+$0x4070] =	vst v1;
	v1 =	vld [tilespmem:s23+$0x4040]  }
0x133: {  	s25 =	simm.s32 $0x80;
	s24 =	simm.s32 $0x0;
	s26 =	simm.s32 $0x400;
	[tilespmem:s23+$0x4000] =	vst v4;
	v4 =	vld [tilespmem:s23+$0x14040]  }
.LBB2_12:
0x134: {  	s28 =	sand.u32 $0xFFFFE000, s25;
	s29 =	sshrl.u32 s25, $0x3;
	s30 =	sshll.u32 s25, $0x3;
	[tilespmem:s23+$0x4010] =	vst v6;
	v2 =	vadd.f32 v5, v2;
	v5 =	vld [tilespmem:s23+$0x4050]  }
0x135: {  	s24 =	sadd.s32 $0x80, s24;
	s28 =	sadd.s32 s28, s26;
	s29 =	sand.u32 $0x380, s29;
	v6 =	vld [tilespmem:s23+$0x14050]  }
0x136: {  	p0 =	slt.u32 s24, $0x3F80;
	s28 =	sadd.s32 s29, s28;
	s29 =	sand.u32 $0xFFFFE000, s30;
	[tilespmem:s23+$0x4020] =	vst v2;
	v0 =	vadd.f32 v3, v0;
	v2 =	vld [tilespmem:s23+$0x4060]  }
0x137: {  	s28 =	ssub.s32 s28, s29;
	v3 =	vld [tilespmem:s23+$0x14060]  }
0x138: {  	v7 =	vld [tilespmem:s28+$0x4070];
	[tilespmem:s23+$0x4030] =	vst v0;
	v0 =	vadd.f32 v4, v1  }
0x139: {  	v1 =	vld [tilespmem:s28+$0x14070]  }
0x13a: {  	v4 =	vld [tilespmem:s28+$0x4000];
	[tilespmem:s23+$0x4040] =	vst v0;
	v0 =	vadd.f32 v6, v5  }
0x13b: {  	v6 =	vld [tilespmem:s28+$0x14000]  }
0x13c: {  	v8 =	vld [tilespmem:s28+$0x4010];
	[tilespmem:s23+$0x4050] =	vst v0;
	v0 =	vadd.f32 v3, v2  }
0x13d: {  	v9 =	vld [tilespmem:s28+$0x14010]  }
0x13e: {  	v2 =	vld [tilespmem:s28+$0x4020];
	v1 =	vadd.f32 v1, v7;
	[tilespmem:s23+$0x4060] =	vst v0;
	s23 =	smov.u32 s28  }
.Ltmp5:
0x13f: {  	v5 =	vld [tilespmem:s23+$0x14020];
	(pc) =	sbr.rel @p0 .LBB2_12-.Ltmp5, $4  }
0x140: {  	v4 =	vadd.f32 v6, v4;
	v0 =	vld [tilespmem:s23+$0x4030];
	[tilespmem:s23+$0x4070] =	vst v1  }
0x141: {  	v3 =	vld [tilespmem:s23+$0x14030]  }
0x142: {  	[tilespmem:s23+$0x4000] =	vst v4;
	v6 =	vadd.f32 v9, v8;
	v1 =	vld [tilespmem:s23+$0x4040]  }
0x143: {  	s25 =	sadd.s32 $0x80, s25;
	s26 =	sadd.s32 $0x400, s26;
	v4 =	vld [tilespmem:s23+$0x14040]  }
0x144: {  	v7 =	vld [tilespmem:s23+$0x4050]  }
0x145: {  	v8 =	vld [tilespmem:s23+$0x14050]  }
0x146: {  	v9 =	vld [tilespmem:s23+$0x4060]  }
0x147: {  	v10 =	vld [tilespmem:s23+$0x14060]  }
0x148: {  	v2 =	vadd.f32 v5, v2  }
0x149: {  	[tilespmem:s23+$0x4010] =	vst v6;
	v0 =	vadd.f32 v3, v0  }
0x14a: {  	[tilespmem:s23+$0x4020] =	vst v2;
	v1 =	vadd.f32 v4, v1  }
0x14b: {  	[tilespmem:s23+$0x4030] =	vst v0;
	v0 =	vadd.f32 v8, v7  }
0x14c: {  	[tilespmem:s23+$0x4040] =	vst v1;
	v1 =	vadd.f32 v10, v9  }
0x14d: {  	[tilespmem:s23+$0x4050] =	vst v0  }
0x14e: {  	[tilespmem:s23+$0x4060] =	vst v1  }
0x14f: {  	s26 =	simm.s32 $0x0;
	s24 =	rddreg [dreg:$0x12]  }
0x150: {  	[hbm4b:s24+s26] =	stream.linear.scatter [tilespmem:s9], [sflag:$0x6], $0x4000, $0x38;
	[tilespmem:$0x18000] =	vst v63  }
0x151: {  	_ =	swait.ge [sflag:s17], $0x4000  }
0x152: {  	s29 =	simm.s32 $0x0;
	s25 =	simm.s32 $0x0;
	[sflag:s17] =	ssyncset.done $0x0  }
0x153: {  	s23 =	sand.u32 $0xFFFFE000, s26;
	s28 =	rddreg [dreg:$0x16];
	[sflag:s17] =	ssyncadd.s32 $0xFFFFC000  }
0x154: {  	[tilespmem:s26], [sflag:$0x1] =	stream.linear.gather [hbm4b:s28+s26], $0x4000, $0x38;
	[tilespmem:$0x18000] =	vst v63  }
0x155: {  	s23 =	sadd.s32 $0x0, s23;
	s24 =	sand.u32 $0x380, s29;
	_ =	swait.ge [sflag:s18], $0x4000  }
0x156: {  	s30 =	sand.u32 $0xFFFFE000, s25;
	s23 =	sadd.s32 s24, s23;
	[sflag:s18] =	ssyncset.done $0x0  }
0x157: {  	s23 =	ssub.s32 s23, s30;
	[sflag:s18] =	ssyncadd.s32 $0xFFFFC000  }
0x158: {  	v0 =	vld [tilespmem:s23+$0x8070]  }
0x159: {  	v1 =	vld [tilespmem:s23+$0x14070]  }
0x15a: {  	v3 =	vld [tilespmem:s23+$0x8000]  }
0x15b: {  	v4 =	vld [tilespmem:s23+$0x14000]  }
0x15c: {  	v6 =	vld [tilespmem:s23+$0x8010]  }
0x15d: {  	v7 =	vld [tilespmem:s23+$0x14010]  }
0x15e: {  	v2 =	vld [tilespmem:s23+$0x8020]  }
0x15f: {  	v5 =	vld [tilespmem:s23+$0x14020]  }
0x160: {  	v1 =	vadd.f32 v1, v0;
	v0 =	vld [tilespmem:s23+$0x8030]  }
0x161: {  	v4 =	vadd.f32 v4, v3;
	v3 =	vld [tilespmem:s23+$0x14030]  }
0x162: {  	v6 =	vadd.f32 v7, v6;
	[tilespmem:s23+$0x8070] =	vst v1;
	v1 =	vld [tilespmem:s23+$0x8040]  }
0x163: {  	s25 =	simm.s32 $0x80;
	s24 =	simm.s32 $0x0;
	s26 =	simm.s32 $0x400;
	[tilespmem:s23+$0x8000] =	vst v4;
	v4 =	vld [tilespmem:s23+$0x14040]  }
.LBB2_14:
0x164: {  	s28 =	sand.u32 $0xFFFFE000, s25;
	s29 =	sshrl.u32 s25, $0x3;
	s30 =	sshll.u32 s25, $0x3;
	[tilespmem:s23+$0x8010] =	vst v6;
	v2 =	vadd.f32 v5, v2;
	v5 =	vld [tilespmem:s23+$0x8050]  }
0x165: {  	s24 =	sadd.s32 $0x80, s24;
	s28 =	sadd.s32 s28, s26;
	s29 =	sand.u32 $0x380, s29;
	v6 =	vld [tilespmem:s23+$0x14050]  }
0x166: {  	p0 =	slt.u32 s24, $0x3F80;
	s28 =	sadd.s32 s29, s28;
	s29 =	sand.u32 $0xFFFFE000, s30;
	[tilespmem:s23+$0x8020] =	vst v2;
	v0 =	vadd.f32 v3, v0;
	v2 =	vld [tilespmem:s23+$0x8060]  }
0x167: {  	s28 =	ssub.s32 s28, s29;
	v3 =	vld [tilespmem:s23+$0x14060]  }
0x168: {  	v7 =	vld [tilespmem:s28+$0x8070];
	[tilespmem:s23+$0x8030] =	vst v0;
	v0 =	vadd.f32 v4, v1  }
0x169: {  	v1 =	vld [tilespmem:s28+$0x14070]  }
0x16a: {  	v4 =	vld [tilespmem:s28+$0x8000];
	[tilespmem:s23+$0x8040] =	vst v0;
	v0 =	vadd.f32 v6, v5  }
0x16b: {  	v6 =	vld [tilespmem:s28+$0x14000]  }
0x16c: {  	v8 =	vld [tilespmem:s28+$0x8010];
	[tilespmem:s23+$0x8050] =	vst v0;
	v0 =	vadd.f32 v3, v2  }
0x16d: {  	v9 =	vld [tilespmem:s28+$0x14010]  }
0x16e: {  	v2 =	vld [tilespmem:s28+$0x8020];
	v1 =	vadd.f32 v1, v7;
	[tilespmem:s23+$0x8060] =	vst v0;
	s23 =	smov.u32 s28  }
.Ltmp6:
0x16f: {  	v5 =	vld [tilespmem:s23+$0x14020];
	(pc) =	sbr.rel @p0 .LBB2_14-.Ltmp6, $4  }
0x170: {  	v4 =	vadd.f32 v6, v4;
	v0 =	vld [tilespmem:s23+$0x8030];
	[tilespmem:s23+$0x8070] =	vst v1  }
0x171: {  	v3 =	vld [tilespmem:s23+$0x14030]  }
0x172: {  	[tilespmem:s23+$0x8000] =	vst v4;
	v6 =	vadd.f32 v9, v8;
	v1 =	vld [tilespmem:s23+$0x8040]  }
0x173: {  	s25 =	sadd.s32 $0x80, s25;
	s26 =	sadd.s32 $0x400, s26;
	v4 =	vld [tilespmem:s23+$0x14040]  }
0x174: {  	v7 =	vld [tilespmem:s23+$0x8050]  }
0x175: {  	v8 =	vld [tilespmem:s23+$0x14050]  }
0x176: {  	v9 =	vld [tilespmem:s23+$0x8060]  }
0x177: {  	v10 =	vld [tilespmem:s23+$0x14060]  }
0x178: {  	v2 =	vadd.f32 v5, v2  }
0x179: {  	[tilespmem:s23+$0x8010] =	vst v6;
	v0 =	vadd.f32 v3, v0  }
0x17a: {  	[tilespmem:s23+$0x8020] =	vst v2;
	v1 =	vadd.f32 v4, v1  }
0x17b: {  	[tilespmem:s23+$0x8030] =	vst v0;
	v0 =	vadd.f32 v8, v7  }
0x17c: {  	[tilespmem:s23+$0x8040] =	vst v1;
	v1 =	vadd.f32 v10, v9  }
0x17d: {  	[tilespmem:s23+$0x8050] =	vst v0  }
0x17e: {  	[tilespmem:s23+$0x8060] =	vst v1  }
0x17f: {  	s26 =	simm.s32 $0x0;
	s24 =	rddreg [dreg:$0x13]  }
0x180: {  	[hbm4b:s24+s26] =	stream.linear.scatter [tilespmem:s10], [sflag:$0x7], $0x4000, $0x38;
	[tilespmem:$0x18000] =	vst v63  }
0x181: {  	_ =	swait.ge [sflag:s19], $0x4000  }
0x182: {  	s29 =	simm.s32 $0x0;
	s25 =	simm.s32 $0x0;
	[sflag:s19] =	ssyncset.done $0x0  }
0x183: {  	s23 =	sand.u32 $0xFFFFE000, s26;
	s28 =	rddreg [dreg:$0x18];
	[sflag:s19] =	ssyncadd.s32 $0xFFFFC000  }
0x184: {  	[tilespmem:s9], [sflag:$0x2] =	stream.linear.gather [hbm4b:s28+s26], $0x4000, $0x38;
	[tilespmem:$0x18000] =	vst v63  }
0x185: {  	s23 =	sadd.s32 $0x0, s23;
	s24 =	sand.u32 $0x380, s29;
	_ =	swait.ge [sflag:s12], $0x4000  }
0x186: {  	s30 =	sand.u32 $0xFFFFE000, s25;
	s23 =	sadd.s32 s24, s23;
	[sflag:s12] =	ssyncset.done $0x0  }
0x187: {  	s23 =	ssub.s32 s23, s30;
	[sflag:s12] =	ssyncadd.s32 $0xFFFFC000  }
0x188: {  	v0 =	vld [tilespmem:s23+$0xC070]  }
0x189: {  	v1 =	vld [tilespmem:s23+$0x14070]  }
0x18a: {  	v3 =	vld [tilespmem:s23+$0xC000]  }
0x18b: {  	v4 =	vld [tilespmem:s23+$0x14000]  }
0x18c: {  	v6 =	vld [tilespmem:s23+$0xC010]  }
0x18d: {  	v7 =	vld [tilespmem:s23+$0x14010]  }
0x18e: {  	v2 =	vld [tilespmem:s23+$0xC020]  }
0x18f: {  	v5 =	vld [tilespmem:s23+$0x14020]  }
0x190: {  	v1 =	vadd.f32 v1, v0;
	v0 =	vld [tilespmem:s23+$0xC030]  }
0x191: {  	v4 =	vadd.f32 v4, v3;
	v3 =	vld [tilespmem:s23+$0x14030]  }
0x192: {  	v6 =	vadd.f32 v7, v6;
	[tilespmem:s23+$0xC070] =	vst v1;
	v1 =	vld [tilespmem:s23+$0xC040]  }
0x193: {  	s25 =	simm.s32 $0x80;
	s24 =	simm.s32 $0x0;
	s26 =	simm.s32 $0x400;
	[tilespmem:s23+$0xC000] =	vst v4;
	v4 =	vld [tilespmem:s23+$0x14040]  }
.LBB2_16:
0x194: {  	s28 =	sand.u32 $0xFFFFE000, s25;
	s29 =	sshrl.u32 s25, $0x3;
	s30 =	sshll.u32 s25, $0x3;
	[tilespmem:s23+$0xC010] =	vst v6;
	v2 =	vadd.f32 v5, v2;
	v5 =	vld [tilespmem:s23+$0xC050]  }
0x195: {  	s24 =	sadd.s32 $0x80, s24;
	s28 =	sadd.s32 s28, s26;
	s29 =	sand.u32 $0x380, s29;
	v6 =	vld [tilespmem:s23+$0x14050]  }
0x196: {  	p0 =	slt.u32 s24, $0x3F80;
	s28 =	sadd.s32 s29, s28;
	s29 =	sand.u32 $0xFFFFE000, s30;
	[tilespmem:s23+$0xC020] =	vst v2;
	v0 =	vadd.f32 v3, v0;
	v2 =	vld [tilespmem:s23+$0xC060]  }
0x197: {  	s28 =	ssub.s32 s28, s29;
	v3 =	vld [tilespmem:s23+$0x14060]  }
0x198: {  	v7 =	vld [tilespmem:s28+$0xC070];
	[tilespmem:s23+$0xC030] =	vst v0;
	v0 =	vadd.f32 v4, v1  }
0x199: {  	v1 =	vld [tilespmem:s28+$0x14070]  }
0x19a: {  	v4 =	vld [tilespmem:s28+$0xC000];
	[tilespmem:s23+$0xC040] =	vst v0;
	v0 =	vadd.f32 v6, v5  }
0x19b: {  	v6 =	vld [tilespmem:s28+$0x14000]  }
0x19c: {  	v8 =	vld [tilespmem:s28+$0xC010];
	[tilespmem:s23+$0xC050] =	vst v0;
	v0 =	vadd.f32 v3, v2  }
0x19d: {  	v9 =	vld [tilespmem:s28+$0x14010]  }
0x19e: {  	v2 =	vld [tilespmem:s28+$0xC020];
	v1 =	vadd.f32 v1, v7;
	[tilespmem:s23+$0xC060] =	vst v0;
	s23 =	smov.u32 s28  }
.Ltmp7:
0x19f: {  	v5 =	vld [tilespmem:s23+$0x14020];
	(pc) =	sbr.rel @p0 .LBB2_16-.Ltmp7, $4  }
0x1a0: {  	v4 =	vadd.f32 v6, v4;
	v0 =	vld [tilespmem:s23+$0xC030];
	[tilespmem:s23+$0xC070] =	vst v1  }
0x1a1: {  	v3 =	vld [tilespmem:s23+$0x14030]  }
0x1a2: {  	[tilespmem:s23+$0xC000] =	vst v4;
	v6 =	vadd.f32 v9, v8;
	v1 =	vld [tilespmem:s23+$0xC040]  }
0x1a3: {  	s25 =	sadd.s32 $0x80, s25;
	s26 =	sadd.s32 $0x400, s26;
	v4 =	vld [tilespmem:s23+$0x14040]  }
0x1a4: {  	v7 =	vld [tilespmem:s23+$0xC050]  }
0x1a5: {  	v8 =	vld [tilespmem:s23+$0x14050]  }
0x1a6: {  	v9 =	vld [tilespmem:s23+$0xC060]  }
0x1a7: {  	v10 =	vld [tilespmem:s23+$0x14060]  }
0x1a8: {  	v2 =	vadd.f32 v5, v2  }
0x1a9: {  	[tilespmem:s23+$0xC010] =	vst v6;
	v0 =	vadd.f32 v3, v0  }
0x1aa: {  	[tilespmem:s23+$0xC020] =	vst v2;
	v1 =	vadd.f32 v4, v1  }
0x1ab: {  	[tilespmem:s23+$0xC030] =	vst v0;
	v0 =	vadd.f32 v8, v7  }
0x1ac: {  	[tilespmem:s23+$0xC040] =	vst v1;
	v1 =	vadd.f32 v10, v9  }
0x1ad: {  	[tilespmem:s23+$0xC050] =	vst v0  }
0x1ae: {  	[tilespmem:s23+$0xC060] =	vst v1  }
0x1af: {  	s30 =	simm.s32 $0x0;
	s24 =	rddreg [dreg:$0x14]  }
0x1b0: {  	[hbm4b:s24+s30] =	stream.linear.scatter [tilespmem:s11], [sflag:$0x8], $0x4000, $0x38;
	[tilespmem:$0x18000] =	vst v63  }
0x1b1: {  	_ =	swait.ge [sflag:s20], $0x4000  }
0x1b2: {  	[sflag:s20] =	ssyncset.done $0x0  }
0x1b3: {  	s25 =	rddreg [dreg:$0x1a];
	[sflag:s20] =	ssyncadd.s32 $0xFFFFC000  }
0x1b4: {  	[tilespmem:s10], [sflag:$0x3] =	stream.linear.gather [hbm4b:s25+s30], $0x4000, $0x38;
	[tilespmem:$0x18000] =	vst v63  }
0x1b5: {  	s26 =	rddreg [dreg:$0x15];
	s25 =	simm.s32 $0x14000  }
0x1b6: {  	[tilespmem:s25], [sflag:$0xA] =	stream.linear.gather [hbm4b:s26+s30], $0x4000, $0x38;
	[tilespmem:$0x18000] =	vst v63  }
0x1b7: {  	_ =	swait.ge [sflag:s14], $0x4000  }
0x1b8: {  	s28 =	simm.s32 $0x0;
	[sflag:s14] =	ssyncset.done $0x0  }
0x1b9: {  	s29 =	simm.s32 $0x0;
	s23 =	sand.u32 $0xFFFFE000, s30;
	[sflag:s14] =	ssyncadd.s32 $0xFFFFC000  }
0x1ba: {  	s23 =	sadd.s32 $0x0, s23;
	s24 =	sand.u32 $0x380, s28;
	_ =	swait.ge [sflag:s15], $0x4000  }
0x1bb: {  	s23 =	sadd.s32 s24, s23;
	s30 =	sand.u32 $0xFFFFE000, s29;
	[sflag:s15] =	ssyncset.done $0x0  }
0x1bc: {  	s23 =	ssub.s32 s23, s30;
	[sflag:s15] =	ssyncadd.s32 $0xFFFFC000  }
0x1bd: {  	v0 =	vld [tilespmem:s23+$0x70]  }
0x1be: {  	v1 =	vld [tilespmem:s23+$0x10070]  }
0x1bf: {  	v3 =	vld [tilespmem:s23+$0x0]  }
0x1c0: {  	v4 =	vld [tilespmem:s23+$0x10000]  }
0x1c1: {  	v6 =	vld [tilespmem:s23+$0x10]  }
0x1c2: {  	v7 =	vld [tilespmem:s23+$0x10010]  }
0x1c3: {  	v2 =	vld [tilespmem:s23+$0x20]  }
0x1c4: {  	v5 =	vld [tilespmem:s23+$0x10020]  }
0x1c5: {  	v1 =	vadd.f32 v1, v0;
	v0 =	vld [tilespmem:s23+$0x30]  }
0x1c6: {  	v4 =	vadd.f32 v4, v3;
	v3 =	vld [tilespmem:s23+$0x10030]  }
0x1c7: {  	v6 =	vadd.f32 v7, v6;
	[tilespmem:s23+$0x70] =	vst v1;
	v1 =	vld [tilespmem:s23+$0x40]  }
0x1c8: {  	s24 =	simm.s32 $0x0;
	s25 =	simm.s32 $0x80;
	s26 =	simm.s32 $0x400;
	[tilespmem:s23+$0x0] =	vst v4;
	v4 =	vld [tilespmem:s23+$0x10040]  }
.LBB2_18:
0x1c9: {  	s28 =	sand.u32 $0xFFFFE000, s25;
	s29 =	sshrl.u32 s25, $0x3;
	s30 =	sshll.u32 s25, $0x3;
	[tilespmem:s23+$0x10] =	vst v6;
	v2 =	vadd.f32 v5, v2;
	v5 =	vld [tilespmem:s23+$0x50]  }
0x1ca: {  	s24 =	sadd.s32 $0x80, s24;
	s28 =	sadd.s32 s28, s26;
	s29 =	sand.u32 $0x380, s29;
	v6 =	vld [tilespmem:s23+$0x10050]  }
0x1cb: {  	p0 =	slt.u32 s24, $0x3F80;
	s28 =	sadd.s32 s29, s28;
	s29 =	sand.u32 $0xFFFFE000, s30;
	[tilespmem:s23+$0x20] =	vst v2;
	v0 =	vadd.f32 v3, v0;
	v2 =	vld [tilespmem:s23+$0x60]  }
0x1cc: {  	s28 =	ssub.s32 s28, s29;
	v3 =	vld [tilespmem:s23+$0x10060]  }
0x1cd: {  	v7 =	vld [tilespmem:s28+$0x70];
	[tilespmem:s23+$0x30] =	vst v0;
	v0 =	vadd.f32 v4, v1  }
0x1ce: {  	v1 =	vld [tilespmem:s28+$0x10070]  }
0x1cf: {  	v4 =	vld [tilespmem:s28+$0x0];
	[tilespmem:s23+$0x40] =	vst v0;
	v0 =	vadd.f32 v6, v5  }
0x1d0: {  	v6 =	vld [tilespmem:s28+$0x10000]  }
0x1d1: {  	v8 =	vld [tilespmem:s28+$0x10];
	[tilespmem:s23+$0x50] =	vst v0;
	v0 =	vadd.f32 v3, v2  }
0x1d2: {  	v9 =	vld [tilespmem:s28+$0x10010]  }
0x1d3: {  	v2 =	vld [tilespmem:s28+$0x20];
	v1 =	vadd.f32 v1, v7;
	[tilespmem:s23+$0x60] =	vst v0;
	s23 =	smov.u32 s28  }
.Ltmp8:
0x1d4: {  	v5 =	vld [tilespmem:s23+$0x10020];
	(pc) =	sbr.rel @p0 .LBB2_18-.Ltmp8, $4  }
0x1d5: {  	v4 =	vadd.f32 v6, v4;
	v0 =	vld [tilespmem:s23+$0x30];
	[tilespmem:s23+$0x70] =	vst v1  }
0x1d6: {  	v3 =	vld [tilespmem:s23+$0x10030]  }
0x1d7: {  	[tilespmem:s23+$0x0] =	vst v4;
	v6 =	vadd.f32 v9, v8;
	v1 =	vld [tilespmem:s23+$0x40]  }
0x1d8: {  	s25 =	sadd.s32 $0x80, s25;
	s26 =	sadd.s32 $0x400, s26;
	v4 =	vld [tilespmem:s23+$0x10040]  }
0x1d9: {  	v7 =	vld [tilespmem:s23+$0x50]  }
0x1da: {  	v8 =	vld [tilespmem:s23+$0x10050]  }
0x1db: {  	v9 =	vld [tilespmem:s23+$0x60]  }
0x1dc: {  	v10 =	vld [tilespmem:s23+$0x10060]  }
0x1dd: {  	v2 =	vadd.f32 v5, v2  }
0x1de: {  	[tilespmem:s23+$0x10] =	vst v6;
	v0 =	vadd.f32 v3, v0  }
0x1df: {  	[tilespmem:s23+$0x20] =	vst v2;
	v1 =	vadd.f32 v4, v1  }
0x1e0: {  	[tilespmem:s23+$0x30] =	vst v0;
	v0 =	vadd.f32 v8, v7  }
0x1e1: {  	[tilespmem:s23+$0x40] =	vst v1;
	v1 =	vadd.f32 v10, v9  }
0x1e2: {  	[tilespmem:s23+$0x50] =	vst v0  }
0x1e3: {  	[tilespmem:s23+$0x60] =	vst v1  }
0x1e4: {  	s26 =	simm.s32 $0x0;
	s24 =	rddreg [dreg:$0x17]  }
0x1e5: {  	[hbm4b:s24+s26] =	stream.linear.scatter [tilespmem:s26], [sflag:$0x5], $0x4000, $0x38;
	[tilespmem:$0x18000] =	vst v63  }
0x1e6: {  	_ =	swait.ge [sflag:s21], $0x4000  }
0x1e7: {  	s29 =	simm.s32 $0x0;
	s25 =	simm.s32 $0x0;
	[sflag:s21] =	ssyncset.done $0x0  }
0x1e8: {  	s23 =	sand.u32 $0xFFFFE000, s26;
	s28 =	rddreg [dreg:$0x1c];
	[sflag:s21] =	ssyncadd.s32 $0xFFFFC000  }
0x1e9: {  	[tilespmem:s11], [sflag:$0x4] =	stream.linear.gather [hbm4b:s28+s26], $0x4000, $0x38;
	[tilespmem:$0x18000] =	vst v63  }
0x1ea: {  	s23 =	sadd.s32 $0x0, s23;
	s24 =	sand.u32 $0x380, s29;
	_ =	swait.ge [sflag:s16], $0x4000  }
0x1eb: {  	s30 =	sand.u32 $0xFFFFE000, s25;
	s23 =	sadd.s32 s24, s23;
	[sflag:s16] =	ssyncset.done $0x0  }
0x1ec: {  	s23 =	ssub.s32 s23, s30;
	[sflag:s16] =	ssyncadd.s32 $0xFFFFC000  }
0x1ed: {  	v0 =	vld [tilespmem:s23+$0x4070]  }
0x1ee: {  	v1 =	vld [tilespmem:s23+$0x10070]  }
0x1ef: {  	v3 =	vld [tilespmem:s23+$0x4000]  }
0x1f0: {  	v4 =	vld [tilespmem:s23+$0x10000]  }
0x1f1: {  	v6 =	vld [tilespmem:s23+$0x4010]  }
0x1f2: {  	v7 =	vld [tilespmem:s23+$0x10010]  }
0x1f3: {  	v2 =	vld [tilespmem:s23+$0x4020]  }
0x1f4: {  	v5 =	vld [tilespmem:s23+$0x10020]  }
0x1f5: {  	v1 =	vadd.f32 v1, v0;
	v0 =	vld [tilespmem:s23+$0x4030]  }
0x1f6: {  	v4 =	vadd.f32 v4, v3;
	v3 =	vld [tilespmem:s23+$0x10030]  }
0x1f7: {  	v6 =	vadd.f32 v7, v6;
	[tilespmem:s23+$0x4070] =	vst v1;
	v1 =	vld [tilespmem:s23+$0x4040]  }
0x1f8: {  	s25 =	simm.s32 $0x80;
	s24 =	simm.s32 $0x0;
	s26 =	simm.s32 $0x400;
	[tilespmem:s23+$0x4000] =	vst v4;
	v4 =	vld [tilespmem:s23+$0x10040]  }
.LBB2_20:
0x1f9: {  	s28 =	sand.u32 $0xFFFFE000, s25;
	s29 =	sshrl.u32 s25, $0x3;
	s30 =	sshll.u32 s25, $0x3;
	[tilespmem:s23+$0x4010] =	vst v6;
	v2 =	vadd.f32 v5, v2;
	v5 =	vld [tilespmem:s23+$0x4050]  }
0x1fa: {  	s24 =	sadd.s32 $0x80, s24;
	s28 =	sadd.s32 s28, s26;
	s29 =	sand.u32 $0x380, s29;
	v6 =	vld [tilespmem:s23+$0x10050]  }
0x1fb: {  	p0 =	slt.u32 s24, $0x3F80;
	s28 =	sadd.s32 s29, s28;
	s29 =	sand.u32 $0xFFFFE000, s30;
	[tilespmem:s23+$0x4020] =	vst v2;
	v0 =	vadd.f32 v3, v0;
	v2 =	vld [tilespmem:s23+$0x4060]  }
0x1fc: {  	s28 =	ssub.s32 s28, s29;
	v3 =	vld [tilespmem:s23+$0x10060]  }
0x1fd: {  	v7 =	vld [tilespmem:s28+$0x4070];
	[tilespmem:s23+$0x4030] =	vst v0;
	v0 =	vadd.f32 v4, v1  }
0x1fe: {  	v1 =	vld [tilespmem:s28+$0x10070]  }
0x1ff: {  	v4 =	vld [tilespmem:s28+$0x4000];
	[tilespmem:s23+$0x4040] =	vst v0;
	v0 =	vadd.f32 v6, v5  }
0x200: {  	v6 =	vld [tilespmem:s28+$0x10000]  }
0x201: {  	v8 =	vld [tilespmem:s28+$0x4010];
	[tilespmem:s23+$0x4050] =	vst v0;
	v0 =	vadd.f32 v3, v2  }
0x202: {  	v9 =	vld [tilespmem:s28+$0x10010]  }
0x203: {  	v2 =	vld [tilespmem:s28+$0x4020];
	v1 =	vadd.f32 v1, v7;
	[tilespmem:s23+$0x4060] =	vst v0;
	s23 =	smov.u32 s28  }
.Ltmp9:
0x204: {  	v5 =	vld [tilespmem:s23+$0x10020];
	(pc) =	sbr.rel @p0 .LBB2_20-.Ltmp9, $4  }
0x205: {  	v4 =	vadd.f32 v6, v4;
	v0 =	vld [tilespmem:s23+$0x4030];
	[tilespmem:s23+$0x4070] =	vst v1  }
0x206: {  	v3 =	vld [tilespmem:s23+$0x10030]  }
0x207: {  	[tilespmem:s23+$0x4000] =	vst v4;
	v6 =	vadd.f32 v9, v8;
	v1 =	vld [tilespmem:s23+$0x4040]  }
0x208: {  	s25 =	sadd.s32 $0x80, s25;
	s26 =	sadd.s32 $0x400, s26;
	v4 =	vld [tilespmem:s23+$0x10040]  }
0x209: {  	v7 =	vld [tilespmem:s23+$0x4050]  }
0x20a: {  	v8 =	vld [tilespmem:s23+$0x10050]  }
0x20b: {  	v9 =	vld [tilespmem:s23+$0x4060]  }
0x20c: {  	v10 =	vld [tilespmem:s23+$0x10060]  }
0x20d: {  	v2 =	vadd.f32 v5, v2  }
0x20e: {  	[tilespmem:s23+$0x4010] =	vst v6;
	v0 =	vadd.f32 v3, v0  }
0x20f: {  	[tilespmem:s23+$0x4020] =	vst v2;
	v1 =	vadd.f32 v4, v1  }
0x210: {  	[tilespmem:s23+$0x4030] =	vst v0;
	v0 =	vadd.f32 v8, v7  }
0x211: {  	[tilespmem:s23+$0x4040] =	vst v1;
	v1 =	vadd.f32 v10, v9  }
0x212: {  	[tilespmem:s23+$0x4050] =	vst v0  }
0x213: {  	[tilespmem:s23+$0x4060] =	vst v1  }
0x214: {  	s26 =	simm.s32 $0x0;
	s24 =	rddreg [dreg:$0x19]  }
0x215: {  	[hbm4b:s24+s26] =	stream.linear.scatter [tilespmem:s9], [sflag:$0x6], $0x4000, $0x38;
	[tilespmem:$0x18000] =	vst v63  }
0x216: {  	_ =	swait.ge [sflag:s17], $0x4000  }
0x217: {  	s29 =	simm.s32 $0x0;
	s25 =	simm.s32 $0x0;
	[sflag:s17] =	ssyncset.done $0x0  }
0x218: {  	s23 =	sand.u32 $0xFFFFE000, s26;
	s28 =	rddreg [dreg:$0x1e];
	[sflag:s17] =	ssyncadd.s32 $0xFFFFC000  }
0x219: {  	[tilespmem:s26], [sflag:$0x1] =	stream.linear.gather [hbm4b:s28+s26], $0x4000, $0x38;
	[tilespmem:$0x18000] =	vst v63  }
0x21a: {  	s23 =	sadd.s32 $0x0, s23;
	s24 =	sand.u32 $0x380, s29;
	_ =	swait.ge [sflag:s18], $0x4000  }
0x21b: {  	s30 =	sand.u32 $0xFFFFE000, s25;
	s23 =	sadd.s32 s24, s23;
	[sflag:s18] =	ssyncset.done $0x0  }
0x21c: {  	s23 =	ssub.s32 s23, s30;
	[sflag:s18] =	ssyncadd.s32 $0xFFFFC000  }
0x21d: {  	v0 =	vld [tilespmem:s23+$0x8070]  }
0x21e: {  	v1 =	vld [tilespmem:s23+$0x10070]  }
0x21f: {  	v3 =	vld [tilespmem:s23+$0x8000]  }
0x220: {  	v4 =	vld [tilespmem:s23+$0x10000]  }
0x221: {  	v6 =	vld [tilespmem:s23+$0x8010]  }
0x222: {  	v7 =	vld [tilespmem:s23+$0x10010]  }
0x223: {  	v2 =	vld [tilespmem:s23+$0x8020]  }
0x224: {  	v5 =	vld [tilespmem:s23+$0x10020]  }
0x225: {  	v1 =	vadd.f32 v1, v0;
	v0 =	vld [tilespmem:s23+$0x8030]  }
0x226: {  	v4 =	vadd.f32 v4, v3;
	v3 =	vld [tilespmem:s23+$0x10030]  }
0x227: {  	v6 =	vadd.f32 v7, v6;
	[tilespmem:s23+$0x8070] =	vst v1;
	v1 =	vld [tilespmem:s23+$0x8040]  }
0x228: {  	s25 =	simm.s32 $0x80;
	s24 =	simm.s32 $0x0;
	s26 =	simm.s32 $0x400;
	[tilespmem:s23+$0x8000] =	vst v4;
	v4 =	vld [tilespmem:s23+$0x10040]  }
.LBB2_22:
0x229: {  	s28 =	sand.u32 $0xFFFFE000, s25;
	s29 =	sshrl.u32 s25, $0x3;
	s30 =	sshll.u32 s25, $0x3;
	[tilespmem:s23+$0x8010] =	vst v6;
	v2 =	vadd.f32 v5, v2;
	v5 =	vld [tilespmem:s23+$0x8050]  }
0x22a: {  	s24 =	sadd.s32 $0x80, s24;
	s28 =	sadd.s32 s28, s26;
	s29 =	sand.u32 $0x380, s29;
	v6 =	vld [tilespmem:s23+$0x10050]  }
0x22b: {  	p0 =	slt.u32 s24, $0x3F80;
	s28 =	sadd.s32 s29, s28;
	s29 =	sand.u32 $0xFFFFE000, s30;
	[tilespmem:s23+$0x8020] =	vst v2;
	v0 =	vadd.f32 v3, v0;
	v2 =	vld [tilespmem:s23+$0x8060]  }
0x22c: {  	s28 =	ssub.s32 s28, s29;
	v3 =	vld [tilespmem:s23+$0x10060]  }
0x22d: {  	v7 =	vld [tilespmem:s28+$0x8070];
	[tilespmem:s23+$0x8030] =	vst v0;
	v0 =	vadd.f32 v4, v1  }
0x22e: {  	v1 =	vld [tilespmem:s28+$0x10070]  }
0x22f: {  	v4 =	vld [tilespmem:s28+$0x8000];
	[tilespmem:s23+$0x8040] =	vst v0;
	v0 =	vadd.f32 v6, v5  }
0x230: {  	v6 =	vld [tilespmem:s28+$0x10000]  }
0x231: {  	v8 =	vld [tilespmem:s28+$0x8010];
	[tilespmem:s23+$0x8050] =	vst v0;
	v0 =	vadd.f32 v3, v2  }
0x232: {  	v9 =	vld [tilespmem:s28+$0x10010]  }
0x233: {  	v2 =	vld [tilespmem:s28+$0x8020];
	v1 =	vadd.f32 v1, v7;
	[tilespmem:s23+$0x8060] =	vst v0;
	s23 =	smov.u32 s28  }
.Ltmp10:
0x234: {  	v5 =	vld [tilespmem:s23+$0x10020];
	(pc) =	sbr.rel @p0 .LBB2_22-.Ltmp10, $4  }
0x235: {  	v4 =	vadd.f32 v6, v4;
	v0 =	vld [tilespmem:s23+$0x8030];
	[tilespmem:s23+$0x8070] =	vst v1  }
0x236: {  	v3 =	vld [tilespmem:s23+$0x10030]  }
0x237: {  	[tilespmem:s23+$0x8000] =	vst v4;
	v6 =	vadd.f32 v9, v8;
	v1 =	vld [tilespmem:s23+$0x8040]  }
0x238: {  	s25 =	sadd.s32 $0x80, s25;
	s26 =	sadd.s32 $0x400, s26;
	v4 =	vld [tilespmem:s23+$0x10040]  }
0x239: {  	v7 =	vld [tilespmem:s23+$0x8050]  }
0x23a: {  	v8 =	vld [tilespmem:s23+$0x10050]  }
0x23b: {  	v9 =	vld [tilespmem:s23+$0x8060]  }
0x23c: {  	v10 =	vld [tilespmem:s23+$0x10060]  }
0x23d: {  	v2 =	vadd.f32 v5, v2  }
0x23e: {  	[tilespmem:s23+$0x8010] =	vst v6;
	v0 =	vadd.f32 v3, v0  }
0x23f: {  	[tilespmem:s23+$0x8020] =	vst v2;
	v1 =	vadd.f32 v4, v1  }
0x240: {  	[tilespmem:s23+$0x8030] =	vst v0;
	v0 =	vadd.f32 v8, v7  }
0x241: {  	[tilespmem:s23+$0x8040] =	vst v1;
	v1 =	vadd.f32 v10, v9  }
0x242: {  	[tilespmem:s23+$0x8050] =	vst v0  }
0x243: {  	[tilespmem:s23+$0x8060] =	vst v1  }
0x244: {  	s28 =	simm.s32 $0x0;
	s24 =	rddreg [dreg:$0x1b]  }
0x245: {  	[hbm4b:s24+s28] =	stream.linear.scatter [tilespmem:s10], [sflag:$0x7], $0x4000, $0x38;
	[tilespmem:$0x18000] =	vst v63  }
0x246: {  	_ =	swait.ge [sflag:s19], $0x4000  }
0x247: {  	s29 =	simm.s32 $0x0;
	[sflag:s19] =	ssyncset.done $0x0  }
0x248: {  	s25 =	simm.s32 $0x0;
	s23 =	sand.u32 $0xFFFFE000, s28;
	[sflag:s19] =	ssyncadd.s32 $0xFFFFC000  }
0x249: {  	[tilespmem:s9], [sflag:$0x2] =	stream.linear.gather [hbm4b:s2+s28], $0x4000, $0x38;
	[tilespmem:$0x18000] =	vst v63  }
0x24a: {  	s23 =	sadd.s32 $0x0, s23;
	s24 =	sand.u32 $0x380, s29;
	_ =	swait.ge [sflag:s12], $0x4000  }
0x24b: {  	s30 =	sand.u32 $0xFFFFE000, s25;
	s23 =	sadd.s32 s24, s23;
	[sflag:s12] =	ssyncset.done $0x0  }
0x24c: {  	s23 =	ssub.s32 s23, s30;
	[sflag:s12] =	ssyncadd.s32 $0xFFFFC000  }
0x24d: {  	v0 =	vld [tilespmem:s23+$0xC070]  }
0x24e: {  	v1 =	vld [tilespmem:s23+$0x10070]  }
0x24f: {  	v3 =	vld [tilespmem:s23+$0xC000]  }
0x250: {  	v4 =	vld [tilespmem:s23+$0x10000]  }
0x251: {  	v6 =	vld [tilespmem:s23+$0xC010]  }
0x252: {  	v7 =	vld [tilespmem:s23+$0x10010]  }
0x253: {  	v2 =	vld [tilespmem:s23+$0xC020]  }
0x254: {  	v5 =	vld [tilespmem:s23+$0x10020]  }
0x255: {  	v1 =	vadd.f32 v1, v0;
	v0 =	vld [tilespmem:s23+$0xC030]  }
0x256: {  	v4 =	vadd.f32 v4, v3;
	v3 =	vld [tilespmem:s23+$0x10030]  }
0x257: {  	v6 =	vadd.f32 v7, v6;
	[tilespmem:s23+$0xC070] =	vst v1;
	v1 =	vld [tilespmem:s23+$0xC040]  }
0x258: {  	s26 =	simm.s32 $0x400;
	s25 =	simm.s32 $0x80;
	s24 =	simm.s32 $0x0;
	[tilespmem:s23+$0xC000] =	vst v4;
	v4 =	vld [tilespmem:s23+$0x10040]  }
.LBB2_24:
0x259: {  	s28 =	sand.u32 $0xFFFFE000, s25;
	s29 =	sshrl.u32 s25, $0x3;
	s30 =	sshll.u32 s25, $0x3;
	[tilespmem:s23+$0xC010] =	vst v6;
	v2 =	vadd.f32 v5, v2;
	v5 =	vld [tilespmem:s23+$0xC050]  }
0x25a: {  	s24 =	sadd.s32 $0x80, s24;
	s28 =	sadd.s32 s28, s26;
	s29 =	sand.u32 $0x380, s29;
	v6 =	vld [tilespmem:s23+$0x10050]  }
0x25b: {  	p0 =	slt.u32 s24, $0x3F80;
	s28 =	sadd.s32 s29, s28;
	s29 =	sand.u32 $0xFFFFE000, s30;
	[tilespmem:s23+$0xC020] =	vst v2;
	v0 =	vadd.f32 v3, v0;
	v2 =	vld [tilespmem:s23+$0xC060]  }
0x25c: {  	s28 =	ssub.s32 s28, s29;
	v3 =	vld [tilespmem:s23+$0x10060]  }
0x25d: {  	v7 =	vld [tilespmem:s28+$0xC070];
	[tilespmem:s23+$0xC030] =	vst v0;
	v0 =	vadd.f32 v4, v1  }
0x25e: {  	v1 =	vld [tilespmem:s28+$0x10070]  }
0x25f: {  	v4 =	vld [tilespmem:s28+$0xC000];
	[tilespmem:s23+$0xC040] =	vst v0;
	v0 =	vadd.f32 v6, v5  }
0x260: {  	v6 =	vld [tilespmem:s28+$0x10000]  }
0x261: {  	v8 =	vld [tilespmem:s28+$0xC010];
	[tilespmem:s23+$0xC050] =	vst v0;
	v0 =	vadd.f32 v3, v2  }
0x262: {  	v9 =	vld [tilespmem:s28+$0x10010]  }
0x263: {  	v2 =	vld [tilespmem:s28+$0xC020];
	v1 =	vadd.f32 v1, v7;
	[tilespmem:s23+$0xC060] =	vst v0;
	s23 =	smov.u32 s28  }
.Ltmp11:
0x264: {  	v5 =	vld [tilespmem:s23+$0x10020];
	(pc) =	sbr.rel @p0 .LBB2_24-.Ltmp11, $4  }
0x265: {  	v4 =	vadd.f32 v6, v4;
	v0 =	vld [tilespmem:s23+$0xC030];
	[tilespmem:s23+$0xC070] =	vst v1  }
0x266: {  	v3 =	vld [tilespmem:s23+$0x10030]  }
0x267: {  	[tilespmem:s23+$0xC000] =	vst v4;
	v6 =	vadd.f32 v9, v8;
	v1 =	vld [tilespmem:s23+$0xC040]  }
0x268: {  	s25 =	sadd.s32 $0x80, s25;
	s26 =	sadd.s32 $0x400, s26;
	v4 =	vld [tilespmem:s23+$0x10040]  }
0x269: {  	v7 =	vld [tilespmem:s23+$0xC050]  }
0x26a: {  	v8 =	vld [tilespmem:s23+$0x10050]  }
0x26b: {  	v9 =	vld [tilespmem:s23+$0xC060]  }
0x26c: {  	v10 =	vld [tilespmem:s23+$0x10060]  }
0x26d: {  	v2 =	vadd.f32 v5, v2  }
0x26e: {  	[tilespmem:s23+$0xC010] =	vst v6;
	v0 =	vadd.f32 v3, v0  }
0x26f: {  	[tilespmem:s23+$0xC020] =	vst v2;
	v1 =	vadd.f32 v4, v1  }
0x270: {  	[tilespmem:s23+$0xC030] =	vst v0;
	v0 =	vadd.f32 v8, v7  }
0x271: {  	[tilespmem:s23+$0xC040] =	vst v1;
	v1 =	vadd.f32 v10, v9  }
0x272: {  	[tilespmem:s23+$0xC050] =	vst v0  }
0x273: {  	[tilespmem:s23+$0xC060] =	vst v1  }
0x274: {  	s28 =	simm.s32 $0x0;
	s24 =	rddreg [dreg:$0x1d]  }
0x275: {  	[hbm4b:s24+s28] =	stream.linear.scatter [tilespmem:s11], [sflag:$0x8], $0x4000, $0x38;
	[tilespmem:$0x18000] =	vst v63  }
0x276: {  	_ =	swait.ge [sflag:s20], $0x4000  }
0x277: {  	[sflag:s20] =	ssyncset.done $0x0  }
0x278: {  	[sflag:s20] =	ssyncadd.s32 $0xFFFFC000  }
0x279: {  	[tilespmem:s10], [sflag:$0x3] =	stream.linear.gather [hbm4b:s3+s28], $0x4000, $0x38;
	[tilespmem:$0x18000] =	vst v63  }
0x27a: {  	_ =	swait.ge [sflag:s13], $0x4000  }
0x27b: {  	s29 =	simm.s32 $0x0;
	[sflag:s13] =	ssyncset.done $0x0  }
0x27c: {  	s25 =	simm.s32 $0x0;
	s23 =	sand.u32 $0xFFFFE000, s28;
	[sflag:s13] =	ssyncadd.s32 $0xFFFFC000  }
0x27d: {  	s23 =	sadd.s32 $0x0, s23;
	s24 =	sand.u32 $0x380, s29;
	_ =	swait.ge [sflag:s15], $0x4000  }
0x27e: {  	s30 =	sand.u32 $0xFFFFE000, s25;
	s23 =	sadd.s32 s24, s23;
	[sflag:s15] =	ssyncset.done $0x0  }
0x27f: {  	s23 =	ssub.s32 s23, s30;
	[sflag:s15] =	ssyncadd.s32 $0xFFFFC000  }
0x280: {  	v0 =	vld [tilespmem:s23+$0x70]  }
0x281: {  	v1 =	vld [tilespmem:s23+$0x14070]  }
0x282: {  	v3 =	vld [tilespmem:s23+$0x0]  }
0x283: {  	v4 =	vld [tilespmem:s23+$0x14000]  }
0x284: {  	v6 =	vld [tilespmem:s23+$0x10]  }
0x285: {  	v7 =	vld [tilespmem:s23+$0x14010]  }
0x286: {  	v2 =	vld [tilespmem:s23+$0x20]  }
0x287: {  	v5 =	vld [tilespmem:s23+$0x14020]  }
0x288: {  	v1 =	vadd.f32 v1, v0;
	v0 =	vld [tilespmem:s23+$0x30]  }
0x289: {  	v4 =	vadd.f32 v4, v3;
	v3 =	vld [tilespmem:s23+$0x14030]  }
0x28a: {  	v6 =	vadd.f32 v7, v6;
	[tilespmem:s23+$0x70] =	vst v1;
	v1 =	vld [tilespmem:s23+$0x40]  }
0x28b: {  	s26 =	simm.s32 $0x400;
	s25 =	simm.s32 $0x80;
	s24 =	simm.s32 $0x0;
	[tilespmem:s23+$0x0] =	vst v4;
	v4 =	vld [tilespmem:s23+$0x14040]  }
.LBB2_26:
0x28c: {  	s28 =	sand.u32 $0xFFFFE000, s25;
	s29 =	sshrl.u32 s25, $0x3;
	s30 =	sshll.u32 s25, $0x3;
	[tilespmem:s23+$0x10] =	vst v6;
	v2 =	vadd.f32 v5, v2;
	v5 =	vld [tilespmem:s23+$0x50]  }
0x28d: {  	s24 =	sadd.s32 $0x80, s24;
	s28 =	sadd.s32 s28, s26;
	s29 =	sand.u32 $0x380, s29;
	v6 =	vld [tilespmem:s23+$0x14050]  }
0x28e: {  	p0 =	slt.u32 s24, $0x3F80;
	s28 =	sadd.s32 s29, s28;
	s29 =	sand.u32 $0xFFFFE000, s30;
	[tilespmem:s23+$0x20] =	vst v2;
	v0 =	vadd.f32 v3, v0;
	v2 =	vld [tilespmem:s23+$0x60]  }
0x28f: {  	s28 =	ssub.s32 s28, s29;
	v3 =	vld [tilespmem:s23+$0x14060]  }
0x290: {  	v7 =	vld [tilespmem:s28+$0x70];
	[tilespmem:s23+$0x30] =	vst v0;
	v0 =	vadd.f32 v4, v1  }
0x291: {  	v1 =	vld [tilespmem:s28+$0x14070]  }
0x292: {  	v4 =	vld [tilespmem:s28+$0x0];
	[tilespmem:s23+$0x40] =	vst v0;
	v0 =	vadd.f32 v6, v5  }
0x293: {  	v6 =	vld [tilespmem:s28+$0x14000]  }
0x294: {  	v8 =	vld [tilespmem:s28+$0x10];
	[tilespmem:s23+$0x50] =	vst v0;
	v0 =	vadd.f32 v3, v2  }
0x295: {  	v9 =	vld [tilespmem:s28+$0x14010]  }
0x296: {  	v2 =	vld [tilespmem:s28+$0x20];
	v1 =	vadd.f32 v1, v7;
	[tilespmem:s23+$0x60] =	vst v0;
	s23 =	smov.u32 s28  }
.Ltmp12:
0x297: {  	v5 =	vld [tilespmem:s23+$0x14020];
	(pc) =	sbr.rel @p0 .LBB2_26-.Ltmp12, $4  }
0x298: {  	v4 =	vadd.f32 v6, v4;
	v0 =	vld [tilespmem:s23+$0x30];
	[tilespmem:s23+$0x70] =	vst v1  }
0x299: {  	v3 =	vld [tilespmem:s23+$0x14030]  }
0x29a: {  	[tilespmem:s23+$0x0] =	vst v4;
	v6 =	vadd.f32 v9, v8;
	v1 =	vld [tilespmem:s23+$0x40]  }
0x29b: {  	s25 =	sadd.s32 $0x80, s25;
	s26 =	sadd.s32 $0x400, s26;
	v4 =	vld [tilespmem:s23+$0x14040]  }
0x29c: {  	v7 =	vld [tilespmem:s23+$0x50]  }
0x29d: {  	v8 =	vld [tilespmem:s23+$0x14050]  }
0x29e: {  	v9 =	vld [tilespmem:s23+$0x60]  }
0x29f: {  	v10 =	vld [tilespmem:s23+$0x14060]  }
0x2a0: {  	v2 =	vadd.f32 v5, v2  }
0x2a1: {  	[tilespmem:s23+$0x10] =	vst v6;
	v0 =	vadd.f32 v3, v0  }
0x2a2: {  	[tilespmem:s23+$0x20] =	vst v2;
	v1 =	vadd.f32 v4, v1  }
0x2a3: {  	[tilespmem:s23+$0x30] =	vst v0;
	v0 =	vadd.f32 v8, v7  }
0x2a4: {  	[tilespmem:s23+$0x40] =	vst v1;
	v1 =	vadd.f32 v10, v9  }
0x2a5: {  	[tilespmem:s23+$0x50] =	vst v0  }
0x2a6: {  	[tilespmem:s23+$0x60] =	vst v1  }
0x2a7: {  	s28 =	simm.s32 $0x0;
	s24 =	rddreg [dreg:$0x1f]  }
0x2a8: {  	[hbm4b:s24+s28] =	stream.linear.scatter [tilespmem:s28], [sflag:$0x5], $0x4000, $0x38;
	[tilespmem:$0x18000] =	vst v63  }
0x2a9: {  	_ =	swait.ge [sflag:s21], $0x4000  }
0x2aa: {  	s29 =	simm.s32 $0x0;
	[sflag:s21] =	ssyncset.done $0x0  }
0x2ab: {  	s25 =	simm.s32 $0x0;
	s23 =	sand.u32 $0xFFFFE000, s28;
	[sflag:s21] =	ssyncadd.s32 $0xFFFFC000  }
0x2ac: {  	[tilespmem:s11], [sflag:$0x4] =	stream.linear.gather [hbm4b:s4+s28], $0x4000, $0x38;
	[tilespmem:$0x18000] =	vst v63  }
0x2ad: {  	s23 =	sadd.s32 $0x0, s23;
	s24 =	sand.u32 $0x380, s29;
	_ =	swait.ge [sflag:s16], $0x4000  }
0x2ae: {  	s30 =	sand.u32 $0xFFFFE000, s25;
	s23 =	sadd.s32 s24, s23;
	[sflag:s16] =	ssyncset.done $0x0  }
0x2af: {  	s23 =	ssub.s32 s23, s30;
	[sflag:s16] =	ssyncadd.s32 $0xFFFFC000  }
0x2b0: {  	v0 =	vld [tilespmem:s23+$0x4070]  }
0x2b1: {  	v1 =	vld [tilespmem:s23+$0x14070]  }
0x2b2: {  	v3 =	vld [tilespmem:s23+$0x4000]  }
0x2b3: {  	v4 =	vld [tilespmem:s23+$0x14000]  }
0x2b4: {  	v6 =	vld [tilespmem:s23+$0x4010]  }
0x2b5: {  	v7 =	vld [tilespmem:s23+$0x14010]  }
0x2b6: {  	v2 =	vld [tilespmem:s23+$0x4020]  }
0x2b7: {  	v5 =	vld [tilespmem:s23+$0x14020]  }
0x2b8: {  	v1 =	vadd.f32 v1, v0;
	v0 =	vld [tilespmem:s23+$0x4030]  }
0x2b9: {  	v4 =	vadd.f32 v4, v3;
	v3 =	vld [tilespmem:s23+$0x14030]  }
0x2ba: {  	v6 =	vadd.f32 v7, v6;
	[tilespmem:s23+$0x4070] =	vst v1;
	v1 =	vld [tilespmem:s23+$0x4040]  }
0x2bb: {  	s26 =	simm.s32 $0x400;
	s25 =	simm.s32 $0x80;
	s24 =	simm.s32 $0x0;
	[tilespmem:s23+$0x4000] =	vst v4;
	v4 =	vld [tilespmem:s23+$0x14040]  }
.LBB2_28:
0x2bc: {  	s28 =	sand.u32 $0xFFFFE000, s25;
	s29 =	sshrl.u32 s25, $0x3;
	s30 =	sshll.u32 s25, $0x3;
	[tilespmem:s23+$0x4010] =	vst v6;
	v2 =	vadd.f32 v5, v2;
	v5 =	vld [tilespmem:s23+$0x4050]  }
0x2bd: {  	s24 =	sadd.s32 $0x80, s24;
	s28 =	sadd.s32 s28, s26;
	s29 =	sand.u32 $0x380, s29;
	v6 =	vld [tilespmem:s23+$0x14050]  }
0x2be: {  	p0 =	slt.u32 s24, $0x3F80;
	s28 =	sadd.s32 s29, s28;
	s29 =	sand.u32 $0xFFFFE000, s30;
	[tilespmem:s23+$0x4020] =	vst v2;
	v0 =	vadd.f32 v3, v0;
	v2 =	vld [tilespmem:s23+$0x4060]  }
0x2bf: {  	s28 =	ssub.s32 s28, s29;
	v3 =	vld [tilespmem:s23+$0x14060]  }
0x2c0: {  	v7 =	vld [tilespmem:s28+$0x4070];
	[tilespmem:s23+$0x4030] =	vst v0;
	v0 =	vadd.f32 v4, v1  }
0x2c1: {  	v1 =	vld [tilespmem:s28+$0x14070]  }
0x2c2: {  	v4 =	vld [tilespmem:s28+$0x4000];
	[tilespmem:s23+$0x4040] =	vst v0;
	v0 =	vadd.f32 v6, v5  }
0x2c3: {  	v6 =	vld [tilespmem:s28+$0x14000]  }
0x2c4: {  	v8 =	vld [tilespmem:s28+$0x4010];
	[tilespmem:s23+$0x4050] =	vst v0;
	v0 =	vadd.f32 v3, v2  }
0x2c5: {  	v9 =	vld [tilespmem:s28+$0x14010]  }
0x2c6: {  	v2 =	vld [tilespmem:s28+$0x4020];
	v1 =	vadd.f32 v1, v7;
	[tilespmem:s23+$0x4060] =	vst v0;
	s23 =	smov.u32 s28  }
.Ltmp13:
0x2c7: {  	v5 =	vld [tilespmem:s23+$0x14020];
	(pc) =	sbr.rel @p0 .LBB2_28-.Ltmp13, $4  }
0x2c8: {  	v4 =	vadd.f32 v6, v4;
	v0 =	vld [tilespmem:s23+$0x4030];
	[tilespmem:s23+$0x4070] =	vst v1  }
0x2c9: {  	v3 =	vld [tilespmem:s23+$0x14030]  }
0x2ca: {  	[tilespmem:s23+$0x4000] =	vst v4;
	v6 =	vadd.f32 v9, v8;
	v1 =	vld [tilespmem:s23+$0x4040]  }
0x2cb: {  	s25 =	sadd.s32 $0x80, s25;
	s26 =	sadd.s32 $0x400, s26;
	v4 =	vld [tilespmem:s23+$0x14040]  }
0x2cc: {  	v7 =	vld [tilespmem:s23+$0x4050]  }
0x2cd: {  	v8 =	vld [tilespmem:s23+$0x14050]  }
0x2ce: {  	v9 =	vld [tilespmem:s23+$0x4060]  }
0x2cf: {  	v10 =	vld [tilespmem:s23+$0x14060]  }
0x2d0: {  	v2 =	vadd.f32 v5, v2  }
0x2d1: {  	[tilespmem:s23+$0x4010] =	vst v6;
	v0 =	vadd.f32 v3, v0  }
0x2d2: {  	[tilespmem:s23+$0x4020] =	vst v2;
	v1 =	vadd.f32 v4, v1  }
0x2d3: {  	[tilespmem:s23+$0x4030] =	vst v0;
	v0 =	vadd.f32 v8, v7  }
0x2d4: {  	[tilespmem:s23+$0x4040] =	vst v1;
	v1 =	vadd.f32 v10, v9  }
0x2d5: {  	s29 =	simm.s32 $0x0;
	[tilespmem:s23+$0x4050] =	vst v0  }
0x2d6: {  	s24 =	simm.s32 $0x0;
	s25 =	simm.s32 $0x0;
	[tilespmem:s23+$0x4060] =	vst v1;
	s23 =	sand.u32 $0xFFFFE000, s29  }
0x2d7: {  	[hbm4b:s5+s29] =	stream.linear.scatter [tilespmem:s9], [sflag:$0x6], $0x4000, $0x38;
	[tilespmem:$0x18000] =	vst v63  }
0x2d8: {  	s24 =	sand.u32 $0x380, s24;
	s23 =	sadd.s32 $0x0, s23;
	_ =	swait.ge [sflag:s18], $0x4000  }
0x2d9: {  	s30 =	sand.u32 $0xFFFFE000, s25;
	s23 =	sadd.s32 s24, s23;
	[sflag:s18] =	ssyncset.done $0x0  }
0x2da: {  	s23 =	ssub.s32 s23, s30;
	[sflag:s18] =	ssyncadd.s32 $0xFFFFC000  }
0x2db: {  	v0 =	vld [tilespmem:s23+$0x8070]  }
0x2dc: {  	v1 =	vld [tilespmem:s23+$0x14070]  }
0x2dd: {  	v3 =	vld [tilespmem:s23+$0x8000]  }
0x2de: {  	v4 =	vld [tilespmem:s23+$0x14000]  }
0x2df: {  	v6 =	vld [tilespmem:s23+$0x8010]  }
0x2e0: {  	v7 =	vld [tilespmem:s23+$0x14010]  }
0x2e1: {  	v2 =	vld [tilespmem:s23+$0x8020]  }
0x2e2: {  	v5 =	vld [tilespmem:s23+$0x14020]  }
0x2e3: {  	v1 =	vadd.f32 v1, v0;
	v0 =	vld [tilespmem:s23+$0x8030]  }
0x2e4: {  	v4 =	vadd.f32 v4, v3;
	v3 =	vld [tilespmem:s23+$0x14030]  }
0x2e5: {  	v6 =	vadd.f32 v7, v6;
	[tilespmem:s23+$0x8070] =	vst v1;
	v1 =	vld [tilespmem:s23+$0x8040]  }
0x2e6: {  	s26 =	simm.s32 $0x400;
	s25 =	simm.s32 $0x80;
	s24 =	simm.s32 $0x0;
	[tilespmem:s23+$0x8000] =	vst v4;
	v4 =	vld [tilespmem:s23+$0x14040]  }
.LBB2_30:
0x2e7: {  	s28 =	sand.u32 $0xFFFFE000, s25;
	s29 =	sshrl.u32 s25, $0x3;
	s30 =	sshll.u32 s25, $0x3;
	[tilespmem:s23+$0x8010] =	vst v6;
	v2 =	vadd.f32 v5, v2;
	v5 =	vld [tilespmem:s23+$0x8050]  }
0x2e8: {  	s24 =	sadd.s32 $0x80, s24;
	s28 =	sadd.s32 s28, s26;
	s29 =	sand.u32 $0x380, s29;
	v6 =	vld [tilespmem:s23+$0x14050]  }
0x2e9: {  	p0 =	slt.u32 s24, $0x3F80;
	s28 =	sadd.s32 s29, s28;
	s29 =	sand.u32 $0xFFFFE000, s30;
	[tilespmem:s23+$0x8020] =	vst v2;
	v0 =	vadd.f32 v3, v0;
	v2 =	vld [tilespmem:s23+$0x8060]  }
0x2ea: {  	s28 =	ssub.s32 s28, s29;
	v3 =	vld [tilespmem:s23+$0x14060]  }
0x2eb: {  	v7 =	vld [tilespmem:s28+$0x8070];
	[tilespmem:s23+$0x8030] =	vst v0;
	v0 =	vadd.f32 v4, v1  }
0x2ec: {  	v1 =	vld [tilespmem:s28+$0x14070]  }
0x2ed: {  	v4 =	vld [tilespmem:s28+$0x8000];
	[tilespmem:s23+$0x8040] =	vst v0;
	v0 =	vadd.f32 v6, v5  }
0x2ee: {  	v6 =	vld [tilespmem:s28+$0x14000]  }
0x2ef: {  	v8 =	vld [tilespmem:s28+$0x8010];
	[tilespmem:s23+$0x8050] =	vst v0;
	v0 =	vadd.f32 v3, v2  }
0x2f0: {  	v9 =	vld [tilespmem:s28+$0x14010]  }
0x2f1: {  	v2 =	vld [tilespmem:s28+$0x8020];
	v1 =	vadd.f32 v1, v7;
	[tilespmem:s23+$0x8060] =	vst v0;
	s23 =	smov.u32 s28  }
.Ltmp14:
0x2f2: {  	v5 =	vld [tilespmem:s23+$0x14020];
	(pc) =	sbr.rel @p0 .LBB2_30-.Ltmp14, $4  }
0x2f3: {  	v4 =	vadd.f32 v6, v4;
	v0 =	vld [tilespmem:s23+$0x8030];
	[tilespmem:s23+$0x8070] =	vst v1  }
0x2f4: {  	v3 =	vld [tilespmem:s23+$0x14030]  }
0x2f5: {  	[tilespmem:s23+$0x8000] =	vst v4;
	v6 =	vadd.f32 v9, v8;
	v1 =	vld [tilespmem:s23+$0x8040]  }
0x2f6: {  	s25 =	sadd.s32 $0x80, s25;
	s26 =	sadd.s32 $0x400, s26;
	v4 =	vld [tilespmem:s23+$0x14040]  }
0x2f7: {  	v7 =	vld [tilespmem:s23+$0x8050]  }
0x2f8: {  	v8 =	vld [tilespmem:s23+$0x14050]  }
0x2f9: {  	v9 =	vld [tilespmem:s23+$0x8060]  }
0x2fa: {  	v10 =	vld [tilespmem:s23+$0x14060]  }
0x2fb: {  	v2 =	vadd.f32 v5, v2  }
0x2fc: {  	[tilespmem:s23+$0x8010] =	vst v6;
	v0 =	vadd.f32 v3, v0  }
0x2fd: {  	[tilespmem:s23+$0x8020] =	vst v2;
	v1 =	vadd.f32 v4, v1  }
0x2fe: {  	[tilespmem:s23+$0x8030] =	vst v0;
	v0 =	vadd.f32 v8, v7  }
0x2ff: {  	[tilespmem:s23+$0x8040] =	vst v1;
	v1 =	vadd.f32 v10, v9  }
0x300: {  	s29 =	simm.s32 $0x0;
	[tilespmem:s23+$0x8050] =	vst v0  }
0x301: {  	s24 =	simm.s32 $0x0;
	s25 =	simm.s32 $0x0;
	[tilespmem:s23+$0x8060] =	vst v1;
	s23 =	sand.u32 $0xFFFFE000, s29  }
0x302: {  	[hbm4b:s6+s29] =	stream.linear.scatter [tilespmem:s10], [sflag:$0x7], $0x4000, $0x38;
	[tilespmem:$0x18000] =	vst v63  }
0x303: {  	s24 =	sand.u32 $0x380, s24;
	s23 =	sadd.s32 $0x0, s23;
	_ =	swait.ge [sflag:s12], $0x4000  }
0x304: {  	s30 =	sand.u32 $0xFFFFE000, s25;
	s23 =	sadd.s32 s24, s23;
	[sflag:s12] =	ssyncset.done $0x0  }
0x305: {  	s23 =	ssub.s32 s23, s30;
	[sflag:s12] =	ssyncadd.s32 $0xFFFFC000  }
0x306: {  	v0 =	vld [tilespmem:s23+$0xC070]  }
0x307: {  	v1 =	vld [tilespmem:s23+$0x14070]  }
0x308: {  	v3 =	vld [tilespmem:s23+$0xC000]  }
0x309: {  	v4 =	vld [tilespmem:s23+$0x14000]  }
0x30a: {  	v6 =	vld [tilespmem:s23+$0xC010]  }
0x30b: {  	v7 =	vld [tilespmem:s23+$0x14010]  }
0x30c: {  	v2 =	vld [tilespmem:s23+$0xC020]  }
0x30d: {  	v5 =	vld [tilespmem:s23+$0x14020]  }
0x30e: {  	v1 =	vadd.f32 v1, v0;
	v0 =	vld [tilespmem:s23+$0xC030]  }
0x30f: {  	v4 =	vadd.f32 v4, v3;
	v3 =	vld [tilespmem:s23+$0x14030]  }
0x310: {  	v6 =	vadd.f32 v7, v6;
	[tilespmem:s23+$0xC070] =	vst v1;
	v1 =	vld [tilespmem:s23+$0xC040]  }
0x311: {  	s26 =	simm.s32 $0x400;
	s25 =	simm.s32 $0x80;
	s24 =	simm.s32 $0x0;
	[tilespmem:s23+$0xC000] =	vst v4;
	v4 =	vld [tilespmem:s23+$0x14040]  }
.LBB2_32:
0x312: {  	s28 =	sand.u32 $0xFFFFE000, s25;
	s29 =	sshrl.u32 s25, $0x3;
	s30 =	sshll.u32 s25, $0x3;
	[tilespmem:s23+$0xC010] =	vst v6;
	v2 =	vadd.f32 v5, v2;
	v5 =	vld [tilespmem:s23+$0xC050]  }
0x313: {  	s24 =	sadd.s32 $0x80, s24;
	s28 =	sadd.s32 s28, s26;
	s29 =	sand.u32 $0x380, s29;
	v6 =	vld [tilespmem:s23+$0x14050]  }
0x314: {  	p0 =	slt.u32 s24, $0x3F80;
	s28 =	sadd.s32 s29, s28;
	s29 =	sand.u32 $0xFFFFE000, s30;
	[tilespmem:s23+$0xC020] =	vst v2;
	v0 =	vadd.f32 v3, v0;
	v2 =	vld [tilespmem:s23+$0xC060]  }
0x315: {  	s28 =	ssub.s32 s28, s29;
	v3 =	vld [tilespmem:s23+$0x14060]  }
0x316: {  	v7 =	vld [tilespmem:s28+$0xC070];
	[tilespmem:s23+$0xC030] =	vst v0;
	v0 =	vadd.f32 v4, v1  }
0x317: {  	v1 =	vld [tilespmem:s28+$0x14070]  }
0x318: {  	v4 =	vld [tilespmem:s28+$0xC000];
	[tilespmem:s23+$0xC040] =	vst v0;
	v0 =	vadd.f32 v6, v5  }
0x319: {  	v6 =	vld [tilespmem:s28+$0x14000]  }
0x31a: {  	v8 =	vld [tilespmem:s28+$0xC010];
	[tilespmem:s23+$0xC050] =	vst v0;
	v0 =	vadd.f32 v3, v2  }
0x31b: {  	v9 =	vld [tilespmem:s28+$0x14010]  }
0x31c: {  	v2 =	vld [tilespmem:s28+$0xC020];
	v1 =	vadd.f32 v1, v7;
	[tilespmem:s23+$0xC060] =	vst v0;
	s23 =	smov.u32 s28  }
.Ltmp15:
0x31d: {  	v5 =	vld [tilespmem:s23+$0x14020];
	(pc) =	sbr.rel @p0 .LBB2_32-.Ltmp15, $4  }
0x31e: {  	v4 =	vadd.f32 v6, v4;
	v0 =	vld [tilespmem:s23+$0xC030];
	[tilespmem:s23+$0xC070] =	vst v1  }
0x31f: {  	v3 =	vld [tilespmem:s23+$0x14030]  }
0x320: {  	[tilespmem:s23+$0xC000] =	vst v4;
	v6 =	vadd.f32 v9, v8;
	v1 =	vld [tilespmem:s23+$0xC040]  }
0x321: {  	s25 =	sadd.s32 $0x80, s25;
	s26 =	sadd.s32 $0x400, s26;
	v4 =	vld [tilespmem:s23+$0x14040]  }
0x322: {  	v7 =	vld [tilespmem:s23+$0xC050]  }
0x323: {  	v8 =	vld [tilespmem:s23+$0x14050]  }
0x324: {  	v9 =	vld [tilespmem:s23+$0xC060]  }
0x325: {  	v10 =	vld [tilespmem:s23+$0x14060]  }
0x326: {  	v2 =	vadd.f32 v5, v2  }
0x327: {  	[tilespmem:s23+$0xC010] =	vst v6;
	v0 =	vadd.f32 v3, v0  }
0x328: {  	[tilespmem:s23+$0xC020] =	vst v2;
	v1 =	vadd.f32 v4, v1  }
0x329: {  	[tilespmem:s23+$0xC030] =	vst v0;
	v62 =	vadd.f32 v8, v7  }
0x32a: {  	v63 =	vadd.f32 v10, v9;
	[tilespmem:s23+$0xC040] =	vst v1  }
0x32b: {  	[tilespmem:s23+$0xC050] =	vst v62  }
0x32c: {  	[tilespmem:s23+$0xC060] =	vst v63  }
0x32d: {  	[hbm4b:s7+s1] =	stream.linear.scatter [tilespmem:s11], [sflag:$0x8], $0x4000, $0x38;
	[tilespmem:$0x18000] =	vst v63  }
0x32e: {  	_ =	swait.ge [sflag:s17], $0x4000  }
0x32f: {  	[sflag:s17] =	ssyncset.done $0x0  }
0x330: {  	[sflag:s17] =	ssyncadd.s32 $0xFFFFC000  }
0x331: {  	_ =	swait.ge [sflag:s19], $0x4000  }
0x332: {  	[sflag:s19] =	ssyncset.done $0x0  }
0x333: {  	s22 =	sadd.s32 $0x1, s22;
	[sflag:s19] =	ssyncadd.s32 $0xFFFFC000  }
0x334: {  	p0 =	sne.s32 s22, s8;
	_ =	swait.ge [sflag:s20], $0x4000  }
.Ltmp16:
0x335: {  	[sflag:s20] =	ssyncset.done $0x0;
	(pc) =	sbr.rel @p0 .LBB2_1-.Ltmp16, $4  }
0x336: {  	[sflag:s20] =	ssyncadd.s32 $0xFFFFC000  }
0x337: {  	_ =	swait.ge [sflag:s21], $0x4000  }
0x338: {  	[sflag:s21] =	ssyncset.done $0x0  }
0x339: {  	[sflag:s21] =	ssyncadd.s32 $0xFFFFC000  }
0x33a: {  	_ =	sfence.sel $0x180000  }
0x33b: {  	[bflag:$0x0] =	sbarrier.arrive $0xFFFF  }
0x33c: {  	_ =	strace $0x90000047  }
0x33d: {  	s0 =	stileid.u32;
	[bflag:$0x2] =	sbarrier.arrive $0xFFFF  }
0x33e: {  	p0 =	sne.s32 s0, $0x0;
	s0 =	rddreg [dreg:$0x3]  }
0x33f: {  	s0 =	sadd.s32 @!p0 $0x100000, s0  }
0x340: {  	[sflag:s0] =	ssyncadd.tile.s32 @!p0 $0x1;
	_ =	shalt  }
.Lfunc_end2:
_tile_overlayer_lowered:
.L_overlay_start_2:
0x341: {  	(tag) =	ssettag $0x2  }
0x342: {  	s0 =	rddreg [dreg:$0x0];
	s2 =	stileid.u32  }
0x343: {  	s1 =	rddreg [dreg:$0x1];
	p0 =	sne.s32 s2, $0x0  }
0x344: {  	s3 =	rddreg [dreg:$0x2];
	[bflag:$0x3] =	sbarrier.arrive $0xFFFF;
	s2 =	simm.s32 @!p0 $0x1C0B  }
0x345: {  	[timem:s3], [sflag:s2] =	dma.local @!p0 [hbm:s0], s1  }
0x346: {  	s0 =	simm.s32 @!p0 $0xB  }
0x347: {  	_ =	swait.ge @!p0 [sflag:s0], s1  }
0x348: {  	s1 =	ssub.s32 @!p0 $0x0, s1;
	[sflag:s0] =	ssyncset.done @!p0 $0x0  }
0x349: {  	[sflag:s0] =	ssyncadd.s32 @!p0 s1  }
0x34a: {  	[bflag:$0x3] =	sbarrier.arrive $0xFFFF  }
0x34b: {  	_ =	shalt  }

</sc_bundles>
